<compile_context>
chip_gen: v7x
topology: tpu7x:2x2x1
jax: 0.10.2.dev20260603
libtpu: 0.0.44.dev20260713+nightly
codegen_flags: <defaults>
</compile_context>

<pallas_src>
import functools

import jax
import jax.numpy as jnp
from jax import lax
from jax.experimental import pallas as pl
from jax.experimental.pallas import tpu as pltpu
from jax.experimental.pallas import tpu_sc as plsc

N = 10000
E = 320000
D = 128
DE = 16
G = 64

NC = 2
NS = 16
L = 16
NW = NC * NS
EPT = E // NW
CHUNK = 40
NCHUNK = EPT // CHUNK
NPAD = 10240
ROWS_PT = NPAD // NS
NB = 4
NEB = 2
STEADY = NCHUNK - 2


def _edge_attr_proj_kernel(attr_ref, w_ref, b_ref, out0_ref, out1_ref):
    ea = jnp.dot(attr_ref[...], w_ref[...], preferred_element_type=jnp.float32)
    ea = ea + b_ref[...]
    out0_ref[...] = ea[:, :D]
    out1_ref[...] = ea[:, D:]


def _edge_attr_proj(edge_attr, Wcat, bcat):
    BE = 8000
    grid = E // BE
    return pl.pallas_call(
        _edge_attr_proj_kernel,
        grid=(grid,),
        in_specs=[
            pl.BlockSpec((BE, DE), lambda i: (i, 0)),
            pl.BlockSpec((DE, 2 * D), lambda i: (0, 0)),
            pl.BlockSpec((1, 2 * D), lambda i: (0, 0)),
        ],
        out_specs=[
            pl.BlockSpec((BE, D), lambda i: (i, 0)),
            pl.BlockSpec((BE, D), lambda i: (i, 0)),
        ],
        out_shape=[
            jax.ShapeDtypeStruct((E, D), jnp.float32),
            jax.ShapeDtypeStruct((E, D), jnp.float32),
        ],
    )(edge_attr, Wcat, bcat)


def _edge_phase_body(x_hbm, ea_hbm, src_hbm, dst_hbm, out_hbm,
                     si0, si1, si2, si3, di0, di1, di2, di3,
                     rows_r, ea_r, aggr_sh,
                     isem, dsem, gsem, esem, ssem):
    sidx = [si0, si1, si2, si3]
    didx = [di0, di1, di2, di3]
    c = lax.axis_index("c")
    s = lax.axis_index("s")
    wid = s * NC + c
    ebase = wid * EPT

    def rows_slot(b):
        return rows_r.at[pl.ds(b * CHUNK, CHUNK)]

    def ea_slot(b):
        return ea_r.at[pl.ds((b % NEB) * CHUNK, CHUNK)]

    def src_chunk(n):
        return src_hbm.at[pl.ds(ebase + n * CHUNK, CHUNK)]

    def dst_chunk(n):
        return dst_hbm.at[pl.ds(ebase + n * CHUNK, CHUNK)]

    def zfill(i, _):
        for j in range(D // L):
            rows_r[i, pl.ds(j * L, L)] = jnp.zeros((L,), jnp.float32)
        return 0
    lax.fori_loop(0, NB * CHUNK, zfill, 0)
    for k in range(ROWS_PT // (NB * CHUNK)):
        pltpu.sync_copy(rows_r, aggr_sh.at[pl.ds(s * ROWS_PT + k * NB * CHUNK,
                                                 NB * CHUNK)])
    plsc.subcore_barrier()

    for n in range(NB):
        pltpu.async_copy(src_chunk(n), sidx[n], isem.at[n])
    for n in range(2):
        pltpu.async_copy(dst_chunk(n), didx[n], dsem.at[n])
        pltpu.make_async_copy(src_chunk(n), sidx[n], isem.at[n]).wait()
        pltpu.async_copy(x_hbm.at[sidx[n]], rows_slot(n), gsem.at[n])
        pltpu.async_copy(ea_hbm.at[pl.ds(ebase + n * CHUNK, CHUNK)],
                         ea_slot(n), esem.at[n])

    def compute(b):
        def row_body(r, _):
            for j in range(D // L):
                sl = pl.ds(j * L, L)
                rows_r[b * CHUNK + r, sl] = jnp.maximum(
                    rows_r[b * CHUNK + r, sl]
                    + ea_r[(b % NEB) * CHUNK + r, sl], 0.0)
            return 0
        lax.fori_loop(0, CHUNK, row_body, 0)

    def steady(i, _):
        g = i * NB
        for b in range(NB):
            cc = g + b
            bn = (b + 2) % NB
            pltpu.make_async_copy(x_hbm.at[sidx[b]], rows_slot(b),
                                  gsem.at[b]).wait()
            pltpu.make_async_copy(ea_hbm.at[pl.ds(ebase, CHUNK)],
                                  ea_slot(b), esem.at[b % NEB]).wait()
            compute(b)
            pltpu.make_async_copy(dst_chunk(cc), didx[b],
                                  dsem.at[b]).wait()
            pltpu.async_copy(rows_slot(b), aggr_sh.at[didx[b]],
                             ssem.at[b], add=True)
            pltpu.async_copy(ea_hbm.at[pl.ds(ebase + (cc + 2) * CHUNK, CHUNK)],
                             ea_slot(b), esem.at[b % NEB])

            @pl.when(cc + NB < NCHUNK)
            def _():
                pltpu.async_copy(src_chunk(cc + NB), sidx[b], isem.at[b])

            @pl.when(cc >= 2)
            def _():
                pltpu.make_async_copy(rows_slot(bn),
                                      aggr_sh.at[didx[bn]],
                                      ssem.at[bn]).wait()
            pltpu.async_copy(dst_chunk(cc + 2), didx[bn], dsem.at[bn])
            pltpu.make_async_copy(src_chunk(cc + 2), sidx[bn],
                                  isem.at[bn]).wait()
            pltpu.async_copy(x_hbm.at[sidx[bn]], rows_slot(bn),
                             gsem.at[bn])
        return 0
    lax.fori_loop(0, STEADY // NB, steady, 0)

    for cc in (NCHUNK - 2, NCHUNK - 1):
        b = cc % NB
        pltpu.make_async_copy(x_hbm.at[sidx[b]], rows_slot(b),
                              gsem.at[b]).wait()
        pltpu.make_async_copy(ea_hbm.at[pl.ds(ebase, CHUNK)],
                              ea_slot(b), esem.at[b % NEB]).wait()
        compute(b)
        pltpu.make_async_copy(dst_chunk(cc), didx[b], dsem.at[b]).wait()
        pltpu.async_copy(rows_slot(b), aggr_sh.at[didx[b]],
                         ssem.at[b], add=True)
    for cc in range(NCHUNK - NB, NCHUNK):
        b = cc % NB
        pltpu.make_async_copy(rows_slot(b), aggr_sh.at[didx[b]],
                              ssem.at[b]).wait()

    plsc.subcore_barrier()
    rs = s * ROWS_PT
    pltpu.sync_copy(aggr_sh.at[pl.ds(rs, ROWS_PT)],
                    out_hbm.at[c].at[pl.ds(rs, ROWS_PT)])


def _edge_phase(x, ea, src, dst):
    mesh = plsc.VectorSubcoreMesh(core_axis_name="c", subcore_axis_name="s")
    f = pl.kernel(
        _edge_phase_body,
        out_type=jax.ShapeDtypeStruct((NC, NPAD, D), jnp.float32),
        mesh=mesh,
        scratch_types=(
            [pltpu.VMEM((CHUNK,), jnp.int32)] * NB
            + [pltpu.VMEM((CHUNK,), jnp.int32)] * NB
            + [
            pltpu.VMEM((NB * CHUNK, D), jnp.float32),
            pltpu.VMEM((NEB * CHUNK, D), jnp.float32),
            pltpu.VMEM_SHARED((NPAD, D), jnp.float32),
            pltpu.SemaphoreType.DMA((NB,)),
            pltpu.SemaphoreType.DMA((NB,)),
            pltpu.SemaphoreType.DMA((NB,)),
            pltpu.SemaphoreType.DMA((NEB,)),
            pltpu.SemaphoreType.DMA((NB,)),
        ]),
    )
    return f(x, ea, src, dst)


def _mlp_kernel(x_ref, p_ref, w1_ref, b1_ref, w2_ref, b2_ref, scale_ref, out_ref):
    z = scale_ref[0, 0] * x_ref[...] + p_ref[0] + p_ref[1]
    h = jnp.maximum(jnp.dot(z, w1_ref[...], preferred_element_type=jnp.float32)
                    + b1_ref[...], 0.0)
    out_ref[...] = jnp.dot(h, w2_ref[...], preferred_element_type=jnp.float32) + b2_ref[...]


def _mlp(x, parts, W1, b1, W2, b2, scale):
    BN = 1000
    grid = N // BN
    return pl.pallas_call(
        _mlp_kernel,
        grid=(grid,),
        in_specs=[
            pl.BlockSpec((BN, D), lambda i: (i, 0)),
            pl.BlockSpec((NC, BN, D), lambda i: (0, i, 0)),
            pl.BlockSpec((D, D), lambda i: (0, 0)),
            pl.BlockSpec((1, D), lambda i: (0, 0)),
            pl.BlockSpec((D, D), lambda i: (0, 0)),
            pl.BlockSpec((1, D), lambda i: (0, 0)),
            pl.BlockSpec(memory_space=pltpu.SMEM),
        ],
        out_specs=pl.BlockSpec((BN, D), lambda i: (i, 0)),
        out_shape=jax.ShapeDtypeStruct((N, D), jnp.float32),
    )(x, parts, W1, b1, W2, b2, scale)


def _mlp_pool_kernel(h1_ref, p_ref, w1_ref, b1_ref, w2_ref, b2_ref,
                     scale_ref, batch_ref, out_ref, sums, cnts):
    i = pl.program_id(0)
    n = pl.num_programs(0)

    @pl.when(i == 0)
    def _():
        sums[...] = jnp.zeros_like(sums)
        cnts[...] = jnp.zeros_like(cnts)

    z = scale_ref[0, 0] * h1_ref[...] + p_ref[0] + p_ref[1]
    m = jnp.maximum(jnp.dot(z, w1_ref[...], preferred_element_type=jnp.float32)
                    + b1_ref[...], 0.0)
    h = h1_ref[...] + jnp.dot(m, w2_ref[...], preferred_element_type=jnp.float32) + b2_ref[...]

    onehot = (lax.broadcasted_iota(jnp.int32, (G, h.shape[0]), 0)
              == batch_ref[0]).astype(jnp.float32)
    sums[...] += jnp.dot(onehot, h, preferred_element_type=jnp.float32)
    cnts[...] += jnp.sum(onehot, axis=1, keepdims=True)

    @pl.when(i == n - 1)
    def _():
        out_ref[...] = sums[...] / jnp.maximum(cnts[...], 1.0)


def _mlp_pool(h1, parts, W1, b1, W2, b2, scale, batch2d):
    BN = 1000
    grid = N // BN
    return pl.pallas_call(
        _mlp_pool_kernel,
        grid=(grid,),
        in_specs=[
            pl.BlockSpec((BN, D), lambda i: (i, 0)),
            pl.BlockSpec((NC, BN, D), lambda i: (0, i, 0)),
            pl.BlockSpec((D, D), lambda i: (0, 0)),
            pl.BlockSpec((1, D), lambda i: (0, 0)),
            pl.BlockSpec((D, D), lambda i: (0, 0)),
            pl.BlockSpec((1, D), lambda i: (0, 0)),
            pl.BlockSpec(memory_space=pltpu.SMEM),
            pl.BlockSpec((1, 1, BN), lambda i: (i, 0, 0)),
        ],
        out_specs=pl.BlockSpec((G, D), lambda i: (0, 0)),
        out_shape=jax.ShapeDtypeStruct((G, D), jnp.float32),
        scratch_shapes=[
            pltpu.VMEM((G, D), jnp.float32),
            pltpu.VMEM((G, 1), jnp.float32),
        ],
        compiler_params=pltpu.CompilerParams(
            dimension_semantics=("arbitrary",),
        ),
    )(h1, parts, W1, b1, W2, b2, scale, batch2d)


def kernel(x, edge_index, edge_attr, batch,
           We0, be0, W10, b10, W20, b20, eps0,
           We1, be1, W11, b11, W21, b21, eps1):
    src = edge_index[0]
    dst = edge_index[1]
    Wcat = jnp.concatenate([We0, We1], axis=1)
    bcat = jnp.concatenate([be0, be1])[None, :]
    ea0, ea1 = _edge_attr_proj(edge_attr, Wcat, bcat)

    scale0 = (1.0 + eps0).reshape(1, 1)
    scale1 = (1.0 + eps1).reshape(1, 1)
    batch2d = batch.reshape(N // 1000, 1, 1000)

    parts0 = _edge_phase(x, ea0, src, dst)
    h1 = _mlp(x, parts0, W10, b10[None, :], W20, b20[None, :], scale0)
    parts1 = _edge_phase(h1, ea1, src, dst)
    out = _mlp_pool(h1, parts1, W11, b11[None, :], W21, b21[None, :], scale1, batch2d)
    return out

# --- scband reference (transcript-rebuilt; emitter-appended) ---
"""Pipeline reference for scband-graph-embedder-34248069218772 (READ-ONLY COPY).

The authoritative reference and input builder live on the scoring server;
editing this copy changes nothing except your own understanding.
"""

import jax, jax.numpy as jnp
import numpy as np

N = 10000
E = 320000
D = 128
DE = 16
G = 64


def _init_linear(key, fan_in, fan_out):
    kw, kb = jax.random.split(key)
    bound = 1.0 / np.sqrt(fan_in)
    W = jax.random.uniform(kw, (fan_in, fan_out), minval=-bound, maxval=bound, dtype=jnp.float32)
    b = jax.random.uniform(kb, (fan_out,), minval=-bound, maxval=bound, dtype=jnp.float32)
    return W, b


def setup_inputs(seed: int = 0):
    key = jax.random.key(seed)
    ks = jax.random.split(key, 12)
    x = jax.random.normal(ks[0], (N, D), dtype=jnp.float32)
    edge_index = jax.random.randint(ks[1], (2, E), 0, N, dtype=jnp.int32)
    edge_attr = jax.random.normal(ks[2], (E, DE), dtype=jnp.float32)
    batch = jnp.sort(jax.random.randint(ks[3], (N,), 0, G, dtype=jnp.int32))
    # Layer 0 params (GINEConv: edge lin DE->D, mlp D->D->D, trainable eps)
    We0, be0 = _init_linear(ks[4], DE, D)
    W10, b10 = _init_linear(ks[5], D, D)
    W20, b20 = _init_linear(ks[6], D, D)
    eps0 = jnp.zeros((), dtype=jnp.float32)
    # Layer 1 params
    We1, be1 = _init_linear(ks[7], DE, D)
    W11, b11 = _init_linear(ks[8], D, D)
    W21, b21 = _init_linear(ks[9], D, D)
    eps1 = jnp.zeros((), dtype=jnp.float32)
    return {
        "x": x, "edge_index": edge_index, "edge_attr": edge_attr, "batch": batch,
        "We0": We0, "be0": be0, "W10": W10, "b10": b10, "W20": W20, "b20": b20, "eps0": eps0,
        "We1": We1, "be1": be1, "W11": W11, "b11": b11, "W21": W21, "b21": b21, "eps1": eps1,
    }


def _gine_layer(x, edge_index, edge_attr, We, be, W1, b1, W2, b2, eps):
    # PyG GINEConv: edge_attr -> Linear(edge_dim, in_channels); msg = relu(x_j + ea);
    # sum-aggregate to dst; out = mlp((1+eps)*x + aggr)
    ea = edge_attr @ We + be
    src = edge_index[0]
    dst = edge_index[1]
    msg = jax.nn.relu(x[src] + ea)
    aggr = jax.ops.segment_sum(msg, dst, num_segments=x.shape[0])
    h = (1.0 + eps) * x + aggr
    h = jax.nn.relu(h @ W1 + b1) @ W2 + b2
    return h


def _global_mean_pool(x, batch, num_graphs):
    sums = jax.ops.segment_sum(x, batch, num_segments=num_graphs)
    counts = jax.ops.segment_sum(jnp.ones((x.shape[0],), dtype=x.dtype), batch, num_segments=num_graphs)
    return sums / jnp.clip(counts, 1.0)[:, None]


def reference(x, edge_index, edge_attr, batch,
              We0, be0, W10, b10, W20, b20, eps0,
              We1, be1, W11, b11, W21, b21, eps1):
    h = _gine_layer(x, edge_index, edge_attr, We0, be0, W10, b10, W20, b20, eps0)
    h = h + _gine_layer(h, edge_index, edge_attr, We1, be1, W11, b11, W21, b21, eps1)
    return _global_mean_pool(h, batch, G)

if __name__ == "__main__":
    import jax
    _d = setup_inputs()
    print(jax.jit(kernel)(*tuple(_d.values())))

</pallas_src>

<mosaic_0001>
#map = affine_map<(d0, d1) -> (0, 0)>
#map1 = affine_map<(d0, d1) -> (0)>
#map2 = affine_map<(d0, d1) -> (0, 0, 0)>
module attributes {stable_mosaic.version = 14 : i64} {
  func.func @_edge_phase_body(%arg0: i32, %arg1: i32, %arg2: memref<10000x128xf32, #tpu.memory_space<hbm>>, %arg3: memref<320000x128xf32, #tpu.memory_space<hbm>>, %arg4: memref<320000xi32, #tpu.memory_space<hbm>>, %arg5: memref<320000xi32, #tpu.memory_space<hbm>>, %arg6: memref<2x10240x128xf32, #tpu.memory_space<hbm>>, %arg7: memref<40xi32, #tpu.memory_space<vmem>>, %arg8: memref<40xi32, #tpu.memory_space<vmem>>, %arg9: memref<40xi32, #tpu.memory_space<vmem>>, %arg10: memref<40xi32, #tpu.memory_space<vmem>>, %arg11: memref<40xi32, #tpu.memory_space<vmem>>, %arg12: memref<40xi32, #tpu.memory_space<vmem>>, %arg13: memref<40xi32, #tpu.memory_space<vmem>>, %arg14: memref<40xi32, #tpu.memory_space<vmem>>, %arg15: memref<160x128xf32, #tpu.memory_space<vmem>>, %arg16: memref<80x128xf32, #tpu.memory_space<vmem>>, %arg17: memref<10240x128xf32, #tpu.memory_space<vmem_shared>>, %arg18: memref<4x!tpu.dma_semaphore, #tpu.memory_space<semaphore_mem>>, %arg19: memref<4x!tpu.dma_semaphore, #tpu.memory_space<semaphore_mem>>, %arg20: memref<4x!tpu.dma_semaphore, #tpu.memory_space<semaphore_mem>>, %arg21: memref<2x!tpu.dma_semaphore, #tpu.memory_space<semaphore_mem>>, %arg22: memref<4x!tpu.dma_semaphore, #tpu.memory_space<semaphore_mem>>) attributes {dimension_semantics = [#tpu.dimension_semantics<core_parallel>, #tpu.dimension_semantics<subcore_parallel>], iteration_bounds = array<i64: 2, 16>, scalar_prefetch = 0 : i64, scratch_operands = 16 : i64, tpu.core_type = #tpu.core_type<sc_vector_subcore>, window_params = [{transform_indices = #map}, {transform_indices = #map}, {transform_indices = #map1}, {transform_indices = #map1}, {transform_indices = #map2}]} {
    %mul3A = arith.constant 2 : i32
    %mul3A_0 = arith.muli %arg1, %mul3A : i32
    %add3A = arith.addi %mul3A_0, %arg0 : i32
    %mul3A_1 = arith.constant 10000 : i32
    %mul3A_2 = arith.muli %add3A, %mul3A_1 : i32
    %scan3A = arith.constant 0 : i32
    %scan3A_3 = arith.constant 0 : i32
    %scan3A_4 = arith.constant 160 : i32
    %scan3A_5 = arith.addi %scan3A_3, %scan3A_4 : i32
    %scan3A_6 = arith.constant 1 : i32
    %scan3A_7 = scf.for %scan3A_263 = %scan3A_3 to %scan3A_5 step %scan3A_6 iter_args(%scan3A_264 = %scan3A) -> (i32)  : i32 {
      %broadcast_in_dim3A = arith.constant 0.000000e+00 : f32
      %broadcast_in_dim3A_265 = vector.broadcast %broadcast_in_dim3A : f32 to vector<16xf32>
      %swap3A = arith.index_cast %scan3A_263 : i32 to index
      %swap3A_266 = arith.constant 0 : index
      %swap3A_267 = tpu.vector_load %arg15[%swap3A, %swap3A_266] {strides = array<i32>} : memref<160x128xf32, #tpu.memory_space<vmem>>, vector<1x16xf32>,
      %swap3A_268 = vector.shape_cast %swap3A_267 : vector<1x16xf32> to vector<16xf32>
      %swap3A_269 = vector.shape_cast %broadcast_in_dim3A_265 : vector<16xf32> to vector<1x16xf32>
      tpu.vector_store %arg15[%swap3A, %swap3A_266], %swap3A_269 {strides = array<i32>} : memref<160x128xf32, #tpu.memory_space<vmem>>, vector<1x16xf32>,
      %broadcast_in_dim3A_270 = arith.constant 0.000000e+00 : f32
      %broadcast_in_dim3A_271 = vector.broadcast %broadcast_in_dim3A_270 : f32 to vector<16xf32>
      %swap3A_272 = arith.index_cast %scan3A_263 : i32 to index
      %swap3A_273 = arith.constant 16 : index
      %swap3A_274 = tpu.vector_load %arg15[%swap3A_272, %swap3A_273] {strides = array<i32>} : memref<160x128xf32, #tpu.memory_space<vmem>>, vector<1x16xf32>,
      %swap3A_275 = vector.shape_cast %swap3A_274 : vector<1x16xf32> to vector<16xf32>
      %swap3A_276 = vector.shape_cast %broadcast_in_dim3A_271 : vector<16xf32> to vector<1x16xf32>
      tpu.vector_store %arg15[%swap3A_272, %swap3A_273], %swap3A_276 {strides = array<i32>} : memref<160x128xf32, #tpu.memory_space<vmem>>, vector<1x16xf32>,
      %broadcast_in_dim3A_277 = arith.constant 0.000000e+00 : f32
      %broadcast_in_dim3A_278 = vector.broadcast %broadcast_in_dim3A_277 : f32 to vector<16xf32>
      %swap3A_279 = arith.index_cast %scan3A_263 : i32 to index
      %swap3A_280 = arith.constant 32 : index
      %swap3A_281 = tpu.vector_load %arg15[%swap3A_279, %swap3A_280] {strides = array<i32>} : memref<160x128xf32, #tpu.memory_space<vmem>>, vector<1x16xf32>,
      %swap3A_282 = vector.shape_cast %swap3A_281 : vector<1x16xf32> to vector<16xf32>
      %swap3A_283 = vector.shape_cast %broadcast_in_dim3A_278 : vector<16xf32> to vector<1x16xf32>
      tpu.vector_store %arg15[%swap3A_279, %swap3A_280], %swap3A_283 {strides = array<i32>} : memref<160x128xf32, #tpu.memory_space<vmem>>, vector<1x16xf32>,
      %broadcast_in_dim3A_284 = arith.constant 0.000000e+00 : f32
      %broadcast_in_dim3A_285 = vector.broadcast %broadcast_in_dim3A_284 : f32 to vector<16xf32>
      %swap3A_286 = arith.index_cast %scan3A_263 : i32 to index
      %swap3A_287 = arith.constant 48 : index
      %swap3A_288 = tpu.vector_load %arg15[%swap3A_286, %swap3A_287] {strides = array<i32>} : memref<160x128xf32, #tpu.memory_space<vmem>>, vector<1x16xf32>,
      %swap3A_289 = vector.shape_cast %swap3A_288 : vector<1x16xf32> to vector<16xf32>
      %swap3A_290 = vector.shape_cast %broadcast_in_dim3A_285 : vector<16xf32> to vector<1x16xf32>
      tpu.vector_store %arg15[%swap3A_286, %swap3A_287], %swap3A_290 {strides = array<i32>} : memref<160x128xf32, #tpu.memory_space<vmem>>, vector<1x16xf32>,
      %broadcast_in_dim3A_291 = arith.constant 0.000000e+00 : f32
      %broadcast_in_dim3A_292 = vector.broadcast %broadcast_in_dim3A_291 : f32 to vector<16xf32>
      %swap3A_293 = arith.index_cast %scan3A_263 : i32 to index
      %swap3A_294 = arith.constant 64 : index
      %swap3A_295 = tpu.vector_load %arg15[%swap3A_293, %swap3A_294] {strides = array<i32>} : memref<160x128xf32, #tpu.memory_space<vmem>>, vector<1x16xf32>,
      %swap3A_296 = vector.shape_cast %swap3A_295 : vector<1x16xf32> to vector<16xf32>
      %swap3A_297 = vector.shape_cast %broadcast_in_dim3A_292 : vector<16xf32> to vector<1x16xf32>
      tpu.vector_store %arg15[%swap3A_293, %swap3A_294], %swap3A_297 {strides = array<i32>} : memref<160x128xf32, #tpu.memory_space<vmem>>, vector<1x16xf32>,
      %broadcast_in_dim3A_298 = arith.constant 0.000000e+00 : f32
      %broadcast_in_dim3A_299 = vector.broadcast %broadcast_in_dim3A_298 : f32 to vector<16xf32>
      %swap3A_300 = arith.index_cast %scan3A_263 : i32 to index
      %swap3A_301 = arith.constant 80 : index
      %swap3A_302 = tpu.vector_load %arg15[%swap3A_300, %swap3A_301] {strides = array<i32>} : memref<160x128xf32, #tpu.memory_space<vmem>>, vector<1x16xf32>,
      %swap3A_303 = vector.shape_cast %swap3A_302 : vector<1x16xf32> to vector<16xf32>
      %swap3A_304 = vector.shape_cast %broadcast_in_dim3A_299 : vector<16xf32> to vector<1x16xf32>
      tpu.vector_store %arg15[%swap3A_300, %swap3A_301], %swap3A_304 {strides = array<i32>} : memref<160x128xf32, #tpu.memory_space<vmem>>, vector<1x16xf32>,
      %broadcast_in_dim3A_305 = arith.constant 0.000000e+00 : f32
      %broadcast_in_dim3A_306 = vector.broadcast %broadcast_in_dim3A_305 : f32 to vector<16xf32>
      %swap3A_307 = arith.index_cast %scan3A_263 : i32 to index
      %swap3A_308 = arith.constant 96 : index
      %swap3A_309 = tpu.vector_load %arg15[%swap3A_307, %swap3A_308] {strides = array<i32>} : memref<160x128xf32, #tpu.memory_space<vmem>>, vector<1x16xf32>,
      %swap3A_310 = vector.shape_cast %swap3A_309 : vector<1x16xf32> to vector<16xf32>
      %swap3A_311 = vector.shape_cast %broadcast_in_dim3A_306 : vector<16xf32> to vector<1x16xf32>
      tpu.vector_store %arg15[%swap3A_307, %swap3A_308], %swap3A_311 {strides = array<i32>} : memref<160x128xf32, #tpu.memory_space<vmem>>, vector<1x16xf32>,
      %broadcast_in_dim3A_312 = arith.constant 0.000000e+00 : f32
      %broadcast_in_dim3A_313 = vector.broadcast %broadcast_in_dim3A_312 : f32 to vector<16xf32>
      %swap3A_314 = arith.index_cast %scan3A_263 : i32 to index
      %swap3A_315 = arith.constant 112 : index
      %swap3A_316 = tpu.vector_load %arg15[%swap3A_314, %swap3A_315] {strides = array<i32>} : memref<160x128xf32, #tpu.memory_space<vmem>>, vector<1x16xf32>,
      %swap3A_317 = vector.shape_cast %swap3A_316 : vector<1x16xf32> to vector<16xf32>
      %swap3A_318 = vector.shape_cast %broadcast_in_dim3A_313 : vector<16xf32> to vector<1x16xf32>
      tpu.vector_store %arg15[%swap3A_314, %swap3A_315], %swap3A_318 {strides = array<i32>} : memref<160x128xf32, #tpu.memory_space<vmem>>, vector<1x16xf32>,
      %scan3A_319 = arith.constant 0 : i32
      scf.yield %scan3A_319 : i32
    }
    %scan3A_8 = arith.constant 160 : i32
    %mul3A_9 = arith.constant 640 : i32
    %mul3A_10 = arith.muli %arg1, %mul3A_9 : i32
    %add3A_11 = arith.constant 0 : i32
    %add3A_12 = arith.addi %mul3A_10, %add3A_11 : i32
    "tpu.region"() ({
      %run_scoped3A = tpu.sem_alloc : memref<!tpu.dma_semaphore, #tpu.memory_space<semaphore_mem>>
      %dma_start3A_263 = arith.constant 0 : i32
      %dma_start3A_264 = tpu.memref_slice %arg17[%add3A_12, %dma_start3A_263] : memref<10240x128xf32, #tpu.memory_space<vmem_shared>> -> memref<160x128xf32, #tpu.memory_space<vmem_shared>>
      %dma_start3A_265 = arith.constant 0 : i32
      %dma_start3A_266 = tpu.memref_slice %arg17[%add3A_12, %dma_start3A_265] : memref<10240x128xf32, #tpu.memory_space<vmem_shared>> -> memref<160x128xf32, #tpu.memory_space<vmem_shared>>
      tpu.enqueue_dma source(%arg15 : memref<160x128xf32, #tpu.memory_space<vmem>>) target(%dma_start3A_266 : memref<160x128xf32, #tpu.memory_space<vmem_shared>>) target_semaphore(%run_scoped3A : memref<!tpu.dma_semaphore, #tpu.memory_space<semaphore_mem>>)
      %dma_wait3A_267 = arith.constant 0 : i32
      %dma_wait3A_268 = tpu.memref_slice %arg17[%add3A_12, %dma_wait3A_267] : memref<10240x128xf32, #tpu.memory_space<vmem_shared>> -> memref<160x128xf32, #tpu.memory_space<vmem_shared>>
      %dma_wait3A_269 = arith.constant 0 : i32
      %dma_wait3A_270 = tpu.memref_slice %arg17[%add3A_12, %dma_wait3A_269] : memref<10240x128xf32, #tpu.memory_space<vmem_shared>> -> memref<160x128xf32, #tpu.memory_space<vmem_shared>>
      tpu.wait_dma2 semaphore(%run_scoped3A : memref<!tpu.dma_semaphore, #tpu.memory_space<semaphore_mem>>) src(%arg15 : memref<160x128xf32, #tpu.memory_space<vmem>>) dst(%dma_wait3A_270 : memref<160x128xf32, #tpu.memory_space<vmem_shared>>)
      tpu.yield
    }) : () -> ()
    %mul3A_13 = arith.constant 640 : i32
    %mul3A_14 = arith.muli %arg1, %mul3A_13 : i32
    %add3A_15 = arith.constant 160 : i32
    %add3A_16 = arith.addi %mul3A_14, %add3A_15 : i32
    "tpu.region"() ({
      %run_scoped3A = tpu.sem_alloc : memref<!tpu.dma_semaphore, #tpu.memory_space<semaphore_mem>>
      %dma_start3A_263 = arith.constant 0 : i32
      %dma_start3A_264 = tpu.memref_slice %arg17[%add3A_16, %dma_start3A_263] : memref<10240x128xf32, #tpu.memory_space<vmem_shared>> -> memref<160x128xf32, #tpu.memory_space<vmem_shared>>
      %dma_start3A_265 = arith.constant 0 : i32
      %dma_start3A_266 = tpu.memref_slice %arg17[%add3A_16, %dma_start3A_265] : memref<10240x128xf32, #tpu.memory_space<vmem_shared>> -> memref<160x128xf32, #tpu.memory_space<vmem_shared>>
      tpu.enqueue_dma source(%arg15 : memref<160x128xf32, #tpu.memory_space<vmem>>) target(%dma_start3A_266 : memref<160x128xf32, #tpu.memory_space<vmem_shared>>) target_semaphore(%run_scoped3A : memref<!tpu.dma_semaphore, #tpu.memory_space<semaphore_mem>>)
      %dma_wait3A_267 = arith.constant 0 : i32
      %dma_wait3A_268 = tpu.memref_slice %arg17[%add3A_16, %dma_wait3A_267] : memref<10240x128xf32, #tpu.memory_space<vmem_shared>> -> memref<160x128xf32, #tpu.memory_space<vmem_shared>>
      %dma_wait3A_269 = arith.constant 0 : i32
      %dma_wait3A_270 = tpu.memref_slice %arg17[%add3A_16, %dma_wait3A_269] : memref<10240x128xf32, #tpu.memory_space<vmem_shared>> -> memref<160x128xf32, #tpu.memory_space<vmem_shared>>
      tpu.wait_dma2 semaphore(%run_scoped3A : memref<!tpu.dma_semaphore, #tpu.memory_space<semaphore_mem>>) src(%arg15 : memref<160x128xf32, #tpu.memory_space<vmem>>) dst(%dma_wait3A_270 : memref<160x128xf32, #tpu.memory_space<vmem_shared>>)
      tpu.yield
    }) : () -> ()
    %mul3A_17 = arith.constant 640 : i32
    %mul3A_18 = arith.muli %arg1, %mul3A_17 : i32
    %add3A_19 = arith.constant 320 : i32
    %add3A_20 = arith.addi %mul3A_18, %add3A_19 : i32
    "tpu.region"() ({
      %run_scoped3A = tpu.sem_alloc : memref<!tpu.dma_semaphore, #tpu.memory_space<semaphore_mem>>
      %dma_start3A_263 = arith.constant 0 : i32
      %dma_start3A_264 = tpu.memref_slice %arg17[%add3A_20, %dma_start3A_263] : memref<10240x128xf32, #tpu.memory_space<vmem_shared>> -> memref<160x128xf32, #tpu.memory_space<vmem_shared>>
      %dma_start3A_265 = arith.constant 0 : i32
      %dma_start3A_266 = tpu.memref_slice %arg17[%add3A_20, %dma_start3A_265] : memref<10240x128xf32, #tpu.memory_space<vmem_shared>> -> memref<160x128xf32, #tpu.memory_space<vmem_shared>>
      tpu.enqueue_dma source(%arg15 : memref<160x128xf32, #tpu.memory_space<vmem>>) target(%dma_start3A_266 : memref<160x128xf32, #tpu.memory_space<vmem_shared>>) target_semaphore(%run_scoped3A : memref<!tpu.dma_semaphore, #tpu.memory_space<semaphore_mem>>)
      %dma_wait3A_267 = arith.constant 0 : i32
      %dma_wait3A_268 = tpu.memref_slice %arg17[%add3A_20, %dma_wait3A_267] : memref<10240x128xf32, #tpu.memory_space<vmem_shared>> -> memref<160x128xf32, #tpu.memory_space<vmem_shared>>
      %dma_wait3A_269 = arith.constant 0 : i32
      %dma_wait3A_270 = tpu.memref_slice %arg17[%add3A_20, %dma_wait3A_269] : memref<10240x128xf32, #tpu.memory_space<vmem_shared>> -> memref<160x128xf32, #tpu.memory_space<vmem_shared>>
      tpu.wait_dma2 semaphore(%run_scoped3A : memref<!tpu.dma_semaphore, #tpu.memory_space<semaphore_mem>>) src(%arg15 : memref<160x128xf32, #tpu.memory_space<vmem>>) dst(%dma_wait3A_270 : memref<160x128xf32, #tpu.memory_space<vmem_shared>>)
      tpu.yield
    }) : () -> ()
    %mul3A_21 = arith.constant 640 : i32
    %mul3A_22 = arith.muli %arg1, %mul3A_21 : i32
    %add3A_23 = arith.constant 480 : i32
    %add3A_24 = arith.addi %mul3A_22, %add3A_23 : i32
    "tpu.region"() ({
      %run_scoped3A = tpu.sem_alloc : memref<!tpu.dma_semaphore, #tpu.memory_space<semaphore_mem>>
      %dma_start3A_263 = arith.constant 0 : i32
      %dma_start3A_264 = tpu.memref_slice %arg17[%add3A_24, %dma_start3A_263] : memref<10240x128xf32, #tpu.memory_space<vmem_shared>> -> memref<160x128xf32, #tpu.memory_space<vmem_shared>>
      %dma_start3A_265 = arith.constant 0 : i32
      %dma_start3A_266 = tpu.memref_slice %arg17[%add3A_24, %dma_start3A_265] : memref<10240x128xf32, #tpu.memory_space<vmem_shared>> -> memref<160x128xf32, #tpu.memory_space<vmem_shared>>
      tpu.enqueue_dma source(%arg15 : memref<160x128xf32, #tpu.memory_space<vmem>>) target(%dma_start3A_266 : memref<160x128xf32, #tpu.memory_space<vmem_shared>>) target_semaphore(%run_scoped3A : memref<!tpu.dma_semaphore, #tpu.memory_space<semaphore_mem>>)
      %dma_wait3A_267 = arith.constant 0 : i32
      %dma_wait3A_268 = tpu.memref_slice %arg17[%add3A_24, %dma_wait3A_267] : memref<10240x128xf32, #tpu.memory_space<vmem_shared>> -> memref<160x128xf32, #tpu.memory_space<vmem_shared>>
      %dma_wait3A_269 = arith.constant 0 : i32
      %dma_wait3A_270 = tpu.memref_slice %arg17[%add3A_24, %dma_wait3A_269] : memref<10240x128xf32, #tpu.memory_space<vmem_shared>> -> memref<160x128xf32, #tpu.memory_space<vmem_shared>>
      tpu.wait_dma2 semaphore(%run_scoped3A : memref<!tpu.dma_semaphore, #tpu.memory_space<semaphore_mem>>) src(%arg15 : memref<160x128xf32, #tpu.memory_space<vmem>>) dst(%dma_wait3A_270 : memref<160x128xf32, #tpu.memory_space<vmem_shared>>)
      tpu.yield
    }) : () -> ()
    %barrier3A = arith.constant 0 : index
    tpu.barrier barrier_id(%barrier3A)
    %add3A_25 = arith.constant 0 : i32
    %add3A_26 = arith.addi %mul3A_2, %add3A_25 : i32
    %dma_start3A = arith.constant 0 : i32
    %dma_start3A_27 = tpu.memref_slice %arg4[%add3A_26] : memref<320000xi32, #tpu.memory_space<hbm>> -> memref<40xi32, #tpu.memory_space<hbm>>
    %dma_start3A_28 = tpu.memref_slice %arg18[%dma_start3A] : memref<4x!tpu.dma_semaphore, #tpu.memory_space<semaphore_mem>> -> memref<1x!tpu.dma_semaphore, #tpu.memory_space<semaphore_mem>>
    %dma_start3A_29 = tpu.memref_squeeze %dma_start3A_28 : memref<1x!tpu.dma_semaphore, #tpu.memory_space<semaphore_mem>> -> memref<!tpu.dma_semaphore, #tpu.memory_space<semaphore_mem>>
    %dma_start3A_30 = tpu.memref_slice %arg4[%add3A_26] : memref<320000xi32, #tpu.memory_space<hbm>> -> memref<40xi32, #tpu.memory_space<hbm>>
    tpu.enqueue_dma source(%dma_start3A_30 : memref<40xi32, #tpu.memory_space<hbm>>) target(%arg7 : memref<40xi32, #tpu.memory_space<vmem>>) target_semaphore(%dma_start3A_29 : memref<!tpu.dma_semaphore, #tpu.memory_space<semaphore_mem>>)
    %add3A_31 = arith.constant 40 : i32
    %add3A_32 = arith.addi %mul3A_2, %add3A_31 : i32
    %dma_start3A_33 = arith.constant 1 : i32
    %dma_start3A_34 = tpu.memref_slice %arg4[%add3A_32] : memref<320000xi32, #tpu.memory_space<hbm>> -> memref<40xi32, #tpu.memory_space<hbm>>
    %dma_start3A_35 = tpu.memref_slice %arg18[%dma_start3A_33] : memref<4x!tpu.dma_semaphore, #tpu.memory_space<semaphore_mem>> -> memref<1x!tpu.dma_semaphore, #tpu.memory_space<semaphore_mem>>
    %dma_start3A_36 = tpu.memref_squeeze %dma_start3A_35 : memref<1x!tpu.dma_semaphore, #tpu.memory_space<semaphore_mem>> -> memref<!tpu.dma_semaphore, #tpu.memory_space<semaphore_mem>>
    %dma_start3A_37 = tpu.memref_slice %arg4[%add3A_32] : memref<320000xi32, #tpu.memory_space<hbm>> -> memref<40xi32, #tpu.memory_space<hbm>>
    tpu.enqueue_dma source(%dma_start3A_37 : memref<40xi32, #tpu.memory_space<hbm>>) target(%arg8 : memref<40xi32, #tpu.memory_space<vmem>>) target_semaphore(%dma_start3A_36 : memref<!tpu.dma_semaphore, #tpu.memory_space<semaphore_mem>>)
    %add3A_38 = arith.constant 80 : i32
    %add3A_39 = arith.addi %mul3A_2, %add3A_38 : i32
    %dma_start3A_40 = arith.constant 2 : i32
    %dma_start3A_41 = tpu.memref_slice %arg4[%add3A_39] : memref<320000xi32, #tpu.memory_space<hbm>> -> memref<40xi32, #tpu.memory_space<hbm>>
    %dma_start3A_42 = tpu.memref_slice %arg18[%dma_start3A_40] : memref<4x!tpu.dma_semaphore, #tpu.memory_space<semaphore_mem>> -> memref<1x!tpu.dma_semaphore, #tpu.memory_space<semaphore_mem>>
    %dma_start3A_43 = tpu.memref_squeeze %dma_start3A_42 : memref<1x!tpu.dma_semaphore, #tpu.memory_space<semaphore_mem>> -> memref<!tpu.dma_semaphore, #tpu.memory_space<semaphore_mem>>
    %dma_start3A_44 = tpu.memref_slice %arg4[%add3A_39] : memref<320000xi32, #tpu.memory_space<hbm>> -> memref<40xi32, #tpu.memory_space<hbm>>
    tpu.enqueue_dma source(%dma_start3A_44 : memref<40xi32, #tpu.memory_space<hbm>>) target(%arg9 : memref<40xi32, #tpu.memory_space<vmem>>) target_semaphore(%dma_start3A_43 : memref<!tpu.dma_semaphore, #tpu.memory_space<semaphore_mem>>)
    %add3A_45 = arith.constant 120 : i32
    %add3A_46 = arith.addi %mul3A_2, %add3A_45 : i32
    %dma_start3A_47 = arith.constant 3 : i32
    %dma_start3A_48 = tpu.memref_slice %arg4[%add3A_46] : memref<320000xi32, #tpu.memory_space<hbm>> -> memref<40xi32, #tpu.memory_space<hbm>>
    %dma_start3A_49 = tpu.memref_slice %arg18[%dma_start3A_47] : memref<4x!tpu.dma_semaphore, #tpu.memory_space<semaphore_mem>> -> memref<1x!tpu.dma_semaphore, #tpu.memory_space<semaphore_mem>>
    %dma_start3A_50 = tpu.memref_squeeze %dma_start3A_49 : memref<1x!tpu.dma_semaphore, #tpu.memory_space<semaphore_mem>> -> memref<!tpu.dma_semaphore, #tpu.memory_space<semaphore_mem>>
    %dma_start3A_51 = tpu.memref_slice %arg4[%add3A_46] : memref<320000xi32, #tpu.memory_space<hbm>> -> memref<40xi32, #tpu.memory_space<hbm>>
    tpu.enqueue_dma source(%dma_start3A_51 : memref<40xi32, #tpu.memory_space<hbm>>) target(%arg10 : memref<40xi32, #tpu.memory_space<vmem>>) target_semaphore(%dma_start3A_50 : memref<!tpu.dma_semaphore, #tpu.memory_space<semaphore_mem>>)
    %add3A_52 = arith.constant 0 : i32
    %add3A_53 = arith.addi %mul3A_2, %add3A_52 : i32
    %dma_start3A_54 = arith.constant 0 : i32
    %dma_start3A_55 = tpu.memref_slice %arg5[%add3A_53] : memref<320000xi32, #tpu.memory_space<hbm>> -> memref<40xi32, #tpu.memory_space<hbm>>
    %dma_start3A_56 = tpu.memref_slice %arg19[%dma_start3A_54] : memref<4x!tpu.dma_semaphore, #tpu.memory_space<semaphore_mem>> -> memref<1x!tpu.dma_semaphore, #tpu.memory_space<semaphore_mem>>
    %dma_start3A_57 = tpu.memref_squeeze %dma_start3A_56 : memref<1x!tpu.dma_semaphore, #tpu.memory_space<semaphore_mem>> -> memref<!tpu.dma_semaphore, #tpu.memory_space<semaphore_mem>>
    %dma_start3A_58 = tpu.memref_slice %arg5[%add3A_53] : memref<320000xi32, #tpu.memory_space<hbm>> -> memref<40xi32, #tpu.memory_space<hbm>>
    tpu.enqueue_dma source(%dma_start3A_58 : memref<40xi32, #tpu.memory_space<hbm>>) target(%arg11 : memref<40xi32, #tpu.memory_space<vmem>>) target_semaphore(%dma_start3A_57 : memref<!tpu.dma_semaphore, #tpu.memory_space<semaphore_mem>>)
    %add3A_59 = arith.constant 0 : i32
    %add3A_60 = arith.addi %mul3A_2, %add3A_59 : i32
    %dma_wait3A = arith.constant 0 : i32
    %dma_wait3A_61 = tpu.memref_slice %arg4[%add3A_60] : memref<320000xi32, #tpu.memory_space<hbm>> -> memref<40xi32, #tpu.memory_space<hbm>>
    %dma_wait3A_62 = tpu.memref_slice %arg18[%dma_wait3A] : memref<4x!tpu.dma_semaphore, #tpu.memory_space<semaphore_mem>> -> memref<1x!tpu.dma_semaphore, #tpu.memory_space<semaphore_mem>>
    %dma_wait3A_63 = tpu.memref_squeeze %dma_wait3A_62 : memref<1x!tpu.dma_semaphore, #tpu.memory_space<semaphore_mem>> -> memref<!tpu.dma_semaphore, #tpu.memory_space<semaphore_mem>>
    %dma_wait3A_64 = tpu.memref_slice %arg4[%add3A_60] : memref<320000xi32, #tpu.memory_space<hbm>> -> memref<40xi32, #tpu.memory_space<hbm>>
    tpu.wait_dma2 semaphore(%dma_wait3A_63 : memref<!tpu.dma_semaphore, #tpu.memory_space<semaphore_mem>>) src(%dma_wait3A_64 : memref<40xi32, #tpu.memory_space<hbm>>) dst(%arg7 : memref<40xi32, #tpu.memory_space<vmem>>)
    %dma_start3A_65 = arith.constant 0 : i32
    %dma_start3A_66 = arith.constant 0 : i32
    %dma_start3A_67 = arith.constant 0 : i32
    %dma_start3A_68 = tpu.memref_slice %arg15[%dma_start3A_66, %dma_start3A_67] : memref<160x128xf32, #tpu.memory_space<vmem>> -> memref<40x128xf32, #tpu.memory_space<vmem>>
    %dma_start3A_69 = arith.constant 0 : i32
    %dma_start3A_70 = arith.constant 0 : i32
    %dma_start3A_71 = tpu.memref_slice %arg2[%dma_start3A_69, %dma_start3A_70] : memref<10000x128xf32, #tpu.memory_space<hbm>> -> memref<10000x128xf32, #tpu.memory_space<hbm>>
    %dma_start3A_72 = tpu.memref_slice %arg20[%dma_start3A_65] : memref<4x!tpu.dma_semaphore, #tpu.memory_space<semaphore_mem>> -> memref<1x!tpu.dma_semaphore, #tpu.memory_space<semaphore_mem>>
    %dma_start3A_73 = tpu.memref_squeeze %dma_start3A_72 : memref<1x!tpu.dma_semaphore, #tpu.memory_space<semaphore_mem>> -> memref<!tpu.dma_semaphore, #tpu.memory_space<semaphore_mem>>
    tpu.enqueue_indirect_dma source(%dma_start3A_71 : memref<10000x128xf32, #tpu.memory_space<hbm>>) target(%dma_start3A_68 : memref<40x128xf32, #tpu.memory_space<vmem>>) offsets(%arg7 : memref<40xi32, #tpu.memory_space<vmem>>) semaphore(%dma_start3A_73 : memref<!tpu.dma_semaphore, #tpu.memory_space<semaphore_mem>>)
    %add3A_74 = arith.constant 0 : i32
    %add3A_75 = arith.addi %mul3A_2, %add3A_74 : i32
    %dma_start3A_76 = arith.constant 0 : i32
    %dma_start3A_77 = arith.constant 0 : i32
    %dma_start3A_78 = arith.constant 0 : i32
    %dma_start3A_79 = tpu.memref_slice %arg16[%dma_start3A_77, %dma_start3A_78] : memref<80x128xf32, #tpu.memory_space<vmem>> -> memref<40x128xf32, #tpu.memory_space<vmem>>
    %dma_start3A_80 = arith.constant 0 : i32
    %dma_start3A_81 = tpu.memref_slice %arg3[%add3A_75, %dma_start3A_80] : memref<320000x128xf32, #tpu.memory_space<hbm>> -> memref<40x128xf32, #tpu.memory_space<hbm>>
    %dma_start3A_82 = tpu.memref_slice %arg21[%dma_start3A_76] : memref<2x!tpu.dma_semaphore, #tpu.memory_space<semaphore_mem>> -> memref<1x!tpu.dma_semaphore, #tpu.memory_space<semaphore_mem>>
    %dma_start3A_83 = tpu.memref_squeeze %dma_start3A_82 : memref<1x!tpu.dma_semaphore, #tpu.memory_space<semaphore_mem>> -> memref<!tpu.dma_semaphore, #tpu.memory_space<semaphore_mem>>
    %dma_start3A_84 = arith.constant 0 : i32
    %dma_start3A_85 = arith.constant 0 : i32
    %dma_start3A_86 = tpu.memref_slice %arg16[%dma_start3A_84, %dma_start3A_85] : memref<80x128xf32, #tpu.memory_space<vmem>> -> memref<40x128xf32, #tpu.memory_space<vmem>>
    %dma_start3A_87 = arith.constant 0 : i32
    %dma_start3A_88 = tpu.memref_slice %arg3[%add3A_75, %dma_start3A_87] : memref<320000x128xf32, #tpu.memory_space<hbm>> -> memref<40x128xf32, #tpu.memory_space<hbm>>
    tpu.enqueue_dma source(%dma_start3A_88 : memref<40x128xf32, #tpu.memory_space<hbm>>) target(%dma_start3A_86 : memref<40x128xf32, #tpu.memory_space<vmem>>) target_semaphore(%dma_start3A_83 : memref<!tpu.dma_semaphore, #tpu.memory_space<semaphore_mem>>)
    %add3A_89 = arith.constant 40 : i32
    %add3A_90 = arith.addi %mul3A_2, %add3A_89 : i32
    %dma_start3A_91 = arith.constant 1 : i32
    %dma_start3A_92 = tpu.memref_slice %arg5[%add3A_90] : memref<320000xi32, #tpu.memory_space<hbm>> -> memref<40xi32, #tpu.memory_space<hbm>>
    %dma_start3A_93 = tpu.memref_slice %arg19[%dma_start3A_91] : memref<4x!tpu.dma_semaphore, #tpu.memory_space<semaphore_mem>> -> memref<1x!tpu.dma_semaphore, #tpu.memory_space<semaphore_mem>>
    %dma_start3A_94 = tpu.memref_squeeze %dma_start3A_93 : memref<1x!tpu.dma_semaphore, #tpu.memory_space<semaphore_mem>> -> memref<!tpu.dma_semaphore, #tpu.memory_space<semaphore_mem>>
    %dma_start3A_95 = tpu.memref_slice %arg5[%add3A_90] : memref<320000xi32, #tpu.memory_space<hbm>> -> memref<40xi32, #tpu.memory_space<hbm>>
    tpu.enqueue_dma source(%dma_start3A_95 : memref<40xi32, #tpu.memory_space<hbm>>) target(%arg12 : memref<40xi32, #tpu.memory_space<vmem>>) target_semaphore(%dma_start3A_94 : memref<!tpu.dma_semaphore, #tpu.memory_space<semaphore_mem>>)
    %add3A_96 = arith.constant 40 : i32
    %add3A_97 = arith.addi %mul3A_2, %add3A_96 : i32
    %dma_wait3A_98 = arith.constant 1 : i32
    %dma_wait3A_99 = tpu.memref_slice %arg4[%add3A_97] : memref<320000xi32, #tpu.memory_space<hbm>> -> memref<40xi32, #tpu.memory_space<hbm>>
    %dma_wait3A_100 = tpu.memref_slice %arg18[%dma_wait3A_98] : memref<4x!tpu.dma_semaphore, #tpu.memory_space<semaphore_mem>> -> memref<1x!tpu.dma_semaphore, #tpu.memory_space<semaphore_mem>>
    %dma_wait3A_101 = tpu.memref_squeeze %dma_wait3A_100 : memref<1x!tpu.dma_semaphore, #tpu.memory_space<semaphore_mem>> -> memref<!tpu.dma_semaphore, #tpu.memory_space<semaphore_mem>>
    %dma_wait3A_102 = tpu.memref_slice %arg4[%add3A_97] : memref<320000xi32, #tpu.memory_space<hbm>> -> memref<40xi32, #tpu.memory_space<hbm>>
    tpu.wait_dma2 semaphore(%dma_wait3A_101 : memref<!tpu.dma_semaphore, #tpu.memory_space<semaphore_mem>>) src(%dma_wait3A_102 : memref<40xi32, #tpu.memory_space<hbm>>) dst(%arg8 : memref<40xi32, #tpu.memory_space<vmem>>)
    %dma_start3A_103 = arith.constant 1 : i32
    %dma_start3A_104 = arith.constant 40 : i32
    %dma_start3A_105 = arith.constant 0 : i32
    %dma_start3A_106 = tpu.memref_slice %arg15[%dma_start3A_104, %dma_start3A_105] : memref<160x128xf32, #tpu.memory_space<vmem>> -> memref<40x128xf32, #tpu.memory_space<vmem>>
    %dma_start3A_107 = arith.constant 0 : i32
    %dma_start3A_108 = arith.constant 0 : i32
    %dma_start3A_109 = tpu.memref_slice %arg2[%dma_start3A_107, %dma_start3A_108] : memref<10000x128xf32, #tpu.memory_space<hbm>> -> memref<10000x128xf32, #tpu.memory_space<hbm>>
    %dma_start3A_110 = tpu.memref_slice %arg20[%dma_start3A_103] : memref<4x!tpu.dma_semaphore, #tpu.memory_space<semaphore_mem>> -> memref<1x!tpu.dma_semaphore, #tpu.memory_space<semaphore_mem>>
    %dma_start3A_111 = tpu.memref_squeeze %dma_start3A_110 : memref<1x!tpu.dma_semaphore, #tpu.memory_space<semaphore_mem>> -> memref<!tpu.dma_semaphore, #tpu.memory_space<semaphore_mem>>
    tpu.enqueue_indirect_dma source(%dma_start3A_109 : memref<10000x128xf32, #tpu.memory_space<hbm>>) target(%dma_start3A_106 : memref<40x128xf32, #tpu.memory_space<vmem>>) offsets(%arg8 : memref<40xi32, #tpu.memory_space<vmem>>) semaphore(%dma_start3A_111 : memref<!tpu.dma_semaphore, #tpu.memory_space<semaphore_mem>>)
    %add3A_112 = arith.constant 40 : i32
    %add3A_113 = arith.addi %mul3A_2, %add3A_112 : i32
    %dma_start3A_114 = arith.constant 1 : i32
    %dma_start3A_115 = arith.constant 40 : i32
    %dma_start3A_116 = arith.constant 0 : i32
    %dma_start3A_117 = tpu.memref_slice %arg16[%dma_start3A_115, %dma_start3A_116] : memref<80x128xf32, #tpu.memory_space<vmem>> -> memref<40x128xf32, #tpu.memory_space<vmem>>
    %dma_start3A_118 = arith.constant 0 : i32
    %dma_start3A_119 = tpu.memref_slice %arg3[%add3A_113, %dma_start3A_118] : memref<320000x128xf32, #tpu.memory_space<hbm>> -> memref<40x128xf32, #tpu.memory_space<hbm>>
    %dma_start3A_120 = tpu.memref_slice %arg21[%dma_start3A_114] : memref<2x!tpu.dma_semaphore, #tpu.memory_space<semaphore_mem>> -> memref<1x!tpu.dma_semaphore, #tpu.memory_space<semaphore_mem>>
    %dma_start3A_121 = tpu.memref_squeeze %dma_start3A_120 : memref<1x!tpu.dma_semaphore, #tpu.memory_space<semaphore_mem>> -> memref<!tpu.dma_semaphore, #tpu.memory_space<semaphore_mem>>
    %dma_start3A_122 = arith.constant 40 : i32
    %dma_start3A_123 = arith.constant 0 : i32
    %dma_start3A_124 = tpu.memref_slice %arg16[%dma_start3A_122, %dma_start3A_123] : memref<80x128xf32, #tpu.memory_space<vmem>> -> memref<40x128xf32, #tpu.memory_space<vmem>>
    %dma_start3A_125 = arith.constant 0 : i32
    %dma_start3A_126 = tpu.memref_slice %arg3[%add3A_113, %dma_start3A_125] : memref<320000x128xf32, #tpu.memory_space<hbm>> -> memref<40x128xf32, #tpu.memory_space<hbm>>
    tpu.enqueue_dma source(%dma_start3A_126 : memref<40x128xf32, #tpu.memory_space<hbm>>) target(%dma_start3A_124 : memref<40x128xf32, #tpu.memory_space<vmem>>) target_semaphore(%dma_start3A_121 : memref<!tpu.dma_semaphore, #tpu.memory_space<semaphore_mem>>)
    %scan3A_127 = arith.constant 0 : i32
    %scan3A_128 = arith.constant 0 : i32
    %scan3A_129 = arith.constant 62 : i32
    %scan3A_130 = arith.addi %scan3A_128, %scan3A_129 : i32
    %scan3A_131 = arith.constant 1 : i32
    %scan3A_132 = scf.for %scan3A_263 = %scan3A_128 to %scan3A_130 step %scan3A_131 iter_args(%scan3A_264 = %scan3A_127) -> (i32)  : i32 {
      %mul3A_265 = arith.constant 4 : i32
      %mul3A_266 = arith.muli %scan3A_263, %mul3A_265 : i32
      %add3A_267 = arith.constant 0 : i32
      %add3A_268 = arith.addi %mul3A_266, %add3A_267 : i32
      %dma_wait3A_269 = arith.constant 0 : i32
      %dma_wait3A_270 = arith.constant 0 : i32
      %dma_wait3A_271 = arith.constant 0 : i32
      %dma_wait3A_272 = tpu.memref_slice %arg15[%dma_wait3A_270, %dma_wait3A_271] : memref<160x128xf32, #tpu.memory_space<vmem>> -> memref<40x128xf32, #tpu.memory_space<vmem>>
      %dma_wait3A_273 = arith.constant 0 : i32
      %dma_wait3A_274 = arith.constant 0 : i32
      %dma_wait3A_275 = tpu.memref_slice %arg2[%dma_wait3A_273, %dma_wait3A_274] : memref<10000x128xf32, #tpu.memory_space<hbm>> -> memref<10000x128xf32, #tpu.memory_space<hbm>>
      %dma_wait3A_276 = tpu.memref_slice %arg20[%dma_wait3A_269] : memref<4x!tpu.dma_semaphore, #tpu.memory_space<semaphore_mem>> -> memref<1x!tpu.dma_semaphore, #tpu.memory_space<semaphore_mem>>
      %dma_wait3A_277 = tpu.memref_squeeze %dma_wait3A_276 : memref<1x!tpu.dma_semaphore, #tpu.memory_space<semaphore_mem>> -> memref<!tpu.dma_semaphore, #tpu.memory_space<semaphore_mem>>
      tpu.wait_indirect_dma semaphore(%dma_wait3A_277 : memref<!tpu.dma_semaphore, #tpu.memory_space<semaphore_mem>>) src(%dma_wait3A_275 : memref<10000x128xf32, #tpu.memory_space<hbm>>) dst(%dma_wait3A_272 : memref<40x128xf32, #tpu.memory_space<vmem>>)
      %dma_wait3A_278 = arith.constant 0 : i32
      %dma_wait3A_279 = arith.constant 0 : i32
      %dma_wait3A_280 = arith.constant 0 : i32
      %dma_wait3A_281 = tpu.memref_slice %arg16[%dma_wait3A_279, %dma_wait3A_280] : memref<80x128xf32, #tpu.memory_space<vmem>> -> memref<40x128xf32, #tpu.memory_space<vmem>>
      %dma_wait3A_282 = arith.constant 0 : i32
      %dma_wait3A_283 = tpu.memref_slice %arg3[%mul3A_2, %dma_wait3A_282] : memref<320000x128xf32, #tpu.memory_space<hbm>> -> memref<40x128xf32, #tpu.memory_space<hbm>>
      %dma_wait3A_284 = tpu.memref_slice %arg21[%dma_wait3A_278] : memref<2x!tpu.dma_semaphore, #tpu.memory_space<semaphore_mem>> -> memref<1x!tpu.dma_semaphore, #tpu.memory_space<semaphore_mem>>
      %dma_wait3A_285 = tpu.memref_squeeze %dma_wait3A_284 : memref<1x!tpu.dma_semaphore, #tpu.memory_space<semaphore_mem>> -> memref<!tpu.dma_semaphore, #tpu.memory_space<semaphore_mem>>
      %dma_wait3A_286 = arith.constant 0 : i32
      %dma_wait3A_287 = arith.constant 0 : i32
      %dma_wait3A_288 = tpu.memref_slice %arg16[%dma_wait3A_286, %dma_wait3A_287] : memref<80x128xf32, #tpu.memory_space<vmem>> -> memref<40x128xf32, #tpu.memory_space<vmem>>
      %dma_wait3A_289 = arith.constant 0 : i32
      %dma_wait3A_290 = tpu.memref_slice %arg3[%mul3A_2, %dma_wait3A_289] : memref<320000x128xf32, #tpu.memory_space<hbm>> -> memref<40x128xf32, #tpu.memory_space<hbm>>
      tpu.wait_dma2 semaphore(%dma_wait3A_285 : memref<!tpu.dma_semaphore, #tpu.memory_space<semaphore_mem>>) src(%dma_wait3A_290 : memref<40x128xf32, #tpu.memory_space<hbm>>) dst(%dma_wait3A_288 : memref<40x128xf32, #tpu.memory_space<vmem>>)
      %scan3A_291 = arith.constant 0 : i32
      %scan3A_292 = arith.constant 0 : i32
      %scan3A_293 = arith.constant 40 : i32
      %scan3A_294 = arith.addi %scan3A_292, %scan3A_293 : i32
      %scan3A_295 = arith.constant 1 : i32
      %scan3A_296 = scf.for %scan3A_692 = %scan3A_292 to %scan3A_294 step %scan3A_295 iter_args(%scan3A_693 = %scan3A_291) -> (i32)  : i32 {
        %add3A_694 = arith.constant 0 : i32
        %add3A_695 = arith.addi %add3A_694, %scan3A_692 : i32
        %get3A = arith.index_cast %add3A_695 : i32 to index
        %get3A_696 = arith.constant 0 : index
        %get3A_697 = tpu.vector_load %arg15[%get3A, %get3A_696] {strides = array<i32>} : memref<160x128xf32, #tpu.memory_space<vmem>>, vector<1x16xf32>,
        %get3A_698 = vector.shape_cast %get3A_697 : vector<1x16xf32> to vector<16xf32>
        %add3A_699 = arith.constant 0 : i32
        %add3A_700 = arith.addi %add3A_699, %scan3A_692 : i32
        %get3A_701 = arith.index_cast %add3A_700 : i32 to index
        %get3A_702 = arith.constant 0 : index
        %get3A_703 = tpu.vector_load %arg16[%get3A_701, %get3A_702] {strides = array<i32>} : memref<80x128xf32, #tpu.memory_space<vmem>>, vector<1x16xf32>,
        %get3A_704 = vector.shape_cast %get3A_703 : vector<1x16xf32> to vector<16xf32>
        %add3A_705 = arith.addf %get3A_698, %get3A_704 : vector<16xf32>
        %max3A = arith.constant 0.000000e+00 : f32
        %max3A_706 = vector.broadcast %max3A : f32 to vector<16xf32>
        %max3A_707 = arith.maximumf %add3A_705, %max3A_706 : vector<16xf32>
        %add3A_708 = arith.constant 0 : i32
        %add3A_709 = arith.addi %add3A_708, %scan3A_692 : i32
        %swap3A = arith.index_cast %add3A_709 : i32 to index
        %swap3A_710 = arith.constant 0 : index
        %swap3A_711 = tpu.vector_load %arg15[%swap3A, %swap3A_710] {strides = array<i32>} : memref<160x128xf32, #tpu.memory_space<vmem>>, vector<1x16xf32>,
        %swap3A_712 = vector.shape_cast %swap3A_711 : vector<1x16xf32> to vector<16xf32>
        %swap3A_713 = vector.shape_cast %max3A_707 : vector<16xf32> to vector<1x16xf32>
        tpu.vector_store %arg15[%swap3A, %swap3A_710], %swap3A_713 {strides = array<i32>} : memref<160x128xf32, #tpu.memory_space<vmem>>, vector<1x16xf32>,
        %add3A_714 = arith.constant 0 : i32
        %add3A_715 = arith.addi %add3A_714, %scan3A_692 : i32
        %get3A_716 = arith.index_cast %add3A_715 : i32 to index
        %get3A_717 = arith.constant 16 : index
        %get3A_718 = tpu.vector_load %arg15[%get3A_716, %get3A_717] {strides = array<i32>} : memref<160x128xf32, #tpu.memory_space<vmem>>, vector<1x16xf32>,
        %get3A_719 = vector.shape_cast %get3A_718 : vector<1x16xf32> to vector<16xf32>
        %add3A_720 = arith.constant 0 : i32
        %add3A_721 = arith.addi %add3A_720, %scan3A_692 : i32
        %get3A_722 = arith.index_cast %add3A_721 : i32 to index
        %get3A_723 = arith.constant 16 : index
        %get3A_724 = tpu.vector_load %arg16[%get3A_722, %get3A_723] {strides = array<i32>} : memref<80x128xf32, #tpu.memory_space<vmem>>, vector<1x16xf32>,
        %get3A_725 = vector.shape_cast %get3A_724 : vector<1x16xf32> to vector<16xf32>
        %add3A_726 = arith.addf %get3A_719, %get3A_725 : vector<16xf32>
        %max3A_727 = arith.constant 0.000000e+00 : f32
        %max3A_728 = vector.broadcast %max3A_727 : f32 to vector<16xf32>
        %max3A_729 = arith.maximumf %add3A_726, %max3A_728 : vector<16xf32>
        %add3A_730 = arith.constant 0 : i32
        %add3A_731 = arith.addi %add3A_730, %scan3A_692 : i32
        %swap3A_732 = arith.index_cast %add3A_731 : i32 to index
        %swap3A_733 = arith.constant 16 : index
        %swap3A_734 = tpu.vector_load %arg15[%swap3A_732, %swap3A_733] {strides = array<i32>} : memref<160x128xf32, #tpu.memory_space<vmem>>, vector<1x16xf32>,
        %swap3A_735 = vector.shape_cast %swap3A_734 : vector<1x16xf32> to vector<16xf32>
        %swap3A_736 = vector.shape_cast %max3A_729 : vector<16xf32> to vector<1x16xf32>
        tpu.vector_store %arg15[%swap3A_732, %swap3A_733], %swap3A_736 {strides = array<i32>} : memref<160x128xf32, #tpu.memory_space<vmem>>, vector<1x16xf32>,
        %add3A_737 = arith.constant 0 : i32
        %add3A_738 = arith.addi %add3A_737, %scan3A_692 : i32
        %get3A_739 = arith.index_cast %add3A_738 : i32 to index
        %get3A_740 = arith.constant 32 : index
        %get3A_741 = tpu.vector_load %arg15[%get3A_739, %get3A_740] {strides = array<i32>} : memref<160x128xf32, #tpu.memory_space<vmem>>, vector<1x16xf32>,
        %get3A_742 = vector.shape_cast %get3A_741 : vector<1x16xf32> to vector<16xf32>
        %add3A_743 = arith.constant 0 : i32
        %add3A_744 = arith.addi %add3A_743, %scan3A_692 : i32
        %get3A_745 = arith.index_cast %add3A_744 : i32 to index
        %get3A_746 = arith.constant 32 : index
        %get3A_747 = tpu.vector_load %arg16[%get3A_745, %get3A_746] {strides = array<i32>} : memref<80x128xf32, #tpu.memory_space<vmem>>, vector<1x16xf32>,
        %get3A_748 = vector.shape_cast %get3A_747 : vector<1x16xf32> to vector<16xf32>
        %add3A_749 = arith.addf %get3A_742, %get3A_748 : vector<16xf32>
        %max3A_750 = arith.constant 0.000000e+00 : f32
        %max3A_751 = vector.broadcast %max3A_750 : f32 to vector<16xf32>
        %max3A_752 = arith.maximumf %add3A_749, %max3A_751 : vector<16xf32>
        %add3A_753 = arith.constant 0 : i32
        %add3A_754 = arith.addi %add3A_753, %scan3A_692 : i32
        %swap3A_755 = arith.index_cast %add3A_754 : i32 to index
        %swap3A_756 = arith.constant 32 : index
        %swap3A_757 = tpu.vector_load %arg15[%swap3A_755, %swap3A_756] {strides = array<i32>} : memref<160x128xf32, #tpu.memory_space<vmem>>, vector<1x16xf32>,
        %swap3A_758 = vector.shape_cast %swap3A_757 : vector<1x16xf32> to vector<16xf32>
        %swap3A_759 = vector.shape_cast %max3A_752 : vector<16xf32> to vector<1x16xf32>
        tpu.vector_store %arg15[%swap3A_755, %swap3A_756], %swap3A_759 {strides = array<i32>} : memref<160x128xf32, #tpu.memory_space<vmem>>, vector<1x16xf32>,
        %add3A_760 = arith.constant 0 : i32
        %add3A_761 = arith.addi %add3A_760, %scan3A_692 : i32
        %get3A_762 = arith.index_cast %add3A_761 : i32 to index
        %get3A_763 = arith.constant 48 : index
        %get3A_764 = tpu.vector_load %arg15[%get3A_762, %get3A_763] {strides = array<i32>} : memref<160x128xf32, #tpu.memory_space<vmem>>, vector<1x16xf32>,
        %get3A_765 = vector.shape_cast %get3A_764 : vector<1x16xf32> to vector<16xf32>
        %add3A_766 = arith.constant 0 : i32
        %add3A_767 = arith.addi %add3A_766, %scan3A_692 : i32
        %get3A_768 = arith.index_cast %add3A_767 : i32 to index
        %get3A_769 = arith.constant 48 : index
        %get3A_770 = tpu.vector_load %arg16[%get3A_768, %get3A_769] {strides = array<i32>} : memref<80x128xf32, #tpu.memory_space<vmem>>, vector<1x16xf32>,
        %get3A_771 = vector.shape_cast %get3A_770 : vector<1x16xf32> to vector<16xf32>
        %add3A_772 = arith.addf %get3A_765, %get3A_771 : vector<16xf32>
        %max3A_773 = arith.constant 0.000000e+00 : f32
        %max3A_774 = vector.broadcast %max3A_773 : f32 to vector<16xf32>
        %max3A_775 = arith.maximumf %add3A_772, %max3A_774 : vector<16xf32>
        %add3A_776 = arith.constant 0 : i32
        %add3A_777 = arith.addi %add3A_776, %scan3A_692 : i32
        %swap3A_778 = arith.index_cast %add3A_777 : i32 to index
        %swap3A_779 = arith.constant 48 : index
        %swap3A_780 = tpu.vector_load %arg15[%swap3A_778, %swap3A_779] {strides = array<i32>} : memref<160x128xf32, #tpu.memory_space<vmem>>, vector<1x16xf32>,
        %swap3A_781 = vector.shape_cast %swap3A_780 : vector<1x16xf32> to vector<16xf32>
        %swap3A_782 = vector.shape_cast %max3A_775 : vector<16xf32> to vector<1x16xf32>
        tpu.vector_store %arg15[%swap3A_778, %swap3A_779], %swap3A_782 {strides = array<i32>} : memref<160x128xf32, #tpu.memory_space<vmem>>, vector<1x16xf32>,
        %add3A_783 = arith.constant 0 : i32
        %add3A_784 = arith.addi %add3A_783, %scan3A_692 : i32
        %get3A_785 = arith.index_cast %add3A_784 : i32 to index
        %get3A_786 = arith.constant 64 : index
        %get3A_787 = tpu.vector_load %arg15[%get3A_785, %get3A_786] {strides = array<i32>} : memref<160x128xf32, #tpu.memory_space<vmem>>, vector<1x16xf32>,
        %get3A_788 = vector.shape_cast %get3A_787 : vector<1x16xf32> to vector<16xf32>
        %add3A_789 = arith.constant 0 : i32
        %add3A_790 = arith.addi %add3A_789, %scan3A_692 : i32
        %get3A_791 = arith.index_cast %add3A_790 : i32 to index
        %get3A_792 = arith.constant 64 : index
        %get3A_793 = tpu.vector_load %arg16[%get3A_791, %get3A_792] {strides = array<i32>} : memref<80x128xf32, #tpu.memory_space<vmem>>, vector<1x16xf32>,
        %get3A_794 = vector.shape_cast %get3A_793 : vector<1x16xf32> to vector<16xf32>
        %add3A_795 = arith.addf %get3A_788, %get3A_794 : vector<16xf32>
        %max3A_796 = arith.constant 0.000000e+00 : f32
        %max3A_797 = vector.broadcast %max3A_796 : f32 to vector<16xf32>
        %max3A_798 = arith.maximumf %add3A_795, %max3A_797 : vector<16xf32>
        %add3A_799 = arith.constant 0 : i32
        %add3A_800 = arith.addi %add3A_799, %scan3A_692 : i32
        %swap3A_801 = arith.index_cast %add3A_800 : i32 to index
        %swap3A_802 = arith.constant 64 : index
        %swap3A_803 = tpu.vector_load %arg15[%swap3A_801, %swap3A_802] {strides = array<i32>} : memref<160x128xf32, #tpu.memory_space<vmem>>, vector<1x16xf32>,
        %swap3A_804 = vector.shape_cast %swap3A_803 : vector<1x16xf32> to vector<16xf32>
        %swap3A_805 = vector.shape_cast %max3A_798 : vector<16xf32> to vector<1x16xf32>
        tpu.vector_store %arg15[%swap3A_801, %swap3A_802], %swap3A_805 {strides = array<i32>} : memref<160x128xf32, #tpu.memory_space<vmem>>, vector<1x16xf32>,
        %add3A_806 = arith.constant 0 : i32
        %add3A_807 = arith.addi %add3A_806, %scan3A_692 : i32
        %get3A_808 = arith.index_cast %add3A_807 : i32 to index
        %get3A_809 = arith.constant 80 : index
        %get3A_810 = tpu.vector_load %arg15[%get3A_808, %get3A_809] {strides = array<i32>} : memref<160x128xf32, #tpu.memory_space<vmem>>, vector<1x16xf32>,
        %get3A_811 = vector.shape_cast %get3A_810 : vector<1x16xf32> to vector<16xf32>
        %add3A_812 = arith.constant 0 : i32
        %add3A_813 = arith.addi %add3A_812, %scan3A_692 : i32
        %get3A_814 = arith.index_cast %add3A_813 : i32 to index
        %get3A_815 = arith.constant 80 : index
        %get3A_816 = tpu.vector_load %arg16[%get3A_814, %get3A_815] {strides = array<i32>} : memref<80x128xf32, #tpu.memory_space<vmem>>, vector<1x16xf32>,
        %get3A_817 = vector.shape_cast %get3A_816 : vector<1x16xf32> to vector<16xf32>
        %add3A_818 = arith.addf %get3A_811, %get3A_817 : vector<16xf32>
        %max3A_819 = arith.constant 0.000000e+00 : f32
        %max3A_820 = vector.broadcast %max3A_819 : f32 to vector<16xf32>
        %max3A_821 = arith.maximumf %add3A_818, %max3A_820 : vector<16xf32>
        %add3A_822 = arith.constant 0 : i32
        %add3A_823 = arith.addi %add3A_822, %scan3A_692 : i32
        %swap3A_824 = arith.index_cast %add3A_823 : i32 to index
        %swap3A_825 = arith.constant 80 : index
        %swap3A_826 = tpu.vector_load %arg15[%swap3A_824, %swap3A_825] {strides = array<i32>} : memref<160x128xf32, #tpu.memory_space<vmem>>, vector<1x16xf32>,
        %swap3A_827 = vector.shape_cast %swap3A_826 : vector<1x16xf32> to vector<16xf32>
        %swap3A_828 = vector.shape_cast %max3A_821 : vector<16xf32> to vector<1x16xf32>
        tpu.vector_store %arg15[%swap3A_824, %swap3A_825], %swap3A_828 {strides = array<i32>} : memref<160x128xf32, #tpu.memory_space<vmem>>, vector<1x16xf32>,
        %add3A_829 = arith.constant 0 : i32
        %add3A_830 = arith.addi %add3A_829, %scan3A_692 : i32
        %get3A_831 = arith.index_cast %add3A_830 : i32 to index
        %get3A_832 = arith.constant 96 : index
        %get3A_833 = tpu.vector_load %arg15[%get3A_831, %get3A_832] {strides = array<i32>} : memref<160x128xf32, #tpu.memory_space<vmem>>, vector<1x16xf32>,
        %get3A_834 = vector.shape_cast %get3A_833 : vector<1x16xf32> to vector<16xf32>
        %add3A_835 = arith.constant 0 : i32
        %add3A_836 = arith.addi %add3A_835, %scan3A_692 : i32
        %get3A_837 = arith.index_cast %add3A_836 : i32 to index
        %get3A_838 = arith.constant 96 : index
        %get3A_839 = tpu.vector_load %arg16[%get3A_837, %get3A_838] {strides = array<i32>} : memref<80x128xf32, #tpu.memory_space<vmem>>, vector<1x16xf32>,
        %get3A_840 = vector.shape_cast %get3A_839 : vector<1x16xf32> to vector<16xf32>
        %add3A_841 = arith.addf %get3A_834, %get3A_840 : vector<16xf32>
        %max3A_842 = arith.constant 0.000000e+00 : f32
        %max3A_843 = vector.broadcast %max3A_842 : f32 to vector<16xf32>
        %max3A_844 = arith.maximumf %add3A_841, %max3A_843 : vector<16xf32>
        %add3A_845 = arith.constant 0 : i32
        %add3A_846 = arith.addi %add3A_845, %scan3A_692 : i32
        %swap3A_847 = arith.index_cast %add3A_846 : i32 to index
        %swap3A_848 = arith.constant 96 : index
        %swap3A_849 = tpu.vector_load %arg15[%swap3A_847, %swap3A_848] {strides = array<i32>} : memref<160x128xf32, #tpu.memory_space<vmem>>, vector<1x16xf32>,
        %swap3A_850 = vector.shape_cast %swap3A_849 : vector<1x16xf32> to vector<16xf32>
        %swap3A_851 = vector.shape_cast %max3A_844 : vector<16xf32> to vector<1x16xf32>
        tpu.vector_store %arg15[%swap3A_847, %swap3A_848], %swap3A_851 {strides = array<i32>} : memref<160x128xf32, #tpu.memory_space<vmem>>, vector<1x16xf32>,
        %add3A_852 = arith.constant 0 : i32
        %add3A_853 = arith.addi %add3A_852, %scan3A_692 : i32
        %get3A_854 = arith.index_cast %add3A_853 : i32 to index
        %get3A_855 = arith.constant 112 : index
        %get3A_856 = tpu.vector_load %arg15[%get3A_854, %get3A_855] {strides = array<i32>} : memref<160x128xf32, #tpu.memory_space<vmem>>, vector<1x16xf32>,
        %get3A_857 = vector.shape_cast %get3A_856 : vector<1x16xf32> to vector<16xf32>
        %add3A_858 = arith.constant 0 : i32
        %add3A_859 = arith.addi %add3A_858, %scan3A_692 : i32
        %get3A_860 = arith.index_cast %add3A_859 : i32 to index
        %get3A_861 = arith.constant 112 : index
        %get3A_862 = tpu.vector_load %arg16[%get3A_860, %get3A_861] {strides = array<i32>} : memref<80x128xf32, #tpu.memory_space<vmem>>, vector<1x16xf32>,
        %get3A_863 = vector.shape_cast %get3A_862 : vector<1x16xf32> to vector<16xf32>
        %add3A_864 = arith.addf %get3A_857, %get3A_863 : vector<16xf32>
        %max3A_865 = arith.constant 0.000000e+00 : f32
        %max3A_866 = vector.broadcast %max3A_865 : f32 to vector<16xf32>
        %max3A_867 = arith.maximumf %add3A_864, %max3A_866 : vector<16xf32>
        %add3A_868 = arith.constant 0 : i32
        %add3A_869 = arith.addi %add3A_868, %scan3A_692 : i32
        %swap3A_870 = arith.index_cast %add3A_869 : i32 to index
        %swap3A_871 = arith.constant 112 : index
        %swap3A_872 = tpu.vector_load %arg15[%swap3A_870, %swap3A_871] {strides = array<i32>} : memref<160x128xf32, #tpu.memory_space<vmem>>, vector<1x16xf32>,
        %swap3A_873 = vector.shape_cast %swap3A_872 : vector<1x16xf32> to vector<16xf32>
        %swap3A_874 = vector.shape_cast %max3A_867 : vector<16xf32> to vector<1x16xf32>
        tpu.vector_store %arg15[%swap3A_870, %swap3A_871], %swap3A_874 {strides = array<i32>} : memref<160x128xf32, #tpu.memory_space<vmem>>, vector<1x16xf32>,
        %scan3A_875 = arith.constant 0 : i32
        scf.yield %scan3A_875 : i32
      }
      %scan3A_297 = arith.constant 40 : i32
      %mul3A_298 = arith.constant 40 : i32
      %mul3A_299 = arith.muli %add3A_268, %mul3A_298 : i32
      %add3A_300 = arith.addi %mul3A_2, %mul3A_299 : i32
      %dma_wait3A_301 = arith.constant 0 : i32
      %dma_wait3A_302 = tpu.memref_slice %arg5[%add3A_300] : memref<320000xi32, #tpu.memory_space<hbm>> -> memref<40xi32, #tpu.memory_space<hbm>>
      %dma_wait3A_303 = tpu.memref_slice %arg19[%dma_wait3A_301] : memref<4x!tpu.dma_semaphore, #tpu.memory_space<semaphore_mem>> -> memref<1x!tpu.dma_semaphore, #tpu.memory_space<semaphore_mem>>
      %dma_wait3A_304 = tpu.memref_squeeze %dma_wait3A_303 : memref<1x!tpu.dma_semaphore, #tpu.memory_space<semaphore_mem>> -> memref<!tpu.dma_semaphore, #tpu.memory_space<semaphore_mem>>
      %dma_wait3A_305 = tpu.memref_slice %arg5[%add3A_300] : memref<320000xi32, #tpu.memory_space<hbm>> -> memref<40xi32, #tpu.memory_space<hbm>>
      tpu.wait_dma2 semaphore(%dma_wait3A_304 : memref<!tpu.dma_semaphore, #tpu.memory_space<semaphore_mem>>) src(%dma_wait3A_305 : memref<40xi32, #tpu.memory_space<hbm>>) dst(%arg11 : memref<40xi32, #tpu.memory_space<vmem>>)
      %dma_start3A_306 = arith.constant 0 : i32
      %dma_start3A_307 = arith.constant 0 : i32
      %dma_start3A_308 = arith.constant 0 : i32
      %dma_start3A_309 = tpu.memref_slice %arg15[%dma_start3A_307, %dma_start3A_308] : memref<160x128xf32, #tpu.memory_space<vmem>> -> memref<40x128xf32, #tpu.memory_space<vmem>>
      %dma_start3A_310 = arith.constant 0 : i32
      %dma_start3A_311 = arith.constant 0 : i32
      %dma_start3A_312 = tpu.memref_slice %arg17[%dma_start3A_310, %dma_start3A_311] : memref<10240x128xf32, #tpu.memory_space<vmem_shared>> -> memref<10240x128xf32, #tpu.memory_space<vmem_shared>>
      %dma_start3A_313 = tpu.memref_slice %arg22[%dma_start3A_306] : memref<4x!tpu.dma_semaphore, #tpu.memory_space<semaphore_mem>> -> memref<1x!tpu.dma_semaphore, #tpu.memory_space<semaphore_mem>>
      %dma_start3A_314 = tpu.memref_squeeze %dma_start3A_313 : memref<1x!tpu.dma_semaphore, #tpu.memory_space<semaphore_mem>> -> memref<!tpu.dma_semaphore, #tpu.memory_space<semaphore_mem>>
      tpu.enqueue_indirect_dma source(%dma_start3A_309 : memref<40x128xf32, #tpu.memory_space<vmem>>) target(%dma_start3A_312 : memref<10240x128xf32, #tpu.memory_space<vmem_shared>>) offsets(%arg11 : memref<40xi32, #tpu.memory_space<vmem>>) semaphore(%dma_start3A_314 : memref<!tpu.dma_semaphore, #tpu.memory_space<semaphore_mem>>) {add = true}
      %add3A_315 = arith.constant 2 : i32
      %add3A_316 = arith.addi %add3A_268, %add3A_315 : i32
      %mul3A_317 = arith.constant 40 : i32
      %mul3A_318 = arith.muli %add3A_316, %mul3A_317 : i32
      %add3A_319 = arith.addi %mul3A_2, %mul3A_318 : i32
      %dma_start3A_320 = arith.constant 0 : i32
      %dma_start3A_321 = arith.constant 0 : i32
      %dma_start3A_322 = arith.constant 0 : i32
      %dma_start3A_323 = tpu.memref_slice %arg16[%dma_start3A_321, %dma_start3A_322] : memref<80x128xf32, #tpu.memory_space<vmem>> -> memref<40x128xf32, #tpu.memory_space<vmem>>
      %dma_start3A_324 = arith.constant 0 : i32
      %dma_start3A_325 = tpu.memref_slice %arg3[%add3A_319, %dma_start3A_324] : memref<320000x128xf32, #tpu.memory_space<hbm>> -> memref<40x128xf32, #tpu.memory_space<hbm>>
      %dma_start3A_326 = tpu.memref_slice %arg21[%dma_start3A_320] : memref<2x!tpu.dma_semaphore, #tpu.memory_space<semaphore_mem>> -> memref<1x!tpu.dma_semaphore, #tpu.memory_space<semaphore_mem>>
      %dma_start3A_327 = tpu.memref_squeeze %dma_start3A_326 : memref<1x!tpu.dma_semaphore, #tpu.memory_space<semaphore_mem>> -> memref<!tpu.dma_semaphore, #tpu.memory_space<semaphore_mem>>
      %dma_start3A_328 = arith.constant 0 : i32
      %dma_start3A_329 = arith.constant 0 : i32
      %dma_start3A_330 = tpu.memref_slice %arg16[%dma_start3A_328, %dma_start3A_329] : memref<80x128xf32, #tpu.memory_space<vmem>> -> memref<40x128xf32, #tpu.memory_space<vmem>>
      %dma_start3A_331 = arith.constant 0 : i32
      %dma_start3A_332 = tpu.memref_slice %arg3[%add3A_319, %dma_start3A_331] : memref<320000x128xf32, #tpu.memory_space<hbm>> -> memref<40x128xf32, #tpu.memory_space<hbm>>
      tpu.enqueue_dma source(%dma_start3A_332 : memref<40x128xf32, #tpu.memory_space<hbm>>) target(%dma_start3A_330 : memref<40x128xf32, #tpu.memory_space<vmem>>) target_semaphore(%dma_start3A_327 : memref<!tpu.dma_semaphore, #tpu.memory_space<semaphore_mem>>)
      %add3A_333 = arith.constant 4 : i32
      %add3A_334 = arith.addi %add3A_268, %add3A_333 : i32
      %lt3A = arith.constant 250 : i32
      %lt3A_335 = arith.cmpi slt, %add3A_334, %lt3A : i32
      %convert_element_type3A = arith.extui %lt3A_335 : i1 to i32
      %cond3A = arith.constant 0 : i32
      %cond3A_336 = arith.cmpi ne, %convert_element_type3A, %cond3A : i32
      scf.if %cond3A_336 {
        %add3A_692 = arith.constant 4 : i32
        %add3A_693 = arith.addi %add3A_268, %add3A_692 : i32
        %mul3A_694 = arith.constant 40 : i32
        %mul3A_695 = arith.muli %add3A_693, %mul3A_694 : i32
        %add3A_696 = arith.addi %mul3A_2, %mul3A_695 : i32
        %dma_start3A_697 = arith.constant 0 : i32
        %dma_start3A_698 = tpu.memref_slice %arg4[%add3A_696] : memref<320000xi32, #tpu.memory_space<hbm>> -> memref<40xi32, #tpu.memory_space<hbm>>
        %dma_start3A_699 = tpu.memref_slice %arg18[%dma_start3A_697] : memref<4x!tpu.dma_semaphore, #tpu.memory_space<semaphore_mem>> -> memref<1x!tpu.dma_semaphore, #tpu.memory_space<semaphore_mem>>
        %dma_start3A_700 = tpu.memref_squeeze %dma_start3A_699 : memref<1x!tpu.dma_semaphore, #tpu.memory_space<semaphore_mem>> -> memref<!tpu.dma_semaphore, #tpu.memory_space<semaphore_mem>>
        %dma_start3A_701 = tpu.memref_slice %arg4[%add3A_696] : memref<320000xi32, #tpu.memory_space<hbm>> -> memref<40xi32, #tpu.memory_space<hbm>>
        tpu.enqueue_dma source(%dma_start3A_701 : memref<40xi32, #tpu.memory_space<hbm>>) target(%arg7 : memref<40xi32, #tpu.memory_space<vmem>>) target_semaphore(%dma_start3A_700 : memref<!tpu.dma_semaphore, #tpu.memory_space<semaphore_mem>>)
      } else {
      }
      %ge3A = arith.constant 2 : i32
      %ge3A_337 = arith.cmpi sge, %add3A_268, %ge3A : i32
      %convert_element_type3A_338 = arith.extui %ge3A_337 : i1 to i32
      %cond3A_339 = arith.constant 0 : i32
      %cond3A_340 = arith.cmpi ne, %convert_element_type3A_338, %cond3A_339 : i32
      scf.if %cond3A_340 {
        %dma_wait3A_692 = arith.constant 2 : i32
        %dma_wait3A_693 = arith.constant 80 : i32
        %dma_wait3A_694 = arith.constant 0 : i32
        %dma_wait3A_695 = tpu.memref_slice %arg15[%dma_wait3A_693, %dma_wait3A_694] : memref<160x128xf32, #tpu.memory_space<vmem>> -> memref<40x128xf32, #tpu.memory_space<vmem>>
        %dma_wait3A_696 = arith.constant 0 : i32
        %dma_wait3A_697 = arith.constant 0 : i32
        %dma_wait3A_698 = tpu.memref_slice %arg17[%dma_wait3A_696, %dma_wait3A_697] : memref<10240x128xf32, #tpu.memory_space<vmem_shared>> -> memref<10240x128xf32, #tpu.memory_space<vmem_shared>>
        %dma_wait3A_699 = tpu.memref_slice %arg22[%dma_wait3A_692] : memref<4x!tpu.dma_semaphore, #tpu.memory_space<semaphore_mem>> -> memref<1x!tpu.dma_semaphore, #tpu.memory_space<semaphore_mem>>
        %dma_wait3A_700 = tpu.memref_squeeze %dma_wait3A_699 : memref<1x!tpu.dma_semaphore, #tpu.memory_space<semaphore_mem>> -> memref<!tpu.dma_semaphore, #tpu.memory_space<semaphore_mem>>
        tpu.wait_indirect_dma semaphore(%dma_wait3A_700 : memref<!tpu.dma_semaphore, #tpu.memory_space<semaphore_mem>>) src(%dma_wait3A_695 : memref<40x128xf32, #tpu.memory_space<vmem>>) dst(%dma_wait3A_698 : memref<10240x128xf32, #tpu.memory_space<vmem_shared>>)
      } else {
      }
      %add3A_341 = arith.constant 2 : i32
      %add3A_342 = arith.addi %add3A_268, %add3A_341 : i32
      %mul3A_343 = arith.constant 40 : i32
      %mul3A_344 = arith.muli %add3A_342, %mul3A_343 : i32
      %add3A_345 = arith.addi %mul3A_2, %mul3A_344 : i32
      %dma_start3A_346 = arith.constant 2 : i32
      %dma_start3A_347 = tpu.memref_slice %arg5[%add3A_345] : memref<320000xi32, #tpu.memory_space<hbm>> -> memref<40xi32, #tpu.memory_space<hbm>>
      %dma_start3A_348 = tpu.memref_slice %arg19[%dma_start3A_346] : memref<4x!tpu.dma_semaphore, #tpu.memory_space<semaphore_mem>> -> memref<1x!tpu.dma_semaphore, #tpu.memory_space<semaphore_mem>>
      %dma_start3A_349 = tpu.memref_squeeze %dma_start3A_348 : memref<1x!tpu.dma_semaphore, #tpu.memory_space<semaphore_mem>> -> memref<!tpu.dma_semaphore, #tpu.memory_space<semaphore_mem>>
      %dma_start3A_350 = tpu.memref_slice %arg5[%add3A_345] : memref<320000xi32, #tpu.memory_space<hbm>> -> memref<40xi32, #tpu.memory_space<hbm>>
      tpu.enqueue_dma source(%dma_start3A_350 : memref<40xi32, #tpu.memory_space<hbm>>) target(%arg13 : memref<40xi32, #tpu.memory_space<vmem>>) target_semaphore(%dma_start3A_349 : memref<!tpu.dma_semaphore, #tpu.memory_space<semaphore_mem>>)
      %add3A_351 = arith.constant 2 : i32
      %add3A_352 = arith.addi %add3A_268, %add3A_351 : i32
      %mul3A_353 = arith.constant 40 : i32
      %mul3A_354 = arith.muli %add3A_352, %mul3A_353 : i32
      %add3A_355 = arith.addi %mul3A_2, %mul3A_354 : i32
      %dma_wait3A_356 = arith.constant 2 : i32
      %dma_wait3A_357 = tpu.memref_slice %arg4[%add3A_355] : memref<320000xi32, #tpu.memory_space<hbm>> -> memref<40xi32, #tpu.memory_space<hbm>>
      %dma_wait3A_358 = tpu.memref_slice %arg18[%dma_wait3A_356] : memref<4x!tpu.dma_semaphore, #tpu.memory_space<semaphore_mem>> -> memref<1x!tpu.dma_semaphore, #tpu.memory_space<semaphore_mem>>
      %dma_wait3A_359 = tpu.memref_squeeze %dma_wait3A_358 : memref<1x!tpu.dma_semaphore, #tpu.memory_space<semaphore_mem>> -> memref<!tpu.dma_semaphore, #tpu.memory_space<semaphore_mem>>
      %dma_wait3A_360 = tpu.memref_slice %arg4[%add3A_355] : memref<320000xi32, #tpu.memory_space<hbm>> -> memref<40xi32, #tpu.memory_space<hbm>>
      tpu.wait_dma2 semaphore(%dma_wait3A_359 : memref<!tpu.dma_semaphore, #tpu.memory_space<semaphore_mem>>) src(%dma_wait3A_360 : memref<40xi32, #tpu.memory_space<hbm>>) dst(%arg9 : memref<40xi32, #tpu.memory_space<vmem>>)
      %dma_start3A_361 = arith.constant 2 : i32
      %dma_start3A_362 = arith.constant 80 : i32
      %dma_start3A_363 = arith.constant 0 : i32
      %dma_start3A_364 = tpu.memref_slice %arg15[%dma_start3A_362, %dma_start3A_363] : memref<160x128xf32, #tpu.memory_space<vmem>> -> memref<40x128xf32, #tpu.memory_space<vmem>>
      %dma_start3A_365 = arith.constant 0 : i32
      %dma_start3A_366 = arith.constant 0 : i32
      %dma_start3A_367 = tpu.memref_slice %arg2[%dma_start3A_365, %dma_start3A_366] : memref<10000x128xf32, #tpu.memory_space<hbm>> -> memref<10000x128xf32, #tpu.memory_space<hbm>>
      %dma_start3A_368 = tpu.memref_slice %arg20[%dma_start3A_361] : memref<4x!tpu.dma_semaphore, #tpu.memory_space<semaphore_mem>> -> memref<1x!tpu.dma_semaphore, #tpu.memory_space<semaphore_mem>>
      %dma_start3A_369 = tpu.memref_squeeze %dma_start3A_368 : memref<1x!tpu.dma_semaphore, #tpu.memory_space<semaphore_mem>> -> memref<!tpu.dma_semaphore, #tpu.memory_space<semaphore_mem>>
      tpu.enqueue_indirect_dma source(%dma_start3A_367 : memref<10000x128xf32, #tpu.memory_space<hbm>>) target(%dma_start3A_364 : memref<40x128xf32, #tpu.memory_space<vmem>>) offsets(%arg9 : memref<40xi32, #tpu.memory_space<vmem>>) semaphore(%dma_start3A_369 : memref<!tpu.dma_semaphore, #tpu.memory_space<semaphore_mem>>)
      %add3A_370 = arith.constant 1 : i32
      %add3A_371 = arith.addi %mul3A_266, %add3A_370 : i32
      %dma_wait3A_372 = arith.constant 1 : i32
      %dma_wait3A_373 = arith.constant 40 : i32
      %dma_wait3A_374 = arith.constant 0 : i32
      %dma_wait3A_375 = tpu.memref_slice %arg15[%dma_wait3A_373, %dma_wait3A_374] : memref<160x128xf32, #tpu.memory_space<vmem>> -> memref<40x128xf32, #tpu.memory_space<vmem>>
      %dma_wait3A_376 = arith.constant 0 : i32
      %dma_wait3A_377 = arith.constant 0 : i32
      %dma_wait3A_378 = tpu.memref_slice %arg2[%dma_wait3A_376, %dma_wait3A_377] : memref<10000x128xf32, #tpu.memory_space<hbm>> -> memref<10000x128xf32, #tpu.memory_space<hbm>>
      %dma_wait3A_379 = tpu.memref_slice %arg20[%dma_wait3A_372] : memref<4x!tpu.dma_semaphore, #tpu.memory_space<semaphore_mem>> -> memref<1x!tpu.dma_semaphore, #tpu.memory_space<semaphore_mem>>
      %dma_wait3A_380 = tpu.memref_squeeze %dma_wait3A_379 : memref<1x!tpu.dma_semaphore, #tpu.memory_space<semaphore_mem>> -> memref<!tpu.dma_semaphore, #tpu.memory_space<semaphore_mem>>
      tpu.wait_indirect_dma semaphore(%dma_wait3A_380 : memref<!tpu.dma_semaphore, #tpu.memory_space<semaphore_mem>>) src(%dma_wait3A_378 : memref<10000x128xf32, #tpu.memory_space<hbm>>) dst(%dma_wait3A_375 : memref<40x128xf32, #tpu.memory_space<vmem>>)
      %dma_wait3A_381 = arith.constant 1 : i32
      %dma_wait3A_382 = arith.constant 40 : i32
      %dma_wait3A_383 = arith.constant 0 : i32
      %dma_wait3A_384 = tpu.memref_slice %arg16[%dma_wait3A_382, %dma_wait3A_383] : memref<80x128xf32, #tpu.memory_space<vmem>> -> memref<40x128xf32, #tpu.memory_space<vmem>>
      %dma_wait3A_385 = arith.constant 0 : i32
      %dma_wait3A_386 = tpu.memref_slice %arg3[%mul3A_2, %dma_wait3A_385] : memref<320000x128xf32, #tpu.memory_space<hbm>> -> memref<40x128xf32, #tpu.memory_space<hbm>>
      %dma_wait3A_387 = tpu.memref_slice %arg21[%dma_wait3A_381] : memref<2x!tpu.dma_semaphore, #tpu.memory_space<semaphore_mem>> -> memref<1x!tpu.dma_semaphore, #tpu.memory_space<semaphore_mem>>
      %dma_wait3A_388 = tpu.memref_squeeze %dma_wait3A_387 : memref<1x!tpu.dma_semaphore, #tpu.memory_space<semaphore_mem>> -> memref<!tpu.dma_semaphore, #tpu.memory_space<semaphore_mem>>
      %dma_wait3A_389 = arith.constant 40 : i32
      %dma_wait3A_390 = arith.constant 0 : i32
      %dma_wait3A_391 = tpu.memref_slice %arg16[%dma_wait3A_389, %dma_wait3A_390] : memref<80x128xf32, #tpu.memory_space<vmem>> -> memref<40x128xf32, #tpu.memory_space<vmem>>
      %dma_wait3A_392 = arith.constant 0 : i32
      %dma_wait3A_393 = tpu.memref_slice %arg3[%mul3A_2, %dma_wait3A_392] : memref<320000x128xf32, #tpu.memory_space<hbm>> -> memref<40x128xf32, #tpu.memory_space<hbm>>
      tpu.wait_dma2 semaphore(%dma_wait3A_388 : memref<!tpu.dma_semaphore, #tpu.memory_space<semaphore_mem>>) src(%dma_wait3A_393 : memref<40x128xf32, #tpu.memory_space<hbm>>) dst(%dma_wait3A_391 : memref<40x128xf32, #tpu.memory_space<vmem>>)
      %scan3A_394 = arith.constant 0 : i32
      %scan3A_395 = arith.constant 0 : i32
      %scan3A_396 = arith.constant 40 : i32
      %scan3A_397 = arith.addi %scan3A_395, %scan3A_396 : i32
      %scan3A_398 = arith.constant 1 : i32
      %scan3A_399 = scf.for %scan3A_692 = %scan3A_395 to %scan3A_397 step %scan3A_398 iter_args(%scan3A_693 = %scan3A_394) -> (i32)  : i32 {
        %add3A_694 = arith.constant 40 : i32
        %add3A_695 = arith.addi %add3A_694, %scan3A_692 : i32
        %get3A = arith.index_cast %add3A_695 : i32 to index
        %get3A_696 = arith.constant 0 : index
        %get3A_697 = tpu.vector_load %arg15[%get3A, %get3A_696] {strides = array<i32>} : memref<160x128xf32, #tpu.memory_space<vmem>>, vector<1x16xf32>,
        %get3A_698 = vector.shape_cast %get3A_697 : vector<1x16xf32> to vector<16xf32>
        %add3A_699 = arith.constant 40 : i32
        %add3A_700 = arith.addi %add3A_699, %scan3A_692 : i32
        %get3A_701 = arith.index_cast %add3A_700 : i32 to index
        %get3A_702 = arith.constant 0 : index
        %get3A_703 = tpu.vector_load %arg16[%get3A_701, %get3A_702] {strides = array<i32>} : memref<80x128xf32, #tpu.memory_space<vmem>>, vector<1x16xf32>,
        %get3A_704 = vector.shape_cast %get3A_703 : vector<1x16xf32> to vector<16xf32>
        %add3A_705 = arith.addf %get3A_698, %get3A_704 : vector<16xf32>
        %max3A = arith.constant 0.000000e+00 : f32
        %max3A_706 = vector.broadcast %max3A : f32 to vector<16xf32>
        %max3A_707 = arith.maximumf %add3A_705, %max3A_706 : vector<16xf32>
        %add3A_708 = arith.constant 40 : i32
        %add3A_709 = arith.addi %add3A_708, %scan3A_692 : i32
        %swap3A = arith.index_cast %add3A_709 : i32 to index
        %swap3A_710 = arith.constant 0 : index
        %swap3A_711 = tpu.vector_load %arg15[%swap3A, %swap3A_710] {strides = array<i32>} : memref<160x128xf32, #tpu.memory_space<vmem>>, vector<1x16xf32>,
        %swap3A_712 = vector.shape_cast %swap3A_711 : vector<1x16xf32> to vector<16xf32>
        %swap3A_713 = vector.shape_cast %max3A_707 : vector<16xf32> to vector<1x16xf32>
        tpu.vector_store %arg15[%swap3A, %swap3A_710], %swap3A_713 {strides = array<i32>} : memref<160x128xf32, #tpu.memory_space<vmem>>, vector<1x16xf32>,
        %add3A_714 = arith.constant 40 : i32
        %add3A_715 = arith.addi %add3A_714, %scan3A_692 : i32
        %get3A_716 = arith.index_cast %add3A_715 : i32 to index
        %get3A_717 = arith.constant 16 : index
        %get3A_718 = tpu.vector_load %arg15[%get3A_716, %get3A_717] {strides = array<i32>} : memref<160x128xf32, #tpu.memory_space<vmem>>, vector<1x16xf32>,
        %get3A_719 = vector.shape_cast %get3A_718 : vector<1x16xf32> to vector<16xf32>
        %add3A_720 = arith.constant 40 : i32
        %add3A_721 = arith.addi %add3A_720, %scan3A_692 : i32
        %get3A_722 = arith.index_cast %add3A_721 : i32 to index
        %get3A_723 = arith.constant 16 : index
        %get3A_724 = tpu.vector_load %arg16[%get3A_722, %get3A_723] {strides = array<i32>} : memref<80x128xf32, #tpu.memory_space<vmem>>, vector<1x16xf32>,
        %get3A_725 = vector.shape_cast %get3A_724 : vector<1x16xf32> to vector<16xf32>
        %add3A_726 = arith.addf %get3A_719, %get3A_725 : vector<16xf32>
        %max3A_727 = arith.constant 0.000000e+00 : f32
        %max3A_728 = vector.broadcast %max3A_727 : f32 to vector<16xf32>
        %max3A_729 = arith.maximumf %add3A_726, %max3A_728 : vector<16xf32>
        %add3A_730 = arith.constant 40 : i32
        %add3A_731 = arith.addi %add3A_730, %scan3A_692 : i32
        %swap3A_732 = arith.index_cast %add3A_731 : i32 to index
        %swap3A_733 = arith.constant 16 : index
        %swap3A_734 = tpu.vector_load %arg15[%swap3A_732, %swap3A_733] {strides = array<i32>} : memref<160x128xf32, #tpu.memory_space<vmem>>, vector<1x16xf32>,
        %swap3A_735 = vector.shape_cast %swap3A_734 : vector<1x16xf32> to vector<16xf32>
        %swap3A_736 = vector.shape_cast %max3A_729 : vector<16xf32> to vector<1x16xf32>
        tpu.vector_store %arg15[%swap3A_732, %swap3A_733], %swap3A_736 {strides = array<i32>} : memref<160x128xf32, #tpu.memory_space<vmem>>, vector<1x16xf32>,
        %add3A_737 = arith.constant 40 : i32
        %add3A_738 = arith.addi %add3A_737, %scan3A_692 : i32
        %get3A_739 = arith.index_cast %add3A_738 : i32 to index
        %get3A_740 = arith.constant 32 : index
        %get3A_741 = tpu.vector_load %arg15[%get3A_739, %get3A_740] {strides = array<i32>} : memref<160x128xf32, #tpu.memory_space<vmem>>, vector<1x16xf32>,
        %get3A_742 = vector.shape_cast %get3A_741 : vector<1x16xf32> to vector<16xf32>
        %add3A_743 = arith.constant 40 : i32
        %add3A_744 = arith.addi %add3A_743, %scan3A_692 : i32
        %get3A_745 = arith.index_cast %add3A_744 : i32 to index
        %get3A_746 = arith.constant 32 : index
        %get3A_747 = tpu.vector_load %arg16[%get3A_745, %get3A_746] {strides = array<i32>} : memref<80x128xf32, #tpu.memory_space<vmem>>, vector<1x16xf32>,
        %get3A_748 = vector.shape_cast %get3A_747 : vector<1x16xf32> to vector<16xf32>
        %add3A_749 = arith.addf %get3A_742, %get3A_748 : vector<16xf32>
        %max3A_750 = arith.constant 0.000000e+00 : f32
        %max3A_751 = vector.broadcast %max3A_750 : f32 to vector<16xf32>
        %max3A_752 = arith.maximumf %add3A_749, %max3A_751 : vector<16xf32>
        %add3A_753 = arith.constant 40 : i32
        %add3A_754 = arith.addi %add3A_753, %scan3A_692 : i32
        %swap3A_755 = arith.index_cast %add3A_754 : i32 to index
        %swap3A_756 = arith.constant 32 : index
        %swap3A_757 = tpu.vector_load %arg15[%swap3A_755, %swap3A_756] {strides = array<i32>} : memref<160x128xf32, #tpu.memory_space<vmem>>, vector<1x16xf32>,
        %swap3A_758 = vector.shape_cast %swap3A_757 : vector<1x16xf32> to vector<16xf32>
        %swap3A_759 = vector.shape_cast %max3A_752 : vector<16xf32> to vector<1x16xf32>
        tpu.vector_store %arg15[%swap3A_755, %swap3A_756], %swap3A_759 {strides = array<i32>} : memref<160x128xf32, #tpu.memory_space<vmem>>, vector<1x16xf32>,
        %add3A_760 = arith.constant 40 : i32
        %add3A_761 = arith.addi %add3A_760, %scan3A_692 : i32
        %get3A_762 = arith.index_cast %add3A_761 : i32 to index
        %get3A_763 = arith.constant 48 : index
        %get3A_764 = tpu.vector_load %arg15[%get3A_762, %get3A_763] {strides = array<i32>} : memref<160x128xf32, #tpu.memory_space<vmem>>, vector<1x16xf32>,
        %get3A_765 = vector.shape_cast %get3A_764 : vector<1x16xf32> to vector<16xf32>
        %add3A_766 = arith.constant 40 : i32
        %add3A_767 = arith.addi %add3A_766, %scan3A_692 : i32
        %get3A_768 = arith.index_cast %add3A_767 : i32 to index
        %get3A_769 = arith.constant 48 : index
        %get3A_770 = tpu.vector_load %arg16[%get3A_768, %get3A_769] {strides = array<i32>} : memref<80x128xf32, #tpu.memory_space<vmem>>, vector<1x16xf32>,
        %get3A_771 = vector.shape_cast %get3A_770 : vector<1x16xf32> to vector<16xf32>
        %add3A_772 = arith.addf %get3A_765, %get3A_771 : vector<16xf32>
        %max3A_773 = arith.constant 0.000000e+00 : f32
        %max3A_774 = vector.broadcast %max3A_773 : f32 to vector<16xf32>
        %max3A_775 = arith.maximumf %add3A_772, %max3A_774 : vector<16xf32>
        %add3A_776 = arith.constant 40 : i32
        %add3A_777 = arith.addi %add3A_776, %scan3A_692 : i32
        %swap3A_778 = arith.index_cast %add3A_777 : i32 to index
        %swap3A_779 = arith.constant 48 : index
        %swap3A_780 = tpu.vector_load %arg15[%swap3A_778, %swap3A_779] {strides = array<i32>} : memref<160x128xf32, #tpu.memory_space<vmem>>, vector<1x16xf32>,
        %swap3A_781 = vector.shape_cast %swap3A_780 : vector<1x16xf32> to vector<16xf32>
        %swap3A_782 = vector.shape_cast %max3A_775 : vector<16xf32> to vector<1x16xf32>
        tpu.vector_store %arg15[%swap3A_778, %swap3A_779], %swap3A_782 {strides = array<i32>} : memref<160x128xf32, #tpu.memory_space<vmem>>, vector<1x16xf32>,
        %add3A_783 = arith.constant 40 : i32
        %add3A_784 = arith.addi %add3A_783, %scan3A_692 : i32
        %get3A_785 = arith.index_cast %add3A_784 : i32 to index
        %get3A_786 = arith.constant 64 : index
        %get3A_787 = tpu.vector_load %arg15[%get3A_785, %get3A_786] {strides = array<i32>} : memref<160x128xf32, #tpu.memory_space<vmem>>, vector<1x16xf32>,
        %get3A_788 = vector.shape_cast %get3A_787 : vector<1x16xf32> to vector<16xf32>
        %add3A_789 = arith.constant 40 : i32
        %add3A_790 = arith.addi %add3A_789, %scan3A_692 : i32
        %get3A_791 = arith.index_cast %add3A_790 : i32 to index
        %get3A_792 = arith.constant 64 : index
        %get3A_793 = tpu.vector_load %arg16[%get3A_791, %get3A_792] {strides = array<i32>} : memref<80x128xf32, #tpu.memory_space<vmem>>, vector<1x16xf32>,
        %get3A_794 = vector.shape_cast %get3A_793 : vector<1x16xf32> to vector<16xf32>
        %add3A_795 = arith.addf %get3A_788, %get3A_794 : vector<16xf32>
        %max3A_796 = arith.constant 0.000000e+00 : f32
        %max3A_797 = vector.broadcast %max3A_796 : f32 to vector<16xf32>
        %max3A_798 = arith.maximumf %add3A_795, %max3A_797 : vector<16xf32>
        %add3A_799 = arith.constant 40 : i32
        %add3A_800 = arith.addi %add3A_799, %scan3A_692 : i32
        %swap3A_801 = arith.index_cast %add3A_800 : i32 to index
        %swap3A_802 = arith.constant 64 : index
        %swap3A_803 = tpu.vector_load %arg15[%swap3A_801, %swap3A_802] {strides = array<i32>} : memref<160x128xf32, #tpu.memory_space<vmem>>, vector<1x16xf32>,
        %swap3A_804 = vector.shape_cast %swap3A_803 : vector<1x16xf32> to vector<16xf32>
        %swap3A_805 = vector.shape_cast %max3A_798 : vector<16xf32> to vector<1x16xf32>
        tpu.vector_store %arg15[%swap3A_801, %swap3A_802], %swap3A_805 {strides = array<i32>} : memref<160x128xf32, #tpu.memory_space<vmem>>, vector<1x16xf32>,
        %add3A_806 = arith.constant 40 : i32
        %add3A_807 = arith.addi %add3A_806, %scan3A_692 : i32
        %get3A_808 = arith.index_cast %add3A_807 : i32 to index
        %get3A_809 = arith.constant 80 : index
        %get3A_810 = tpu.vector_load %arg15[%get3A_808, %get3A_809] {strides = array<i32>} : memref<160x128xf32, #tpu.memory_space<vmem>>, vector<1x16xf32>,
        %get3A_811 = vector.shape_cast %get3A_810 : vector<1x16xf32> to vector<16xf32>
        %add3A_812 = arith.constant 40 : i32
        %add3A_813 = arith.addi %add3A_812, %scan3A_692 : i32
        %get3A_814 = arith.index_cast %add3A_813 : i32 to index
        %get3A_815 = arith.constant 80 : index
        %get3A_816 = tpu.vector_load %arg16[%get3A_814, %get3A_815] {strides = array<i32>} : memref<80x128xf32, #tpu.memory_space<vmem>>, vector<1x16xf32>,
        %get3A_817 = vector.shape_cast %get3A_816 : vector<1x16xf32> to vector<16xf32>
        %add3A_818 = arith.addf %get3A_811, %get3A_817 : vector<16xf32>
        %max3A_819 = arith.constant 0.000000e+00 : f32
        %max3A_820 = vector.broadcast %max3A_819 : f32 to vector<16xf32>
        %max3A_821 = arith.maximumf %add3A_818, %max3A_820 : vector<16xf32>
        %add3A_822 = arith.constant 40 : i32
        %add3A_823 = arith.addi %add3A_822, %scan3A_692 : i32
        %swap3A_824 = arith.index_cast %add3A_823 : i32 to index
        %swap3A_825 = arith.constant 80 : index
        %swap3A_826 = tpu.vector_load %arg15[%swap3A_824, %swap3A_825] {strides = array<i32>} : memref<160x128xf32, #tpu.memory_space<vmem>>, vector<1x16xf32>,
        %swap3A_827 = vector.shape_cast %swap3A_826 : vector<1x16xf32> to vector<16xf32>
        %swap3A_828 = vector.shape_cast %max3A_821 : vector<16xf32> to vector<1x16xf32>
        tpu.vector_store %arg15[%swap3A_824, %swap3A_825], %swap3A_828 {strides = array<i32>} : memref<160x128xf32, #tpu.memory_space<vmem>>, vector<1x16xf32>,
        %add3A_829 = arith.constant 40 : i32
        %add3A_830 = arith.addi %add3A_829, %scan3A_692 : i32
        %get3A_831 = arith.index_cast %add3A_830 : i32 to index
        %get3A_832 = arith.constant 96 : index
        %get3A_833 = tpu.vector_load %arg15[%get3A_831, %get3A_832] {strides = array<i32>} : memref<160x128xf32, #tpu.memory_space<vmem>>, vector<1x16xf32>,
        %get3A_834 = vector.shape_cast %get3A_833 : vector<1x16xf32> to vector<16xf32>
        %add3A_835 = arith.constant 40 : i32
        %add3A_836 = arith.addi %add3A_835, %scan3A_692 : i32
        %get3A_837 = arith.index_cast %add3A_836 : i32 to index
        %get3A_838 = arith.constant 96 : index
        %get3A_839 = tpu.vector_load %arg16[%get3A_837, %get3A_838] {strides = array<i32>} : memref<80x128xf32, #tpu.memory_space<vmem>>, vector<1x16xf32>,
        %get3A_840 = vector.shape_cast %get3A_839 : vector<1x16xf32> to vector<16xf32>
        %add3A_841 = arith.addf %get3A_834, %get3A_840 : vector<16xf32>
        %max3A_842 = arith.constant 0.000000e+00 : f32
        %max3A_843 = vector.broadcast %max3A_842 : f32 to vector<16xf32>
        %max3A_844 = arith.maximumf %add3A_841, %max3A_843 : vector<16xf32>
        %add3A_845 = arith.constant 40 : i32
        %add3A_846 = arith.addi %add3A_845, %scan3A_692 : i32
        %swap3A_847 = arith.index_cast %add3A_846 : i32 to index
        %swap3A_848 = arith.constant 96 : index
        %swap3A_849 = tpu.vector_load %arg15[%swap3A_847, %swap3A_848] {strides = array<i32>} : memref<160x128xf32, #tpu.memory_space<vmem>>, vector<1x16xf32>,
        %swap3A_850 = vector.shape_cast %swap3A_849 : vector<1x16xf32> to vector<16xf32>
        %swap3A_851 = vector.shape_cast %max3A_844 : vector<16xf32> to vector<1x16xf32>
        tpu.vector_store %arg15[%swap3A_847, %swap3A_848], %swap3A_851 {strides = array<i32>} : memref<160x128xf32, #tpu.memory_space<vmem>>, vector<1x16xf32>,
        %add3A_852 = arith.constant 40 : i32
        %add3A_853 = arith.addi %add3A_852, %scan3A_692 : i32
        %get3A_854 = arith.index_cast %add3A_853 : i32 to index
        %get3A_855 = arith.constant 112 : index
        %get3A_856 = tpu.vector_load %arg15[%get3A_854, %get3A_855] {strides = array<i32>} : memref<160x128xf32, #tpu.memory_space<vmem>>, vector<1x16xf32>,
        %get3A_857 = vector.shape_cast %get3A_856 : vector<1x16xf32> to vector<16xf32>
        %add3A_858 = arith.constant 40 : i32
        %add3A_859 = arith.addi %add3A_858, %scan3A_692 : i32
        %get3A_860 = arith.index_cast %add3A_859 : i32 to index
        %get3A_861 = arith.constant 112 : index
        %get3A_862 = tpu.vector_load %arg16[%get3A_860, %get3A_861] {strides = array<i32>} : memref<80x128xf32, #tpu.memory_space<vmem>>, vector<1x16xf32>,
        %get3A_863 = vector.shape_cast %get3A_862 : vector<1x16xf32> to vector<16xf32>
        %add3A_864 = arith.addf %get3A_857, %get3A_863 : vector<16xf32>
        %max3A_865 = arith.constant 0.000000e+00 : f32
        %max3A_866 = vector.broadcast %max3A_865 : f32 to vector<16xf32>
        %max3A_867 = arith.maximumf %add3A_864, %max3A_866 : vector<16xf32>
        %add3A_868 = arith.constant 40 : i32
        %add3A_869 = arith.addi %add3A_868, %scan3A_692 : i32
        %swap3A_870 = arith.index_cast %add3A_869 : i32 to index
        %swap3A_871 = arith.constant 112 : index
        %swap3A_872 = tpu.vector_load %arg15[%swap3A_870, %swap3A_871] {strides = array<i32>} : memref<160x128xf32, #tpu.memory_space<vmem>>, vector<1x16xf32>,
        %swap3A_873 = vector.shape_cast %swap3A_872 : vector<1x16xf32> to vector<16xf32>
        %swap3A_874 = vector.shape_cast %max3A_867 : vector<16xf32> to vector<1x16xf32>
        tpu.vector_store %arg15[%swap3A_870, %swap3A_871], %swap3A_874 {strides = array<i32>} : memref<160x128xf32, #tpu.memory_space<vmem>>, vector<1x16xf32>,
        %scan3A_875 = arith.constant 0 : i32
        scf.yield %scan3A_875 : i32
      }
      %scan3A_400 = arith.constant 40 : i32
      %mul3A_401 = arith.constant 40 : i32
      %mul3A_402 = arith.muli %add3A_371, %mul3A_401 : i32
      %add3A_403 = arith.addi %mul3A_2, %mul3A_402 : i32
      %dma_wait3A_404 = arith.constant 1 : i32
      %dma_wait3A_405 = tpu.memref_slice %arg5[%add3A_403] : memref<320000xi32, #tpu.memory_space<hbm>> -> memref<40xi32, #tpu.memory_space<hbm>>
      %dma_wait3A_406 = tpu.memref_slice %arg19[%dma_wait3A_404] : memref<4x!tpu.dma_semaphore, #tpu.memory_space<semaphore_mem>> -> memref<1x!tpu.dma_semaphore, #tpu.memory_space<semaphore_mem>>
      %dma_wait3A_407 = tpu.memref_squeeze %dma_wait3A_406 : memref<1x!tpu.dma_semaphore, #tpu.memory_space<semaphore_mem>> -> memref<!tpu.dma_semaphore, #tpu.memory_space<semaphore_mem>>
      %dma_wait3A_408 = tpu.memref_slice %arg5[%add3A_403] : memref<320000xi32, #tpu.memory_space<hbm>> -> memref<40xi32, #tpu.memory_space<hbm>>
      tpu.wait_dma2 semaphore(%dma_wait3A_407 : memref<!tpu.dma_semaphore, #tpu.memory_space<semaphore_mem>>) src(%dma_wait3A_408 : memref<40xi32, #tpu.memory_space<hbm>>) dst(%arg12 : memref<40xi32, #tpu.memory_space<vmem>>)
      %dma_start3A_409 = arith.constant 1 : i32
      %dma_start3A_410 = arith.constant 40 : i32
      %dma_start3A_411 = arith.constant 0 : i32
      %dma_start3A_412 = tpu.memref_slice %arg15[%dma_start3A_410, %dma_start3A_411] : memref<160x128xf32, #tpu.memory_space<vmem>> -> memref<40x128xf32, #tpu.memory_space<vmem>>
      %dma_start3A_413 = arith.constant 0 : i32
      %dma_start3A_414 = arith.constant 0 : i32
      %dma_start3A_415 = tpu.memref_slice %arg17[%dma_start3A_413, %dma_start3A_414] : memref<10240x128xf32, #tpu.memory_space<vmem_shared>> -> memref<10240x128xf32, #tpu.memory_space<vmem_shared>>
      %dma_start3A_416 = tpu.memref_slice %arg22[%dma_start3A_409] : memref<4x!tpu.dma_semaphore, #tpu.memory_space<semaphore_mem>> -> memref<1x!tpu.dma_semaphore, #tpu.memory_space<semaphore_mem>>
      %dma_start3A_417 = tpu.memref_squeeze %dma_start3A_416 : memref<1x!tpu.dma_semaphore, #tpu.memory_space<semaphore_mem>> -> memref<!tpu.dma_semaphore, #tpu.memory_space<semaphore_mem>>
      tpu.enqueue_indirect_dma source(%dma_start3A_412 : memref<40x128xf32, #tpu.memory_space<vmem>>) target(%dma_start3A_415 : memref<10240x128xf32, #tpu.memory_space<vmem_shared>>) offsets(%arg12 : memref<40xi32, #tpu.memory_space<vmem>>) semaphore(%dma_start3A_417 : memref<!tpu.dma_semaphore, #tpu.memory_space<semaphore_mem>>) {add = true}
      %add3A_418 = arith.constant 2 : i32
      %add3A_419 = arith.addi %add3A_371, %add3A_418 : i32
      %mul3A_420 = arith.constant 40 : i32
      %mul3A_421 = arith.muli %add3A_419, %mul3A_420 : i32
      %add3A_422 = arith.addi %mul3A_2, %mul3A_421 : i32
      %dma_start3A_423 = arith.constant 1 : i32
      %dma_start3A_424 = arith.constant 40 : i32
      %dma_start3A_425 = arith.constant 0 : i32
      %dma_start3A_426 = tpu.memref_slice %arg16[%dma_start3A_424, %dma_start3A_425] : memref<80x128xf32, #tpu.memory_space<vmem>> -> memref<40x128xf32, #tpu.memory_space<vmem>>
      %dma_start3A_427 = arith.constant 0 : i32
      %dma_start3A_428 = tpu.memref_slice %arg3[%add3A_422, %dma_start3A_427] : memref<320000x128xf32, #tpu.memory_space<hbm>> -> memref<40x128xf32, #tpu.memory_space<hbm>>
      %dma_start3A_429 = tpu.memref_slice %arg21[%dma_start3A_423] : memref<2x!tpu.dma_semaphore, #tpu.memory_space<semaphore_mem>> -> memref<1x!tpu.dma_semaphore, #tpu.memory_space<semaphore_mem>>
      %dma_start3A_430 = tpu.memref_squeeze %dma_start3A_429 : memref<1x!tpu.dma_semaphore, #tpu.memory_space<semaphore_mem>> -> memref<!tpu.dma_semaphore, #tpu.memory_space<semaphore_mem>>
      %dma_start3A_431 = arith.constant 40 : i32
      %dma_start3A_432 = arith.constant 0 : i32
      %dma_start3A_433 = tpu.memref_slice %arg16[%dma_start3A_431, %dma_start3A_432] : memref<80x128xf32, #tpu.memory_space<vmem>> -> memref<40x128xf32, #tpu.memory_space<vmem>>
      %dma_start3A_434 = arith.constant 0 : i32
      %dma_start3A_435 = tpu.memref_slice %arg3[%add3A_422, %dma_start3A_434] : memref<320000x128xf32, #tpu.memory_space<hbm>> -> memref<40x128xf32, #tpu.memory_space<hbm>>
      tpu.enqueue_dma source(%dma_start3A_435 : memref<40x128xf32, #tpu.memory_space<hbm>>) target(%dma_start3A_433 : memref<40x128xf32, #tpu.memory_space<vmem>>) target_semaphore(%dma_start3A_430 : memref<!tpu.dma_semaphore, #tpu.memory_space<semaphore_mem>>)
      %add3A_436 = arith.constant 4 : i32
      %add3A_437 = arith.addi %add3A_371, %add3A_436 : i32
      %lt3A_438 = arith.constant 250 : i32
      %lt3A_439 = arith.cmpi slt, %add3A_437, %lt3A_438 : i32
      %convert_element_type3A_440 = arith.extui %lt3A_439 : i1 to i32
      %cond3A_441 = arith.constant 0 : i32
      %cond3A_442 = arith.cmpi ne, %convert_element_type3A_440, %cond3A_441 : i32
      scf.if %cond3A_442 {
        %add3A_692 = arith.constant 4 : i32
        %add3A_693 = arith.addi %add3A_371, %add3A_692 : i32
        %mul3A_694 = arith.constant 40 : i32
        %mul3A_695 = arith.muli %add3A_693, %mul3A_694 : i32
        %add3A_696 = arith.addi %mul3A_2, %mul3A_695 : i32
        %dma_start3A_697 = arith.constant 1 : i32
        %dma_start3A_698 = tpu.memref_slice %arg4[%add3A_696] : memref<320000xi32, #tpu.memory_space<hbm>> -> memref<40xi32, #tpu.memory_space<hbm>>
        %dma_start3A_699 = tpu.memref_slice %arg18[%dma_start3A_697] : memref<4x!tpu.dma_semaphore, #tpu.memory_space<semaphore_mem>> -> memref<1x!tpu.dma_semaphore, #tpu.memory_space<semaphore_mem>>
        %dma_start3A_700 = tpu.memref_squeeze %dma_start3A_699 : memref<1x!tpu.dma_semaphore, #tpu.memory_space<semaphore_mem>> -> memref<!tpu.dma_semaphore, #tpu.memory_space<semaphore_mem>>
        %dma_start3A_701 = tpu.memref_slice %arg4[%add3A_696] : memref<320000xi32, #tpu.memory_space<hbm>> -> memref<40xi32, #tpu.memory_space<hbm>>
        tpu.enqueue_dma source(%dma_start3A_701 : memref<40xi32, #tpu.memory_space<hbm>>) target(%arg8 : memref<40xi32, #tpu.memory_space<vmem>>) target_semaphore(%dma_start3A_700 : memref<!tpu.dma_semaphore, #tpu.memory_space<semaphore_mem>>)
      } else {
      }
      %ge3A_443 = arith.constant 2 : i32
      %ge3A_444 = arith.cmpi sge, %add3A_371, %ge3A_443 : i32
      %convert_element_type3A_445 = arith.extui %ge3A_444 : i1 to i32
      %cond3A_446 = arith.constant 0 : i32
      %cond3A_447 = arith.cmpi ne, %convert_element_type3A_445, %cond3A_446 : i32
      scf.if %cond3A_447 {
        %dma_wait3A_692 = arith.constant 3 : i32
        %dma_wait3A_693 = arith.constant 120 : i32
        %dma_wait3A_694 = arith.constant 0 : i32
        %dma_wait3A_695 = tpu.memref_slice %arg15[%dma_wait3A_693, %dma_wait3A_694] : memref<160x128xf32, #tpu.memory_space<vmem>> -> memref<40x128xf32, #tpu.memory_space<vmem>>
        %dma_wait3A_696 = arith.constant 0 : i32
        %dma_wait3A_697 = arith.constant 0 : i32
        %dma_wait3A_698 = tpu.memref_slice %arg17[%dma_wait3A_696, %dma_wait3A_697] : memref<10240x128xf32, #tpu.memory_space<vmem_shared>> -> memref<10240x128xf32, #tpu.memory_space<vmem_shared>>
        %dma_wait3A_699 = tpu.memref_slice %arg22[%dma_wait3A_692] : memref<4x!tpu.dma_semaphore, #tpu.memory_space<semaphore_mem>> -> memref<1x!tpu.dma_semaphore, #tpu.memory_space<semaphore_mem>>
        %dma_wait3A_700 = tpu.memref_squeeze %dma_wait3A_699 : memref<1x!tpu.dma_semaphore, #tpu.memory_space<semaphore_mem>> -> memref<!tpu.dma_semaphore, #tpu.memory_space<semaphore_mem>>
        tpu.wait_indirect_dma semaphore(%dma_wait3A_700 : memref<!tpu.dma_semaphore, #tpu.memory_space<semaphore_mem>>) src(%dma_wait3A_695 : memref<40x128xf32, #tpu.memory_space<vmem>>) dst(%dma_wait3A_698 : memref<10240x128xf32, #tpu.memory_space<vmem_shared>>)
      } else {
      }
      %add3A_448 = arith.constant 2 : i32
      %add3A_449 = arith.addi %add3A_371, %add3A_448 : i32
      %mul3A_450 = arith.constant 40 : i32
      %mul3A_451 = arith.muli %add3A_449, %mul3A_450 : i32
      %add3A_452 = arith.addi %mul3A_2, %mul3A_451 : i32
      %dma_start3A_453 = arith.constant 3 : i32
      %dma_start3A_454 = tpu.memref_slice %arg5[%add3A_452] : memref<320000xi32, #tpu.memory_space<hbm>> -> memref<40xi32, #tpu.memory_space<hbm>>
      %dma_start3A_455 = tpu.memref_slice %arg19[%dma_start3A_453] : memref<4x!tpu.dma_semaphore, #tpu.memory_space<semaphore_mem>> -> memref<1x!tpu.dma_semaphore, #tpu.memory_space<semaphore_mem>>
      %dma_start3A_456 = tpu.memref_squeeze %dma_start3A_455 : memref<1x!tpu.dma_semaphore, #tpu.memory_space<semaphore_mem>> -> memref<!tpu.dma_semaphore, #tpu.memory_space<semaphore_mem>>
      %dma_start3A_457 = tpu.memref_slice %arg5[%add3A_452] : memref<320000xi32, #tpu.memory_space<hbm>> -> memref<40xi32, #tpu.memory_space<hbm>>
      tpu.enqueue_dma source(%dma_start3A_457 : memref<40xi32, #tpu.memory_space<hbm>>) target(%arg14 : memref<40xi32, #tpu.memory_space<vmem>>) target_semaphore(%dma_start3A_456 : memref<!tpu.dma_semaphore, #tpu.memory_space<semaphore_mem>>)
      %add3A_458 = arith.constant 2 : i32
      %add3A_459 = arith.addi %add3A_371, %add3A_458 : i32
      %mul3A_460 = arith.constant 40 : i32
      %mul3A_461 = arith.muli %add3A_459, %mul3A_460 : i32
      %add3A_462 = arith.addi %mul3A_2, %mul3A_461 : i32
      %dma_wait3A_463 = arith.constant 3 : i32
      %dma_wait3A_464 = tpu.memref_slice %arg4[%add3A_462] : memref<320000xi32, #tpu.memory_space<hbm>> -> memref<40xi32, #tpu.memory_space<hbm>>
      %dma_wait3A_465 = tpu.memref_slice %arg18[%dma_wait3A_463] : memref<4x!tpu.dma_semaphore, #tpu.memory_space<semaphore_mem>> -> memref<1x!tpu.dma_semaphore, #tpu.memory_space<semaphore_mem>>
      %dma_wait3A_466 = tpu.memref_squeeze %dma_wait3A_465 : memref<1x!tpu.dma_semaphore, #tpu.memory_space<semaphore_mem>> -> memref<!tpu.dma_semaphore, #tpu.memory_space<semaphore_mem>>
      %dma_wait3A_467 = tpu.memref_slice %arg4[%add3A_462] : memref<320000xi32, #tpu.memory_space<hbm>> -> memref<40xi32, #tpu.memory_space<hbm>>
      tpu.wait_dma2 semaphore(%dma_wait3A_466 : memref<!tpu.dma_semaphore, #tpu.memory_space<semaphore_mem>>) src(%dma_wait3A_467 : memref<40xi32, #tpu.memory_space<hbm>>) dst(%arg10 : memref<40xi32, #tpu.memory_space<vmem>>)
      %dma_start3A_468 = arith.constant 3 : i32
      %dma_start3A_469 = arith.constant 120 : i32
      %dma_start3A_470 = arith.constant 0 : i32
      %dma_start3A_471 = tpu.memref_slice %arg15[%dma_start3A_469, %dma_start3A_470] : memref<160x128xf32, #tpu.memory_space<vmem>> -> memref<40x128xf32, #tpu.memory_space<vmem>>
      %dma_start3A_472 = arith.constant 0 : i32
      %dma_start3A_473 = arith.constant 0 : i32
      %dma_start3A_474 = tpu.memref_slice %arg2[%dma_start3A_472, %dma_start3A_473] : memref<10000x128xf32, #tpu.memory_space<hbm>> -> memref<10000x128xf32, #tpu.memory_space<hbm>>
      %dma_start3A_475 = tpu.memref_slice %arg20[%dma_start3A_468] : memref<4x!tpu.dma_semaphore, #tpu.memory_space<semaphore_mem>> -> memref<1x!tpu.dma_semaphore, #tpu.memory_space<semaphore_mem>>
      %dma_start3A_476 = tpu.memref_squeeze %dma_start3A_475 : memref<1x!tpu.dma_semaphore, #tpu.memory_space<semaphore_mem>> -> memref<!tpu.dma_semaphore, #tpu.memory_space<semaphore_mem>>
      tpu.enqueue_indirect_dma source(%dma_start3A_474 : memref<10000x128xf32, #tpu.memory_space<hbm>>) target(%dma_start3A_471 : memref<40x128xf32, #tpu.memory_space<vmem>>) offsets(%arg10 : memref<40xi32, #tpu.memory_space<vmem>>) semaphore(%dma_start3A_476 : memref<!tpu.dma_semaphore, #tpu.memory_space<semaphore_mem>>)
      %add3A_477 = arith.constant 2 : i32
      %add3A_478 = arith.addi %mul3A_266, %add3A_477 : i32
      %dma_wait3A_479 = arith.constant 2 : i32
      %dma_wait3A_480 = arith.constant 80 : i32
      %dma_wait3A_481 = arith.constant 0 : i32
      %dma_wait3A_482 = tpu.memref_slice %arg15[%dma_wait3A_480, %dma_wait3A_481] : memref<160x128xf32, #tpu.memory_space<vmem>> -> memref<40x128xf32, #tpu.memory_space<vmem>>
      %dma_wait3A_483 = arith.constant 0 : i32
      %dma_wait3A_484 = arith.constant 0 : i32
      %dma_wait3A_485 = tpu.memref_slice %arg2[%dma_wait3A_483, %dma_wait3A_484] : memref<10000x128xf32, #tpu.memory_space<hbm>> -> memref<10000x128xf32, #tpu.memory_space<hbm>>
      %dma_wait3A_486 = tpu.memref_slice %arg20[%dma_wait3A_479] : memref<4x!tpu.dma_semaphore, #tpu.memory_space<semaphore_mem>> -> memref<1x!tpu.dma_semaphore, #tpu.memory_space<semaphore_mem>>
      %dma_wait3A_487 = tpu.memref_squeeze %dma_wait3A_486 : memref<1x!tpu.dma_semaphore, #tpu.memory_space<semaphore_mem>> -> memref<!tpu.dma_semaphore, #tpu.memory_space<semaphore_mem>>
      tpu.wait_indirect_dma semaphore(%dma_wait3A_487 : memref<!tpu.dma_semaphore, #tpu.memory_space<semaphore_mem>>) src(%dma_wait3A_485 : memref<10000x128xf32, #tpu.memory_space<hbm>>) dst(%dma_wait3A_482 : memref<40x128xf32, #tpu.memory_space<vmem>>)
      %dma_wait3A_488 = arith.constant 0 : i32
      %dma_wait3A_489 = arith.constant 0 : i32
      %dma_wait3A_490 = arith.constant 0 : i32
      %dma_wait3A_491 = tpu.memref_slice %arg16[%dma_wait3A_489, %dma_wait3A_490] : memref<80x128xf32, #tpu.memory_space<vmem>> -> memref<40x128xf32, #tpu.memory_space<vmem>>
      %dma_wait3A_492 = arith.constant 0 : i32
      %dma_wait3A_493 = tpu.memref_slice %arg3[%mul3A_2, %dma_wait3A_492] : memref<320000x128xf32, #tpu.memory_space<hbm>> -> memref<40x128xf32, #tpu.memory_space<hbm>>
      %dma_wait3A_494 = tpu.memref_slice %arg21[%dma_wait3A_488] : memref<2x!tpu.dma_semaphore, #tpu.memory_space<semaphore_mem>> -> memref<1x!tpu.dma_semaphore, #tpu.memory_space<semaphore_mem>>
      %dma_wait3A_495 = tpu.memref_squeeze %dma_wait3A_494 : memref<1x!tpu.dma_semaphore, #tpu.memory_space<semaphore_mem>> -> memref<!tpu.dma_semaphore, #tpu.memory_space<semaphore_mem>>
      %dma_wait3A_496 = arith.constant 0 : i32
      %dma_wait3A_497 = arith.constant 0 : i32
      %dma_wait3A_498 = tpu.memref_slice %arg16[%dma_wait3A_496, %dma_wait3A_497] : memref<80x128xf32, #tpu.memory_space<vmem>> -> memref<40x128xf32, #tpu.memory_space<vmem>>
      %dma_wait3A_499 = arith.constant 0 : i32
      %dma_wait3A_500 = tpu.memref_slice %arg3[%mul3A_2, %dma_wait3A_499] : memref<320000x128xf32, #tpu.memory_space<hbm>> -> memref<40x128xf32, #tpu.memory_space<hbm>>
      tpu.wait_dma2 semaphore(%dma_wait3A_495 : memref<!tpu.dma_semaphore, #tpu.memory_space<semaphore_mem>>) src(%dma_wait3A_500 : memref<40x128xf32, #tpu.memory_space<hbm>>) dst(%dma_wait3A_498 : memref<40x128xf32, #tpu.memory_space<vmem>>)
      %scan3A_501 = arith.constant 0 : i32
      %scan3A_502 = arith.constant 0 : i32
      %scan3A_503 = arith.constant 40 : i32
      %scan3A_504 = arith.addi %scan3A_502, %scan3A_503 : i32
      %scan3A_505 = arith.constant 1 : i32
      %scan3A_506 = scf.for %scan3A_692 = %scan3A_502 to %scan3A_504 step %scan3A_505 iter_args(%scan3A_693 = %scan3A_501) -> (i32)  : i32 {
        %add3A_694 = arith.constant 80 : i32
        %add3A_695 = arith.addi %add3A_694, %scan3A_692 : i32
        %get3A = arith.index_cast %add3A_695 : i32 to index
        %get3A_696 = arith.constant 0 : index
        %get3A_697 = tpu.vector_load %arg15[%get3A, %get3A_696] {strides = array<i32>} : memref<160x128xf32, #tpu.memory_space<vmem>>, vector<1x16xf32>,
        %get3A_698 = vector.shape_cast %get3A_697 : vector<1x16xf32> to vector<16xf32>
        %add3A_699 = arith.constant 0 : i32
        %add3A_700 = arith.addi %add3A_699, %scan3A_692 : i32
        %get3A_701 = arith.index_cast %add3A_700 : i32 to index
        %get3A_702 = arith.constant 0 : index
        %get3A_703 = tpu.vector_load %arg16[%get3A_701, %get3A_702] {strides = array<i32>} : memref<80x128xf32, #tpu.memory_space<vmem>>, vector<1x16xf32>,
        %get3A_704 = vector.shape_cast %get3A_703 : vector<1x16xf32> to vector<16xf32>
        %add3A_705 = arith.addf %get3A_698, %get3A_704 : vector<16xf32>
        %max3A = arith.constant 0.000000e+00 : f32
        %max3A_706 = vector.broadcast %max3A : f32 to vector<16xf32>
        %max3A_707 = arith.maximumf %add3A_705, %max3A_706 : vector<16xf32>
        %add3A_708 = arith.constant 80 : i32
        %add3A_709 = arith.addi %add3A_708, %scan3A_692 : i32
        %swap3A = arith.index_cast %add3A_709 : i32 to index
        %swap3A_710 = arith.constant 0 : index
        %swap3A_711 = tpu.vector_load %arg15[%swap3A, %swap3A_710] {strides = array<i32>} : memref<160x128xf32, #tpu.memory_space<vmem>>, vector<1x16xf32>,
        %swap3A_712 = vector.shape_cast %swap3A_711 : vector<1x16xf32> to vector<16xf32>
        %swap3A_713 = vector.shape_cast %max3A_707 : vector<16xf32> to vector<1x16xf32>
        tpu.vector_store %arg15[%swap3A, %swap3A_710], %swap3A_713 {strides = array<i32>} : memref<160x128xf32, #tpu.memory_space<vmem>>, vector<1x16xf32>,
        %add3A_714 = arith.constant 80 : i32
        %add3A_715 = arith.addi %add3A_714, %scan3A_692 : i32
        %get3A_716 = arith.index_cast %add3A_715 : i32 to index
        %get3A_717 = arith.constant 16 : index
        %get3A_718 = tpu.vector_load %arg15[%get3A_716, %get3A_717] {strides = array<i32>} : memref<160x128xf32, #tpu.memory_space<vmem>>, vector<1x16xf32>,
        %get3A_719 = vector.shape_cast %get3A_718 : vector<1x16xf32> to vector<16xf32>
        %add3A_720 = arith.constant 0 : i32
        %add3A_721 = arith.addi %add3A_720, %scan3A_692 : i32
        %get3A_722 = arith.index_cast %add3A_721 : i32 to index
        %get3A_723 = arith.constant 16 : index
        %get3A_724 = tpu.vector_load %arg16[%get3A_722, %get3A_723] {strides = array<i32>} : memref<80x128xf32, #tpu.memory_space<vmem>>, vector<1x16xf32>,
        %get3A_725 = vector.shape_cast %get3A_724 : vector<1x16xf32> to vector<16xf32>
        %add3A_726 = arith.addf %get3A_719, %get3A_725 : vector<16xf32>
        %max3A_727 = arith.constant 0.000000e+00 : f32
        %max3A_728 = vector.broadcast %max3A_727 : f32 to vector<16xf32>
        %max3A_729 = arith.maximumf %add3A_726, %max3A_728 : vector<16xf32>
        %add3A_730 = arith.constant 80 : i32
        %add3A_731 = arith.addi %add3A_730, %scan3A_692 : i32
        %swap3A_732 = arith.index_cast %add3A_731 : i32 to index
        %swap3A_733 = arith.constant 16 : index
        %swap3A_734 = tpu.vector_load %arg15[%swap3A_732, %swap3A_733] {strides = array<i32>} : memref<160x128xf32, #tpu.memory_space<vmem>>, vector<1x16xf32>,
        %swap3A_735 = vector.shape_cast %swap3A_734 : vector<1x16xf32> to vector<16xf32>
        %swap3A_736 = vector.shape_cast %max3A_729 : vector<16xf32> to vector<1x16xf32>
        tpu.vector_store %arg15[%swap3A_732, %swap3A_733], %swap3A_736 {strides = array<i32>} : memref<160x128xf32, #tpu.memory_space<vmem>>, vector<1x16xf32>,
        %add3A_737 = arith.constant 80 : i32
        %add3A_738 = arith.addi %add3A_737, %scan3A_692 : i32
        %get3A_739 = arith.index_cast %add3A_738 : i32 to index
        %get3A_740 = arith.constant 32 : index
        %get3A_741 = tpu.vector_load %arg15[%get3A_739, %get3A_740] {strides = array<i32>} : memref<160x128xf32, #tpu.memory_space<vmem>>, vector<1x16xf32>,
        %get3A_742 = vector.shape_cast %get3A_741 : vector<1x16xf32> to vector<16xf32>
        %add3A_743 = arith.constant 0 : i32
        %add3A_744 = arith.addi %add3A_743, %scan3A_692 : i32
        %get3A_745 = arith.index_cast %add3A_744 : i32 to index
        %get3A_746 = arith.constant 32 : index
        %get3A_747 = tpu.vector_load %arg16[%get3A_745, %get3A_746] {strides = array<i32>} : memref<80x128xf32, #tpu.memory_space<vmem>>, vector<1x16xf32>,
        %get3A_748 = vector.shape_cast %get3A_747 : vector<1x16xf32> to vector<16xf32>
        %add3A_749 = arith.addf %get3A_742, %get3A_748 : vector<16xf32>
        %max3A_750 = arith.constant 0.000000e+00 : f32
        %max3A_751 = vector.broadcast %max3A_750 : f32 to vector<16xf32>
        %max3A_752 = arith.maximumf %add3A_749, %max3A_751 : vector<16xf32>
        %add3A_753 = arith.constant 80 : i32
        %add3A_754 = arith.addi %add3A_753, %scan3A_692 : i32
        %swap3A_755 = arith.index_cast %add3A_754 : i32 to index
        %swap3A_756 = arith.constant 32 : index
        %swap3A_757 = tpu.vector_load %arg15[%swap3A_755, %swap3A_756] {strides = array<i32>} : memref<160x128xf32, #tpu.memory_space<vmem>>, vector<1x16xf32>,
        %swap3A_758 = vector.shape_cast %swap3A_757 : vector<1x16xf32> to vector<16xf32>
        %swap3A_759 = vector.shape_cast %max3A_752 : vector<16xf32> to vector<1x16xf32>
        tpu.vector_store %arg15[%swap3A_755, %swap3A_756], %swap3A_759 {strides = array<i32>} : memref<160x128xf32, #tpu.memory_space<vmem>>, vector<1x16xf32>,
        %add3A_760 = arith.constant 80 : i32
        %add3A_761 = arith.addi %add3A_760, %scan3A_692 : i32
        %get3A_762 = arith.index_cast %add3A_761 : i32 to index
        %get3A_763 = arith.constant 48 : index
        %get3A_764 = tpu.vector_load %arg15[%get3A_762, %get3A_763] {strides = array<i32>} : memref<160x128xf32, #tpu.memory_space<vmem>>, vector<1x16xf32>,
        %get3A_765 = vector.shape_cast %get3A_764 : vector<1x16xf32> to vector<16xf32>
        %add3A_766 = arith.constant 0 : i32
        %add3A_767 = arith.addi %add3A_766, %scan3A_692 : i32
        %get3A_768 = arith.index_cast %add3A_767 : i32 to index
        %get3A_769 = arith.constant 48 : index
        %get3A_770 = tpu.vector_load %arg16[%get3A_768, %get3A_769] {strides = array<i32>} : memref<80x128xf32, #tpu.memory_space<vmem>>, vector<1x16xf32>,
        %get3A_771 = vector.shape_cast %get3A_770 : vector<1x16xf32> to vector<16xf32>
        %add3A_772 = arith.addf %get3A_765, %get3A_771 : vector<16xf32>
        %max3A_773 = arith.constant 0.000000e+00 : f32
        %max3A_774 = vector.broadcast %max3A_773 : f32 to vector<16xf32>
        %max3A_775 = arith.maximumf %add3A_772, %max3A_774 : vector<16xf32>
        %add3A_776 = arith.constant 80 : i32
        %add3A_777 = arith.addi %add3A_776, %scan3A_692 : i32
        %swap3A_778 = arith.index_cast %add3A_777 : i32 to index
        %swap3A_779 = arith.constant 48 : index
        %swap3A_780 = tpu.vector_load %arg15[%swap3A_778, %swap3A_779] {strides = array<i32>} : memref<160x128xf32, #tpu.memory_space<vmem>>, vector<1x16xf32>,
        %swap3A_781 = vector.shape_cast %swap3A_780 : vector<1x16xf32> to vector<16xf32>
        %swap3A_782 = vector.shape_cast %max3A_775 : vector<16xf32> to vector<1x16xf32>
        tpu.vector_store %arg15[%swap3A_778, %swap3A_779], %swap3A_782 {strides = array<i32>} : memref<160x128xf32, #tpu.memory_space<vmem>>, vector<1x16xf32>,
        %add3A_783 = arith.constant 80 : i32
        %add3A_784 = arith.addi %add3A_783, %scan3A_692 : i32
        %get3A_785 = arith.index_cast %add3A_784 : i32 to index
        %get3A_786 = arith.constant 64 : index
        %get3A_787 = tpu.vector_load %arg15[%get3A_785, %get3A_786] {strides = array<i32>} : memref<160x128xf32, #tpu.memory_space<vmem>>, vector<1x16xf32>,
        %get3A_788 = vector.shape_cast %get3A_787 : vector<1x16xf32> to vector<16xf32>
        %add3A_789 = arith.constant 0 : i32
        %add3A_790 = arith.addi %add3A_789, %scan3A_692 : i32
        %get3A_791 = arith.index_cast %add3A_790 : i32 to index
        %get3A_792 = arith.constant 64 : index
        %get3A_793 = tpu.vector_load %arg16[%get3A_791, %get3A_792] {strides = array<i32>} : memref<80x128xf32, #tpu.memory_space<vmem>>, vector<1x16xf32>,
        %get3A_794 = vector.shape_cast %get3A_793 : vector<1x16xf32> to vector<16xf32>
        %add3A_795 = arith.addf %get3A_788, %get3A_794 : vector<16xf32>
        %max3A_796 = arith.constant 0.000000e+00 : f32
        %max3A_797 = vector.broadcast %max3A_796 : f32 to vector<16xf32>
        %max3A_798 = arith.maximumf %add3A_795, %max3A_797 : vector<16xf32>
        %add3A_799 = arith.constant 80 : i32
        %add3A_800 = arith.addi %add3A_799, %scan3A_692 : i32
        %swap3A_801 = arith.index_cast %add3A_800 : i32 to index
        %swap3A_802 = arith.constant 64 : index
        %swap3A_803 = tpu.vector_load %arg15[%swap3A_801, %swap3A_802] {strides = array<i32>} : memref<160x128xf32, #tpu.memory_space<vmem>>, vector<1x16xf32>,
        %swap3A_804 = vector.shape_cast %swap3A_803 : vector<1x16xf32> to vector<16xf32>
        %swap3A_805 = vector.shape_cast %max3A_798 : vector<16xf32> to vector<1x16xf32>
        tpu.vector_store %arg15[%swap3A_801, %swap3A_802], %swap3A_805 {strides = array<i32>} : memref<160x128xf32, #tpu.memory_space<vmem>>, vector<1x16xf32>,
        %add3A_806 = arith.constant 80 : i32
        %add3A_807 = arith.addi %add3A_806, %scan3A_692 : i32
        %get3A_808 = arith.index_cast %add3A_807 : i32 to index
        %get3A_809 = arith.constant 80 : index
        %get3A_810 = tpu.vector_load %arg15[%get3A_808, %get3A_809] {strides = array<i32>} : memref<160x128xf32, #tpu.memory_space<vmem>>, vector<1x16xf32>,
        %get3A_811 = vector.shape_cast %get3A_810 : vector<1x16xf32> to vector<16xf32>
        %add3A_812 = arith.constant 0 : i32
        %add3A_813 = arith.addi %add3A_812, %scan3A_692 : i32
        %get3A_814 = arith.index_cast %add3A_813 : i32 to index
        %get3A_815 = arith.constant 80 : index
        %get3A_816 = tpu.vector_load %arg16[%get3A_814, %get3A_815] {strides = array<i32>} : memref<80x128xf32, #tpu.memory_space<vmem>>, vector<1x16xf32>,
        %get3A_817 = vector.shape_cast %get3A_816 : vector<1x16xf32> to vector<16xf32>
        %add3A_818 = arith.addf %get3A_811, %get3A_817 : vector<16xf32>
        %max3A_819 = arith.constant 0.000000e+00 : f32
        %max3A_820 = vector.broadcast %max3A_819 : f32 to vector<16xf32>
        %max3A_821 = arith.maximumf %add3A_818, %max3A_820 : vector<16xf32>
        %add3A_822 = arith.constant 80 : i32
        %add3A_823 = arith.addi %add3A_822, %scan3A_692 : i32
        %swap3A_824 = arith.index_cast %add3A_823 : i32 to index
        %swap3A_825 = arith.constant 80 : index
        %swap3A_826 = tpu.vector_load %arg15[%swap3A_824, %swap3A_825] {strides = array<i32>} : memref<160x128xf32, #tpu.memory_space<vmem>>, vector<1x16xf32>,
        %swap3A_827 = vector.shape_cast %swap3A_826 : vector<1x16xf32> to vector<16xf32>
        %swap3A_828 = vector.shape_cast %max3A_821 : vector<16xf32> to vector<1x16xf32>
        tpu.vector_store %arg15[%swap3A_824, %swap3A_825], %swap3A_828 {strides = array<i32>} : memref<160x128xf32, #tpu.memory_space<vmem>>, vector<1x16xf32>,
        %add3A_829 = arith.constant 80 : i32
        %add3A_830 = arith.addi %add3A_829, %scan3A_692 : i32
        %get3A_831 = arith.index_cast %add3A_830 : i32 to index
        %get3A_832 = arith.constant 96 : index
        %get3A_833 = tpu.vector_load %arg15[%get3A_831, %get3A_832] {strides = array<i32>} : memref<160x128xf32, #tpu.memory_space<vmem>>, vector<1x16xf32>,
        %get3A_834 = vector.shape_cast %get3A_833 : vector<1x16xf32> to vector<16xf32>
        %add3A_835 = arith.constant 0 : i32
        %add3A_836 = arith.addi %add3A_835, %scan3A_692 : i32
        %get3A_837 = arith.index_cast %add3A_836 : i32 to index
        %get3A_838 = arith.constant 96 : index
        %get3A_839 = tpu.vector_load %arg16[%get3A_837, %get3A_838] {strides = array<i32>} : memref<80x128xf32, #tpu.memory_space<vmem>>, vector<1x16xf32>,
        %get3A_840 = vector.shape_cast %get3A_839 : vector<1x16xf32> to vector<16xf32>
        %add3A_841 = arith.addf %get3A_834, %get3A_840 : vector<16xf32>
        %max3A_842 = arith.constant 0.000000e+00 : f32
        %max3A_843 = vector.broadcast %max3A_842 : f32 to vector<16xf32>
        %max3A_844 = arith.maximumf %add3A_841, %max3A_843 : vector<16xf32>
        %add3A_845 = arith.constant 80 : i32
        %add3A_846 = arith.addi %add3A_845, %scan3A_692 : i32
        %swap3A_847 = arith.index_cast %add3A_846 : i32 to index
        %swap3A_848 = arith.constant 96 : index
        %swap3A_849 = tpu.vector_load %arg15[%swap3A_847, %swap3A_848] {strides = array<i32>} : memref<160x128xf32, #tpu.memory_space<vmem>>, vector<1x16xf32>,
        %swap3A_850 = vector.shape_cast %swap3A_849 : vector<1x16xf32> to vector<16xf32>
        %swap3A_851 = vector.shape_cast %max3A_844 : vector<16xf32> to vector<1x16xf32>
        tpu.vector_store %arg15[%swap3A_847, %swap3A_848], %swap3A_851 {strides = array<i32>} : memref<160x128xf32, #tpu.memory_space<vmem>>, vector<1x16xf32>,
        %add3A_852 = arith.constant 80 : i32
        %add3A_853 = arith.addi %add3A_852, %scan3A_692 : i32
        %get3A_854 = arith.index_cast %add3A_853 : i32 to index
        %get3A_855 = arith.constant 112 : index
        %get3A_856 = tpu.vector_load %arg15[%get3A_854, %get3A_855] {strides = array<i32>} : memref<160x128xf32, #tpu.memory_space<vmem>>, vector<1x16xf32>,
        %get3A_857 = vector.shape_cast %get3A_856 : vector<1x16xf32> to vector<16xf32>
        %add3A_858 = arith.constant 0 : i32
        %add3A_859 = arith.addi %add3A_858, %scan3A_692 : i32
        %get3A_860 = arith.index_cast %add3A_859 : i32 to index
        %get3A_861 = arith.constant 112 : index
        %get3A_862 = tpu.vector_load %arg16[%get3A_860, %get3A_861] {strides = array<i32>} : memref<80x128xf32, #tpu.memory_space<vmem>>, vector<1x16xf32>,
        %get3A_863 = vector.shape_cast %get3A_862 : vector<1x16xf32> to vector<16xf32>
        %add3A_864 = arith.addf %get3A_857, %get3A_863 : vector<16xf32>
        %max3A_865 = arith.constant 0.000000e+00 : f32
        %max3A_866 = vector.broadcast %max3A_865 : f32 to vector<16xf32>
        %max3A_867 = arith.maximumf %add3A_864, %max3A_866 : vector<16xf32>
        %add3A_868 = arith.constant 80 : i32
        %add3A_869 = arith.addi %add3A_868, %scan3A_692 : i32
        %swap3A_870 = arith.index_cast %add3A_869 : i32 to index
        %swap3A_871 = arith.constant 112 : index
        %swap3A_872 = tpu.vector_load %arg15[%swap3A_870, %swap3A_871] {strides = array<i32>} : memref<160x128xf32, #tpu.memory_space<vmem>>, vector<1x16xf32>,
        %swap3A_873 = vector.shape_cast %swap3A_872 : vector<1x16xf32> to vector<16xf32>
        %swap3A_874 = vector.shape_cast %max3A_867 : vector<16xf32> to vector<1x16xf32>
        tpu.vector_store %arg15[%swap3A_870, %swap3A_871], %swap3A_874 {strides = array<i32>} : memref<160x128xf32, #tpu.memory_space<vmem>>, vector<1x16xf32>,
        %scan3A_875 = arith.constant 0 : i32
        scf.yield %scan3A_875 : i32
      }
      %scan3A_507 = arith.constant 40 : i32
      %mul3A_508 = arith.constant 40 : i32
      %mul3A_509 = arith.muli %add3A_478, %mul3A_508 : i32
      %add3A_510 = arith.addi %mul3A_2, %mul3A_509 : i32
      %dma_wait3A_511 = arith.constant 2 : i32
      %dma_wait3A_512 = tpu.memref_slice %arg5[%add3A_510] : memref<320000xi32, #tpu.memory_space<hbm>> -> memref<40xi32, #tpu.memory_space<hbm>>
      %dma_wait3A_513 = tpu.memref_slice %arg19[%dma_wait3A_511] : memref<4x!tpu.dma_semaphore, #tpu.memory_space<semaphore_mem>> -> memref<1x!tpu.dma_semaphore, #tpu.memory_space<semaphore_mem>>
      %dma_wait3A_514 = tpu.memref_squeeze %dma_wait3A_513 : memref<1x!tpu.dma_semaphore, #tpu.memory_space<semaphore_mem>> -> memref<!tpu.dma_semaphore, #tpu.memory_space<semaphore_mem>>
      %dma_wait3A_515 = tpu.memref_slice %arg5[%add3A_510] : memref<320000xi32, #tpu.memory_space<hbm>> -> memref<40xi32, #tpu.memory_space<hbm>>
      tpu.wait_dma2 semaphore(%dma_wait3A_514 : memref<!tpu.dma_semaphore, #tpu.memory_space<semaphore_mem>>) src(%dma_wait3A_515 : memref<40xi32, #tpu.memory_space<hbm>>) dst(%arg13 : memref<40xi32, #tpu.memory_space<vmem>>)
      %dma_start3A_516 = arith.constant 2 : i32
      %dma_start3A_517 = arith.constant 80 : i32
      %dma_start3A_518 = arith.constant 0 : i32
      %dma_start3A_519 = tpu.memref_slice %arg15[%dma_start3A_517, %dma_start3A_518] : memref<160x128xf32, #tpu.memory_space<vmem>> -> memref<40x128xf32, #tpu.memory_space<vmem>>
      %dma_start3A_520 = arith.constant 0 : i32
      %dma_start3A_521 = arith.constant 0 : i32
      %dma_start3A_522 = tpu.memref_slice %arg17[%dma_start3A_520, %dma_start3A_521] : memref<10240x128xf32, #tpu.memory_space<vmem_shared>> -> memref<10240x128xf32, #tpu.memory_space<vmem_shared>>
      %dma_start3A_523 = tpu.memref_slice %arg22[%dma_start3A_516] : memref<4x!tpu.dma_semaphore, #tpu.memory_space<semaphore_mem>> -> memref<1x!tpu.dma_semaphore, #tpu.memory_space<semaphore_mem>>
      %dma_start3A_524 = tpu.memref_squeeze %dma_start3A_523 : memref<1x!tpu.dma_semaphore, #tpu.memory_space<semaphore_mem>> -> memref<!tpu.dma_semaphore, #tpu.memory_space<semaphore_mem>>
      tpu.enqueue_indirect_dma source(%dma_start3A_519 : memref<40x128xf32, #tpu.memory_space<vmem>>) target(%dma_start3A_522 : memref<10240x128xf32, #tpu.memory_space<vmem_shared>>) offsets(%arg13 : memref<40xi32, #tpu.memory_space<vmem>>) semaphore(%dma_start3A_524 : memref<!tpu.dma_semaphore, #tpu.memory_space<semaphore_mem>>) {add = true}
      %add3A_525 = arith.constant 2 : i32
      %add3A_526 = arith.addi %add3A_478, %add3A_525 : i32
      %mul3A_527 = arith.constant 40 : i32
      %mul3A_528 = arith.muli %add3A_526, %mul3A_527 : i32
      %add3A_529 = arith.addi %mul3A_2, %mul3A_528 : i32
      %dma_start3A_530 = arith.constant 0 : i32
      %dma_start3A_531 = arith.constant 0 : i32
      %dma_start3A_532 = arith.constant 0 : i32
      %dma_start3A_533 = tpu.memref_slice %arg16[%dma_start3A_531, %dma_start3A_532] : memref<80x128xf32, #tpu.memory_space<vmem>> -> memref<40x128xf32, #tpu.memory_space<vmem>>
      %dma_start3A_534 = arith.constant 0 : i32
      %dma_start3A_535 = tpu.memref_slice %arg3[%add3A_529, %dma_start3A_534] : memref<320000x128xf32, #tpu.memory_space<hbm>> -> memref<40x128xf32, #tpu.memory_space<hbm>>
      %dma_start3A_536 = tpu.memref_slice %arg21[%dma_start3A_530] : memref<2x!tpu.dma_semaphore, #tpu.memory_space<semaphore_mem>> -> memref<1x!tpu.dma_semaphore, #tpu.memory_space<semaphore_mem>>
      %dma_start3A_537 = tpu.memref_squeeze %dma_start3A_536 : memref<1x!tpu.dma_semaphore, #tpu.memory_space<semaphore_mem>> -> memref<!tpu.dma_semaphore, #tpu.memory_space<semaphore_mem>>
      %dma_start3A_538 = arith.constant 0 : i32
      %dma_start3A_539 = arith.constant 0 : i32
      %dma_start3A_540 = tpu.memref_slice %arg16[%dma_start3A_538, %dma_start3A_539] : memref<80x128xf32, #tpu.memory_space<vmem>> -> memref<40x128xf32, #tpu.memory_space<vmem>>
      %dma_start3A_541 = arith.constant 0 : i32
      %dma_start3A_542 = tpu.memref_slice %arg3[%add3A_529, %dma_start3A_541] : memref<320000x128xf32, #tpu.memory_space<hbm>> -> memref<40x128xf32, #tpu.memory_space<hbm>>
      tpu.enqueue_dma source(%dma_start3A_542 : memref<40x128xf32, #tpu.memory_space<hbm>>) target(%dma_start3A_540 : memref<40x128xf32, #tpu.memory_space<vmem>>) target_semaphore(%dma_start3A_537 : memref<!tpu.dma_semaphore, #tpu.memory_space<semaphore_mem>>)
      %add3A_543 = arith.constant 4 : i32
      %add3A_544 = arith.addi %add3A_478, %add3A_543 : i32
      %lt3A_545 = arith.constant 250 : i32
      %lt3A_546 = arith.cmpi slt, %add3A_544, %lt3A_545 : i32
      %convert_element_type3A_547 = arith.extui %lt3A_546 : i1 to i32
      %cond3A_548 = arith.constant 0 : i32
      %cond3A_549 = arith.cmpi ne, %convert_element_type3A_547, %cond3A_548 : i32
      scf.if %cond3A_549 {
        %add3A_692 = arith.constant 4 : i32
        %add3A_693 = arith.addi %add3A_478, %add3A_692 : i32
        %mul3A_694 = arith.constant 40 : i32
        %mul3A_695 = arith.muli %add3A_693, %mul3A_694 : i32
        %add3A_696 = arith.addi %mul3A_2, %mul3A_695 : i32
        %dma_start3A_697 = arith.constant 2 : i32
        %dma_start3A_698 = tpu.memref_slice %arg4[%add3A_696] : memref<320000xi32, #tpu.memory_space<hbm>> -> memref<40xi32, #tpu.memory_space<hbm>>
        %dma_start3A_699 = tpu.memref_slice %arg18[%dma_start3A_697] : memref<4x!tpu.dma_semaphore, #tpu.memory_space<semaphore_mem>> -> memref<1x!tpu.dma_semaphore, #tpu.memory_space<semaphore_mem>>
        %dma_start3A_700 = tpu.memref_squeeze %dma_start3A_699 : memref<1x!tpu.dma_semaphore, #tpu.memory_space<semaphore_mem>> -> memref<!tpu.dma_semaphore, #tpu.memory_space<semaphore_mem>>
        %dma_start3A_701 = tpu.memref_slice %arg4[%add3A_696] : memref<320000xi32, #tpu.memory_space<hbm>> -> memref<40xi32, #tpu.memory_space<hbm>>
        tpu.enqueue_dma source(%dma_start3A_701 : memref<40xi32, #tpu.memory_space<hbm>>) target(%arg9 : memref<40xi32, #tpu.memory_space<vmem>>) target_semaphore(%dma_start3A_700 : memref<!tpu.dma_semaphore, #tpu.memory_space<semaphore_mem>>)
      } else {
      }
      %ge3A_550 = arith.constant 2 : i32
      %ge3A_551 = arith.cmpi sge, %add3A_478, %ge3A_550 : i32
      %convert_element_type3A_552 = arith.extui %ge3A_551 : i1 to i32
      %cond3A_553 = arith.constant 0 : i32
      %cond3A_554 = arith.cmpi ne, %convert_element_type3A_552, %cond3A_553 : i32
      scf.if %cond3A_554 {
        %dma_wait3A_692 = arith.constant 0 : i32
        %dma_wait3A_693 = arith.constant 0 : i32
        %dma_wait3A_694 = arith.constant 0 : i32
        %dma_wait3A_695 = tpu.memref_slice %arg15[%dma_wait3A_693, %dma_wait3A_694] : memref<160x128xf32, #tpu.memory_space<vmem>> -> memref<40x128xf32, #tpu.memory_space<vmem>>
        %dma_wait3A_696 = arith.constant 0 : i32
        %dma_wait3A_697 = arith.constant 0 : i32
        %dma_wait3A_698 = tpu.memref_slice %arg17[%dma_wait3A_696, %dma_wait3A_697] : memref<10240x128xf32, #tpu.memory_space<vmem_shared>> -> memref<10240x128xf32, #tpu.memory_space<vmem_shared>>
        %dma_wait3A_699 = tpu.memref_slice %arg22[%dma_wait3A_692] : memref<4x!tpu.dma_semaphore, #tpu.memory_space<semaphore_mem>> -> memref<1x!tpu.dma_semaphore, #tpu.memory_space<semaphore_mem>>
        %dma_wait3A_700 = tpu.memref_squeeze %dma_wait3A_699 : memref<1x!tpu.dma_semaphore, #tpu.memory_space<semaphore_mem>> -> memref<!tpu.dma_semaphore, #tpu.memory_space<semaphore_mem>>
        tpu.wait_indirect_dma semaphore(%dma_wait3A_700 : memref<!tpu.dma_semaphore, #tpu.memory_space<semaphore_mem>>) src(%dma_wait3A_695 : memref<40x128xf32, #tpu.memory_space<vmem>>) dst(%dma_wait3A_698 : memref<10240x128xf32, #tpu.memory_space<vmem_shared>>)
      } else {
      }
      %add3A_555 = arith.constant 2 : i32
      %add3A_556 = arith.addi %add3A_478, %add3A_555 : i32
      %mul3A_557 = arith.constant 40 : i32
      %mul3A_558 = arith.muli %add3A_556, %mul3A_557 : i32
      %add3A_559 = arith.addi %mul3A_2, %mul3A_558 : i32
      %dma_start3A_560 = arith.constant 0 : i32
      %dma_start3A_561 = tpu.memref_slice %arg5[%add3A_559] : memref<320000xi32, #tpu.memory_space<hbm>> -> memref<40xi32, #tpu.memory_space<hbm>>
      %dma_start3A_562 = tpu.memref_slice %arg19[%dma_start3A_560] : memref<4x!tpu.dma_semaphore, #tpu.memory_space<semaphore_mem>> -> memref<1x!tpu.dma_semaphore, #tpu.memory_space<semaphore_mem>>
      %dma_start3A_563 = tpu.memref_squeeze %dma_start3A_562 : memref<1x!tpu.dma_semaphore, #tpu.memory_space<semaphore_mem>> -> memref<!tpu.dma_semaphore, #tpu.memory_space<semaphore_mem>>
      %dma_start3A_564 = tpu.memref_slice %arg5[%add3A_559] : memref<320000xi32, #tpu.memory_space<hbm>> -> memref<40xi32, #tpu.memory_space<hbm>>
      tpu.enqueue_dma source(%dma_start3A_564 : memref<40xi32, #tpu.memory_space<hbm>>) target(%arg11 : memref<40xi32, #tpu.memory_space<vmem>>) target_semaphore(%dma_start3A_563 : memref<!tpu.dma_semaphore, #tpu.memory_space<semaphore_mem>>)
      %add3A_565 = arith.constant 2 : i32
      %add3A_566 = arith.addi %add3A_478, %add3A_565 : i32
      %mul3A_567 = arith.constant 40 : i32
      %mul3A_568 = arith.muli %add3A_566, %mul3A_567 : i32
      %add3A_569 = arith.addi %mul3A_2, %mul3A_568 : i32
      %dma_wait3A_570 = arith.constant 0 : i32
      %dma_wait3A_571 = tpu.memref_slice %arg4[%add3A_569] : memref<320000xi32, #tpu.memory_space<hbm>> -> memref<40xi32, #tpu.memory_space<hbm>>
      %dma_wait3A_572 = tpu.memref_slice %arg18[%dma_wait3A_570] : memref<4x!tpu.dma_semaphore, #tpu.memory_space<semaphore_mem>> -> memref<1x!tpu.dma_semaphore, #tpu.memory_space<semaphore_mem>>
      %dma_wait3A_573 = tpu.memref_squeeze %dma_wait3A_572 : memref<1x!tpu.dma_semaphore, #tpu.memory_space<semaphore_mem>> -> memref<!tpu.dma_semaphore, #tpu.memory_space<semaphore_mem>>
      %dma_wait3A_574 = tpu.memref_slice %arg4[%add3A_569] : memref<320000xi32, #tpu.memory_space<hbm>> -> memref<40xi32, #tpu.memory_space<hbm>>
      tpu.wait_dma2 semaphore(%dma_wait3A_573 : memref<!tpu.dma_semaphore, #tpu.memory_space<semaphore_mem>>) src(%dma_wait3A_574 : memref<40xi32, #tpu.memory_space<hbm>>) dst(%arg7 : memref<40xi32, #tpu.memory_space<vmem>>)
      %dma_start3A_575 = arith.constant 0 : i32
      %dma_start3A_576 = arith.constant 0 : i32
      %dma_start3A_577 = arith.constant 0 : i32
      %dma_start3A_578 = tpu.memref_slice %arg15[%dma_start3A_576, %dma_start3A_577] : memref<160x128xf32, #tpu.memory_space<vmem>> -> memref<40x128xf32, #tpu.memory_space<vmem>>
      %dma_start3A_579 = arith.constant 0 : i32
      %dma_start3A_580 = arith.constant 0 : i32
      %dma_start3A_581 = tpu.memref_slice %arg2[%dma_start3A_579, %dma_start3A_580] : memref<10000x128xf32, #tpu.memory_space<hbm>> -> memref<10000x128xf32, #tpu.memory_space<hbm>>
      %dma_start3A_582 = tpu.memref_slice %arg20[%dma_start3A_575] : memref<4x!tpu.dma_semaphore, #tpu.memory_space<semaphore_mem>> -> memref<1x!tpu.dma_semaphore, #tpu.memory_space<semaphore_mem>>
      %dma_start3A_583 = tpu.memref_squeeze %dma_start3A_582 : memref<1x!tpu.dma_semaphore, #tpu.memory_space<semaphore_mem>> -> memref<!tpu.dma_semaphore, #tpu.memory_space<semaphore_mem>>
      tpu.enqueue_indirect_dma source(%dma_start3A_581 : memref<10000x128xf32, #tpu.memory_space<hbm>>) target(%dma_start3A_578 : memref<40x128xf32, #tpu.memory_space<vmem>>) offsets(%arg7 : memref<40xi32, #tpu.memory_space<vmem>>) semaphore(%dma_start3A_583 : memref<!tpu.dma_semaphore, #tpu.memory_space<semaphore_mem>>)
      %add3A_584 = arith.constant 3 : i32
      %add3A_585 = arith.addi %mul3A_266, %add3A_584 : i32
      %dma_wait3A_586 = arith.constant 3 : i32
      %dma_wait3A_587 = arith.constant 120 : i32
      %dma_wait3A_588 = arith.constant 0 : i32
      %dma_wait3A_589 = tpu.memref_slice %arg15[%dma_wait3A_587, %dma_wait3A_588] : memref<160x128xf32, #tpu.memory_space<vmem>> -> memref<40x128xf32, #tpu.memory_space<vmem>>
      %dma_wait3A_590 = arith.constant 0 : i32
      %dma_wait3A_591 = arith.constant 0 : i32
      %dma_wait3A_592 = tpu.memref_slice %arg2[%dma_wait3A_590, %dma_wait3A_591] : memref<10000x128xf32, #tpu.memory_space<hbm>> -> memref<10000x128xf32, #tpu.memory_space<hbm>>
      %dma_wait3A_593 = tpu.memref_slice %arg20[%dma_wait3A_586] : memref<4x!tpu.dma_semaphore, #tpu.memory_space<semaphore_mem>> -> memref<1x!tpu.dma_semaphore, #tpu.memory_space<semaphore_mem>>
      %dma_wait3A_594 = tpu.memref_squeeze %dma_wait3A_593 : memref<1x!tpu.dma_semaphore, #tpu.memory_space<semaphore_mem>> -> memref<!tpu.dma_semaphore, #tpu.memory_space<semaphore_mem>>
      tpu.wait_indirect_dma semaphore(%dma_wait3A_594 : memref<!tpu.dma_semaphore, #tpu.memory_space<semaphore_mem>>) src(%dma_wait3A_592 : memref<10000x128xf32, #tpu.memory_space<hbm>>) dst(%dma_wait3A_589 : memref<40x128xf32, #tpu.memory_space<vmem>>)
      %dma_wait3A_595 = arith.constant 1 : i32
      %dma_wait3A_596 = arith.constant 40 : i32
      %dma_wait3A_597 = arith.constant 0 : i32
      %dma_wait3A_598 = tpu.memref_slice %arg16[%dma_wait3A_596, %dma_wait3A_597] : memref<80x128xf32, #tpu.memory_space<vmem>> -> memref<40x128xf32, #tpu.memory_space<vmem>>
      %dma_wait3A_599 = arith.constant 0 : i32
      %dma_wait3A_600 = tpu.memref_slice %arg3[%mul3A_2, %dma_wait3A_599] : memref<320000x128xf32, #tpu.memory_space<hbm>> -> memref<40x128xf32, #tpu.memory_space<hbm>>
      %dma_wait3A_601 = tpu.memref_slice %arg21[%dma_wait3A_595] : memref<2x!tpu.dma_semaphore, #tpu.memory_space<semaphore_mem>> -> memref<1x!tpu.dma_semaphore, #tpu.memory_space<semaphore_mem>>
      %dma_wait3A_602 = tpu.memref_squeeze %dma_wait3A_601 : memref<1x!tpu.dma_semaphore, #tpu.memory_space<semaphore_mem>> -> memref<!tpu.dma_semaphore, #tpu.memory_space<semaphore_mem>>
      %dma_wait3A_603 = arith.constant 40 : i32
      %dma_wait3A_604 = arith.constant 0 : i32
      %dma_wait3A_605 = tpu.memref_slice %arg16[%dma_wait3A_603, %dma_wait3A_604] : memref<80x128xf32, #tpu.memory_space<vmem>> -> memref<40x128xf32, #tpu.memory_space<vmem>>
      %dma_wait3A_606 = arith.constant 0 : i32
      %dma_wait3A_607 = tpu.memref_slice %arg3[%mul3A_2, %dma_wait3A_606] : memref<320000x128xf32, #tpu.memory_space<hbm>> -> memref<40x128xf32, #tpu.memory_space<hbm>>
      tpu.wait_dma2 semaphore(%dma_wait3A_602 : memref<!tpu.dma_semaphore, #tpu.memory_space<semaphore_mem>>) src(%dma_wait3A_607 : memref<40x128xf32, #tpu.memory_space<hbm>>) dst(%dma_wait3A_605 : memref<40x128xf32, #tpu.memory_space<vmem>>)
      %scan3A_608 = arith.constant 0 : i32
      %scan3A_609 = arith.constant 0 : i32
      %scan3A_610 = arith.constant 40 : i32
      %scan3A_611 = arith.addi %scan3A_609, %scan3A_610 : i32
      %scan3A_612 = arith.constant 1 : i32
      %scan3A_613 = scf.for %scan3A_692 = %scan3A_609 to %scan3A_611 step %scan3A_612 iter_args(%scan3A_693 = %scan3A_608) -> (i32)  : i32 {
        %add3A_694 = arith.constant 120 : i32
        %add3A_695 = arith.addi %add3A_694, %scan3A_692 : i32
        %get3A = arith.index_cast %add3A_695 : i32 to index
        %get3A_696 = arith.constant 0 : index
        %get3A_697 = tpu.vector_load %arg15[%get3A, %get3A_696] {strides = array<i32>} : memref<160x128xf32, #tpu.memory_space<vmem>>, vector<1x16xf32>,
        %get3A_698 = vector.shape_cast %get3A_697 : vector<1x16xf32> to vector<16xf32>
        %add3A_699 = arith.constant 40 : i32
        %add3A_700 = arith.addi %add3A_699, %scan3A_692 : i32
        %get3A_701 = arith.index_cast %add3A_700 : i32 to index
        %get3A_702 = arith.constant 0 : index
        %get3A_703 = tpu.vector_load %arg16[%get3A_701, %get3A_702] {strides = array<i32>} : memref<80x128xf32, #tpu.memory_space<vmem>>, vector<1x16xf32>,
        %get3A_704 = vector.shape_cast %get3A_703 : vector<1x16xf32> to vector<16xf32>
        %add3A_705 = arith.addf %get3A_698, %get3A_704 : vector<16xf32>
        %max3A = arith.constant 0.000000e+00 : f32
        %max3A_706 = vector.broadcast %max3A : f32 to vector<16xf32>
        %max3A_707 = arith.maximumf %add3A_705, %max3A_706 : vector<16xf32>
        %add3A_708 = arith.constant 120 : i32
        %add3A_709 = arith.addi %add3A_708, %scan3A_692 : i32
        %swap3A = arith.index_cast %add3A_709 : i32 to index
        %swap3A_710 = arith.constant 0 : index
        %swap3A_711 = tpu.vector_load %arg15[%swap3A, %swap3A_710] {strides = array<i32>} : memref<160x128xf32, #tpu.memory_space<vmem>>, vector<1x16xf32>,
        %swap3A_712 = vector.shape_cast %swap3A_711 : vector<1x16xf32> to vector<16xf32>
        %swap3A_713 = vector.shape_cast %max3A_707 : vector<16xf32> to vector<1x16xf32>
        tpu.vector_store %arg15[%swap3A, %swap3A_710], %swap3A_713 {strides = array<i32>} : memref<160x128xf32, #tpu.memory_space<vmem>>, vector<1x16xf32>,
        %add3A_714 = arith.constant 120 : i32
        %add3A_715 = arith.addi %add3A_714, %scan3A_692 : i32
        %get3A_716 = arith.index_cast %add3A_715 : i32 to index
        %get3A_717 = arith.constant 16 : index
        %get3A_718 = tpu.vector_load %arg15[%get3A_716, %get3A_717] {strides = array<i32>} : memref<160x128xf32, #tpu.memory_space<vmem>>, vector<1x16xf32>,
        %get3A_719 = vector.shape_cast %get3A_718 : vector<1x16xf32> to vector<16xf32>
        %add3A_720 = arith.constant 40 : i32
        %add3A_721 = arith.addi %add3A_720, %scan3A_692 : i32
        %get3A_722 = arith.index_cast %add3A_721 : i32 to index
        %get3A_723 = arith.constant 16 : index
        %get3A_724 = tpu.vector_load %arg16[%get3A_722, %get3A_723] {strides = array<i32>} : memref<80x128xf32, #tpu.memory_space<vmem>>, vector<1x16xf32>,
        %get3A_725 = vector.shape_cast %get3A_724 : vector<1x16xf32> to vector<16xf32>
        %add3A_726 = arith.addf %get3A_719, %get3A_725 : vector<16xf32>
        %max3A_727 = arith.constant 0.000000e+00 : f32
        %max3A_728 = vector.broadcast %max3A_727 : f32 to vector<16xf32>
        %max3A_729 = arith.maximumf %add3A_726, %max3A_728 : vector<16xf32>
        %add3A_730 = arith.constant 120 : i32
        %add3A_731 = arith.addi %add3A_730, %scan3A_692 : i32
        %swap3A_732 = arith.index_cast %add3A_731 : i32 to index
        %swap3A_733 = arith.constant 16 : index
        %swap3A_734 = tpu.vector_load %arg15[%swap3A_732, %swap3A_733] {strides = array<i32>} : memref<160x128xf32, #tpu.memory_space<vmem>>, vector<1x16xf32>,
        %swap3A_735 = vector.shape_cast %swap3A_734 : vector<1x16xf32> to vector<16xf32>
        %swap3A_736 = vector.shape_cast %max3A_729 : vector<16xf32> to vector<1x16xf32>
        tpu.vector_store %arg15[%swap3A_732, %swap3A_733], %swap3A_736 {strides = array<i32>} : memref<160x128xf32, #tpu.memory_space<vmem>>, vector<1x16xf32>,
        %add3A_737 = arith.constant 120 : i32
        %add3A_738 = arith.addi %add3A_737, %scan3A_692 : i32
        %get3A_739 = arith.index_cast %add3A_738 : i32 to index
        %get3A_740 = arith.constant 32 : index
        %get3A_741 = tpu.vector_load %arg15[%get3A_739, %get3A_740] {strides = array<i32>} : memref<160x128xf32, #tpu.memory_space<vmem>>, vector<1x16xf32>,
        %get3A_742 = vector.shape_cast %get3A_741 : vector<1x16xf32> to vector<16xf32>
        %add3A_743 = arith.constant 40 : i32
        %add3A_744 = arith.addi %add3A_743, %scan3A_692 : i32
        %get3A_745 = arith.index_cast %add3A_744 : i32 to index
        %get3A_746 = arith.constant 32 : index
        %get3A_747 = tpu.vector_load %arg16[%get3A_745, %get3A_746] {strides = array<i32>} : memref<80x128xf32, #tpu.memory_space<vmem>>, vector<1x16xf32>,
        %get3A_748 = vector.shape_cast %get3A_747 : vector<1x16xf32> to vector<16xf32>
        %add3A_749 = arith.addf %get3A_742, %get3A_748 : vector<16xf32>
        %max3A_750 = arith.constant 0.000000e+00 : f32
        %max3A_751 = vector.broadcast %max3A_750 : f32 to vector<16xf32>
        %max3A_752 = arith.maximumf %add3A_749, %max3A_751 : vector<16xf32>
        %add3A_753 = arith.constant 120 : i32
        %add3A_754 = arith.addi %add3A_753, %scan3A_692 : i32
        %swap3A_755 = arith.index_cast %add3A_754 : i32 to index
        %swap3A_756 = arith.constant 32 : index
        %swap3A_757 = tpu.vector_load %arg15[%swap3A_755, %swap3A_756] {strides = array<i32>} : memref<160x128xf32, #tpu.memory_space<vmem>>, vector<1x16xf32>,
        %swap3A_758 = vector.shape_cast %swap3A_757 : vector<1x16xf32> to vector<16xf32>
        %swap3A_759 = vector.shape_cast %max3A_752 : vector<16xf32> to vector<1x16xf32>
        tpu.vector_store %arg15[%swap3A_755, %swap3A_756], %swap3A_759 {strides = array<i32>} : memref<160x128xf32, #tpu.memory_space<vmem>>, vector<1x16xf32>,
        %add3A_760 = arith.constant 120 : i32
        %add3A_761 = arith.addi %add3A_760, %scan3A_692 : i32
        %get3A_762 = arith.index_cast %add3A_761 : i32 to index
        %get3A_763 = arith.constant 48 : index
        %get3A_764 = tpu.vector_load %arg15[%get3A_762, %get3A_763] {strides = array<i32>} : memref<160x128xf32, #tpu.memory_space<vmem>>, vector<1x16xf32>,
        %get3A_765 = vector.shape_cast %get3A_764 : vector<1x16xf32> to vector<16xf32>
        %add3A_766 = arith.constant 40 : i32
        %add3A_767 = arith.addi %add3A_766, %scan3A_692 : i32
        %get3A_768 = arith.index_cast %add3A_767 : i32 to index
        %get3A_769 = arith.constant 48 : index
        %get3A_770 = tpu.vector_load %arg16[%get3A_768, %get3A_769] {strides = array<i32>} : memref<80x128xf32, #tpu.memory_space<vmem>>, vector<1x16xf32>,
        %get3A_771 = vector.shape_cast %get3A_770 : vector<1x16xf32> to vector<16xf32>
        %add3A_772 = arith.addf %get3A_765, %get3A_771 : vector<16xf32>
        %max3A_773 = arith.constant 0.000000e+00 : f32
        %max3A_774 = vector.broadcast %max3A_773 : f32 to vector<16xf32>
        %max3A_775 = arith.maximumf %add3A_772, %max3A_774 : vector<16xf32>
        %add3A_776 = arith.constant 120 : i32
        %add3A_777 = arith.addi %add3A_776, %scan3A_692 : i32
        %swap3A_778 = arith.index_cast %add3A_777 : i32 to index
        %swap3A_779 = arith.constant 48 : index
        %swap3A_780 = tpu.vector_load %arg15[%swap3A_778, %swap3A_779] {strides = array<i32>} : memref<160x128xf32, #tpu.memory_space<vmem>>, vector<1x16xf32>,
        %swap3A_781 = vector.shape_cast %swap3A_780 : vector<1x16xf32> to vector<16xf32>
        %swap3A_782 = vector.shape_cast %max3A_775 : vector<16xf32> to vector<1x16xf32>
        tpu.vector_store %arg15[%swap3A_778, %swap3A_779], %swap3A_782 {strides = array<i32>} : memref<160x128xf32, #tpu.memory_space<vmem>>, vector<1x16xf32>,
        %add3A_783 = arith.constant 120 : i32
        %add3A_784 = arith.addi %add3A_783, %scan3A_692 : i32
        %get3A_785 = arith.index_cast %add3A_784 : i32 to index
        %get3A_786 = arith.constant 64 : index
        %get3A_787 = tpu.vector_load %arg15[%get3A_785, %get3A_786] {strides = array<i32>} : memref<160x128xf32, #tpu.memory_space<vmem>>, vector<1x16xf32>,
        %get3A_788 = vector.shape_cast %get3A_787 : vector<1x16xf32> to vector<16xf32>
        %add3A_789 = arith.constant 40 : i32
        %add3A_790 = arith.addi %add3A_789, %scan3A_692 : i32
        %get3A_791 = arith.index_cast %add3A_790 : i32 to index
        %get3A_792 = arith.constant 64 : index
        %get3A_793 = tpu.vector_load %arg16[%get3A_791, %get3A_792] {strides = array<i32>} : memref<80x128xf32, #tpu.memory_space<vmem>>, vector<1x16xf32>,
        %get3A_794 = vector.shape_cast %get3A_793 : vector<1x16xf32> to vector<16xf32>
        %add3A_795 = arith.addf %get3A_788, %get3A_794 : vector<16xf32>
        %max3A_796 = arith.constant 0.000000e+00 : f32
        %max3A_797 = vector.broadcast %max3A_796 : f32 to vector<16xf32>
        %max3A_798 = arith.maximumf %add3A_795, %max3A_797 : vector<16xf32>
        %add3A_799 = arith.constant 120 : i32
        %add3A_800 = arith.addi %add3A_799, %scan3A_692 : i32
        %swap3A_801 = arith.index_cast %add3A_800 : i32 to index
        %swap3A_802 = arith.constant 64 : index
        %swap3A_803 = tpu.vector_load %arg15[%swap3A_801, %swap3A_802] {strides = array<i32>} : memref<160x128xf32, #tpu.memory_space<vmem>>, vector<1x16xf32>,
        %swap3A_804 = vector.shape_cast %swap3A_803 : vector<1x16xf32> to vector<16xf32>
        %swap3A_805 = vector.shape_cast %max3A_798 : vector<16xf32> to vector<1x16xf32>
        tpu.vector_store %arg15[%swap3A_801, %swap3A_802], %swap3A_805 {strides = array<i32>} : memref<160x128xf32, #tpu.memory_space<vmem>>, vector<1x16xf32>,
        %add3A_806 = arith.constant 120 : i32
        %add3A_807 = arith.addi %add3A_806, %scan3A_692 : i32
        %get3A_808 = arith.index_cast %add3A_807 : i32 to index
        %get3A_809 = arith.constant 80 : index
        %get3A_810 = tpu.vector_load %arg15[%get3A_808, %get3A_809] {strides = array<i32>} : memref<160x128xf32, #tpu.memory_space<vmem>>, vector<1x16xf32>,
        %get3A_811 = vector.shape_cast %get3A_810 : vector<1x16xf32> to vector<16xf32>
        %add3A_812 = arith.constant 40 : i32
        %add3A_813 = arith.addi %add3A_812, %scan3A_692 : i32
        %get3A_814 = arith.index_cast %add3A_813 : i32 to index
        %get3A_815 = arith.constant 80 : index
        %get3A_816 = tpu.vector_load %arg16[%get3A_814, %get3A_815] {strides = array<i32>} : memref<80x128xf32, #tpu.memory_space<vmem>>, vector<1x16xf32>,
        %get3A_817 = vector.shape_cast %get3A_816 : vector<1x16xf32> to vector<16xf32>
        %add3A_818 = arith.addf %get3A_811, %get3A_817 : vector<16xf32>
        %max3A_819 = arith.constant 0.000000e+00 : f32
        %max3A_820 = vector.broadcast %max3A_819 : f32 to vector<16xf32>
        %max3A_821 = arith.maximumf %add3A_818, %max3A_820 : vector<16xf32>
        %add3A_822 = arith.constant 120 : i32
        %add3A_823 = arith.addi %add3A_822, %scan3A_692 : i32
        %swap3A_824 = arith.index_cast %add3A_823 : i32 to index
        %swap3A_825 = arith.constant 80 : index
        %swap3A_826 = tpu.vector_load %arg15[%swap3A_824, %swap3A_825] {strides = array<i32>} : memref<160x128xf32, #tpu.memory_space<vmem>>, vector<1x16xf32>,
        %swap3A_827 = vector.shape_cast %swap3A_826 : vector<1x16xf32> to vector<16xf32>
        %swap3A_828 = vector.shape_cast %max3A_821 : vector<16xf32> to vector<1x16xf32>
        tpu.vector_store %arg15[%swap3A_824, %swap3A_825], %swap3A_828 {strides = array<i32>} : memref<160x128xf32, #tpu.memory_space<vmem>>, vector<1x16xf32>,
        %add3A_829 = arith.constant 120 : i32
        %add3A_830 = arith.addi %add3A_829, %scan3A_692 : i32
        %get3A_831 = arith.index_cast %add3A_830 : i32 to index
        %get3A_832 = arith.constant 96 : index
        %get3A_833 = tpu.vector_load %arg15[%get3A_831, %get3A_832] {strides = array<i32>} : memref<160x128xf32, #tpu.memory_space<vmem>>, vector<1x16xf32>,
        %get3A_834 = vector.shape_cast %get3A_833 : vector<1x16xf32> to vector<16xf32>
        %add3A_835 = arith.constant 40 : i32
        %add3A_836 = arith.addi %add3A_835, %scan3A_692 : i32
        %get3A_837 = arith.index_cast %add3A_836 : i32 to index
        %get3A_838 = arith.constant 96 : index
        %get3A_839 = tpu.vector_load %arg16[%get3A_837, %get3A_838] {strides = array<i32>} : memref<80x128xf32, #tpu.memory_space<vmem>>, vector<1x16xf32>,
        %get3A_840 = vector.shape_cast %get3A_839 : vector<1x16xf32> to vector<16xf32>
        %add3A_841 = arith.addf %get3A_834, %get3A_840 : vector<16xf32>
        %max3A_842 = arith.constant 0.000000e+00 : f32
        %max3A_843 = vector.broadcast %max3A_842 : f32 to vector<16xf32>
        %max3A_844 = arith.maximumf %add3A_841, %max3A_843 : vector<16xf32>
        %add3A_845 = arith.constant 120 : i32
        %add3A_846 = arith.addi %add3A_845, %scan3A_692 : i32
        %swap3A_847 = arith.index_cast %add3A_846 : i32 to index
        %swap3A_848 = arith.constant 96 : index
        %swap3A_849 = tpu.vector_load %arg15[%swap3A_847, %swap3A_848] {strides = array<i32>} : memref<160x128xf32, #tpu.memory_space<vmem>>, vector<1x16xf32>,
        %swap3A_850 = vector.shape_cast %swap3A_849 : vector<1x16xf32> to vector<16xf32>
        %swap3A_851 = vector.shape_cast %max3A_844 : vector<16xf32> to vector<1x16xf32>
        tpu.vector_store %arg15[%swap3A_847, %swap3A_848], %swap3A_851 {strides = array<i32>} : memref<160x128xf32, #tpu.memory_space<vmem>>, vector<1x16xf32>,
        %add3A_852 = arith.constant 120 : i32
        %add3A_853 = arith.addi %add3A_852, %scan3A_692 : i32
        %get3A_854 = arith.index_cast %add3A_853 : i32 to index
        %get3A_855 = arith.constant 112 : index
        %get3A_856 = tpu.vector_load %arg15[%get3A_854, %get3A_855] {strides = array<i32>} : memref<160x128xf32, #tpu.memory_space<vmem>>, vector<1x16xf32>,
        %get3A_857 = vector.shape_cast %get3A_856 : vector<1x16xf32> to vector<16xf32>
        %add3A_858 = arith.constant 40 : i32
        %add3A_859 = arith.addi %add3A_858, %scan3A_692 : i32
        %get3A_860 = arith.index_cast %add3A_859 : i32 to index
        %get3A_861 = arith.constant 112 : index
        %get3A_862 = tpu.vector_load %arg16[%get3A_860, %get3A_861] {strides = array<i32>} : memref<80x128xf32, #tpu.memory_space<vmem>>, vector<1x16xf32>,
        %get3A_863 = vector.shape_cast %get3A_862 : vector<1x16xf32> to vector<16xf32>
        %add3A_864 = arith.addf %get3A_857, %get3A_863 : vector<16xf32>
        %max3A_865 = arith.constant 0.000000e+00 : f32
        %max3A_866 = vector.broadcast %max3A_865 : f32 to vector<16xf32>
        %max3A_867 = arith.maximumf %add3A_864, %max3A_866 : vector<16xf32>
        %add3A_868 = arith.constant 120 : i32
        %add3A_869 = arith.addi %add3A_868, %scan3A_692 : i32
        %swap3A_870 = arith.index_cast %add3A_869 : i32 to index
        %swap3A_871 = arith.constant 112 : index
        %swap3A_872 = tpu.vector_load %arg15[%swap3A_870, %swap3A_871] {strides = array<i32>} : memref<160x128xf32, #tpu.memory_space<vmem>>, vector<1x16xf32>,
        %swap3A_873 = vector.shape_cast %swap3A_872 : vector<1x16xf32> to vector<16xf32>
        %swap3A_874 = vector.shape_cast %max3A_867 : vector<16xf32> to vector<1x16xf32>
        tpu.vector_store %arg15[%swap3A_870, %swap3A_871], %swap3A_874 {strides = array<i32>} : memref<160x128xf32, #tpu.memory_space<vmem>>, vector<1x16xf32>,
        %scan3A_875 = arith.constant 0 : i32
        scf.yield %scan3A_875 : i32
      }
      %scan3A_614 = arith.constant 40 : i32
      %mul3A_615 = arith.constant 40 : i32
      %mul3A_616 = arith.muli %add3A_585, %mul3A_615 : i32
      %add3A_617 = arith.addi %mul3A_2, %mul3A_616 : i32
      %dma_wait3A_618 = arith.constant 3 : i32
      %dma_wait3A_619 = tpu.memref_slice %arg5[%add3A_617] : memref<320000xi32, #tpu.memory_space<hbm>> -> memref<40xi32, #tpu.memory_space<hbm>>
      %dma_wait3A_620 = tpu.memref_slice %arg19[%dma_wait3A_618] : memref<4x!tpu.dma_semaphore, #tpu.memory_space<semaphore_mem>> -> memref<1x!tpu.dma_semaphore, #tpu.memory_space<semaphore_mem>>
      %dma_wait3A_621 = tpu.memref_squeeze %dma_wait3A_620 : memref<1x!tpu.dma_semaphore, #tpu.memory_space<semaphore_mem>> -> memref<!tpu.dma_semaphore, #tpu.memory_space<semaphore_mem>>
      %dma_wait3A_622 = tpu.memref_slice %arg5[%add3A_617] : memref<320000xi32, #tpu.memory_space<hbm>> -> memref<40xi32, #tpu.memory_space<hbm>>
      tpu.wait_dma2 semaphore(%dma_wait3A_621 : memref<!tpu.dma_semaphore, #tpu.memory_space<semaphore_mem>>) src(%dma_wait3A_622 : memref<40xi32, #tpu.memory_space<hbm>>) dst(%arg14 : memref<40xi32, #tpu.memory_space<vmem>>)
      %dma_start3A_623 = arith.constant 3 : i32
      %dma_start3A_624 = arith.constant 120 : i32
      %dma_start3A_625 = arith.constant 0 : i32
      %dma_start3A_626 = tpu.memref_slice %arg15[%dma_start3A_624, %dma_start3A_625] : memref<160x128xf32, #tpu.memory_space<vmem>> -> memref<40x128xf32, #tpu.memory_space<vmem>>
      %dma_start3A_627 = arith.constant 0 : i32
      %dma_start3A_628 = arith.constant 0 : i32
      %dma_start3A_629 = tpu.memref_slice %arg17[%dma_start3A_627, %dma_start3A_628] : memref<10240x128xf32, #tpu.memory_space<vmem_shared>> -> memref<10240x128xf32, #tpu.memory_space<vmem_shared>>
      %dma_start3A_630 = tpu.memref_slice %arg22[%dma_start3A_623] : memref<4x!tpu.dma_semaphore, #tpu.memory_space<semaphore_mem>> -> memref<1x!tpu.dma_semaphore, #tpu.memory_space<semaphore_mem>>
      %dma_start3A_631 = tpu.memref_squeeze %dma_start3A_630 : memref<1x!tpu.dma_semaphore, #tpu.memory_space<semaphore_mem>> -> memref<!tpu.dma_semaphore, #tpu.memory_space<semaphore_mem>>
      tpu.enqueue_indirect_dma source(%dma_start3A_626 : memref<40x128xf32, #tpu.memory_space<vmem>>) target(%dma_start3A_629 : memref<10240x128xf32, #tpu.memory_space<vmem_shared>>) offsets(%arg14 : memref<40xi32, #tpu.memory_space<vmem>>) semaphore(%dma_start3A_631 : memref<!tpu.dma_semaphore, #tpu.memory_space<semaphore_mem>>) {add = true}
      %add3A_632 = arith.constant 2 : i32
      %add3A_633 = arith.addi %add3A_585, %add3A_632 : i32
      %mul3A_634 = arith.constant 40 : i32
      %mul3A_635 = arith.muli %add3A_633, %mul3A_634 : i32
      %add3A_636 = arith.addi %mul3A_2, %mul3A_635 : i32
      %dma_start3A_637 = arith.constant 1 : i32
      %dma_start3A_638 = arith.constant 40 : i32
      %dma_start3A_639 = arith.constant 0 : i32
      %dma_start3A_640 = tpu.memref_slice %arg16[%dma_start3A_638, %dma_start3A_639] : memref<80x128xf32, #tpu.memory_space<vmem>> -> memref<40x128xf32, #tpu.memory_space<vmem>>
      %dma_start3A_641 = arith.constant 0 : i32
      %dma_start3A_642 = tpu.memref_slice %arg3[%add3A_636, %dma_start3A_641] : memref<320000x128xf32, #tpu.memory_space<hbm>> -> memref<40x128xf32, #tpu.memory_space<hbm>>
      %dma_start3A_643 = tpu.memref_slice %arg21[%dma_start3A_637] : memref<2x!tpu.dma_semaphore, #tpu.memory_space<semaphore_mem>> -> memref<1x!tpu.dma_semaphore, #tpu.memory_space<semaphore_mem>>
      %dma_start3A_644 = tpu.memref_squeeze %dma_start3A_643 : memref<1x!tpu.dma_semaphore, #tpu.memory_space<semaphore_mem>> -> memref<!tpu.dma_semaphore, #tpu.memory_space<semaphore_mem>>
      %dma_start3A_645 = arith.constant 40 : i32
      %dma_start3A_646 = arith.constant 0 : i32
      %dma_start3A_647 = tpu.memref_slice %arg16[%dma_start3A_645, %dma_start3A_646] : memref<80x128xf32, #tpu.memory_space<vmem>> -> memref<40x128xf32, #tpu.memory_space<vmem>>
      %dma_start3A_648 = arith.constant 0 : i32
      %dma_start3A_649 = tpu.memref_slice %arg3[%add3A_636, %dma_start3A_648] : memref<320000x128xf32, #tpu.memory_space<hbm>> -> memref<40x128xf32, #tpu.memory_space<hbm>>
      tpu.enqueue_dma source(%dma_start3A_649 : memref<40x128xf32, #tpu.memory_space<hbm>>) target(%dma_start3A_647 : memref<40x128xf32, #tpu.memory_space<vmem>>) target_semaphore(%dma_start3A_644 : memref<!tpu.dma_semaphore, #tpu.memory_space<semaphore_mem>>)
      %add3A_650 = arith.constant 4 : i32
      %add3A_651 = arith.addi %add3A_585, %add3A_650 : i32
      %lt3A_652 = arith.constant 250 : i32
      %lt3A_653 = arith.cmpi slt, %add3A_651, %lt3A_652 : i32
      %convert_element_type3A_654 = arith.extui %lt3A_653 : i1 to i32
      %cond3A_655 = arith.constant 0 : i32
      %cond3A_656 = arith.cmpi ne, %convert_element_type3A_654, %cond3A_655 : i32
      scf.if %cond3A_656 {
        %add3A_692 = arith.constant 4 : i32
        %add3A_693 = arith.addi %add3A_585, %add3A_692 : i32
        %mul3A_694 = arith.constant 40 : i32
        %mul3A_695 = arith.muli %add3A_693, %mul3A_694 : i32
        %add3A_696 = arith.addi %mul3A_2, %mul3A_695 : i32
        %dma_start3A_697 = arith.constant 3 : i32
        %dma_start3A_698 = tpu.memref_slice %arg4[%add3A_696] : memref<320000xi32, #tpu.memory_space<hbm>> -> memref<40xi32, #tpu.memory_space<hbm>>
        %dma_start3A_699 = tpu.memref_slice %arg18[%dma_start3A_697] : memref<4x!tpu.dma_semaphore, #tpu.memory_space<semaphore_mem>> -> memref<1x!tpu.dma_semaphore, #tpu.memory_space<semaphore_mem>>
        %dma_start3A_700 = tpu.memref_squeeze %dma_start3A_699 : memref<1x!tpu.dma_semaphore, #tpu.memory_space<semaphore_mem>> -> memref<!tpu.dma_semaphore, #tpu.memory_space<semaphore_mem>>
        %dma_start3A_701 = tpu.memref_slice %arg4[%add3A_696] : memref<320000xi32, #tpu.memory_space<hbm>> -> memref<40xi32, #tpu.memory_space<hbm>>
        tpu.enqueue_dma source(%dma_start3A_701 : memref<40xi32, #tpu.memory_space<hbm>>) target(%arg10 : memref<40xi32, #tpu.memory_space<vmem>>) target_semaphore(%dma_start3A_700 : memref<!tpu.dma_semaphore, #tpu.memory_space<semaphore_mem>>)
      } else {
      }
      %ge3A_657 = arith.constant 2 : i32
      %ge3A_658 = arith.cmpi sge, %add3A_585, %ge3A_657 : i32
      %convert_element_type3A_659 = arith.extui %ge3A_658 : i1 to i32
      %cond3A_660 = arith.constant 0 : i32
      %cond3A_661 = arith.cmpi ne, %convert_element_type3A_659, %cond3A_660 : i32
      scf.if %cond3A_661 {
        %dma_wait3A_692 = arith.constant 1 : i32
        %dma_wait3A_693 = arith.constant 40 : i32
        %dma_wait3A_694 = arith.constant 0 : i32
        %dma_wait3A_695 = tpu.memref_slice %arg15[%dma_wait3A_693, %dma_wait3A_694] : memref<160x128xf32, #tpu.memory_space<vmem>> -> memref<40x128xf32, #tpu.memory_space<vmem>>
        %dma_wait3A_696 = arith.constant 0 : i32
        %dma_wait3A_697 = arith.constant 0 : i32
        %dma_wait3A_698 = tpu.memref_slice %arg17[%dma_wait3A_696, %dma_wait3A_697] : memref<10240x128xf32, #tpu.memory_space<vmem_shared>> -> memref<10240x128xf32, #tpu.memory_space<vmem_shared>>
        %dma_wait3A_699 = tpu.memref_slice %arg22[%dma_wait3A_692] : memref<4x!tpu.dma_semaphore, #tpu.memory_space<semaphore_mem>> -> memref<1x!tpu.dma_semaphore, #tpu.memory_space<semaphore_mem>>
        %dma_wait3A_700 = tpu.memref_squeeze %dma_wait3A_699 : memref<1x!tpu.dma_semaphore, #tpu.memory_space<semaphore_mem>> -> memref<!tpu.dma_semaphore, #tpu.memory_space<semaphore_mem>>
        tpu.wait_indirect_dma semaphore(%dma_wait3A_700 : memref<!tpu.dma_semaphore, #tpu.memory_space<semaphore_mem>>) src(%dma_wait3A_695 : memref<40x128xf32, #tpu.memory_space<vmem>>) dst(%dma_wait3A_698 : memref<10240x128xf32, #tpu.memory_space<vmem_shared>>)
      } else {
      }
      %add3A_662 = arith.constant 2 : i32
      %add3A_663 = arith.addi %add3A_585, %add3A_662 : i32
      %mul3A_664 = arith.constant 40 : i32
      %mul3A_665 = arith.muli %add3A_663, %mul3A_664 : i32
      %add3A_666 = arith.addi %mul3A_2, %mul3A_665 : i32
      %dma_start3A_667 = arith.constant 1 : i32
      %dma_start3A_668 = tpu.memref_slice %arg5[%add3A_666] : memref<320000xi32, #tpu.memory_space<hbm>> -> memref<40xi32, #tpu.memory_space<hbm>>
      %dma_start3A_669 = tpu.memref_slice %arg19[%dma_start3A_667] : memref<4x!tpu.dma_semaphore, #tpu.memory_space<semaphore_mem>> -> memref<1x!tpu.dma_semaphore, #tpu.memory_space<semaphore_mem>>
      %dma_start3A_670 = tpu.memref_squeeze %dma_start3A_669 : memref<1x!tpu.dma_semaphore, #tpu.memory_space<semaphore_mem>> -> memref<!tpu.dma_semaphore, #tpu.memory_space<semaphore_mem>>
      %dma_start3A_671 = tpu.memref_slice %arg5[%add3A_666] : memref<320000xi32, #tpu.memory_space<hbm>> -> memref<40xi32, #tpu.memory_space<hbm>>
      tpu.enqueue_dma source(%dma_start3A_671 : memref<40xi32, #tpu.memory_space<hbm>>) target(%arg12 : memref<40xi32, #tpu.memory_space<vmem>>) target_semaphore(%dma_start3A_670 : memref<!tpu.dma_semaphore, #tpu.memory_space<semaphore_mem>>)
      %add3A_672 = arith.constant 2 : i32
      %add3A_673 = arith.addi %add3A_585, %add3A_672 : i32
      %mul3A_674 = arith.constant 40 : i32
      %mul3A_675 = arith.muli %add3A_673, %mul3A_674 : i32
      %add3A_676 = arith.addi %mul3A_2, %mul3A_675 : i32
      %dma_wait3A_677 = arith.constant 1 : i32
      %dma_wait3A_678 = tpu.memref_slice %arg4[%add3A_676] : memref<320000xi32, #tpu.memory_space<hbm>> -> memref<40xi32, #tpu.memory_space<hbm>>
      %dma_wait3A_679 = tpu.memref_slice %arg18[%dma_wait3A_677] : memref<4x!tpu.dma_semaphore, #tpu.memory_space<semaphore_mem>> -> memref<1x!tpu.dma_semaphore, #tpu.memory_space<semaphore_mem>>
      %dma_wait3A_680 = tpu.memref_squeeze %dma_wait3A_679 : memref<1x!tpu.dma_semaphore, #tpu.memory_space<semaphore_mem>> -> memref<!tpu.dma_semaphore, #tpu.memory_space<semaphore_mem>>
      %dma_wait3A_681 = tpu.memref_slice %arg4[%add3A_676] : memref<320000xi32, #tpu.memory_space<hbm>> -> memref<40xi32, #tpu.memory_space<hbm>>
      tpu.wait_dma2 semaphore(%dma_wait3A_680 : memref<!tpu.dma_semaphore, #tpu.memory_space<semaphore_mem>>) src(%dma_wait3A_681 : memref<40xi32, #tpu.memory_space<hbm>>) dst(%arg8 : memref<40xi32, #tpu.memory_space<vmem>>)
      %dma_start3A_682 = arith.constant 1 : i32
      %dma_start3A_683 = arith.constant 40 : i32
      %dma_start3A_684 = arith.constant 0 : i32
      %dma_start3A_685 = tpu.memref_slice %arg15[%dma_start3A_683, %dma_start3A_684] : memref<160x128xf32, #tpu.memory_space<vmem>> -> memref<40x128xf32, #tpu.memory_space<vmem>>
      %dma_start3A_686 = arith.constant 0 : i32
      %dma_start3A_687 = arith.constant 0 : i32
      %dma_start3A_688 = tpu.memref_slice %arg2[%dma_start3A_686, %dma_start3A_687] : memref<10000x128xf32, #tpu.memory_space<hbm>> -> memref<10000x128xf32, #tpu.memory_space<hbm>>
      %dma_start3A_689 = tpu.memref_slice %arg20[%dma_start3A_682] : memref<4x!tpu.dma_semaphore, #tpu.memory_space<semaphore_mem>> -> memref<1x!tpu.dma_semaphore, #tpu.memory_space<semaphore_mem>>
      %dma_start3A_690 = tpu.memref_squeeze %dma_start3A_689 : memref<1x!tpu.dma_semaphore, #tpu.memory_space<semaphore_mem>> -> memref<!tpu.dma_semaphore, #tpu.memory_space<semaphore_mem>>
      tpu.enqueue_indirect_dma source(%dma_start3A_688 : memref<10000x128xf32, #tpu.memory_space<hbm>>) target(%dma_start3A_685 : memref<40x128xf32, #tpu.memory_space<vmem>>) offsets(%arg8 : memref<40xi32, #tpu.memory_space<vmem>>) semaphore(%dma_start3A_690 : memref<!tpu.dma_semaphore, #tpu.memory_space<semaphore_mem>>)
      %scan3A_691 = arith.constant 0 : i32
      scf.yield %scan3A_691 : i32
    }
    %scan3A_133 = arith.constant 62 : i32
    %dma_wait3A_134 = arith.constant 0 : i32
    %dma_wait3A_135 = arith.constant 0 : i32
    %dma_wait3A_136 = arith.constant 0 : i32
    %dma_wait3A_137 = tpu.memref_slice %arg15[%dma_wait3A_135, %dma_wait3A_136] : memref<160x128xf32, #tpu.memory_space<vmem>> -> memref<40x128xf32, #tpu.memory_space<vmem>>
    %dma_wait3A_138 = arith.constant 0 : i32
    %dma_wait3A_139 = arith.constant 0 : i32
    %dma_wait3A_140 = tpu.memref_slice %arg2[%dma_wait3A_138, %dma_wait3A_139] : memref<10000x128xf32, #tpu.memory_space<hbm>> -> memref<10000x128xf32, #tpu.memory_space<hbm>>
    %dma_wait3A_141 = tpu.memref_slice %arg20[%dma_wait3A_134] : memref<4x!tpu.dma_semaphore, #tpu.memory_space<semaphore_mem>> -> memref<1x!tpu.dma_semaphore, #tpu.memory_space<semaphore_mem>>
    %dma_wait3A_142 = tpu.memref_squeeze %dma_wait3A_141 : memref<1x!tpu.dma_semaphore, #tpu.memory_space<semaphore_mem>> -> memref<!tpu.dma_semaphore, #tpu.memory_space<semaphore_mem>>
    tpu.wait_indirect_dma semaphore(%dma_wait3A_142 : memref<!tpu.dma_semaphore, #tpu.memory_space<semaphore_mem>>) src(%dma_wait3A_140 : memref<10000x128xf32, #tpu.memory_space<hbm>>) dst(%dma_wait3A_137 : memref<40x128xf32, #tpu.memory_space<vmem>>)
    %dma_wait3A_143 = arith.constant 0 : i32
    %dma_wait3A_144 = arith.constant 0 : i32
    %dma_wait3A_145 = arith.constant 0 : i32
    %dma_wait3A_146 = tpu.memref_slice %arg16[%dma_wait3A_144, %dma_wait3A_145] : memref<80x128xf32, #tpu.memory_space<vmem>> -> memref<40x128xf32, #tpu.memory_space<vmem>>
    %dma_wait3A_147 = arith.constant 0 : i32
    %dma_wait3A_148 = tpu.memref_slice %arg3[%mul3A_2, %dma_wait3A_147] : memref<320000x128xf32, #tpu.memory_space<hbm>> -> memref<40x128xf32, #tpu.memory_space<hbm>>
    %dma_wait3A_149 = tpu.memref_slice %arg21[%dma_wait3A_143] : memref<2x!tpu.dma_semaphore, #tpu.memory_space<semaphore_mem>> -> memref<1x!tpu.dma_semaphore, #tpu.memory_space<semaphore_mem>>
    %dma_wait3A_150 = tpu.memref_squeeze %dma_wait3A_149 : memref<1x!tpu.dma_semaphore, #tpu.memory_space<semaphore_mem>> -> memref<!tpu.dma_semaphore, #tpu.memory_space<semaphore_mem>>
    %dma_wait3A_151 = arith.constant 0 : i32
    %dma_wait3A_152 = arith.constant 0 : i32
    %dma_wait3A_153 = tpu.memref_slice %arg16[%dma_wait3A_151, %dma_wait3A_152] : memref<80x128xf32, #tpu.memory_space<vmem>> -> memref<40x128xf32, #tpu.memory_space<vmem>>
    %dma_wait3A_154 = arith.constant 0 : i32
    %dma_wait3A_155 = tpu.memref_slice %arg3[%mul3A_2, %dma_wait3A_154] : memref<320000x128xf32, #tpu.memory_space<hbm>> -> memref<40x128xf32, #tpu.memory_space<hbm>>
    tpu.wait_dma2 semaphore(%dma_wait3A_150 : memref<!tpu.dma_semaphore, #tpu.memory_space<semaphore_mem>>) src(%dma_wait3A_155 : memref<40x128xf32, #tpu.memory_space<hbm>>) dst(%dma_wait3A_153 : memref<40x128xf32, #tpu.memory_space<vmem>>)
    %scan3A_156 = arith.constant 0 : i32
    %scan3A_157 = arith.constant 0 : i32
    %scan3A_158 = arith.constant 40 : i32
    %scan3A_159 = arith.addi %scan3A_157, %scan3A_158 : i32
    %scan3A_160 = arith.constant 1 : i32
    %scan3A_161 = scf.for %scan3A_263 = %scan3A_157 to %scan3A_159 step %scan3A_160 iter_args(%scan3A_264 = %scan3A_156) -> (i32)  : i32 {
      %add3A_265 = arith.constant 0 : i32
      %add3A_266 = arith.addi %add3A_265, %scan3A_263 : i32
      %get3A = arith.index_cast %add3A_266 : i32 to index
      %get3A_267 = arith.constant 0 : index
      %get3A_268 = tpu.vector_load %arg15[%get3A, %get3A_267] {strides = array<i32>} : memref<160x128xf32, #tpu.memory_space<vmem>>, vector<1x16xf32>,
      %get3A_269 = vector.shape_cast %get3A_268 : vector<1x16xf32> to vector<16xf32>
      %add3A_270 = arith.constant 0 : i32
      %add3A_271 = arith.addi %add3A_270, %scan3A_263 : i32
      %get3A_272 = arith.index_cast %add3A_271 : i32 to index
      %get3A_273 = arith.constant 0 : index
      %get3A_274 = tpu.vector_load %arg16[%get3A_272, %get3A_273] {strides = array<i32>} : memref<80x128xf32, #tpu.memory_space<vmem>>, vector<1x16xf32>,
      %get3A_275 = vector.shape_cast %get3A_274 : vector<1x16xf32> to vector<16xf32>
      %add3A_276 = arith.addf %get3A_269, %get3A_275 : vector<16xf32>
      %max3A = arith.constant 0.000000e+00 : f32
      %max3A_277 = vector.broadcast %max3A : f32 to vector<16xf32>
      %max3A_278 = arith.maximumf %add3A_276, %max3A_277 : vector<16xf32>
      %add3A_279 = arith.constant 0 : i32
      %add3A_280 = arith.addi %add3A_279, %scan3A_263 : i32
      %swap3A = arith.index_cast %add3A_280 : i32 to index
      %swap3A_281 = arith.constant 0 : index
      %swap3A_282 = tpu.vector_load %arg15[%swap3A, %swap3A_281] {strides = array<i32>} : memref<160x128xf32, #tpu.memory_space<vmem>>, vector<1x16xf32>,
      %swap3A_283 = vector.shape_cast %swap3A_282 : vector<1x16xf32> to vector<16xf32>
      %swap3A_284 = vector.shape_cast %max3A_278 : vector<16xf32> to vector<1x16xf32>
      tpu.vector_store %arg15[%swap3A, %swap3A_281], %swap3A_284 {strides = array<i32>} : memref<160x128xf32, #tpu.memory_space<vmem>>, vector<1x16xf32>,
      %add3A_285 = arith.constant 0 : i32
      %add3A_286 = arith.addi %add3A_285, %scan3A_263 : i32
      %get3A_287 = arith.index_cast %add3A_286 : i32 to index
      %get3A_288 = arith.constant 16 : index
      %get3A_289 = tpu.vector_load %arg15[%get3A_287, %get3A_288] {strides = array<i32>} : memref<160x128xf32, #tpu.memory_space<vmem>>, vector<1x16xf32>,
      %get3A_290 = vector.shape_cast %get3A_289 : vector<1x16xf32> to vector<16xf32>
      %add3A_291 = arith.constant 0 : i32
      %add3A_292 = arith.addi %add3A_291, %scan3A_263 : i32
      %get3A_293 = arith.index_cast %add3A_292 : i32 to index
      %get3A_294 = arith.constant 16 : index
      %get3A_295 = tpu.vector_load %arg16[%get3A_293, %get3A_294] {strides = array<i32>} : memref<80x128xf32, #tpu.memory_space<vmem>>, vector<1x16xf32>,
      %get3A_296 = vector.shape_cast %get3A_295 : vector<1x16xf32> to vector<16xf32>
      %add3A_297 = arith.addf %get3A_290, %get3A_296 : vector<16xf32>
      %max3A_298 = arith.constant 0.000000e+00 : f32
      %max3A_299 = vector.broadcast %max3A_298 : f32 to vector<16xf32>
      %max3A_300 = arith.maximumf %add3A_297, %max3A_299 : vector<16xf32>
      %add3A_301 = arith.constant 0 : i32
      %add3A_302 = arith.addi %add3A_301, %scan3A_263 : i32
      %swap3A_303 = arith.index_cast %add3A_302 : i32 to index
      %swap3A_304 = arith.constant 16 : index
      %swap3A_305 = tpu.vector_load %arg15[%swap3A_303, %swap3A_304] {strides = array<i32>} : memref<160x128xf32, #tpu.memory_space<vmem>>, vector<1x16xf32>,
      %swap3A_306 = vector.shape_cast %swap3A_305 : vector<1x16xf32> to vector<16xf32>
      %swap3A_307 = vector.shape_cast %max3A_300 : vector<16xf32> to vector<1x16xf32>
      tpu.vector_store %arg15[%swap3A_303, %swap3A_304], %swap3A_307 {strides = array<i32>} : memref<160x128xf32, #tpu.memory_space<vmem>>, vector<1x16xf32>,
      %add3A_308 = arith.constant 0 : i32
      %add3A_309 = arith.addi %add3A_308, %scan3A_263 : i32
      %get3A_310 = arith.index_cast %add3A_309 : i32 to index
      %get3A_311 = arith.constant 32 : index
      %get3A_312 = tpu.vector_load %arg15[%get3A_310, %get3A_311] {strides = array<i32>} : memref<160x128xf32, #tpu.memory_space<vmem>>, vector<1x16xf32>,
      %get3A_313 = vector.shape_cast %get3A_312 : vector<1x16xf32> to vector<16xf32>
      %add3A_314 = arith.constant 0 : i32
      %add3A_315 = arith.addi %add3A_314, %scan3A_263 : i32
      %get3A_316 = arith.index_cast %add3A_315 : i32 to index
      %get3A_317 = arith.constant 32 : index
      %get3A_318 = tpu.vector_load %arg16[%get3A_316, %get3A_317] {strides = array<i32>} : memref<80x128xf32, #tpu.memory_space<vmem>>, vector<1x16xf32>,
      %get3A_319 = vector.shape_cast %get3A_318 : vector<1x16xf32> to vector<16xf32>
      %add3A_320 = arith.addf %get3A_313, %get3A_319 : vector<16xf32>
      %max3A_321 = arith.constant 0.000000e+00 : f32
      %max3A_322 = vector.broadcast %max3A_321 : f32 to vector<16xf32>
      %max3A_323 = arith.maximumf %add3A_320, %max3A_322 : vector<16xf32>
      %add3A_324 = arith.constant 0 : i32
      %add3A_325 = arith.addi %add3A_324, %scan3A_263 : i32
      %swap3A_326 = arith.index_cast %add3A_325 : i32 to index
      %swap3A_327 = arith.constant 32 : index
      %swap3A_328 = tpu.vector_load %arg15[%swap3A_326, %swap3A_327] {strides = array<i32>} : memref<160x128xf32, #tpu.memory_space<vmem>>, vector<1x16xf32>,
      %swap3A_329 = vector.shape_cast %swap3A_328 : vector<1x16xf32> to vector<16xf32>
      %swap3A_330 = vector.shape_cast %max3A_323 : vector<16xf32> to vector<1x16xf32>
      tpu.vector_store %arg15[%swap3A_326, %swap3A_327], %swap3A_330 {strides = array<i32>} : memref<160x128xf32, #tpu.memory_space<vmem>>, vector<1x16xf32>,
      %add3A_331 = arith.constant 0 : i32
      %add3A_332 = arith.addi %add3A_331, %scan3A_263 : i32
      %get3A_333 = arith.index_cast %add3A_332 : i32 to index
      %get3A_334 = arith.constant 48 : index
      %get3A_335 = tpu.vector_load %arg15[%get3A_333, %get3A_334] {strides = array<i32>} : memref<160x128xf32, #tpu.memory_space<vmem>>, vector<1x16xf32>,
      %get3A_336 = vector.shape_cast %get3A_335 : vector<1x16xf32> to vector<16xf32>
      %add3A_337 = arith.constant 0 : i32
      %add3A_338 = arith.addi %add3A_337, %scan3A_263 : i32
      %get3A_339 = arith.index_cast %add3A_338 : i32 to index
      %get3A_340 = arith.constant 48 : index
      %get3A_341 = tpu.vector_load %arg16[%get3A_339, %get3A_340] {strides = array<i32>} : memref<80x128xf32, #tpu.memory_space<vmem>>, vector<1x16xf32>,
      %get3A_342 = vector.shape_cast %get3A_341 : vector<1x16xf32> to vector<16xf32>
      %add3A_343 = arith.addf %get3A_336, %get3A_342 : vector<16xf32>
      %max3A_344 = arith.constant 0.000000e+00 : f32
      %max3A_345 = vector.broadcast %max3A_344 : f32 to vector<16xf32>
      %max3A_346 = arith.maximumf %add3A_343, %max3A_345 : vector<16xf32>
      %add3A_347 = arith.constant 0 : i32
      %add3A_348 = arith.addi %add3A_347, %scan3A_263 : i32
      %swap3A_349 = arith.index_cast %add3A_348 : i32 to index
      %swap3A_350 = arith.constant 48 : index
      %swap3A_351 = tpu.vector_load %arg15[%swap3A_349, %swap3A_350] {strides = array<i32>} : memref<160x128xf32, #tpu.memory_space<vmem>>, vector<1x16xf32>,
      %swap3A_352 = vector.shape_cast %swap3A_351 : vector<1x16xf32> to vector<16xf32>
      %swap3A_353 = vector.shape_cast %max3A_346 : vector<16xf32> to vector<1x16xf32>
      tpu.vector_store %arg15[%swap3A_349, %swap3A_350], %swap3A_353 {strides = array<i32>} : memref<160x128xf32, #tpu.memory_space<vmem>>, vector<1x16xf32>,
      %add3A_354 = arith.constant 0 : i32
      %add3A_355 = arith.addi %add3A_354, %scan3A_263 : i32
      %get3A_356 = arith.index_cast %add3A_355 : i32 to index
      %get3A_357 = arith.constant 64 : index
      %get3A_358 = tpu.vector_load %arg15[%get3A_356, %get3A_357] {strides = array<i32>} : memref<160x128xf32, #tpu.memory_space<vmem>>, vector<1x16xf32>,
      %get3A_359 = vector.shape_cast %get3A_358 : vector<1x16xf32> to vector<16xf32>
      %add3A_360 = arith.constant 0 : i32
      %add3A_361 = arith.addi %add3A_360, %scan3A_263 : i32
      %get3A_362 = arith.index_cast %add3A_361 : i32 to index
      %get3A_363 = arith.constant 64 : index
      %get3A_364 = tpu.vector_load %arg16[%get3A_362, %get3A_363] {strides = array<i32>} : memref<80x128xf32, #tpu.memory_space<vmem>>, vector<1x16xf32>,
      %get3A_365 = vector.shape_cast %get3A_364 : vector<1x16xf32> to vector<16xf32>
      %add3A_366 = arith.addf %get3A_359, %get3A_365 : vector<16xf32>
      %max3A_367 = arith.constant 0.000000e+00 : f32
      %max3A_368 = vector.broadcast %max3A_367 : f32 to vector<16xf32>
      %max3A_369 = arith.maximumf %add3A_366, %max3A_368 : vector<16xf32>
      %add3A_370 = arith.constant 0 : i32
      %add3A_371 = arith.addi %add3A_370, %scan3A_263 : i32
      %swap3A_372 = arith.index_cast %add3A_371 : i32 to index
      %swap3A_373 = arith.constant 64 : index
      %swap3A_374 = tpu.vector_load %arg15[%swap3A_372, %swap3A_373] {strides = array<i32>} : memref<160x128xf32, #tpu.memory_space<vmem>>, vector<1x16xf32>,
      %swap3A_375 = vector.shape_cast %swap3A_374 : vector<1x16xf32> to vector<16xf32>
      %swap3A_376 = vector.shape_cast %max3A_369 : vector<16xf32> to vector<1x16xf32>
      tpu.vector_store %arg15[%swap3A_372, %swap3A_373], %swap3A_376 {strides = array<i32>} : memref<160x128xf32, #tpu.memory_space<vmem>>, vector<1x16xf32>,
      %add3A_377 = arith.constant 0 : i32
      %add3A_378 = arith.addi %add3A_377, %scan3A_263 : i32
      %get3A_379 = arith.index_cast %add3A_378 : i32 to index
      %get3A_380 = arith.constant 80 : index
      %get3A_381 = tpu.vector_load %arg15[%get3A_379, %get3A_380] {strides = array<i32>} : memref<160x128xf32, #tpu.memory_space<vmem>>, vector<1x16xf32>,
      %get3A_382 = vector.shape_cast %get3A_381 : vector<1x16xf32> to vector<16xf32>
      %add3A_383 = arith.constant 0 : i32
      %add3A_384 = arith.addi %add3A_383, %scan3A_263 : i32
      %get3A_385 = arith.index_cast %add3A_384 : i32 to index
      %get3A_386 = arith.constant 80 : index
      %get3A_387 = tpu.vector_load %arg16[%get3A_385, %get3A_386] {strides = array<i32>} : memref<80x128xf32, #tpu.memory_space<vmem>>, vector<1x16xf32>,
      %get3A_388 = vector.shape_cast %get3A_387 : vector<1x16xf32> to vector<16xf32>
      %add3A_389 = arith.addf %get3A_382, %get3A_388 : vector<16xf32>
      %max3A_390 = arith.constant 0.000000e+00 : f32
      %max3A_391 = vector.broadcast %max3A_390 : f32 to vector<16xf32>
      %max3A_392 = arith.maximumf %add3A_389, %max3A_391 : vector<16xf32>
      %add3A_393 = arith.constant 0 : i32
      %add3A_394 = arith.addi %add3A_393, %scan3A_263 : i32
      %swap3A_395 = arith.index_cast %add3A_394 : i32 to index
      %swap3A_396 = arith.constant 80 : index
      %swap3A_397 = tpu.vector_load %arg15[%swap3A_395, %swap3A_396] {strides = array<i32>} : memref<160x128xf32, #tpu.memory_space<vmem>>, vector<1x16xf32>,
      %swap3A_398 = vector.shape_cast %swap3A_397 : vector<1x16xf32> to vector<16xf32>
      %swap3A_399 = vector.shape_cast %max3A_392 : vector<16xf32> to vector<1x16xf32>
      tpu.vector_store %arg15[%swap3A_395, %swap3A_396], %swap3A_399 {strides = array<i32>} : memref<160x128xf32, #tpu.memory_space<vmem>>, vector<1x16xf32>,
      %add3A_400 = arith.constant 0 : i32
      %add3A_401 = arith.addi %add3A_400, %scan3A_263 : i32
      %get3A_402 = arith.index_cast %add3A_401 : i32 to index
      %get3A_403 = arith.constant 96 : index
      %get3A_404 = tpu.vector_load %arg15[%get3A_402, %get3A_403] {strides = array<i32>} : memref<160x128xf32, #tpu.memory_space<vmem>>, vector<1x16xf32>,
      %get3A_405 = vector.shape_cast %get3A_404 : vector<1x16xf32> to vector<16xf32>
      %add3A_406 = arith.constant 0 : i32
      %add3A_407 = arith.addi %add3A_406, %scan3A_263 : i32
      %get3A_408 = arith.index_cast %add3A_407 : i32 to index
      %get3A_409 = arith.constant 96 : index
      %get3A_410 = tpu.vector_load %arg16[%get3A_408, %get3A_409] {strides = array<i32>} : memref<80x128xf32, #tpu.memory_space<vmem>>, vector<1x16xf32>,
      %get3A_411 = vector.shape_cast %get3A_410 : vector<1x16xf32> to vector<16xf32>
      %add3A_412 = arith.addf %get3A_405, %get3A_411 : vector<16xf32>
      %max3A_413 = arith.constant 0.000000e+00 : f32
      %max3A_414 = vector.broadcast %max3A_413 : f32 to vector<16xf32>
      %max3A_415 = arith.maximumf %add3A_412, %max3A_414 : vector<16xf32>
      %add3A_416 = arith.constant 0 : i32
      %add3A_417 = arith.addi %add3A_416, %scan3A_263 : i32
      %swap3A_418 = arith.index_cast %add3A_417 : i32 to index
      %swap3A_419 = arith.constant 96 : index
      %swap3A_420 = tpu.vector_load %arg15[%swap3A_418, %swap3A_419] {strides = array<i32>} : memref<160x128xf32, #tpu.memory_space<vmem>>, vector<1x16xf32>,
      %swap3A_421 = vector.shape_cast %swap3A_420 : vector<1x16xf32> to vector<16xf32>
      %swap3A_422 = vector.shape_cast %max3A_415 : vector<16xf32> to vector<1x16xf32>
      tpu.vector_store %arg15[%swap3A_418, %swap3A_419], %swap3A_422 {strides = array<i32>} : memref<160x128xf32, #tpu.memory_space<vmem>>, vector<1x16xf32>,
      %add3A_423 = arith.constant 0 : i32
      %add3A_424 = arith.addi %add3A_423, %scan3A_263 : i32
      %get3A_425 = arith.index_cast %add3A_424 : i32 to index
      %get3A_426 = arith.constant 112 : index
      %get3A_427 = tpu.vector_load %arg15[%get3A_425, %get3A_426] {strides = array<i32>} : memref<160x128xf32, #tpu.memory_space<vmem>>, vector<1x16xf32>,
      %get3A_428 = vector.shape_cast %get3A_427 : vector<1x16xf32> to vector<16xf32>
      %add3A_429 = arith.constant 0 : i32
      %add3A_430 = arith.addi %add3A_429, %scan3A_263 : i32
      %get3A_431 = arith.index_cast %add3A_430 : i32 to index
      %get3A_432 = arith.constant 112 : index
      %get3A_433 = tpu.vector_load %arg16[%get3A_431, %get3A_432] {strides = array<i32>} : memref<80x128xf32, #tpu.memory_space<vmem>>, vector<1x16xf32>,
      %get3A_434 = vector.shape_cast %get3A_433 : vector<1x16xf32> to vector<16xf32>
      %add3A_435 = arith.addf %get3A_428, %get3A_434 : vector<16xf32>
      %max3A_436 = arith.constant 0.000000e+00 : f32
      %max3A_437 = vector.broadcast %max3A_436 : f32 to vector<16xf32>
      %max3A_438 = arith.maximumf %add3A_435, %max3A_437 : vector<16xf32>
      %add3A_439 = arith.constant 0 : i32
      %add3A_440 = arith.addi %add3A_439, %scan3A_263 : i32
      %swap3A_441 = arith.index_cast %add3A_440 : i32 to index
      %swap3A_442 = arith.constant 112 : index
      %swap3A_443 = tpu.vector_load %arg15[%swap3A_441, %swap3A_442] {strides = array<i32>} : memref<160x128xf32, #tpu.memory_space<vmem>>, vector<1x16xf32>,
      %swap3A_444 = vector.shape_cast %swap3A_443 : vector<1x16xf32> to vector<16xf32>
      %swap3A_445 = vector.shape_cast %max3A_438 : vector<16xf32> to vector<1x16xf32>
      tpu.vector_store %arg15[%swap3A_441, %swap3A_442], %swap3A_445 {strides = array<i32>} : memref<160x128xf32, #tpu.memory_space<vmem>>, vector<1x16xf32>,
      %scan3A_446 = arith.constant 0 : i32
      scf.yield %scan3A_446 : i32
    }
    %scan3A_162 = arith.constant 40 : i32
    %add3A_163 = arith.constant 9920 : i32
    %add3A_164 = arith.addi %mul3A_2, %add3A_163 : i32
    %dma_wait3A_165 = arith.constant 0 : i32
    %dma_wait3A_166 = tpu.memref_slice %arg5[%add3A_164] : memref<320000xi32, #tpu.memory_space<hbm>> -> memref<40xi32, #tpu.memory_space<hbm>>
    %dma_wait3A_167 = tpu.memref_slice %arg19[%dma_wait3A_165] : memref<4x!tpu.dma_semaphore, #tpu.memory_space<semaphore_mem>> -> memref<1x!tpu.dma_semaphore, #tpu.memory_space<semaphore_mem>>
    %dma_wait3A_168 = tpu.memref_squeeze %dma_wait3A_167 : memref<1x!tpu.dma_semaphore, #tpu.memory_space<semaphore_mem>> -> memref<!tpu.dma_semaphore, #tpu.memory_space<semaphore_mem>>
    %dma_wait3A_169 = tpu.memref_slice %arg5[%add3A_164] : memref<320000xi32, #tpu.memory_space<hbm>> -> memref<40xi32, #tpu.memory_space<hbm>>
    tpu.wait_dma2 semaphore(%dma_wait3A_168 : memref<!tpu.dma_semaphore, #tpu.memory_space<semaphore_mem>>) src(%dma_wait3A_169 : memref<40xi32, #tpu.memory_space<hbm>>) dst(%arg11 : memref<40xi32, #tpu.memory_space<vmem>>)
    %dma_start3A_170 = arith.constant 0 : i32
    %dma_start3A_171 = arith.constant 0 : i32
    %dma_start3A_172 = arith.constant 0 : i32
    %dma_start3A_173 = tpu.memref_slice %arg15[%dma_start3A_171, %dma_start3A_172] : memref<160x128xf32, #tpu.memory_space<vmem>> -> memref<40x128xf32, #tpu.memory_space<vmem>>
    %dma_start3A_174 = arith.constant 0 : i32
    %dma_start3A_175 = arith.constant 0 : i32
    %dma_start3A_176 = tpu.memref_slice %arg17[%dma_start3A_174, %dma_start3A_175] : memref<10240x128xf32, #tpu.memory_space<vmem_shared>> -> memref<10240x128xf32, #tpu.memory_space<vmem_shared>>
    %dma_start3A_177 = tpu.memref_slice %arg22[%dma_start3A_170] : memref<4x!tpu.dma_semaphore, #tpu.memory_space<semaphore_mem>> -> memref<1x!tpu.dma_semaphore, #tpu.memory_space<semaphore_mem>>
    %dma_start3A_178 = tpu.memref_squeeze %dma_start3A_177 : memref<1x!tpu.dma_semaphore, #tpu.memory_space<semaphore_mem>> -> memref<!tpu.dma_semaphore, #tpu.memory_space<semaphore_mem>>
    tpu.enqueue_indirect_dma source(%dma_start3A_173 : memref<40x128xf32, #tpu.memory_space<vmem>>) target(%dma_start3A_176 : memref<10240x128xf32, #tpu.memory_space<vmem_shared>>) offsets(%arg11 : memref<40xi32, #tpu.memory_space<vmem>>) semaphore(%dma_start3A_178 : memref<!tpu.dma_semaphore, #tpu.memory_space<semaphore_mem>>) {add = true}
    %dma_wait3A_179 = arith.constant 1 : i32
    %dma_wait3A_180 = arith.constant 40 : i32
    %dma_wait3A_181 = arith.constant 0 : i32
    %dma_wait3A_182 = tpu.memref_slice %arg15[%dma_wait3A_180, %dma_wait3A_181] : memref<160x128xf32, #tpu.memory_space<vmem>> -> memref<40x128xf32, #tpu.memory_space<vmem>>
    %dma_wait3A_183 = arith.constant 0 : i32
    %dma_wait3A_184 = arith.constant 0 : i32
    %dma_wait3A_185 = tpu.memref_slice %arg2[%dma_wait3A_183, %dma_wait3A_184] : memref<10000x128xf32, #tpu.memory_space<hbm>> -> memref<10000x128xf32, #tpu.memory_space<hbm>>
    %dma_wait3A_186 = tpu.memref_slice %arg20[%dma_wait3A_179] : memref<4x!tpu.dma_semaphore, #tpu.memory_space<semaphore_mem>> -> memref<1x!tpu.dma_semaphore, #tpu.memory_space<semaphore_mem>>
    %dma_wait3A_187 = tpu.memref_squeeze %dma_wait3A_186 : memref<1x!tpu.dma_semaphore, #tpu.memory_space<semaphore_mem>> -> memref<!tpu.dma_semaphore, #tpu.memory_space<semaphore_mem>>
    tpu.wait_indirect_dma semaphore(%dma_wait3A_187 : memref<!tpu.dma_semaphore, #tpu.memory_space<semaphore_mem>>) src(%dma_wait3A_185 : memref<10000x128xf32, #tpu.memory_space<hbm>>) dst(%dma_wait3A_182 : memref<40x128xf32, #tpu.memory_space<vmem>>)
    %dma_wait3A_188 = arith.constant 1 : i32
    %dma_wait3A_189 = arith.constant 40 : i32
    %dma_wait3A_190 = arith.constant 0 : i32
    %dma_wait3A_191 = tpu.memref_slice %arg16[%dma_wait3A_189, %dma_wait3A_190] : memref<80x128xf32, #tpu.memory_space<vmem>> -> memref<40x128xf32, #tpu.memory_space<vmem>>
    %dma_wait3A_192 = arith.constant 0 : i32
    %dma_wait3A_193 = tpu.memref_slice %arg3[%mul3A_2, %dma_wait3A_192] : memref<320000x128xf32, #tpu.memory_space<hbm>> -> memref<40x128xf32, #tpu.memory_space<hbm>>
    %dma_wait3A_194 = tpu.memref_slice %arg21[%dma_wait3A_188] : memref<2x!tpu.dma_semaphore, #tpu.memory_space<semaphore_mem>> -> memref<1x!tpu.dma_semaphore, #tpu.memory_space<semaphore_mem>>
    %dma_wait3A_195 = tpu.memref_squeeze %dma_wait3A_194 : memref<1x!tpu.dma_semaphore, #tpu.memory_space<semaphore_mem>> -> memref<!tpu.dma_semaphore, #tpu.memory_space<semaphore_mem>>
    %dma_wait3A_196 = arith.constant 40 : i32
    %dma_wait3A_197 = arith.constant 0 : i32
    %dma_wait3A_198 = tpu.memref_slice %arg16[%dma_wait3A_196, %dma_wait3A_197] : memref<80x128xf32, #tpu.memory_space<vmem>> -> memref<40x128xf32, #tpu.memory_space<vmem>>
    %dma_wait3A_199 = arith.constant 0 : i32
    %dma_wait3A_200 = tpu.memref_slice %arg3[%mul3A_2, %dma_wait3A_199] : memref<320000x128xf32, #tpu.memory_space<hbm>> -> memref<40x128xf32, #tpu.memory_space<hbm>>
    tpu.wait_dma2 semaphore(%dma_wait3A_195 : memref<!tpu.dma_semaphore, #tpu.memory_space<semaphore_mem>>) src(%dma_wait3A_200 : memref<40x128xf32, #tpu.memory_space<hbm>>) dst(%dma_wait3A_198 : memref<40x128xf32, #tpu.memory_space<vmem>>)
    %scan3A_201 = arith.constant 0 : i32
    %scan3A_202 = arith.constant 0 : i32
    %scan3A_203 = arith.constant 40 : i32
    %scan3A_204 = arith.addi %scan3A_202, %scan3A_203 : i32
    %scan3A_205 = arith.constant 1 : i32
    %scan3A_206 = scf.for %scan3A_263 = %scan3A_202 to %scan3A_204 step %scan3A_205 iter_args(%scan3A_264 = %scan3A_201) -> (i32)  : i32 {
      %add3A_265 = arith.constant 40 : i32
      %add3A_266 = arith.addi %add3A_265, %scan3A_263 : i32
      %get3A = arith.index_cast %add3A_266 : i32 to index
      %get3A_267 = arith.constant 0 : index
      %get3A_268 = tpu.vector_load %arg15[%get3A, %get3A_267] {strides = array<i32>} : memref<160x128xf32, #tpu.memory_space<vmem>>, vector<1x16xf32>,
      %get3A_269 = vector.shape_cast %get3A_268 : vector<1x16xf32> to vector<16xf32>
      %add3A_270 = arith.constant 40 : i32
      %add3A_271 = arith.addi %add3A_270, %scan3A_263 : i32
      %get3A_272 = arith.index_cast %add3A_271 : i32 to index
      %get3A_273 = arith.constant 0 : index
      %get3A_274 = tpu.vector_load %arg16[%get3A_272, %get3A_273] {strides = array<i32>} : memref<80x128xf32, #tpu.memory_space<vmem>>, vector<1x16xf32>,
      %get3A_275 = vector.shape_cast %get3A_274 : vector<1x16xf32> to vector<16xf32>
      %add3A_276 = arith.addf %get3A_269, %get3A_275 : vector<16xf32>
      %max3A = arith.constant 0.000000e+00 : f32
      %max3A_277 = vector.broadcast %max3A : f32 to vector<16xf32>
      %max3A_278 = arith.maximumf %add3A_276, %max3A_277 : vector<16xf32>
      %add3A_279 = arith.constant 40 : i32
      %add3A_280 = arith.addi %add3A_279, %scan3A_263 : i32
      %swap3A = arith.index_cast %add3A_280 : i32 to index
      %swap3A_281 = arith.constant 0 : index
      %swap3A_282 = tpu.vector_load %arg15[%swap3A, %swap3A_281] {strides = array<i32>} : memref<160x128xf32, #tpu.memory_space<vmem>>, vector<1x16xf32>,
      %swap3A_283 = vector.shape_cast %swap3A_282 : vector<1x16xf32> to vector<16xf32>
      %swap3A_284 = vector.shape_cast %max3A_278 : vector<16xf32> to vector<1x16xf32>
      tpu.vector_store %arg15[%swap3A, %swap3A_281], %swap3A_284 {strides = array<i32>} : memref<160x128xf32, #tpu.memory_space<vmem>>, vector<1x16xf32>,
      %add3A_285 = arith.constant 40 : i32
      %add3A_286 = arith.addi %add3A_285, %scan3A_263 : i32
      %get3A_287 = arith.index_cast %add3A_286 : i32 to index
      %get3A_288 = arith.constant 16 : index
      %get3A_289 = tpu.vector_load %arg15[%get3A_287, %get3A_288] {strides = array<i32>} : memref<160x128xf32, #tpu.memory_space<vmem>>, vector<1x16xf32>,
      %get3A_290 = vector.shape_cast %get3A_289 : vector<1x16xf32> to vector<16xf32>
      %add3A_291 = arith.constant 40 : i32
      %add3A_292 = arith.addi %add3A_291, %scan3A_263 : i32
      %get3A_293 = arith.index_cast %add3A_292 : i32 to index
      %get3A_294 = arith.constant 16 : index
      %get3A_295 = tpu.vector_load %arg16[%get3A_293, %get3A_294] {strides = array<i32>} : memref<80x128xf32, #tpu.memory_space<vmem>>, vector<1x16xf32>,
      %get3A_296 = vector.shape_cast %get3A_295 : vector<1x16xf32> to vector<16xf32>
      %add3A_297 = arith.addf %get3A_290, %get3A_296 : vector<16xf32>
      %max3A_298 = arith.constant 0.000000e+00 : f32
      %max3A_299 = vector.broadcast %max3A_298 : f32 to vector<16xf32>
      %max3A_300 = arith.maximumf %add3A_297, %max3A_299 : vector<16xf32>
      %add3A_301 = arith.constant 40 : i32
      %add3A_302 = arith.addi %add3A_301, %scan3A_263 : i32
      %swap3A_303 = arith.index_cast %add3A_302 : i32 to index
      %swap3A_304 = arith.constant 16 : index
      %swap3A_305 = tpu.vector_load %arg15[%swap3A_303, %swap3A_304] {strides = array<i32>} : memref<160x128xf32, #tpu.memory_space<vmem>>, vector<1x16xf32>,
      %swap3A_306 = vector.shape_cast %swap3A_305 : vector<1x16xf32> to vector<16xf32>
      %swap3A_307 = vector.shape_cast %max3A_300 : vector<16xf32> to vector<1x16xf32>
      tpu.vector_store %arg15[%swap3A_303, %swap3A_304], %swap3A_307 {strides = array<i32>} : memref<160x128xf32, #tpu.memory_space<vmem>>, vector<1x16xf32>,
      %add3A_308 = arith.constant 40 : i32
      %add3A_309 = arith.addi %add3A_308, %scan3A_263 : i32
      %get3A_310 = arith.index_cast %add3A_309 : i32 to index
      %get3A_311 = arith.constant 32 : index
      %get3A_312 = tpu.vector_load %arg15[%get3A_310, %get3A_311] {strides = array<i32>} : memref<160x128xf32, #tpu.memory_space<vmem>>, vector<1x16xf32>,
      %get3A_313 = vector.shape_cast %get3A_312 : vector<1x16xf32> to vector<16xf32>
      %add3A_314 = arith.constant 40 : i32
      %add3A_315 = arith.addi %add3A_314, %scan3A_263 : i32
      %get3A_316 = arith.index_cast %add3A_315 : i32 to index
      %get3A_317 = arith.constant 32 : index
      %get3A_318 = tpu.vector_load %arg16[%get3A_316, %get3A_317] {strides = array<i32>} : memref<80x128xf32, #tpu.memory_space<vmem>>, vector<1x16xf32>,
      %get3A_319 = vector.shape_cast %get3A_318 : vector<1x16xf32> to vector<16xf32>
      %add3A_320 = arith.addf %get3A_313, %get3A_319 : vector<16xf32>
      %max3A_321 = arith.constant 0.000000e+00 : f32
      %max3A_322 = vector.broadcast %max3A_321 : f32 to vector<16xf32>
      %max3A_323 = arith.maximumf %add3A_320, %max3A_322 : vector<16xf32>
      %add3A_324 = arith.constant 40 : i32
      %add3A_325 = arith.addi %add3A_324, %scan3A_263 : i32
      %swap3A_326 = arith.index_cast %add3A_325 : i32 to index
      %swap3A_327 = arith.constant 32 : index
      %swap3A_328 = tpu.vector_load %arg15[%swap3A_326, %swap3A_327] {strides = array<i32>} : memref<160x128xf32, #tpu.memory_space<vmem>>, vector<1x16xf32>,
      %swap3A_329 = vector.shape_cast %swap3A_328 : vector<1x16xf32> to vector<16xf32>
      %swap3A_330 = vector.shape_cast %max3A_323 : vector<16xf32> to vector<1x16xf32>
      tpu.vector_store %arg15[%swap3A_326, %swap3A_327], %swap3A_330 {strides = array<i32>} : memref<160x128xf32, #tpu.memory_space<vmem>>, vector<1x16xf32>,
      %add3A_331 = arith.constant 40 : i32
      %add3A_332 = arith.addi %add3A_331, %scan3A_263 : i32
      %get3A_333 = arith.index_cast %add3A_332 : i32 to index
      %get3A_334 = arith.constant 48 : index
      %get3A_335 = tpu.vector_load %arg15[%get3A_333, %get3A_334] {strides = array<i32>} : memref<160x128xf32, #tpu.memory_space<vmem>>, vector<1x16xf32>,
      %get3A_336 = vector.shape_cast %get3A_335 : vector<1x16xf32> to vector<16xf32>
      %add3A_337 = arith.constant 40 : i32
      %add3A_338 = arith.addi %add3A_337, %scan3A_263 : i32
      %get3A_339 = arith.index_cast %add3A_338 : i32 to index
      %get3A_340 = arith.constant 48 : index
      %get3A_341 = tpu.vector_load %arg16[%get3A_339, %get3A_340] {strides = array<i32>} : memref<80x128xf32, #tpu.memory_space<vmem>>, vector<1x16xf32>,
      %get3A_342 = vector.shape_cast %get3A_341 : vector<1x16xf32> to vector<16xf32>
      %add3A_343 = arith.addf %get3A_336, %get3A_342 : vector<16xf32>
      %max3A_344 = arith.constant 0.000000e+00 : f32
      %max3A_345 = vector.broadcast %max3A_344 : f32 to vector<16xf32>
      %max3A_346 = arith.maximumf %add3A_343, %max3A_345 : vector<16xf32>
      %add3A_347 = arith.constant 40 : i32
      %add3A_348 = arith.addi %add3A_347, %scan3A_263 : i32
      %swap3A_349 = arith.index_cast %add3A_348 : i32 to index
      %swap3A_350 = arith.constant 48 : index
      %swap3A_351 = tpu.vector_load %arg15[%swap3A_349, %swap3A_350] {strides = array<i32>} : memref<160x128xf32, #tpu.memory_space<vmem>>, vector<1x16xf32>,
      %swap3A_352 = vector.shape_cast %swap3A_351 : vector<1x16xf32> to vector<16xf32>
      %swap3A_353 = vector.shape_cast %max3A_346 : vector<16xf32> to vector<1x16xf32>
      tpu.vector_store %arg15[%swap3A_349, %swap3A_350], %swap3A_353 {strides = array<i32>} : memref<160x128xf32, #tpu.memory_space<vmem>>, vector<1x16xf32>,
      %add3A_354 = arith.constant 40 : i32
      %add3A_355 = arith.addi %add3A_354, %scan3A_263 : i32
      %get3A_356 = arith.index_cast %add3A_355 : i32 to index
      %get3A_357 = arith.constant 64 : index
      %get3A_358 = tpu.vector_load %arg15[%get3A_356, %get3A_357] {strides = array<i32>} : memref<160x128xf32, #tpu.memory_space<vmem>>, vector<1x16xf32>,
      %get3A_359 = vector.shape_cast %get3A_358 : vector<1x16xf32> to vector<16xf32>
      %add3A_360 = arith.constant 40 : i32
      %add3A_361 = arith.addi %add3A_360, %scan3A_263 : i32
      %get3A_362 = arith.index_cast %add3A_361 : i32 to index
      %get3A_363 = arith.constant 64 : index
      %get3A_364 = tpu.vector_load %arg16[%get3A_362, %get3A_363] {strides = array<i32>} : memref<80x128xf32, #tpu.memory_space<vmem>>, vector<1x16xf32>,
      %get3A_365 = vector.shape_cast %get3A_364 : vector<1x16xf32> to vector<16xf32>
      %add3A_366 = arith.addf %get3A_359, %get3A_365 : vector<16xf32>
      %max3A_367 = arith.constant 0.000000e+00 : f32
      %max3A_368 = vector.broadcast %max3A_367 : f32 to vector<16xf32>
      %max3A_369 = arith.maximumf %add3A_366, %max3A_368 : vector<16xf32>
      %add3A_370 = arith.constant 40 : i32
      %add3A_371 = arith.addi %add3A_370, %scan3A_263 : i32
      %swap3A_372 = arith.index_cast %add3A_371 : i32 to index
      %swap3A_373 = arith.constant 64 : index
      %swap3A_374 = tpu.vector_load %arg15[%swap3A_372, %swap3A_373] {strides = array<i32>} : memref<160x128xf32, #tpu.memory_space<vmem>>, vector<1x16xf32>,
      %swap3A_375 = vector.shape_cast %swap3A_374 : vector<1x16xf32> to vector<16xf32>
      %swap3A_376 = vector.shape_cast %max3A_369 : vector<16xf32> to vector<1x16xf32>
      tpu.vector_store %arg15[%swap3A_372, %swap3A_373], %swap3A_376 {strides = array<i32>} : memref<160x128xf32, #tpu.memory_space<vmem>>, vector<1x16xf32>,
      %add3A_377 = arith.constant 40 : i32
      %add3A_378 = arith.addi %add3A_377, %scan3A_263 : i32
      %get3A_379 = arith.index_cast %add3A_378 : i32 to index
      %get3A_380 = arith.constant 80 : index
      %get3A_381 = tpu.vector_load %arg15[%get3A_379, %get3A_380] {strides = array<i32>} : memref<160x128xf32, #tpu.memory_space<vmem>>, vector<1x16xf32>,
      %get3A_382 = vector.shape_cast %get3A_381 : vector<1x16xf32> to vector<16xf32>
      %add3A_383 = arith.constant 40 : i32
      %add3A_384 = arith.addi %add3A_383, %scan3A_263 : i32
      %get3A_385 = arith.index_cast %add3A_384 : i32 to index
      %get3A_386 = arith.constant 80 : index
      %get3A_387 = tpu.vector_load %arg16[%get3A_385, %get3A_386] {strides = array<i32>} : memref<80x128xf32, #tpu.memory_space<vmem>>, vector<1x16xf32>,
      %get3A_388 = vector.shape_cast %get3A_387 : vector<1x16xf32> to vector<16xf32>
      %add3A_389 = arith.addf %get3A_382, %get3A_388 : vector<16xf32>
      %max3A_390 = arith.constant 0.000000e+00 : f32
      %max3A_391 = vector.broadcast %max3A_390 : f32 to vector<16xf32>
      %max3A_392 = arith.maximumf %add3A_389, %max3A_391 : vector<16xf32>
      %add3A_393 = arith.constant 40 : i32
      %add3A_394 = arith.addi %add3A_393, %scan3A_263 : i32
      %swap3A_395 = arith.index_cast %add3A_394 : i32 to index
      %swap3A_396 = arith.constant 80 : index
      %swap3A_397 = tpu.vector_load %arg15[%swap3A_395, %swap3A_396] {strides = array<i32>} : memref<160x128xf32, #tpu.memory_space<vmem>>, vector<1x16xf32>,
      %swap3A_398 = vector.shape_cast %swap3A_397 : vector<1x16xf32> to vector<16xf32>
      %swap3A_399 = vector.shape_cast %max3A_392 : vector<16xf32> to vector<1x16xf32>
      tpu.vector_store %arg15[%swap3A_395, %swap3A_396], %swap3A_399 {strides = array<i32>} : memref<160x128xf32, #tpu.memory_space<vmem>>, vector<1x16xf32>,
      %add3A_400 = arith.constant 40 : i32
      %add3A_401 = arith.addi %add3A_400, %scan3A_263 : i32
      %get3A_402 = arith.index_cast %add3A_401 : i32 to index
      %get3A_403 = arith.constant 96 : index
      %get3A_404 = tpu.vector_load %arg15[%get3A_402, %get3A_403] {strides = array<i32>} : memref<160x128xf32, #tpu.memory_space<vmem>>, vector<1x16xf32>,
      %get3A_405 = vector.shape_cast %get3A_404 : vector<1x16xf32> to vector<16xf32>
      %add3A_406 = arith.constant 40 : i32
      %add3A_407 = arith.addi %add3A_406, %scan3A_263 : i32
      %get3A_408 = arith.index_cast %add3A_407 : i32 to index
      %get3A_409 = arith.constant 96 : index
      %get3A_410 = tpu.vector_load %arg16[%get3A_408, %get3A_409] {strides = array<i32>} : memref<80x128xf32, #tpu.memory_space<vmem>>, vector<1x16xf32>,
      %get3A_411 = vector.shape_cast %get3A_410 : vector<1x16xf32> to vector<16xf32>
      %add3A_412 = arith.addf %get3A_405, %get3A_411 : vector<16xf32>
      %max3A_413 = arith.constant 0.000000e+00 : f32
      %max3A_414 = vector.broadcast %max3A_413 : f32 to vector<16xf32>
      %max3A_415 = arith.maximumf %add3A_412, %max3A_414 : vector<16xf32>
      %add3A_416 = arith.constant 40 : i32
      %add3A_417 = arith.addi %add3A_416, %scan3A_263 : i32
      %swap3A_418 = arith.index_cast %add3A_417 : i32 to index
      %swap3A_419 = arith.constant 96 : index
      %swap3A_420 = tpu.vector_load %arg15[%swap3A_418, %swap3A_419] {strides = array<i32>} : memref<160x128xf32, #tpu.memory_space<vmem>>, vector<1x16xf32>,
      %swap3A_421 = vector.shape_cast %swap3A_420 : vector<1x16xf32> to vector<16xf32>
      %swap3A_422 = vector.shape_cast %max3A_415 : vector<16xf32> to vector<1x16xf32>
      tpu.vector_store %arg15[%swap3A_418, %swap3A_419], %swap3A_422 {strides = array<i32>} : memref<160x128xf32, #tpu.memory_space<vmem>>, vector<1x16xf32>,
      %add3A_423 = arith.constant 40 : i32
      %add3A_424 = arith.addi %add3A_423, %scan3A_263 : i32
      %get3A_425 = arith.index_cast %add3A_424 : i32 to index
      %get3A_426 = arith.constant 112 : index
      %get3A_427 = tpu.vector_load %arg15[%get3A_425, %get3A_426] {strides = array<i32>} : memref<160x128xf32, #tpu.memory_space<vmem>>, vector<1x16xf32>,
      %get3A_428 = vector.shape_cast %get3A_427 : vector<1x16xf32> to vector<16xf32>
      %add3A_429 = arith.constant 40 : i32
      %add3A_430 = arith.addi %add3A_429, %scan3A_263 : i32
      %get3A_431 = arith.index_cast %add3A_430 : i32 to index
      %get3A_432 = arith.constant 112 : index
      %get3A_433 = tpu.vector_load %arg16[%get3A_431, %get3A_432] {strides = array<i32>} : memref<80x128xf32, #tpu.memory_space<vmem>>, vector<1x16xf32>,
      %get3A_434 = vector.shape_cast %get3A_433 : vector<1x16xf32> to vector<16xf32>
      %add3A_435 = arith.addf %get3A_428, %get3A_434 : vector<16xf32>
      %max3A_436 = arith.constant 0.000000e+00 : f32
      %max3A_437 = vector.broadcast %max3A_436 : f32 to vector<16xf32>
      %max3A_438 = arith.maximumf %add3A_435, %max3A_437 : vector<16xf32>
      %add3A_439 = arith.constant 40 : i32
      %add3A_440 = arith.addi %add3A_439, %scan3A_263 : i32
      %swap3A_441 = arith.index_cast %add3A_440 : i32 to index
      %swap3A_442 = arith.constant 112 : index
      %swap3A_443 = tpu.vector_load %arg15[%swap3A_441, %swap3A_442] {strides = array<i32>} : memref<160x128xf32, #tpu.memory_space<vmem>>, vector<1x16xf32>,
      %swap3A_444 = vector.shape_cast %swap3A_443 : vector<1x16xf32> to vector<16xf32>
      %swap3A_445 = vector.shape_cast %max3A_438 : vector<16xf32> to vector<1x16xf32>
      tpu.vector_store %arg15[%swap3A_441, %swap3A_442], %swap3A_445 {strides = array<i32>} : memref<160x128xf32, #tpu.memory_space<vmem>>, vector<1x16xf32>,
      %scan3A_446 = arith.constant 0 : i32
      scf.yield %scan3A_446 : i32
    }
    %scan3A_207 = arith.constant 40 : i32
    %add3A_208 = arith.constant 9960 : i32
    %add3A_209 = arith.addi %mul3A_2, %add3A_208 : i32
    %dma_wait3A_210 = arith.constant 1 : i32
    %dma_wait3A_211 = tpu.memref_slice %arg5[%add3A_209] : memref<320000xi32, #tpu.memory_space<hbm>> -> memref<40xi32, #tpu.memory_space<hbm>>
    %dma_wait3A_212 = tpu.memref_slice %arg19[%dma_wait3A_210] : memref<4x!tpu.dma_semaphore, #tpu.memory_space<semaphore_mem>> -> memref<1x!tpu.dma_semaphore, #tpu.memory_space<semaphore_mem>>
    %dma_wait3A_213 = tpu.memref_squeeze %dma_wait3A_212 : memref<1x!tpu.dma_semaphore, #tpu.memory_space<semaphore_mem>> -> memref<!tpu.dma_semaphore, #tpu.memory_space<semaphore_mem>>
    %dma_wait3A_214 = tpu.memref_slice %arg5[%add3A_209] : memref<320000xi32, #tpu.memory_space<hbm>> -> memref<40xi32, #tpu.memory_space<hbm>>
    tpu.wait_dma2 semaphore(%dma_wait3A_213 : memref<!tpu.dma_semaphore, #tpu.memory_space<semaphore_mem>>) src(%dma_wait3A_214 : memref<40xi32, #tpu.memory_space<hbm>>) dst(%arg12 : memref<40xi32, #tpu.memory_space<vmem>>)
    %dma_start3A_215 = arith.constant 1 : i32
    %dma_start3A_216 = arith.constant 40 : i32
    %dma_start3A_217 = arith.constant 0 : i32
    %dma_start3A_218 = tpu.memref_slice %arg15[%dma_start3A_216, %dma_start3A_217] : memref<160x128xf32, #tpu.memory_space<vmem>> -> memref<40x128xf32, #tpu.memory_space<vmem>>
    %dma_start3A_219 = arith.constant 0 : i32
    %dma_start3A_220 = arith.constant 0 : i32
    %dma_start3A_221 = tpu.memref_slice %arg17[%dma_start3A_219, %dma_start3A_220] : memref<10240x128xf32, #tpu.memory_space<vmem_shared>> -> memref<10240x128xf32, #tpu.memory_space<vmem_shared>>
    %dma_start3A_222 = tpu.memref_slice %arg22[%dma_start3A_215] : memref<4x!tpu.dma_semaphore, #tpu.memory_space<semaphore_mem>> -> memref<1x!tpu.dma_semaphore, #tpu.memory_space<semaphore_mem>>
    %dma_start3A_223 = tpu.memref_squeeze %dma_start3A_222 : memref<1x!tpu.dma_semaphore, #tpu.memory_space<semaphore_mem>> -> memref<!tpu.dma_semaphore, #tpu.memory_space<semaphore_mem>>
    tpu.enqueue_indirect_dma source(%dma_start3A_218 : memref<40x128xf32, #tpu.memory_space<vmem>>) target(%dma_start3A_221 : memref<10240x128xf32, #tpu.memory_space<vmem_shared>>) offsets(%arg12 : memref<40xi32, #tpu.memory_space<vmem>>) semaphore(%dma_start3A_223 : memref<!tpu.dma_semaphore, #tpu.memory_space<semaphore_mem>>) {add = true}
    %dma_wait3A_224 = arith.constant 2 : i32
    %dma_wait3A_225 = arith.constant 80 : i32
    %dma_wait3A_226 = arith.constant 0 : i32
    %dma_wait3A_227 = tpu.memref_slice %arg15[%dma_wait3A_225, %dma_wait3A_226] : memref<160x128xf32, #tpu.memory_space<vmem>> -> memref<40x128xf32, #tpu.memory_space<vmem>>
    %dma_wait3A_228 = arith.constant 0 : i32
    %dma_wait3A_229 = arith.constant 0 : i32
    %dma_wait3A_230 = tpu.memref_slice %arg17[%dma_wait3A_228, %dma_wait3A_229] : memref<10240x128xf32, #tpu.memory_space<vmem_shared>> -> memref<10240x128xf32, #tpu.memory_space<vmem_shared>>
    %dma_wait3A_231 = tpu.memref_slice %arg22[%dma_wait3A_224] : memref<4x!tpu.dma_semaphore, #tpu.memory_space<semaphore_mem>> -> memref<1x!tpu.dma_semaphore, #tpu.memory_space<semaphore_mem>>
    %dma_wait3A_232 = tpu.memref_squeeze %dma_wait3A_231 : memref<1x!tpu.dma_semaphore, #tpu.memory_space<semaphore_mem>> -> memref<!tpu.dma_semaphore, #tpu.memory_space<semaphore_mem>>
    tpu.wait_indirect_dma semaphore(%dma_wait3A_232 : memref<!tpu.dma_semaphore, #tpu.memory_space<semaphore_mem>>) src(%dma_wait3A_227 : memref<40x128xf32, #tpu.memory_space<vmem>>) dst(%dma_wait3A_230 : memref<10240x128xf32, #tpu.memory_space<vmem_shared>>)
    %dma_wait3A_233 = arith.constant 3 : i32
    %dma_wait3A_234 = arith.constant 120 : i32
    %dma_wait3A_235 = arith.constant 0 : i32
    %dma_wait3A_236 = tpu.memref_slice %arg15[%dma_wait3A_234, %dma_wait3A_235] : memref<160x128xf32, #tpu.memory_space<vmem>> -> memref<40x128xf32, #tpu.memory_space<vmem>>
    %dma_wait3A_237 = arith.constant 0 : i32
    %dma_wait3A_238 = arith.constant 0 : i32
    %dma_wait3A_239 = tpu.memref_slice %arg17[%dma_wait3A_237, %dma_wait3A_238] : memref<10240x128xf32, #tpu.memory_space<vmem_shared>> -> memref<10240x128xf32, #tpu.memory_space<vmem_shared>>
    %dma_wait3A_240 = tpu.memref_slice %arg22[%dma_wait3A_233] : memref<4x!tpu.dma_semaphore, #tpu.memory_space<semaphore_mem>> -> memref<1x!tpu.dma_semaphore, #tpu.memory_space<semaphore_mem>>
    %dma_wait3A_241 = tpu.memref_squeeze %dma_wait3A_240 : memref<1x!tpu.dma_semaphore, #tpu.memory_space<semaphore_mem>> -> memref<!tpu.dma_semaphore, #tpu.memory_space<semaphore_mem>>
    tpu.wait_indirect_dma semaphore(%dma_wait3A_241 : memref<!tpu.dma_semaphore, #tpu.memory_space<semaphore_mem>>) src(%dma_wait3A_236 : memref<40x128xf32, #tpu.memory_space<vmem>>) dst(%dma_wait3A_239 : memref<10240x128xf32, #tpu.memory_space<vmem_shared>>)
    %dma_wait3A_242 = arith.constant 0 : i32
    %dma_wait3A_243 = arith.constant 0 : i32
    %dma_wait3A_244 = arith.constant 0 : i32
    %dma_wait3A_245 = tpu.memref_slice %arg15[%dma_wait3A_243, %dma_wait3A_244] : memref<160x128xf32, #tpu.memory_space<vmem>> -> memref<40x128xf32, #tpu.memory_space<vmem>>
    %dma_wait3A_246 = arith.constant 0 : i32
    %dma_wait3A_247 = arith.constant 0 : i32
    %dma_wait3A_248 = tpu.memref_slice %arg17[%dma_wait3A_246, %dma_wait3A_247] : memref<10240x128xf32, #tpu.memory_space<vmem_shared>> -> memref<10240x128xf32, #tpu.memory_space<vmem_shared>>
    %dma_wait3A_249 = tpu.memref_slice %arg22[%dma_wait3A_242] : memref<4x!tpu.dma_semaphore, #tpu.memory_space<semaphore_mem>> -> memref<1x!tpu.dma_semaphore, #tpu.memory_space<semaphore_mem>>
    %dma_wait3A_250 = tpu.memref_squeeze %dma_wait3A_249 : memref<1x!tpu.dma_semaphore, #tpu.memory_space<semaphore_mem>> -> memref<!tpu.dma_semaphore, #tpu.memory_space<semaphore_mem>>
    tpu.wait_indirect_dma semaphore(%dma_wait3A_250 : memref<!tpu.dma_semaphore, #tpu.memory_space<semaphore_mem>>) src(%dma_wait3A_245 : memref<40x128xf32, #tpu.memory_space<vmem>>) dst(%dma_wait3A_248 : memref<10240x128xf32, #tpu.memory_space<vmem_shared>>)
    %dma_wait3A_251 = arith.constant 1 : i32
    %dma_wait3A_252 = arith.constant 40 : i32
    %dma_wait3A_253 = arith.constant 0 : i32
    %dma_wait3A_254 = tpu.memref_slice %arg15[%dma_wait3A_252, %dma_wait3A_253] : memref<160x128xf32, #tpu.memory_space<vmem>> -> memref<40x128xf32, #tpu.memory_space<vmem>>
    %dma_wait3A_255 = arith.constant 0 : i32
    %dma_wait3A_256 = arith.constant 0 : i32
    %dma_wait3A_257 = tpu.memref_slice %arg17[%dma_wait3A_255, %dma_wait3A_256] : memref<10240x128xf32, #tpu.memory_space<vmem_shared>> -> memref<10240x128xf32, #tpu.memory_space<vmem_shared>>
    %dma_wait3A_258 = tpu.memref_slice %arg22[%dma_wait3A_251] : memref<4x!tpu.dma_semaphore, #tpu.memory_space<semaphore_mem>> -> memref<1x!tpu.dma_semaphore, #tpu.memory_space<semaphore_mem>>
    %dma_wait3A_259 = tpu.memref_squeeze %dma_wait3A_258 : memref<1x!tpu.dma_semaphore, #tpu.memory_space<semaphore_mem>> -> memref<!tpu.dma_semaphore, #tpu.memory_space<semaphore_mem>>
    tpu.wait_indirect_dma semaphore(%dma_wait3A_259 : memref<!tpu.dma_semaphore, #tpu.memory_space<semaphore_mem>>) src(%dma_wait3A_254 : memref<40x128xf32, #tpu.memory_space<vmem>>) dst(%dma_wait3A_257 : memref<10240x128xf32, #tpu.memory_space<vmem_shared>>)
    %barrier3A_260 = arith.constant 0 : index
    tpu.barrier barrier_id(%barrier3A_260)
    %mul3A_261 = arith.constant 640 : i32
    %mul3A_262 = arith.muli %arg1, %mul3A_261 : i32
    "tpu.region"() ({
      %run_scoped3A = tpu.sem_alloc : memref<!tpu.dma_semaphore, #tpu.memory_space<semaphore_mem>>
      %dma_start3A_263 = arith.constant 0 : i32
      %dma_start3A_264 = arith.constant 0 : i32
      %dma_start3A_265 = tpu.memref_slice %arg6[%arg0, %dma_start3A_263, %dma_start3A_264] : memref<2x10240x128xf32, #tpu.memory_space<hbm>> -> memref<1x10240x128xf32, #tpu.memory_space<hbm>>
      %dma_start3A_266 = tpu.memref_squeeze %dma_start3A_265 : memref<1x10240x128xf32, #tpu.memory_space<hbm>> -> memref<10240x128xf32, #tpu.memory_space<hbm>>
      %dma_start3A_267 = arith.constant 0 : i32
      %dma_start3A_268 = tpu.memref_slice %dma_start3A_266[%mul3A_262, %dma_start3A_267] : memref<10240x128xf32, #tpu.memory_space<hbm>> -> memref<640x128xf32, #tpu.memory_space<hbm>>
      %dma_start3A_269 = arith.constant 0 : i32
      %dma_start3A_270 = tpu.memref_slice %arg17[%mul3A_262, %dma_start3A_269] : memref<10240x128xf32, #tpu.memory_space<vmem_shared>> -> memref<640x128xf32, #tpu.memory_space<vmem_shared>>
      tpu.enqueue_dma source(%dma_start3A_270 : memref<640x128xf32, #tpu.memory_space<vmem_shared>>) target(%dma_start3A_268 : memref<640x128xf32, #tpu.memory_space<hbm>>) target_semaphore(%run_scoped3A : memref<!tpu.dma_semaphore, #tpu.memory_space<semaphore_mem>>)
      %dma_wait3A_271 = arith.constant 0 : i32
      %dma_wait3A_272 = arith.constant 0 : i32
      %dma_wait3A_273 = tpu.memref_slice %arg6[%arg0, %dma_wait3A_271, %dma_wait3A_272] : memref<2x10240x128xf32, #tpu.memory_space<hbm>> -> memref<1x10240x128xf32, #tpu.memory_space<hbm>>
      %dma_wait3A_274 = tpu.memref_squeeze %dma_wait3A_273 : memref<1x10240x128xf32, #tpu.memory_space<hbm>> -> memref<10240x128xf32, #tpu.memory_space<hbm>>
      %dma_wait3A_275 = arith.constant 0 : i32
      %dma_wait3A_276 = tpu.memref_slice %dma_wait3A_274[%mul3A_262, %dma_wait3A_275] : memref<10240x128xf32, #tpu.memory_space<hbm>> -> memref<640x128xf32, #tpu.memory_space<hbm>>
      %dma_wait3A_277 = arith.constant 0 : i32
      %dma_wait3A_278 = tpu.memref_slice %arg17[%mul3A_262, %dma_wait3A_277] : memref<10240x128xf32, #tpu.memory_space<vmem_shared>> -> memref<640x128xf32, #tpu.memory_space<vmem_shared>>
      tpu.wait_dma2 semaphore(%run_scoped3A : memref<!tpu.dma_semaphore, #tpu.memory_space<semaphore_mem>>) src(%dma_wait3A_278 : memref<640x128xf32, #tpu.memory_space<vmem_shared>>) dst(%dma_wait3A_276 : memref<640x128xf32, #tpu.memory_space<hbm>>)
      tpu.yield
    }) : () -> ()
    return
  }
}

#map = affine_map<(d0, d1) -> (0, 0)>
#map1 = affine_map<(d0, d1) -> (0)>
#map2 = affine_map<(d0, d1) -> (0, 0, 0)>
module attributes {stable_mosaic.version = 14 : i64} {
  func.func @_edge_phase_body(%arg0: i32, %arg1: i32, %arg2: memref<10000x128xf32, #tpu.memory_space<hbm>>, %arg3: memref<320000x128xf32, #tpu.memory_space<hbm>>, %arg4: memref<320000xi32, #tpu.memory_space<hbm>>, %arg5: memref<320000xi32, #tpu.memory_space<hbm>>, %arg6: memref<2x10240x128xf32, #tpu.memory_space<hbm>>, %arg7: memref<40xi32, #tpu.memory_space<vmem>>, %arg8: memref<40xi32, #tpu.memory_space<vmem>>, %arg9: memref<40xi32, #tpu.memory_space<vmem>>, %arg10: memref<40xi32, #tpu.memory_space<vmem>>, %arg11: memref<40xi32, #tpu.memory_space<vmem>>, %arg12: memref<40xi32, #tpu.memory_space<vmem>>, %arg13: memref<40xi32, #tpu.memory_space<vmem>>, %arg14: memref<40xi32, #tpu.memory_space<vmem>>, %arg15: memref<160x128xf32, #tpu.memory_space<vmem>>, %arg16: memref<80x128xf32, #tpu.memory_space<vmem>>, %arg17: memref<10240x128xf32, #tpu.memory_space<vmem_shared>>, %arg18: memref<4x!tpu.dma_semaphore, #tpu.memory_space<semaphore_mem>>, %arg19: memref<4x!tpu.dma_semaphore, #tpu.memory_space<semaphore_mem>>, %arg20: memref<4x!tpu.dma_semaphore, #tpu.memory_space<semaphore_mem>>, %arg21: memref<2x!tpu.dma_semaphore, #tpu.memory_space<semaphore_mem>>, %arg22: memref<4x!tpu.dma_semaphore, #tpu.memory_space<semaphore_mem>>) attributes {dimension_semantics = [#tpu.dimension_semantics<core_parallel>, #tpu.dimension_semantics<subcore_parallel>], iteration_bounds = array<i64: 2, 16>, scalar_prefetch = 0 : i64, scratch_operands = 16 : i64, tpu.core_type = #tpu.core_type<sc_vector_subcore>, window_params = [{transform_indices = #map}, {transform_indices = #map}, {transform_indices = #map1}, {transform_indices = #map1}, {transform_indices = #map2}]} {
    %mul3A = arith.constant 2 : i32
    %mul3A_0 = arith.muli %arg1, %mul3A : i32
    %add3A = arith.addi %mul3A_0, %arg0 : i32
    %mul3A_1 = arith.constant 10000 : i32
    %mul3A_2 = arith.muli %add3A, %mul3A_1 : i32
    %scan3A = arith.constant 0 : i32
    %scan3A_3 = arith.constant 0 : i32
    %scan3A_4 = arith.constant 160 : i32
    %scan3A_5 = arith.addi %scan3A_3, %scan3A_4 : i32
    %scan3A_6 = arith.constant 1 : i32
    %scan3A_7 = scf.for %scan3A_263 = %scan3A_3 to %scan3A_5 step %scan3A_6 iter_args(%scan3A_264 = %scan3A) -> (i32)  : i32 {
      %broadcast_in_dim3A = arith.constant 0.000000e+00 : f32
      %broadcast_in_dim3A_265 = vector.broadcast %broadcast_in_dim3A : f32 to vector<16xf32>
      %swap3A = arith.index_cast %scan3A_263 : i32 to index
      %swap3A_266 = arith.constant 0 : index
      %swap3A_267 = tpu.vector_load %arg15[%swap3A, %swap3A_266] {strides = array<i32>} : memref<160x128xf32, #tpu.memory_space<vmem>>, vector<1x16xf32>,
      %swap3A_268 = vector.shape_cast %swap3A_267 : vector<1x16xf32> to vector<16xf32>
      %swap3A_269 = vector.shape_cast %broadcast_in_dim3A_265 : vector<16xf32> to vector<1x16xf32>
      tpu.vector_store %arg15[%swap3A, %swap3A_266], %swap3A_269 {strides = array<i32>} : memref<160x128xf32, #tpu.memory_space<vmem>>, vector<1x16xf32>,
      %broadcast_in_dim3A_270 = arith.constant 0.000000e+00 : f32
      %broadcast_in_dim3A_271 = vector.broadcast %broadcast_in_dim3A_270 : f32 to vector<16xf32>
      %swap3A_272 = arith.index_cast %scan3A_263 : i32 to index
      %swap3A_273 = arith.constant 16 : index
      %swap3A_274 = tpu.vector_load %arg15[%swap3A_272, %swap3A_273] {strides = array<i32>} : memref<160x128xf32, #tpu.memory_space<vmem>>, vector<1x16xf32>,
      %swap3A_275 = vector.shape_cast %swap3A_274 : vector<1x16xf32> to vector<16xf32>
      %swap3A_276 = vector.shape_cast %broadcast_in_dim3A_271 : vector<16xf32> to vector<1x16xf32>
      tpu.vector_store %arg15[%swap3A_272, %swap3A_273], %swap3A_276 {strides = array<i32>} : memref<160x128xf32, #tpu.memory_space<vmem>>, vector<1x16xf32>,
      %broadcast_in_dim3A_277 = arith.constant 0.000000e+00 : f32
      %broadcast_in_dim3A_278 = vector.broadcast %broadcast_in_dim3A_277 : f32 to vector<16xf32>
      %swap3A_279 = arith.index_cast %scan3A_263 : i32 to index
      %swap3A_280 = arith.constant 32 : index
      %swap3A_281 = tpu.vector_load %arg15[%swap3A_279, %swap3A_280] {strides = array<i32>} : memref<160x128xf32, #tpu.memory_space<vmem>>, vector<1x16xf32>,
      %swap3A_282 = vector.shape_cast %swap3A_281 : vector<1x16xf32> to vector<16xf32>
      %swap3A_283 = vector.shape_cast %broadcast_in_dim3A_278 : vector<16xf32> to vector<1x16xf32>
      tpu.vector_store %arg15[%swap3A_279, %swap3A_280], %swap3A_283 {strides = array<i32>} : memref<160x128xf32, #tpu.memory_space<vmem>>, vector<1x16xf32>,
      %broadcast_in_dim3A_284 = arith.constant 0.000000e+00 : f32
      %broadcast_in_dim3A_285 = vector.broadcast %broadcast_in_dim3A_284 : f32 to vector<16xf32>
      %swap3A_286 = arith.index_cast %scan3A_263 : i32 to index
      %swap3A_287 = arith.constant 48 : index
      %swap3A_288 = tpu.vector_load %arg15[%swap3A_286, %swap3A_287] {strides = array<i32>} : memref<160x128xf32, #tpu.memory_space<vmem>>, vector<1x16xf32>,
      %swap3A_289 = vector.shape_cast %swap3A_288 : vector<1x16xf32> to vector<16xf32>
      %swap3A_290 = vector.shape_cast %broadcast_in_dim3A_285 : vector<16xf32> to vector<1x16xf32>
      tpu.vector_store %arg15[%swap3A_286, %swap3A_287], %swap3A_290 {strides = array<i32>} : memref<160x128xf32, #tpu.memory_space<vmem>>, vector<1x16xf32>,
      %broadcast_in_dim3A_291 = arith.constant 0.000000e+00 : f32
      %broadcast_in_dim3A_292 = vector.broadcast %broadcast_in_dim3A_291 : f32 to vector<16xf32>
      %swap3A_293 = arith.index_cast %scan3A_263 : i32 to index
      %swap3A_294 = arith.constant 64 : index
      %swap3A_295 = tpu.vector_load %arg15[%swap3A_293, %swap3A_294] {strides = array<i32>} : memref<160x128xf32, #tpu.memory_space<vmem>>, vector<1x16xf32>,
      %swap3A_296 = vector.shape_cast %swap3A_295 : vector<1x16xf32> to vector<16xf32>
      %swap3A_297 = vector.shape_cast %broadcast_in_dim3A_292 : vector<16xf32> to vector<1x16xf32>
      tpu.vector_store %arg15[%swap3A_293, %swap3A_294], %swap3A_297 {strides = array<i32>} : memref<160x128xf32, #tpu.memory_space<vmem>>, vector<1x16xf32>,
      %broadcast_in_dim3A_298 = arith.constant 0.000000e+00 : f32
      %broadcast_in_dim3A_299 = vector.broadcast %broadcast_in_dim3A_298 : f32 to vector<16xf32>
      %swap3A_300 = arith.index_cast %scan3A_263 : i32 to index
      %swap3A_301 = arith.constant 80 : index
      %swap3A_302 = tpu.vector_load %arg15[%swap3A_300, %swap3A_301] {strides = array<i32>} : memref<160x128xf32, #tpu.memory_space<vmem>>, vector<1x16xf32>,
      %swap3A_303 = vector.shape_cast %swap3A_302 : vector<1x16xf32> to vector<16xf32>
      %swap3A_304 = vector.shape_cast %broadcast_in_dim3A_299 : vector<16xf32> to vector<1x16xf32>
      tpu.vector_store %arg15[%swap3A_300, %swap3A_301], %swap3A_304 {strides = array<i32>} : memref<160x128xf32, #tpu.memory_space<vmem>>, vector<1x16xf32>,
      %broadcast_in_dim3A_305 = arith.constant 0.000000e+00 : f32
      %broadcast_in_dim3A_306 = vector.broadcast %broadcast_in_dim3A_305 : f32 to vector<16xf32>
      %swap3A_307 = arith.index_cast %scan3A_263 : i32 to index
      %swap3A_308 = arith.constant 96 : index
      %swap3A_309 = tpu.vector_load %arg15[%swap3A_307, %swap3A_308] {strides = array<i32>} : memref<160x128xf32, #tpu.memory_space<vmem>>, vector<1x16xf32>,
      %swap3A_310 = vector.shape_cast %swap3A_309 : vector<1x16xf32> to vector<16xf32>
      %swap3A_311 = vector.shape_cast %broadcast_in_dim3A_306 : vector<16xf32> to vector<1x16xf32>
      tpu.vector_store %arg15[%swap3A_307, %swap3A_308], %swap3A_311 {strides = array<i32>} : memref<160x128xf32, #tpu.memory_space<vmem>>, vector<1x16xf32>,
      %broadcast_in_dim3A_312 = arith.constant 0.000000e+00 : f32
      %broadcast_in_dim3A_313 = vector.broadcast %broadcast_in_dim3A_312 : f32 to vector<16xf32>
      %swap3A_314 = arith.index_cast %scan3A_263 : i32 to index
      %swap3A_315 = arith.constant 112 : index
      %swap3A_316 = tpu.vector_load %arg15[%swap3A_314, %swap3A_315] {strides = array<i32>} : memref<160x128xf32, #tpu.memory_space<vmem>>, vector<1x16xf32>,
      %swap3A_317 = vector.shape_cast %swap3A_316 : vector<1x16xf32> to vector<16xf32>
      %swap3A_318 = vector.shape_cast %broadcast_in_dim3A_313 : vector<16xf32> to vector<1x16xf32>
      tpu.vector_store %arg15[%swap3A_314, %swap3A_315], %swap3A_318 {strides = array<i32>} : memref<160x128xf32, #tpu.memory_space<vmem>>, vector<1x16xf32>,
      %scan3A_319 = arith.constant 0 : i32
      scf.yield %scan3A_319 : i32
    }
    %scan3A_8 = arith.constant 160 : i32
    %mul3A_9 = arith.constant 640 : i32
    %mul3A_10 = arith.muli %arg1, %mul3A_9 : i32
    %add3A_11 = arith.constant 0 : i32
    %add3A_12 = arith.addi %mul3A_10, %add3A_11 : i32
    "tpu.region"() ({
      %run_scoped3A = tpu.sem_alloc : memref<!tpu.dma_semaphore, #tpu.memory_space<semaphore_mem>>
      %dma_start3A_263 = arith.constant 0 : i32
      %dma_start3A_264 = tpu.memref_slice %arg17[%add3A_12, %dma_start3A_263] : memref<10240x128xf32, #tpu.memory_space<vmem_shared>> -> memref<160x128xf32, #tpu.memory_space<vmem_shared>>
      %dma_start3A_265 = arith.constant 0 : i32
      %dma_start3A_266 = tpu.memref_slice %arg17[%add3A_12, %dma_start3A_265] : memref<10240x128xf32, #tpu.memory_space<vmem_shared>> -> memref<160x128xf32, #tpu.memory_space<vmem_shared>>
      tpu.enqueue_dma source(%arg15 : memref<160x128xf32, #tpu.memory_space<vmem>>) target(%dma_start3A_266 : memref<160x128xf32, #tpu.memory_space<vmem_shared>>) target_semaphore(%run_scoped3A : memref<!tpu.dma_semaphore, #tpu.memory_space<semaphore_mem>>)
      %dma_wait3A_267 = arith.constant 0 : i32
      %dma_wait3A_268 = tpu.memref_slice %arg17[%add3A_12, %dma_wait3A_267] : memref<10240x128xf32, #tpu.memory_space<vmem_shared>> -> memref<160x128xf32, #tpu.memory_space<vmem_shared>>
      %dma_wait3A_269 = arith.constant 0 : i32
      %dma_wait3A_270 = tpu.memref_slice %arg17[%add3A_12, %dma_wait3A_269] : memref<10240x128xf32, #tpu.memory_space<vmem_shared>> -> memref<160x128xf32, #tpu.memory_space<vmem_shared>>
      tpu.wait_dma2 semaphore(%run_scoped3A : memref<!tpu.dma_semaphore, #tpu.memory_space<semaphore_mem>>) src(%arg15 : memref<160x128xf32, #tpu.memory_space<vmem>>) dst(%dma_wait3A_270 : memref<160x128xf32, #tpu.memory_space<vmem_shared>>)
      tpu.yield
    }) : () -> ()
    %mul3A_13 = arith.constant 640 : i32
    %mul3A_14 = arith.muli %arg1, %mul3A_13 : i32
    %add3A_15 = arith.constant 160 : i32
    %add3A_16 = arith.addi %mul3A_14, %add3A_15 : i32
    "tpu.region"() ({
      %run_scoped3A = tpu.sem_alloc : memref<!tpu.dma_semaphore, #tpu.memory_space<semaphore_mem>>
      %dma_start3A_263 = arith.constant 0 : i32
      %dma_start3A_264 = tpu.memref_slice %arg17[%add3A_16, %dma_start3A_263] : memref<10240x128xf32, #tpu.memory_space<vmem_shared>> -> memref<160x128xf32, #tpu.memory_space<vmem_shared>>
      %dma_start3A_265 = arith.constant 0 : i32
      %dma_start3A_266 = tpu.memref_slice %arg17[%add3A_16, %dma_start3A_265] : memref<10240x128xf32, #tpu.memory_space<vmem_shared>> -> memref<160x128xf32, #tpu.memory_space<vmem_shared>>
      tpu.enqueue_dma source(%arg15 : memref<160x128xf32, #tpu.memory_space<vmem>>) target(%dma_start3A_266 : memref<160x128xf32, #tpu.memory_space<vmem_shared>>) target_semaphore(%run_scoped3A : memref<!tpu.dma_semaphore, #tpu.memory_space<semaphore_mem>>)
      %dma_wait3A_267 = arith.constant 0 : i32
      %dma_wait3A_268 = tpu.memref_slice %arg17[%add3A_16, %dma_wait3A_267] : memref<10240x128xf32, #tpu.memory_space<vmem_shared>> -> memref<160x128xf32, #tpu.memory_space<vmem_shared>>
      %dma_wait3A_269 = arith.constant 0 : i32
      %dma_wait3A_270 = tpu.memref_slice %arg17[%add3A_16, %dma_wait3A_269] : memref<10240x128xf32, #tpu.memory_space<vmem_shared>> -> memref<160x128xf32, #tpu.memory_space<vmem_shared>>
      tpu.wait_dma2 semaphore(%run_scoped3A : memref<!tpu.dma_semaphore, #tpu.memory_space<semaphore_mem>>) src(%arg15 : memref<160x128xf32, #tpu.memory_space<vmem>>) dst(%dma_wait3A_270 : memref<160x128xf32, #tpu.memory_space<vmem_shared>>)
      tpu.yield
    }) : () -> ()
    %mul3A_17 = arith.constant 640 : i32
    %mul3A_18 = arith.muli %arg1, %mul3A_17 : i32
    %add3A_19 = arith.constant 320 : i32
    %add3A_20 = arith.addi %mul3A_18, %add3A_19 : i32
    "tpu.region"() ({
      %run_scoped3A = tpu.sem_alloc : memref<!tpu.dma_semaphore, #tpu.memory_space<semaphore_mem>>
      %dma_start3A_263 = arith.constant 0 : i32
      %dma_start3A_264 = tpu.memref_slice %arg17[%add3A_20, %dma_start3A_263] : memref<10240x128xf32, #tpu.memory_space<vmem_shared>> -> memref<160x128xf32, #tpu.memory_space<vmem_shared>>
      %dma_start3A_265 = arith.constant 0 : i32
      %dma_start3A_266 = tpu.memref_slice %arg17[%add3A_20, %dma_start3A_265] : memref<10240x128xf32, #tpu.memory_space<vmem_shared>> -> memref<160x128xf32, #tpu.memory_space<vmem_shared>>
      tpu.enqueue_dma source(%arg15 : memref<160x128xf32, #tpu.memory_space<vmem>>) target(%dma_start3A_266 : memref<160x128xf32, #tpu.memory_space<vmem_shared>>) target_semaphore(%run_scoped3A : memref<!tpu.dma_semaphore, #tpu.memory_space<semaphore_mem>>)
      %dma_wait3A_267 = arith.constant 0 : i32
      %dma_wait3A_268 = tpu.memref_slice %arg17[%add3A_20, %dma_wait3A_267] : memref<10240x128xf32, #tpu.memory_space<vmem_shared>> -> memref<160x128xf32, #tpu.memory_space<vmem_shared>>
      %dma_wait3A_269 = arith.constant 0 : i32
      %dma_wait3A_270 = tpu.memref_slice %arg17[%add3A_20, %dma_wait3A_269] : memref<10240x128xf32, #tpu.memory_space<vmem_shared>> -> memref<160x128xf32, #tpu.memory_space<vmem_shared>>
      tpu.wait_dma2 semaphore(%run_scoped3A : memref<!tpu.dma_semaphore, #tpu.memory_space<semaphore_mem>>) src(%arg15 : memref<160x128xf32, #tpu.memory_space<vmem>>) dst(%dma_wait3A_270 : memref<160x128xf32, #tpu.memory_space<vmem_shared>>)
      tpu.yield
    }) : () -> ()
    %mul3A_21 = arith.constant 640 : i32
    %mul3A_22 = arith.muli %arg1, %mul3A_21 : i32
    %add3A_23 = arith.constant 480 : i32
    %add3A_24 = arith.addi %mul3A_22, %add3A_23 : i32
    "tpu.region"() ({
      %run_scoped3A = tpu.sem_alloc : memref<!tpu.dma_semaphore, #tpu.memory_space<semaphore_mem>>
      %dma_start3A_263 = arith.constant 0 : i32
      %dma_start3A_264 = tpu.memref_slice %arg17[%add3A_24, %dma_start3A_263] : memref<10240x128xf32, #tpu.memory_space<vmem_shared>> -> memref<160x128xf32, #tpu.memory_space<vmem_shared>>
      %dma_start3A_265 = arith.constant 0 : i32
      %dma_start3A_266 = tpu.memref_slice %arg17[%add3A_24, %dma_start3A_265] : memref<10240x128xf32, #tpu.memory_space<vmem_shared>> -> memref<160x128xf32, #tpu.memory_space<vmem_shared>>
      tpu.enqueue_dma source(%arg15 : memref<160x128xf32, #tpu.memory_space<vmem>>) target(%dma_start3A_266 : memref<160x128xf32, #tpu.memory_space<vmem_shared>>) target_semaphore(%run_scoped3A : memref<!tpu.dma_semaphore, #tpu.memory_space<semaphore_mem>>)
      %dma_wait3A_267 = arith.constant 0 : i32
      %dma_wait3A_268 = tpu.memref_slice %arg17[%add3A_24, %dma_wait3A_267] : memref<10240x128xf32, #tpu.memory_space<vmem_shared>> -> memref<160x128xf32, #tpu.memory_space<vmem_shared>>
      %dma_wait3A_269 = arith.constant 0 : i32
      %dma_wait3A_270 = tpu.memref_slice %arg17[%add3A_24, %dma_wait3A_269] : memref<10240x128xf32, #tpu.memory_space<vmem_shared>> -> memref<160x128xf32, #tpu.memory_space<vmem_shared>>
      tpu.wait_dma2 semaphore(%run_scoped3A : memref<!tpu.dma_semaphore, #tpu.memory_space<semaphore_mem>>) src(%arg15 : memref<160x128xf32, #tpu.memory_space<vmem>>) dst(%dma_wait3A_270 : memref<160x128xf32, #tpu.memory_space<vmem_shared>>)
      tpu.yield
    }) : () -> ()
    %barrier3A = arith.constant 0 : index
    tpu.barrier barrier_id(%barrier3A)
    %add3A_25 = arith.constant 0 : i32
    %add3A_26 = arith.addi %mul3A_2, %add3A_25 : i32
    %dma_start3A = arith.constant 0 : i32
    %dma_start3A_27 = tpu.memref_slice %arg4[%add3A_26] : memref<320000xi32, #tpu.memory_space<hbm>> -> memref<40xi32, #tpu.memory_space<hbm>>
    %dma_start3A_28 = tpu.memref_slice %arg18[%dma_start3A] : memref<4x!tpu.dma_semaphore, #tpu.memory_space<semaphore_mem>> -> memref<1x!tpu.dma_semaphore, #tpu.memory_space<semaphore_mem>>
    %dma_start3A_29 = tpu.memref_squeeze %dma_start3A_28 : memref<1x!tpu.dma_semaphore, #tpu.memory_space<semaphore_mem>> -> memref<!tpu.dma_semaphore, #tpu.memory_space<semaphore_mem>>
    %dma_start3A_30 = tpu.memref_slice %arg4[%add3A_26] : memref<320000xi32, #tpu.memory_space<hbm>> -> memref<40xi32, #tpu.memory_space<hbm>>
    tpu.enqueue_dma source(%dma_start3A_30 : memref<40xi32, #tpu.memory_space<hbm>>) target(%arg7 : memref<40xi32, #tpu.memory_space<vmem>>) target_semaphore(%dma_start3A_29 : memref<!tpu.dma_semaphore, #tpu.memory_space<semaphore_mem>>)
    %add3A_31 = arith.constant 40 : i32
    %add3A_32 = arith.addi %mul3A_2, %add3A_31 : i32
    %dma_start3A_33 = arith.constant 1 : i32
    %dma_start3A_34 = tpu.memref_slice %arg4[%add3A_32] : memref<320000xi32, #tpu.memory_space<hbm>> -> memref<40xi32, #tpu.memory_space<hbm>>
    %dma_start3A_35 = tpu.memref_slice %arg18[%dma_start3A_33] : memref<4x!tpu.dma_semaphore, #tpu.memory_space<semaphore_mem>> -> memref<1x!tpu.dma_semaphore, #tpu.memory_space<semaphore_mem>>
    %dma_start3A_36 = tpu.memref_squeeze %dma_start3A_35 : memref<1x!tpu.dma_semaphore, #tpu.memory_space<semaphore_mem>> -> memref<!tpu.dma_semaphore, #tpu.memory_space<semaphore_mem>>
    %dma_start3A_37 = tpu.memref_slice %arg4[%add3A_32] : memref<320000xi32, #tpu.memory_space<hbm>> -> memref<40xi32, #tpu.memory_space<hbm>>
    tpu.enqueue_dma source(%dma_start3A_37 : memref<40xi32, #tpu.memory_space<hbm>>) target(%arg8 : memref<40xi32, #tpu.memory_space<vmem>>) target_semaphore(%dma_start3A_36 : memref<!tpu.dma_semaphore, #tpu.memory_space<semaphore_mem>>)
    %add3A_38 = arith.constant 80 : i32
    %add3A_39 = arith.addi %mul3A_2, %add3A_38 : i32
    %dma_start3A_40 = arith.constant 2 : i32
    %dma_start3A_41 = tpu.memref_slice %arg4[%add3A_39] : memref<320000xi32, #tpu.memory_space<hbm>> -> memref<40xi32, #tpu.memory_space<hbm>>
    %dma_start3A_42 = tpu.memref_slice %arg18[%dma_start3A_40] : memref<4x!tpu.dma_semaphore, #tpu.memory_space<semaphore_mem>> -> memref<1x!tpu.dma_semaphore, #tpu.memory_space<semaphore_mem>>
    %dma_start3A_43 = tpu.memref_squeeze %dma_start3A_42 : memref<1x!tpu.dma_semaphore, #tpu.memory_space<semaphore_mem>> -> memref<!tpu.dma_semaphore, #tpu.memory_space<semaphore_mem>>
    %dma_start3A_44 = tpu.memref_slice %arg4[%add3A_39] : memref<320000xi32, #tpu.memory_space<hbm>> -> memref<40xi32, #tpu.memory_space<hbm>>
    tpu.enqueue_dma source(%dma_start3A_44 : memref<40xi32, #tpu.memory_space<hbm>>) target(%arg9 : memref<40xi32, #tpu.memory_space<vmem>>) target_semaphore(%dma_start3A_43 : memref<!tpu.dma_semaphore, #tpu.memory_space<semaphore_mem>>)
    %add3A_45 = arith.constant 120 : i32
    %add3A_46 = arith.addi %mul3A_2, %add3A_45 : i32
    %dma_start3A_47 = arith.constant 3 : i32
    %dma_start3A_48 = tpu.memref_slice %arg4[%add3A_46] : memref<320000xi32, #tpu.memory_space<hbm>> -> memref<40xi32, #tpu.memory_space<hbm>>
    %dma_start3A_49 = tpu.memref_slice %arg18[%dma_start3A_47] : memref<4x!tpu.dma_semaphore, #tpu.memory_space<semaphore_mem>> -> memref<1x!tpu.dma_semaphore, #tpu.memory_space<semaphore_mem>>
    %dma_start3A_50 = tpu.memref_squeeze %dma_start3A_49 : memref<1x!tpu.dma_semaphore, #tpu.memory_space<semaphore_mem>> -> memref<!tpu.dma_semaphore, #tpu.memory_space<semaphore_mem>>
    %dma_start3A_51 = tpu.memref_slice %arg4[%add3A_46] : memref<320000xi32, #tpu.memory_space<hbm>> -> memref<40xi32, #tpu.memory_space<hbm>>
    tpu.enqueue_dma source(%dma_start3A_51 : memref<40xi32, #tpu.memory_space<hbm>>) target(%arg10 : memref<40xi32, #tpu.memory_space<vmem>>) target_semaphore(%dma_start3A_50 : memref<!tpu.dma_semaphore, #tpu.memory_space<semaphore_mem>>)
    %add3A_52 = arith.constant 0 : i32
    %add3A_53 = arith.addi %mul3A_2, %add3A_52 : i32
    %dma_start3A_54 = arith.constant 0 : i32
    %dma_start3A_55 = tpu.memref_slice %arg5[%add3A_53] : memref<320000xi32, #tpu.memory_space<hbm>> -> memref<40xi32, #tpu.memory_space<hbm>>
    %dma_start3A_56 = tpu.memref_slice %arg19[%dma_start3A_54] : memref<4x!tpu.dma_semaphore, #tpu.memory_space<semaphore_mem>> -> memref<1x!tpu.dma_semaphore, #tpu.memory_space<semaphore_mem>>
    %dma_start3A_57 = tpu.memref_squeeze %dma_start3A_56 : memref<1x!tpu.dma_semaphore, #tpu.memory_space<semaphore_mem>> -> memref<!tpu.dma_semaphore, #tpu.memory_space<semaphore_mem>>
    %dma_start3A_58 = tpu.memref_slice %arg5[%add3A_53] : memref<320000xi32, #tpu.memory_space<hbm>> -> memref<40xi32, #tpu.memory_space<hbm>>
    tpu.enqueue_dma source(%dma_start3A_58 : memref<40xi32, #tpu.memory_space<hbm>>) target(%arg11 : memref<40xi32, #tpu.memory_space<vmem>>) target_semaphore(%dma_start3A_57 : memref<!tpu.dma_semaphore, #tpu.memory_space<semaphore_mem>>)
    %add3A_59 = arith.constant 0 : i32
    %add3A_60 = arith.addi %mul3A_2, %add3A_59 : i32
    %dma_wait3A = arith.constant 0 : i32
    %dma_wait3A_61 = tpu.memref_slice %arg4[%add3A_60] : memref<320000xi32, #tpu.memory_space<hbm>> -> memref<40xi32, #tpu.memory_space<hbm>>
    %dma_wait3A_62 = tpu.memref_slice %arg18[%dma_wait3A] : memref<4x!tpu.dma_semaphore, #tpu.memory_space<semaphore_mem>> -> memref<1x!tpu.dma_semaphore, #tpu.memory_space<semaphore_mem>>
    %dma_wait3A_63 = tpu.memref_squeeze %dma_wait3A_62 : memref<1x!tpu.dma_semaphore, #tpu.memory_space<semaphore_mem>> -> memref<!tpu.dma_semaphore, #tpu.memory_space<semaphore_mem>>
    %dma_wait3A_64 = tpu.memref_slice %arg4[%add3A_60] : memref<320000xi32, #tpu.memory_space<hbm>> -> memref<40xi32, #tpu.memory_space<hbm>>
    tpu.wait_dma2 semaphore(%dma_wait3A_63 : memref<!tpu.dma_semaphore, #tpu.memory_space<semaphore_mem>>) src(%dma_wait3A_64 : memref<40xi32, #tpu.memory_space<hbm>>) dst(%arg7 : memref<40xi32, #tpu.memory_space<vmem>>)
    %dma_start3A_65 = arith.constant 0 : i32
    %dma_start3A_66 = arith.constant 0 : i32
    %dma_start3A_67 = arith.constant 0 : i32
    %dma_start3A_68 = tpu.memref_slice %arg15[%dma_start3A_66, %dma_start3A_67] : memref<160x128xf32, #tpu.memory_space<vmem>> -> memref<40x128xf32, #tpu.memory_space<vmem>>
    %dma_start3A_69 = arith.constant 0 : i32
    %dma_start3A_70 = arith.constant 0 : i32
    %dma_start3A_71 = tpu.memref_slice %arg2[%dma_start3A_69, %dma_start3A_70] : memref<10000x128xf32, #tpu.memory_space<hbm>> -> memref<10000x128xf32, #tpu.memory_space<hbm>>
    %dma_start3A_72 = tpu.memref_slice %arg20[%dma_start3A_65] : memref<4x!tpu.dma_semaphore, #tpu.memory_space<semaphore_mem>> -> memref<1x!tpu.dma_semaphore, #tpu.memory_space<semaphore_mem>>
    %dma_start3A_73 = tpu.memref_squeeze %dma_start3A_72 : memref<1x!tpu.dma_semaphore, #tpu.memory_space<semaphore_mem>> -> memref<!tpu.dma_semaphore, #tpu.memory_space<semaphore_mem>>
    tpu.enqueue_indirect_dma source(%dma_start3A_71 : memref<10000x128xf32, #tpu.memory_space<hbm>>) target(%dma_start3A_68 : memref<40x128xf32, #tpu.memory_space<vmem>>) offsets(%arg7 : memref<40xi32, #tpu.memory_space<vmem>>) semaphore(%dma_start3A_73 : memref<!tpu.dma_semaphore, #tpu.memory_space<semaphore_mem>>)
    %add3A_74 = arith.constant 0 : i32
    %add3A_75 = arith.addi %mul3A_2, %add3A_74 : i32
    %dma_start3A_76 = arith.constant 0 : i32
    %dma_start3A_77 = arith.constant 0 : i32
    %dma_start3A_78 = arith.constant 0 : i32
    %dma_start3A_79 = tpu.memref_slice %arg16[%dma_start3A_77, %dma_start3A_78] : memref<80x128xf32, #tpu.memory_space<vmem>> -> memref<40x128xf32, #tpu.memory_space<vmem>>
    %dma_start3A_80 = arith.constant 0 : i32
    %dma_start3A_81 = tpu.memref_slice %arg3[%add3A_75, %dma_start3A_80] : memref<320000x128xf32, #tpu.memory_space<hbm>> -> memref<40x128xf32, #tpu.memory_space<hbm>>
    %dma_start3A_82 = tpu.memref_slice %arg21[%dma_start3A_76] : memref<2x!tpu.dma_semaphore, #tpu.memory_space<semaphore_mem>> -> memref<1x!tpu.dma_semaphore, #tpu.memory_space<semaphore_mem>>
    %dma_start3A_83 = tpu.memref_squeeze %dma_start3A_82 : memref<1x!tpu.dma_semaphore, #tpu.memory_space<semaphore_mem>> -> memref<!tpu.dma_semaphore, #tpu.memory_space<semaphore_mem>>
    %dma_start3A_84 = arith.constant 0 : i32
    %dma_start3A_85 = arith.constant 0 : i32
    %dma_start3A_86 = tpu.memref_slice %arg16[%dma_start3A_84, %dma_start3A_85] : memref<80x128xf32, #tpu.memory_space<vmem>> -> memref<40x128xf32, #tpu.memory_space<vmem>>
    %dma_start3A_87 = arith.constant 0 : i32
    %dma_start3A_88 = tpu.memref_slice %arg3[%add3A_75, %dma_start3A_87] : memref<320000x128xf32, #tpu.memory_space<hbm>> -> memref<40x128xf32, #tpu.memory_space<hbm>>
    tpu.enqueue_dma source(%dma_start3A_88 : memref<40x128xf32, #tpu.memory_space<hbm>>) target(%dma_start3A_86 : memref<40x128xf32, #tpu.memory_space<vmem>>) target_semaphore(%dma_start3A_83 : memref<!tpu.dma_semaphore, #tpu.memory_space<semaphore_mem>>)
    %add3A_89 = arith.constant 40 : i32
    %add3A_90 = arith.addi %mul3A_2, %add3A_89 : i32
    %dma_start3A_91 = arith.constant 1 : i32
    %dma_start3A_92 = tpu.memref_slice %arg5[%add3A_90] : memref<320000xi32, #tpu.memory_space<hbm>> -> memref<40xi32, #tpu.memory_space<hbm>>
    %dma_start3A_93 = tpu.memref_slice %arg19[%dma_start3A_91] : memref<4x!tpu.dma_semaphore, #tpu.memory_space<semaphore_mem>> -> memref<1x!tpu.dma_semaphore, #tpu.memory_space<semaphore_mem>>
    %dma_start3A_94 = tpu.memref_squeeze %dma_start3A_93 : memref<1x!tpu.dma_semaphore, #tpu.memory_space<semaphore_mem>> -> memref<!tpu.dma_semaphore, #tpu.memory_space<semaphore_mem>>
    %dma_start3A_95 = tpu.memref_slice %arg5[%add3A_90] : memref<320000xi32, #tpu.memory_space<hbm>> -> memref<40xi32, #tpu.memory_space<hbm>>
    tpu.enqueue_dma source(%dma_start3A_95 : memref<40xi32, #tpu.memory_space<hbm>>) target(%arg12 : memref<40xi32, #tpu.memory_space<vmem>>) target_semaphore(%dma_start3A_94 : memref<!tpu.dma_semaphore, #tpu.memory_space<semaphore_mem>>)
    %add3A_96 = arith.constant 40 : i32
    %add3A_97 = arith.addi %mul3A_2, %add3A_96 : i32
    %dma_wait3A_98 = arith.constant 1 : i32
    %dma_wait3A_99 = tpu.memref_slice %arg4[%add3A_97] : memref<320000xi32, #tpu.memory_space<hbm>> -> memref<40xi32, #tpu.memory_space<hbm>>
    %dma_wait3A_100 = tpu.memref_slice %arg18[%dma_wait3A_98] : memref<4x!tpu.dma_semaphore, #tpu.memory_space<semaphore_mem>> -> memref<1x!tpu.dma_semaphore, #tpu.memory_space<semaphore_mem>>
    %dma_wait3A_101 = tpu.memref_squeeze %dma_wait3A_100 : memref<1x!tpu.dma_semaphore, #tpu.memory_space<semaphore_mem>> -> memref<!tpu.dma_semaphore, #tpu.memory_space<semaphore_mem>>
    %dma_wait3A_102 = tpu.memref_slice %arg4[%add3A_97] : memref<320000xi32, #tpu.memory_space<hbm>> -> memref<40xi32, #tpu.memory_space<hbm>>
    tpu.wait_dma2 semaphore(%dma_wait3A_101 : memref<!tpu.dma_semaphore, #tpu.memory_space<semaphore_mem>>) src(%dma_wait3A_102 : memref<40xi32, #tpu.memory_space<hbm>>) dst(%arg8 : memref<40xi32, #tpu.memory_space<vmem>>)
    %dma_start3A_103 = arith.constant 1 : i32
    %dma_start3A_104 = arith.constant 40 : i32
    %dma_start3A_105 = arith.constant 0 : i32
    %dma_start3A_106 = tpu.memref_slice %arg15[%dma_start3A_104, %dma_start3A_105] : memref<160x128xf32, #tpu.memory_space<vmem>> -> memref<40x128xf32, #tpu.memory_space<vmem>>
    %dma_start3A_107 = arith.constant 0 : i32
    %dma_start3A_108 = arith.constant 0 : i32
    %dma_start3A_109 = tpu.memref_slice %arg2[%dma_start3A_107, %dma_start3A_108] : memref<10000x128xf32, #tpu.memory_space<hbm>> -> memref<10000x128xf32, #tpu.memory_space<hbm>>
    %dma_start3A_110 = tpu.memref_slice %arg20[%dma_start3A_103] : memref<4x!tpu.dma_semaphore, #tpu.memory_space<semaphore_mem>> -> memref<1x!tpu.dma_semaphore, #tpu.memory_space<semaphore_mem>>
    %dma_start3A_111 = tpu.memref_squeeze %dma_start3A_110 : memref<1x!tpu.dma_semaphore, #tpu.memory_space<semaphore_mem>> -> memref<!tpu.dma_semaphore, #tpu.memory_space<semaphore_mem>>
    tpu.enqueue_indirect_dma source(%dma_start3A_109 : memref<10000x128xf32, #tpu.memory_space<hbm>>) target(%dma_start3A_106 : memref<40x128xf32, #tpu.memory_space<vmem>>) offsets(%arg8 : memref<40xi32, #tpu.memory_space<vmem>>) semaphore(%dma_start3A_111 : memref<!tpu.dma_semaphore, #tpu.memory_space<semaphore_mem>>)
    %add3A_112 = arith.constant 40 : i32
    %add3A_113 = arith.addi %mul3A_2, %add3A_112 : i32
    %dma_start3A_114 = arith.constant 1 : i32
    %dma_start3A_115 = arith.constant 40 : i32
    %dma_start3A_116 = arith.constant 0 : i32
    %dma_start3A_117 = tpu.memref_slice %arg16[%dma_start3A_115, %dma_start3A_116] : memref<80x128xf32, #tpu.memory_space<vmem>> -> memref<40x128xf32, #tpu.memory_space<vmem>>
    %dma_start3A_118 = arith.constant 0 : i32
    %dma_start3A_119 = tpu.memref_slice %arg3[%add3A_113, %dma_start3A_118] : memref<320000x128xf32, #tpu.memory_space<hbm>> -> memref<40x128xf32, #tpu.memory_space<hbm>>
    %dma_start3A_120 = tpu.memref_slice %arg21[%dma_start3A_114] : memref<2x!tpu.dma_semaphore, #tpu.memory_space<semaphore_mem>> -> memref<1x!tpu.dma_semaphore, #tpu.memory_space<semaphore_mem>>
    %dma_start3A_121 = tpu.memref_squeeze %dma_start3A_120 : memref<1x!tpu.dma_semaphore, #tpu.memory_space<semaphore_mem>> -> memref<!tpu.dma_semaphore, #tpu.memory_space<semaphore_mem>>
    %dma_start3A_122 = arith.constant 40 : i32
    %dma_start3A_123 = arith.constant 0 : i32
    %dma_start3A_124 = tpu.memref_slice %arg16[%dma_start3A_122, %dma_start3A_123] : memref<80x128xf32, #tpu.memory_space<vmem>> -> memref<40x128xf32, #tpu.memory_space<vmem>>
    %dma_start3A_125 = arith.constant 0 : i32
    %dma_start3A_126 = tpu.memref_slice %arg3[%add3A_113, %dma_start3A_125] : memref<320000x128xf32, #tpu.memory_space<hbm>> -> memref<40x128xf32, #tpu.memory_space<hbm>>
    tpu.enqueue_dma source(%dma_start3A_126 : memref<40x128xf32, #tpu.memory_space<hbm>>) target(%dma_start3A_124 : memref<40x128xf32, #tpu.memory_space<vmem>>) target_semaphore(%dma_start3A_121 : memref<!tpu.dma_semaphore, #tpu.memory_space<semaphore_mem>>)
    %scan3A_127 = arith.constant 0 : i32
    %scan3A_128 = arith.constant 0 : i32
    %scan3A_129 = arith.constant 62 : i32
    %scan3A_130 = arith.addi %scan3A_128, %scan3A_129 : i32
    %scan3A_131 = arith.constant 1 : i32
    %scan3A_132 = scf.for %scan3A_263 = %scan3A_128 to %scan3A_130 step %scan3A_131 iter_args(%scan3A_264 = %scan3A_127) -> (i32)  : i32 {
      %mul3A_265 = arith.constant 4 : i32
      %mul3A_266 = arith.muli %scan3A_263, %mul3A_265 : i32
      %add3A_267 = arith.constant 0 : i32
      %add3A_268 = arith.addi %mul3A_266, %add3A_267 : i32
      %dma_wait3A_269 = arith.constant 0 : i32
      %dma_wait3A_270 = arith.constant 0 : i32
      %dma_wait3A_271 = arith.constant 0 : i32
      %dma_wait3A_272 = tpu.memref_slice %arg15[%dma_wait3A_270, %dma_wait3A_271] : memref<160x128xf32, #tpu.memory_space<vmem>> -> memref<40x128xf32, #tpu.memory_space<vmem>>
      %dma_wait3A_273 = arith.constant 0 : i32
      %dma_wait3A_274 = arith.constant 0 : i32
      %dma_wait3A_275 = tpu.memref_slice %arg2[%dma_wait3A_273, %dma_wait3A_274] : memref<10000x128xf32, #tpu.memory_space<hbm>> -> memref<10000x128xf32, #tpu.memory_space<hbm>>
      %dma_wait3A_276 = tpu.memref_slice %arg20[%dma_wait3A_269] : memref<4x!tpu.dma_semaphore, #tpu.memory_space<semaphore_mem>> -> memref<1x!tpu.dma_semaphore, #tpu.memory_space<semaphore_mem>>
      %dma_wait3A_277 = tpu.memref_squeeze %dma_wait3A_276 : memref<1x!tpu.dma_semaphore, #tpu.memory_space<semaphore_mem>> -> memref<!tpu.dma_semaphore, #tpu.memory_space<semaphore_mem>>
      tpu.wait_indirect_dma semaphore(%dma_wait3A_277 : memref<!tpu.dma_semaphore, #tpu.memory_space<semaphore_mem>>) src(%dma_wait3A_275 : memref<10000x128xf32, #tpu.memory_space<hbm>>) dst(%dma_wait3A_272 : memref<40x128xf32, #tpu.memory_space<vmem>>)
      %dma_wait3A_278 = arith.constant 0 : i32
      %dma_wait3A_279 = arith.constant 0 : i32
      %dma_wait3A_280 = arith.constant 0 : i32
      %dma_wait3A_281 = tpu.memref_slice %arg16[%dma_wait3A_279, %dma_wait3A_280] : memref<80x128xf32, #tpu.memory_space<vmem>> -> memref<40x128xf32, #tpu.memory_space<vmem>>
      %dma_wait3A_282 = arith.constant 0 : i32
      %dma_wait3A_283 = tpu.memref_slice %arg3[%mul3A_2, %dma_wait3A_282] : memref<320000x128xf32, #tpu.memory_space<hbm>> -> memref<40x128xf32, #tpu.memory_space<hbm>>
      %dma_wait3A_284 = tpu.memref_slice %arg21[%dma_wait3A_278] : memref<2x!tpu.dma_semaphore, #tpu.memory_space<semaphore_mem>> -> memref<1x!tpu.dma_semaphore, #tpu.memory_space<semaphore_mem>>
      %dma_wait3A_285 = tpu.memref_squeeze %dma_wait3A_284 : memref<1x!tpu.dma_semaphore, #tpu.memory_space<semaphore_mem>> -> memref<!tpu.dma_semaphore, #tpu.memory_space<semaphore_mem>>
      %dma_wait3A_286 = arith.constant 0 : i32
      %dma_wait3A_287 = arith.constant 0 : i32
      %dma_wait3A_288 = tpu.memref_slice %arg16[%dma_wait3A_286, %dma_wait3A_287] : memref<80x128xf32, #tpu.memory_space<vmem>> -> memref<40x128xf32, #tpu.memory_space<vmem>>
      %dma_wait3A_289 = arith.constant 0 : i32
      %dma_wait3A_290 = tpu.memref_slice %arg3[%mul3A_2, %dma_wait3A_289] : memref<320000x128xf32, #tpu.memory_space<hbm>> -> memref<40x128xf32, #tpu.memory_space<hbm>>
      tpu.wait_dma2 semaphore(%dma_wait3A_285 : memref<!tpu.dma_semaphore, #tpu.memory_space<semaphore_mem>>) src(%dma_wait3A_290 : memref<40x128xf32, #tpu.memory_space<hbm>>) dst(%dma_wait3A_288 : memref<40x128xf32, #tpu.memory_space<vmem>>)
      %scan3A_291 = arith.constant 0 : i32
      %scan3A_292 = arith.constant 0 : i32
      %scan3A_293 = arith.constant 40 : i32
      %scan3A_294 = arith.addi %scan3A_292, %scan3A_293 : i32
      %scan3A_295 = arith.constant 1 : i32
      %scan3A_296 = scf.for %scan3A_692 = %scan3A_292 to %scan3A_294 step %scan3A_295 iter_args(%scan3A_693 = %scan3A_291) -> (i32)  : i32 {
        %add3A_694 = arith.constant 0 : i32
        %add3A_695 = arith.addi %add3A_694, %scan3A_692 : i32
        %get3A = arith.index_cast %add3A_695 : i32 to index
        %get3A_696 = arith.constant 0 : index
        %get3A_697 = tpu.vector_load %arg15[%get3A, %get3A_696] {strides = array<i32>} : memref<160x128xf32, #tpu.memory_space<vmem>>, vector<1x16xf32>,
        %get3A_698 = vector.shape_cast %get3A_697 : vector<1x16xf32> to vector<16xf32>
        %add3A_699 = arith.constant 0 : i32
        %add3A_700 = arith.addi %add3A_699, %scan3A_692 : i32
        %get3A_701 = arith.index_cast %add3A_700 : i32 to index
        %get3A_702 = arith.constant 0 : index
        %get3A_703 = tpu.vector_load %arg16[%get3A_701, %get3A_702] {strides = array<i32>} : memref<80x128xf32, #tpu.memory_space<vmem>>, vector<1x16xf32>,
        %get3A_704 = vector.shape_cast %get3A_703 : vector<1x16xf32> to vector<16xf32>
        %add3A_705 = arith.addf %get3A_698, %get3A_704 : vector<16xf32>
        %max3A = arith.constant 0.000000e+00 : f32
        %max3A_706 = vector.broadcast %max3A : f32 to vector<16xf32>
        %max3A_707 = arith.maximumf %add3A_705, %max3A_706 : vector<16xf32>
        %add3A_708 = arith.constant 0 : i32
        %add3A_709 = arith.addi %add3A_708, %scan3A_692 : i32
        %swap3A = arith.index_cast %add3A_709 : i32 to index
        %swap3A_710 = arith.constant 0 : index
        %swap3A_711 = tpu.vector_load %arg15[%swap3A, %swap3A_710] {strides = array<i32>} : memref<160x128xf32, #tpu.memory_space<vmem>>, vector<1x16xf32>,
        %swap3A_712 = vector.shape_cast %swap3A_711 : vector<1x16xf32> to vector<16xf32>
        %swap3A_713 = vector.shape_cast %max3A_707 : vector<16xf32> to vector<1x16xf32>
        tpu.vector_store %arg15[%swap3A, %swap3A_710], %swap3A_713 {strides = array<i32>} : memref<160x128xf32, #tpu.memory_space<vmem>>, vector<1x16xf32>,
        %add3A_714 = arith.constant 0 : i32
        %add3A_715 = arith.addi %add3A_714, %scan3A_692 : i32
        %get3A_716 = arith.index_cast %add3A_715 : i32 to index
        %get3A_717 = arith.constant 16 : index
        %get3A_718 = tpu.vector_load %arg15[%get3A_716, %get3A_717] {strides = array<i32>} : memref<160x128xf32, #tpu.memory_space<vmem>>, vector<1x16xf32>,
        %get3A_719 = vector.shape_cast %get3A_718 : vector<1x16xf32> to vector<16xf32>
        %add3A_720 = arith.constant 0 : i32
        %add3A_721 = arith.addi %add3A_720, %scan3A_692 : i32
        %get3A_722 = arith.index_cast %add3A_721 : i32 to index
        %get3A_723 = arith.constant 16 : index
        %get3A_724 = tpu.vector_load %arg16[%get3A_722, %get3A_723] {strides = array<i32>} : memref<80x128xf32, #tpu.memory_space<vmem>>, vector<1x16xf32>,
        %get3A_725 = vector.shape_cast %get3A_724 : vector<1x16xf32> to vector<16xf32>
        %add3A_726 = arith.addf %get3A_719, %get3A_725 : vector<16xf32>
        %max3A_727 = arith.constant 0.000000e+00 : f32
        %max3A_728 = vector.broadcast %max3A_727 : f32 to vector<16xf32>
        %max3A_729 = arith.maximumf %add3A_726, %max3A_728 : vector<16xf32>
        %add3A_730 = arith.constant 0 : i32
        %add3A_731 = arith.addi %add3A_730, %scan3A_692 : i32
        %swap3A_732 = arith.index_cast %add3A_731 : i32 to index
        %swap3A_733 = arith.constant 16 : index
        %swap3A_734 = tpu.vector_load %arg15[%swap3A_732, %swap3A_733] {strides = array<i32>} : memref<160x128xf32, #tpu.memory_space<vmem>>, vector<1x16xf32>,
        %swap3A_735 = vector.shape_cast %swap3A_734 : vector<1x16xf32> to vector<16xf32>
        %swap3A_736 = vector.shape_cast %max3A_729 : vector<16xf32> to vector<1x16xf32>
        tpu.vector_store %arg15[%swap3A_732, %swap3A_733], %swap3A_736 {strides = array<i32>} : memref<160x128xf32, #tpu.memory_space<vmem>>, vector<1x16xf32>,
        %add3A_737 = arith.constant 0 : i32
        %add3A_738 = arith.addi %add3A_737, %scan3A_692 : i32
        %get3A_739 = arith.index_cast %add3A_738 : i32 to index
        %get3A_740 = arith.constant 32 : index
        %get3A_741 = tpu.vector_load %arg15[%get3A_739, %get3A_740] {strides = array<i32>} : memref<160x128xf32, #tpu.memory_space<vmem>>, vector<1x16xf32>,
        %get3A_742 = vector.shape_cast %get3A_741 : vector<1x16xf32> to vector<16xf32>
        %add3A_743 = arith.constant 0 : i32
        %add3A_744 = arith.addi %add3A_743, %scan3A_692 : i32
        %get3A_745 = arith.index_cast %add3A_744 : i32 to index
        %get3A_746 = arith.constant 32 : index
        %get3A_747 = tpu.vector_load %arg16[%get3A_745, %get3A_746] {strides = array<i32>} : memref<80x128xf32, #tpu.memory_space<vmem>>, vector<1x16xf32>,
        %get3A_748 = vector.shape_cast %get3A_747 : vector<1x16xf32> to vector<16xf32>
        %add3A_749 = arith.addf %get3A_742, %get3A_748 : vector<16xf32>
        %max3A_750 = arith.constant 0.000000e+00 : f32
        %max3A_751 = vector.broadcast %max3A_750 : f32 to vector<16xf32>
        %max3A_752 = arith.maximumf %add3A_749, %max3A_751 : vector<16xf32>
        %add3A_753 = arith.constant 0 : i32
        %add3A_754 = arith.addi %add3A_753, %scan3A_692 : i32
        %swap3A_755 = arith.index_cast %add3A_754 : i32 to index
        %swap3A_756 = arith.constant 32 : index
        %swap3A_757 = tpu.vector_load %arg15[%swap3A_755, %swap3A_756] {strides = array<i32>} : memref<160x128xf32, #tpu.memory_space<vmem>>, vector<1x16xf32>,
        %swap3A_758 = vector.shape_cast %swap3A_757 : vector<1x16xf32> to vector<16xf32>
        %swap3A_759 = vector.shape_cast %max3A_752 : vector<16xf32> to vector<1x16xf32>
        tpu.vector_store %arg15[%swap3A_755, %swap3A_756], %swap3A_759 {strides = array<i32>} : memref<160x128xf32, #tpu.memory_space<vmem>>, vector<1x16xf32>,
        %add3A_760 = arith.constant 0 : i32
        %add3A_761 = arith.addi %add3A_760, %scan3A_692 : i32
        %get3A_762 = arith.index_cast %add3A_761 : i32 to index
        %get3A_763 = arith.constant 48 : index
        %get3A_764 = tpu.vector_load %arg15[%get3A_762, %get3A_763] {strides = array<i32>} : memref<160x128xf32, #tpu.memory_space<vmem>>, vector<1x16xf32>,
        %get3A_765 = vector.shape_cast %get3A_764 : vector<1x16xf32> to vector<16xf32>
        %add3A_766 = arith.constant 0 : i32
        %add3A_767 = arith.addi %add3A_766, %scan3A_692 : i32
        %get3A_768 = arith.index_cast %add3A_767 : i32 to index
        %get3A_769 = arith.constant 48 : index
        %get3A_770 = tpu.vector_load %arg16[%get3A_768, %get3A_769] {strides = array<i32>} : memref<80x128xf32, #tpu.memory_space<vmem>>, vector<1x16xf32>,
        %get3A_771 = vector.shape_cast %get3A_770 : vector<1x16xf32> to vector<16xf32>
        %add3A_772 = arith.addf %get3A_765, %get3A_771 : vector<16xf32>
        %max3A_773 = arith.constant 0.000000e+00 : f32
        %max3A_774 = vector.broadcast %max3A_773 : f32 to vector<16xf32>
        %max3A_775 = arith.maximumf %add3A_772, %max3A_774 : vector<16xf32>
        %add3A_776 = arith.constant 0 : i32
        %add3A_777 = arith.addi %add3A_776, %scan3A_692 : i32
        %swap3A_778 = arith.index_cast %add3A_777 : i32 to index
        %swap3A_779 = arith.constant 48 : index
        %swap3A_780 = tpu.vector_load %arg15[%swap3A_778, %swap3A_779] {strides = array<i32>} : memref<160x128xf32, #tpu.memory_space<vmem>>, vector<1x16xf32>,
        %swap3A_781 = vector.shape_cast %swap3A_780 : vector<1x16xf32> to vector<16xf32>
        %swap3A_782 = vector.shape_cast %max3A_775 : vector<16xf32> to vector<1x16xf32>
        tpu.vector_store %arg15[%swap3A_778, %swap3A_779], %swap3A_782 {strides = array<i32>} : memref<160x128xf32, #tpu.memory_space<vmem>>, vector<1x16xf32>,
        %add3A_783 = arith.constant 0 : i32
        %add3A_784 = arith.addi %add3A_783, %scan3A_692 : i32
        %get3A_785 = arith.index_cast %add3A_784 : i32 to index
        %get3A_786 = arith.constant 64 : index
        %get3A_787 = tpu.vector_load %arg15[%get3A_785, %get3A_786] {strides = array<i32>} : memref<160x128xf32, #tpu.memory_space<vmem>>, vector<1x16xf32>,
        %get3A_788 = vector.shape_cast %get3A_787 : vector<1x16xf32> to vector<16xf32>
        %add3A_789 = arith.constant 0 : i32
        %add3A_790 = arith.addi %add3A_789, %scan3A_692 : i32
        %get3A_791 = arith.index_cast %add3A_790 : i32 to index
        %get3A_792 = arith.constant 64 : index
        %get3A_793 = tpu.vector_load %arg16[%get3A_791, %get3A_792] {strides = array<i32>} : memref<80x128xf32, #tpu.memory_space<vmem>>, vector<1x16xf32>,
        %get3A_794 = vector.shape_cast %get3A_793 : vector<1x16xf32> to vector<16xf32>
        %add3A_795 = arith.addf %get3A_788, %get3A_794 : vector<16xf32>
        %max3A_796 = arith.constant 0.000000e+00 : f32
        %max3A_797 = vector.broadcast %max3A_796 : f32 to vector<16xf32>
        %max3A_798 = arith.maximumf %add3A_795, %max3A_797 : vector<16xf32>
        %add3A_799 = arith.constant 0 : i32
        %add3A_800 = arith.addi %add3A_799, %scan3A_692 : i32
        %swap3A_801 = arith.index_cast %add3A_800 : i32 to index
        %swap3A_802 = arith.constant 64 : index
        %swap3A_803 = tpu.vector_load %arg15[%swap3A_801, %swap3A_802] {strides = array<i32>} : memref<160x128xf32, #tpu.memory_space<vmem>>, vector<1x16xf32>,
        %swap3A_804 = vector.shape_cast %swap3A_803 : vector<1x16xf32> to vector<16xf32>
        %swap3A_805 = vector.shape_cast %max3A_798 : vector<16xf32> to vector<1x16xf32>
        tpu.vector_store %arg15[%swap3A_801, %swap3A_802], %swap3A_805 {strides = array<i32>} : memref<160x128xf32, #tpu.memory_space<vmem>>, vector<1x16xf32>,
        %add3A_806 = arith.constant 0 : i32
        %add3A_807 = arith.addi %add3A_806, %scan3A_692 : i32
        %get3A_808 = arith.index_cast %add3A_807 : i32 to index
        %get3A_809 = arith.constant 80 : index
        %get3A_810 = tpu.vector_load %arg15[%get3A_808, %get3A_809] {strides = array<i32>} : memref<160x128xf32, #tpu.memory_space<vmem>>, vector<1x16xf32>,
        %get3A_811 = vector.shape_cast %get3A_810 : vector<1x16xf32> to vector<16xf32>
        %add3A_812 = arith.constant 0 : i32
        %add3A_813 = arith.addi %add3A_812, %scan3A_692 : i32
        %get3A_814 = arith.index_cast %add3A_813 : i32 to index
        %get3A_815 = arith.constant 80 : index
        %get3A_816 = tpu.vector_load %arg16[%get3A_814, %get3A_815] {strides = array<i32>} : memref<80x128xf32, #tpu.memory_space<vmem>>, vector<1x16xf32>,
        %get3A_817 = vector.shape_cast %get3A_816 : vector<1x16xf32> to vector<16xf32>
        %add3A_818 = arith.addf %get3A_811, %get3A_817 : vector<16xf32>
        %max3A_819 = arith.constant 0.000000e+00 : f32
        %max3A_820 = vector.broadcast %max3A_819 : f32 to vector<16xf32>
        %max3A_821 = arith.maximumf %add3A_818, %max3A_820 : vector<16xf32>
        %add3A_822 = arith.constant 0 : i32
        %add3A_823 = arith.addi %add3A_822, %scan3A_692 : i32
        %swap3A_824 = arith.index_cast %add3A_823 : i32 to index
        %swap3A_825 = arith.constant 80 : index
        %swap3A_826 = tpu.vector_load %arg15[%swap3A_824, %swap3A_825] {strides = array<i32>} : memref<160x128xf32, #tpu.memory_space<vmem>>, vector<1x16xf32>,
        %swap3A_827 = vector.shape_cast %swap3A_826 : vector<1x16xf32> to vector<16xf32>
        %swap3A_828 = vector.shape_cast %max3A_821 : vector<16xf32> to vector<1x16xf32>
        tpu.vector_store %arg15[%swap3A_824, %swap3A_825], %swap3A_828 {strides = array<i32>} : memref<160x128xf32, #tpu.memory_space<vmem>>, vector<1x16xf32>,
        %add3A_829 = arith.constant 0 : i32
        %add3A_830 = arith.addi %add3A_829, %scan3A_692 : i32
        %get3A_831 = arith.index_cast %add3A_830 : i32 to index
        %get3A_832 = arith.constant 96 : index
        %get3A_833 = tpu.vector_load %arg15[%get3A_831, %get3A_832] {strides = array<i32>} : memref<160x128xf32, #tpu.memory_space<vmem>>, vector<1x16xf32>,
        %get3A_834 = vector.shape_cast %get3A_833 : vector<1x16xf32> to vector<16xf32>
        %add3A_835 = arith.constant 0 : i32
        %add3A_836 = arith.addi %add3A_835, %scan3A_692 : i32
        %get3A_837 = arith.index_cast %add3A_836 : i32 to index
        %get3A_838 = arith.constant 96 : index
        %get3A_839 = tpu.vector_load %arg16[%get3A_837, %get3A_838] {strides = array<i32>} : memref<80x128xf32, #tpu.memory_space<vmem>>, vector<1x16xf32>,
        %get3A_840 = vector.shape_cast %get3A_839 : vector<1x16xf32> to vector<16xf32>
        %add3A_841 = arith.addf %get3A_834, %get3A_840 : vector<16xf32>
        %max3A_842 = arith.constant 0.000000e+00 : f32
        %max3A_843 = vector.broadcast %max3A_842 : f32 to vector<16xf32>
        %max3A_844 = arith.maximumf %add3A_841, %max3A_843 : vector<16xf32>
        %add3A_845 = arith.constant 0 : i32
        %add3A_846 = arith.addi %add3A_845, %scan3A_692 : i32
        %swap3A_847 = arith.index_cast %add3A_846 : i32 to index
        %swap3A_848 = arith.constant 96 : index
        %swap3A_849 = tpu.vector_load %arg15[%swap3A_847, %swap3A_848] {strides = array<i32>} : memref<160x128xf32, #tpu.memory_space<vmem>>, vector<1x16xf32>,
        %swap3A_850 = vector.shape_cast %swap3A_849 : vector<1x16xf32> to vector<16xf32>
        %swap3A_851 = vector.shape_cast %max3A_844 : vector<16xf32> to vector<1x16xf32>
        tpu.vector_store %arg15[%swap3A_847, %swap3A_848], %swap3A_851 {strides = array<i32>} : memref<160x128xf32, #tpu.memory_space<vmem>>, vector<1x16xf32>,
        %add3A_852 = arith.constant 0 : i32
        %add3A_853 = arith.addi %add3A_852, %scan3A_692 : i32
        %get3A_854 = arith.index_cast %add3A_853 : i32 to index
        %get3A_855 = arith.constant 112 : index
        %get3A_856 = tpu.vector_load %arg15[%get3A_854, %get3A_855] {strides = array<i32>} : memref<160x128xf32, #tpu.memory_space<vmem>>, vector<1x16xf32>,
        %get3A_857 = vector.shape_cast %get3A_856 : vector<1x16xf32> to vector<16xf32>
        %add3A_858 = arith.constant 0 : i32
        %add3A_859 = arith.addi %add3A_858, %scan3A_692 : i32
        %get3A_860 = arith.index_cast %add3A_859 : i32 to index
        %get3A_861 = arith.constant 112 : index
        %get3A_862 = tpu.vector_load %arg16[%get3A_860, %get3A_861] {strides = array<i32>} : memref<80x128xf32, #tpu.memory_space<vmem>>, vector<1x16xf32>,
        %get3A_863 = vector.shape_cast %get3A_862 : vector<1x16xf32> to vector<16xf32>
        %add3A_864 = arith.addf %get3A_857, %get3A_863 : vector<16xf32>
        %max3A_865 = arith.constant 0.000000e+00 : f32
        %max3A_866 = vector.broadcast %max3A_865 : f32 to vector<16xf32>
        %max3A_867 = arith.maximumf %add3A_864, %max3A_866 : vector<16xf32>
        %add3A_868 = arith.constant 0 : i32
        %add3A_869 = arith.addi %add3A_868, %scan3A_692 : i32
        %swap3A_870 = arith.index_cast %add3A_869 : i32 to index
        %swap3A_871 = arith.constant 112 : index
        %swap3A_872 = tpu.vector_load %arg15[%swap3A_870, %swap3A_871] {strides = array<i32>} : memref<160x128xf32, #tpu.memory_space<vmem>>, vector<1x16xf32>,
        %swap3A_873 = vector.shape_cast %swap3A_872 : vector<1x16xf32> to vector<16xf32>
        %swap3A_874 = vector.shape_cast %max3A_867 : vector<16xf32> to vector<1x16xf32>
        tpu.vector_store %arg15[%swap3A_870, %swap3A_871], %swap3A_874 {strides = array<i32>} : memref<160x128xf32, #tpu.memory_space<vmem>>, vector<1x16xf32>,
        %scan3A_875 = arith.constant 0 : i32
        scf.yield %scan3A_875 : i32
      }
      %scan3A_297 = arith.constant 40 : i32
      %mul3A_298 = arith.constant 40 : i32
      %mul3A_299 = arith.muli %add3A_268, %mul3A_298 : i32
      %add3A_300 = arith.addi %mul3A_2, %mul3A_299 : i32
      %dma_wait3A_301 = arith.constant 0 : i32
      %dma_wait3A_302 = tpu.memref_slice %arg5[%add3A_300] : memref<320000xi32, #tpu.memory_space<hbm>> -> memref<40xi32, #tpu.memory_space<hbm>>
      %dma_wait3A_303 = tpu.memref_slice %arg19[%dma_wait3A_301] : memref<4x!tpu.dma_semaphore, #tpu.memory_space<semaphore_mem>> -> memref<1x!tpu.dma_semaphore, #tpu.memory_space<semaphore_mem>>
      %dma_wait3A_304 = tpu.memref_squeeze %dma_wait3A_303 : memref<1x!tpu.dma_semaphore, #tpu.memory_space<semaphore_mem>> -> memref<!tpu.dma_semaphore, #tpu.memory_space<semaphore_mem>>
      %dma_wait3A_305 = tpu.memref_slice %arg5[%add3A_300] : memref<320000xi32, #tpu.memory_space<hbm>> -> memref<40xi32, #tpu.memory_space<hbm>>
      tpu.wait_dma2 semaphore(%dma_wait3A_304 : memref<!tpu.dma_semaphore, #tpu.memory_space<semaphore_mem>>) src(%dma_wait3A_305 : memref<40xi32, #tpu.memory_space<hbm>>) dst(%arg11 : memref<40xi32, #tpu.memory_space<vmem>>)
      %dma_start3A_306 = arith.constant 0 : i32
      %dma_start3A_307 = arith.constant 0 : i32
      %dma_start3A_308 = arith.constant 0 : i32
      %dma_start3A_309 = tpu.memref_slice %arg15[%dma_start3A_307, %dma_start3A_308] : memref<160x128xf32, #tpu.memory_space<vmem>> -> memref<40x128xf32, #tpu.memory_space<vmem>>
      %dma_start3A_310 = arith.constant 0 : i32
      %dma_start3A_311 = arith.constant 0 : i32
      %dma_start3A_312 = tpu.memref_slice %arg17[%dma_start3A_310, %dma_start3A_311] : memref<10240x128xf32, #tpu.memory_space<vmem_shared>> -> memref<10240x128xf32, #tpu.memory_space<vmem_shared>>
      %dma_start3A_313 = tpu.memref_slice %arg22[%dma_start3A_306] : memref<4x!tpu.dma_semaphore, #tpu.memory_space<semaphore_mem>> -> memref<1x!tpu.dma_semaphore, #tpu.memory_space<semaphore_mem>>
      %dma_start3A_314 = tpu.memref_squeeze %dma_start3A_313 : memref<1x!tpu.dma_semaphore, #tpu.memory_space<semaphore_mem>> -> memref<!tpu.dma_semaphore, #tpu.memory_space<semaphore_mem>>
      tpu.enqueue_indirect_dma source(%dma_start3A_309 : memref<40x128xf32, #tpu.memory_space<vmem>>) target(%dma_start3A_312 : memref<10240x128xf32, #tpu.memory_space<vmem_shared>>) offsets(%arg11 : memref<40xi32, #tpu.memory_space<vmem>>) semaphore(%dma_start3A_314 : memref<!tpu.dma_semaphore, #tpu.memory_space<semaphore_mem>>) {add = true}
      %add3A_315 = arith.constant 2 : i32
      %add3A_316 = arith.addi %add3A_268, %add3A_315 : i32
      %mul3A_317 = arith.constant 40 : i32
      %mul3A_318 = arith.muli %add3A_316, %mul3A_317 : i32
      %add3A_319 = arith.addi %mul3A_2, %mul3A_318 : i32
      %dma_start3A_320 = arith.constant 0 : i32
      %dma_start3A_321 = arith.constant 0 : i32
      %dma_start3A_322 = arith.constant 0 : i32
      %dma_start3A_323 = tpu.memref_slice %arg16[%dma_start3A_321, %dma_start3A_322] : memref<80x128xf32, #tpu.memory_space<vmem>> -> memref<40x128xf32, #tpu.memory_space<vmem>>
      %dma_start3A_324 = arith.constant 0 : i32
      %dma_start3A_325 = tpu.memref_slice %arg3[%add3A_319, %dma_start3A_324] : memref<320000x128xf32, #tpu.memory_space<hbm>> -> memref<40x128xf32, #tpu.memory_space<hbm>>
      %dma_start3A_326 = tpu.memref_slice %arg21[%dma_start3A_320] : memref<2x!tpu.dma_semaphore, #tpu.memory_space<semaphore_mem>> -> memref<1x!tpu.dma_semaphore, #tpu.memory_space<semaphore_mem>>
      %dma_start3A_327 = tpu.memref_squeeze %dma_start3A_326 : memref<1x!tpu.dma_semaphore, #tpu.memory_space<semaphore_mem>> -> memref<!tpu.dma_semaphore, #tpu.memory_space<semaphore_mem>>
      %dma_start3A_328 = arith.constant 0 : i32
      %dma_start3A_329 = arith.constant 0 : i32
      %dma_start3A_330 = tpu.memref_slice %arg16[%dma_start3A_328, %dma_start3A_329] : memref<80x128xf32, #tpu.memory_space<vmem>> -> memref<40x128xf32, #tpu.memory_space<vmem>>
      %dma_start3A_331 = arith.constant 0 : i32
      %dma_start3A_332 = tpu.memref_slice %arg3[%add3A_319, %dma_start3A_331] : memref<320000x128xf32, #tpu.memory_space<hbm>> -> memref<40x128xf32, #tpu.memory_space<hbm>>
      tpu.enqueue_dma source(%dma_start3A_332 : memref<40x128xf32, #tpu.memory_space<hbm>>) target(%dma_start3A_330 : memref<40x128xf32, #tpu.memory_space<vmem>>) target_semaphore(%dma_start3A_327 : memref<!tpu.dma_semaphore, #tpu.memory_space<semaphore_mem>>)
      %add3A_333 = arith.constant 4 : i32
      %add3A_334 = arith.addi %add3A_268, %add3A_333 : i32
      %lt3A = arith.constant 250 : i32
      %lt3A_335 = arith.cmpi slt, %add3A_334, %lt3A : i32
      %convert_element_type3A = arith.extui %lt3A_335 : i1 to i32
      %cond3A = arith.constant 0 : i32
      %cond3A_336 = arith.cmpi ne, %convert_element_type3A, %cond3A : i32
      scf.if %cond3A_336 {
        %add3A_692 = arith.constant 4 : i32
        %add3A_693 = arith.addi %add3A_268, %add3A_692 : i32
        %mul3A_694 = arith.constant 40 : i32
        %mul3A_695 = arith.muli %add3A_693, %mul3A_694 : i32
        %add3A_696 = arith.addi %mul3A_2, %mul3A_695 : i32
        %dma_start3A_697 = arith.constant 0 : i32
        %dma_start3A_698 = tpu.memref_slice %arg4[%add3A_696] : memref<320000xi32, #tpu.memory_space<hbm>> -> memref<40xi32, #tpu.memory_space<hbm>>
        %dma_start3A_699 = tpu.memref_slice %arg18[%dma_start3A_697] : memref<4x!tpu.dma_semaphore, #tpu.memory_space<semaphore_mem>> -> memref<1x!tpu.dma_semaphore, #tpu.memory_space<semaphore_mem>>
        %dma_start3A_700 = tpu.memref_squeeze %dma_start3A_699 : memref<1x!tpu.dma_semaphore, #tpu.memory_space<semaphore_mem>> -> memref<!tpu.dma_semaphore, #tpu.memory_space<semaphore_mem>>
        %dma_start3A_701 = tpu.memref_slice %arg4[%add3A_696] : memref<320000xi32, #tpu.memory_space<hbm>> -> memref<40xi32, #tpu.memory_space<hbm>>
        tpu.enqueue_dma source(%dma_start3A_701 : memref<40xi32, #tpu.memory_space<hbm>>) target(%arg7 : memref<40xi32, #tpu.memory_space<vmem>>) target_semaphore(%dma_start3A_700 : memref<!tpu.dma_semaphore, #tpu.memory_space<semaphore_mem>>)
      } else {
      }
      %ge3A = arith.constant 2 : i32
      %ge3A_337 = arith.cmpi sge, %add3A_268, %ge3A : i32
      %convert_element_type3A_338 = arith.extui %ge3A_337 : i1 to i32
      %cond3A_339 = arith.constant 0 : i32
      %cond3A_340 = arith.cmpi ne, %convert_element_type3A_338, %cond3A_339 : i32
      scf.if %cond3A_340 {
        %dma_wait3A_692 = arith.constant 2 : i32
        %dma_wait3A_693 = arith.constant 80 : i32
        %dma_wait3A_694 = arith.constant 0 : i32
        %dma_wait3A_695 = tpu.memref_slice %arg15[%dma_wait3A_693, %dma_wait3A_694] : memref<160x128xf32, #tpu.memory_space<vmem>> -> memref<40x128xf32, #tpu.memory_space<vmem>>
        %dma_wait3A_696 = arith.constant 0 : i32
        %dma_wait3A_697 = arith.constant 0 : i32
        %dma_wait3A_698 = tpu.memref_slice %arg17[%dma_wait3A_696, %dma_wait3A_697] : memref<10240x128xf32, #tpu.memory_space<vmem_shared>> -> memref<10240x128xf32, #tpu.memory_space<vmem_shared>>
        %dma_wait3A_699 = tpu.memref_slice %arg22[%dma_wait3A_692] : memref<4x!tpu.dma_semaphore, #tpu.memory_space<semaphore_mem>> -> memref<1x!tpu.dma_semaphore, #tpu.memory_space<semaphore_mem>>
        %dma_wait3A_700 = tpu.memref_squeeze %dma_wait3A_699 : memref<1x!tpu.dma_semaphore, #tpu.memory_space<semaphore_mem>> -> memref<!tpu.dma_semaphore, #tpu.memory_space<semaphore_mem>>
        tpu.wait_indirect_dma semaphore(%dma_wait3A_700 : memref<!tpu.dma_semaphore, #tpu.memory_space<semaphore_mem>>) src(%dma_wait3A_695 : memref<40x128xf32, #tpu.memory_space<vmem>>) dst(%dma_wait3A_698 : memref<10240x128xf32, #tpu.memory_space<vmem_shared>>)
      } else {
      }
      %add3A_341 = arith.constant 2 : i32
      %add3A_342 = arith.addi %add3A_268, %add3A_341 : i32
      %mul3A_343 = arith.constant 40 : i32
      %mul3A_344 = arith.muli %add3A_342, %mul3A_343 : i32
      %add3A_345 = arith.addi %mul3A_2, %mul3A_344 : i32
      %dma_start3A_346 = arith.constant 2 : i32
      %dma_start3A_347 = tpu.memref_slice %arg5[%add3A_345] : memref<320000xi32, #tpu.memory_space<hbm>> -> memref<40xi32, #tpu.memory_space<hbm>>
      %dma_start3A_348 = tpu.memref_slice %arg19[%dma_start3A_346] : memref<4x!tpu.dma_semaphore, #tpu.memory_space<semaphore_mem>> -> memref<1x!tpu.dma_semaphore, #tpu.memory_space<semaphore_mem>>
      %dma_start3A_349 = tpu.memref_squeeze %dma_start3A_348 : memref<1x!tpu.dma_semaphore, #tpu.memory_space<semaphore_mem>> -> memref<!tpu.dma_semaphore, #tpu.memory_space<semaphore_mem>>
      %dma_start3A_350 = tpu.memref_slice %arg5[%add3A_345] : memref<320000xi32, #tpu.memory_space<hbm>> -> memref<40xi32, #tpu.memory_space<hbm>>
      tpu.enqueue_dma source(%dma_start3A_350 : memref<40xi32, #tpu.memory_space<hbm>>) target(%arg13 : memref<40xi32, #tpu.memory_space<vmem>>) target_semaphore(%dma_start3A_349 : memref<!tpu.dma_semaphore, #tpu.memory_space<semaphore_mem>>)
      %add3A_351 = arith.constant 2 : i32
      %add3A_352 = arith.addi %add3A_268, %add3A_351 : i32
      %mul3A_353 = arith.constant 40 : i32
      %mul3A_354 = arith.muli %add3A_352, %mul3A_353 : i32
      %add3A_355 = arith.addi %mul3A_2, %mul3A_354 : i32
      %dma_wait3A_356 = arith.constant 2 : i32
      %dma_wait3A_357 = tpu.memref_slice %arg4[%add3A_355] : memref<320000xi32, #tpu.memory_space<hbm>> -> memref<40xi32, #tpu.memory_space<hbm>>
      %dma_wait3A_358 = tpu.memref_slice %arg18[%dma_wait3A_356] : memref<4x!tpu.dma_semaphore, #tpu.memory_space<semaphore_mem>> -> memref<1x!tpu.dma_semaphore, #tpu.memory_space<semaphore_mem>>
      %dma_wait3A_359 = tpu.memref_squeeze %dma_wait3A_358 : memref<1x!tpu.dma_semaphore, #tpu.memory_space<semaphore_mem>> -> memref<!tpu.dma_semaphore, #tpu.memory_space<semaphore_mem>>
      %dma_wait3A_360 = tpu.memref_slice %arg4[%add3A_355] : memref<320000xi32, #tpu.memory_space<hbm>> -> memref<40xi32, #tpu.memory_space<hbm>>
      tpu.wait_dma2 semaphore(%dma_wait3A_359 : memref<!tpu.dma_semaphore, #tpu.memory_space<semaphore_mem>>) src(%dma_wait3A_360 : memref<40xi32, #tpu.memory_space<hbm>>) dst(%arg9 : memref<40xi32, #tpu.memory_space<vmem>>)
      %dma_start3A_361 = arith.constant 2 : i32
      %dma_start3A_362 = arith.constant 80 : i32
      %dma_start3A_363 = arith.constant 0 : i32
      %dma_start3A_364 = tpu.memref_slice %arg15[%dma_start3A_362, %dma_start3A_363] : memref<160x128xf32, #tpu.memory_space<vmem>> -> memref<40x128xf32, #tpu.memory_space<vmem>>
      %dma_start3A_365 = arith.constant 0 : i32
      %dma_start3A_366 = arith.constant 0 : i32
      %dma_start3A_367 = tpu.memref_slice %arg2[%dma_start3A_365, %dma_start3A_366] : memref<10000x128xf32, #tpu.memory_space<hbm>> -> memref<10000x128xf32, #tpu.memory_space<hbm>>
      %dma_start3A_368 = tpu.memref_slice %arg20[%dma_start3A_361] : memref<4x!tpu.dma_semaphore, #tpu.memory_space<semaphore_mem>> -> memref<1x!tpu.dma_semaphore, #tpu.memory_space<semaphore_mem>>
      %dma_start3A_369 = tpu.memref_squeeze %dma_start3A_368 : memref<1x!tpu.dma_semaphore, #tpu.memory_space<semaphore_mem>> -> memref<!tpu.dma_semaphore, #tpu.memory_space<semaphore_mem>>
      tpu.enqueue_indirect_dma source(%dma_start3A_367 : memref<10000x128xf32, #tpu.memory_space<hbm>>) target(%dma_start3A_364 : memref<40x128xf32, #tpu.memory_space<vmem>>) offsets(%arg9 : memref<40xi32, #tpu.memory_space<vmem>>) semaphore(%dma_start3A_369 : memref<!tpu.dma_semaphore, #tpu.memory_space<semaphore_mem>>)
      %add3A_370 = arith.constant 1 : i32
      %add3A_371 = arith.addi %mul3A_266, %add3A_370 : i32
      %dma_wait3A_372 = arith.constant 1 : i32
      %dma_wait3A_373 = arith.constant 40 : i32
      %dma_wait3A_374 = arith.constant 0 : i32
      %dma_wait3A_375 = tpu.memref_slice %arg15[%dma_wait3A_373, %dma_wait3A_374] : memref<160x128xf32, #tpu.memory_space<vmem>> -> memref<40x128xf32, #tpu.memory_space<vmem>>
      %dma_wait3A_376 = arith.constant 0 : i32
      %dma_wait3A_377 = arith.constant 0 : i32
      %dma_wait3A_378 = tpu.memref_slice %arg2[%dma_wait3A_376, %dma_wait3A_377] : memref<10000x128xf32, #tpu.memory_space<hbm>> -> memref<10000x128xf32, #tpu.memory_space<hbm>>
      %dma_wait3A_379 = tpu.memref_slice %arg20[%dma_wait3A_372] : memref<4x!tpu.dma_semaphore, #tpu.memory_space<semaphore_mem>> -> memref<1x!tpu.dma_semaphore, #tpu.memory_space<semaphore_mem>>
      %dma_wait3A_380 = tpu.memref_squeeze %dma_wait3A_379 : memref<1x!tpu.dma_semaphore, #tpu.memory_space<semaphore_mem>> -> memref<!tpu.dma_semaphore, #tpu.memory_space<semaphore_mem>>
      tpu.wait_indirect_dma semaphore(%dma_wait3A_380 : memref<!tpu.dma_semaphore, #tpu.memory_space<semaphore_mem>>) src(%dma_wait3A_378 : memref<10000x128xf32, #tpu.memory_space<hbm>>) dst(%dma_wait3A_375 : memref<40x128xf32, #tpu.memory_space<vmem>>)
      %dma_wait3A_381 = arith.constant 1 : i32
      %dma_wait3A_382 = arith.constant 40 : i32
      %dma_wait3A_383 = arith.constant 0 : i32
      %dma_wait3A_384 = tpu.memref_slice %arg16[%dma_wait3A_382, %dma_wait3A_383] : memref<80x128xf32, #tpu.memory_space<vmem>> -> memref<40x128xf32, #tpu.memory_space<vmem>>
      %dma_wait3A_385 = arith.constant 0 : i32
      %dma_wait3A_386 = tpu.memref_slice %arg3[%mul3A_2, %dma_wait3A_385] : memref<320000x128xf32, #tpu.memory_space<hbm>> -> memref<40x128xf32, #tpu.memory_space<hbm>>
      %dma_wait3A_387 = tpu.memref_slice %arg21[%dma_wait3A_381] : memref<2x!tpu.dma_semaphore, #tpu.memory_space<semaphore_mem>> -> memref<1x!tpu.dma_semaphore, #tpu.memory_space<semaphore_mem>>
      %dma_wait3A_388 = tpu.memref_squeeze %dma_wait3A_387 : memref<1x!tpu.dma_semaphore, #tpu.memory_space<semaphore_mem>> -> memref<!tpu.dma_semaphore, #tpu.memory_space<semaphore_mem>>
      %dma_wait3A_389 = arith.constant 40 : i32
      %dma_wait3A_390 = arith.constant 0 : i32
      %dma_wait3A_391 = tpu.memref_slice %arg16[%dma_wait3A_389, %dma_wait3A_390] : memref<80x128xf32, #tpu.memory_space<vmem>> -> memref<40x128xf32, #tpu.memory_space<vmem>>
      %dma_wait3A_392 = arith.constant 0 : i32
      %dma_wait3A_393 = tpu.memref_slice %arg3[%mul3A_2, %dma_wait3A_392] : memref<320000x128xf32, #tpu.memory_space<hbm>> -> memref<40x128xf32, #tpu.memory_space<hbm>>
      tpu.wait_dma2 semaphore(%dma_wait3A_388 : memref<!tpu.dma_semaphore, #tpu.memory_space<semaphore_mem>>) src(%dma_wait3A_393 : memref<40x128xf32, #tpu.memory_space<hbm>>) dst(%dma_wait3A_391 : memref<40x128xf32, #tpu.memory_space<vmem>>)
      %scan3A_394 = arith.constant 0 : i32
      %scan3A_395 = arith.constant 0 : i32
      %scan3A_396 = arith.constant 40 : i32
      %scan3A_397 = arith.addi %scan3A_395, %scan3A_396 : i32
      %scan3A_398 = arith.constant 1 : i32
      %scan3A_399 = scf.for %scan3A_692 = %scan3A_395 to %scan3A_397 step %scan3A_398 iter_args(%scan3A_693 = %scan3A_394) -> (i32)  : i32 {
        %add3A_694 = arith.constant 40 : i32
        %add3A_695 = arith.addi %add3A_694, %scan3A_692 : i32
        %get3A = arith.index_cast %add3A_695 : i32 to index
        %get3A_696 = arith.constant 0 : index
        %get3A_697 = tpu.vector_load %arg15[%get3A, %get3A_696] {strides = array<i32>} : memref<160x128xf32, #tpu.memory_space<vmem>>, vector<1x16xf32>,
        %get3A_698 = vector.shape_cast %get3A_697 : vector<1x16xf32> to vector<16xf32>
        %add3A_699 = arith.constant 40 : i32
        %add3A_700 = arith.addi %add3A_699, %scan3A_692 : i32
        %get3A_701 = arith.index_cast %add3A_700 : i32 to index
        %get3A_702 = arith.constant 0 : index
        %get3A_703 = tpu.vector_load %arg16[%get3A_701, %get3A_702] {strides = array<i32>} : memref<80x128xf32, #tpu.memory_space<vmem>>, vector<1x16xf32>,
        %get3A_704 = vector.shape_cast %get3A_703 : vector<1x16xf32> to vector<16xf32>
        %add3A_705 = arith.addf %get3A_698, %get3A_704 : vector<16xf32>
        %max3A = arith.constant 0.000000e+00 : f32
        %max3A_706 = vector.broadcast %max3A : f32 to vector<16xf32>
        %max3A_707 = arith.maximumf %add3A_705, %max3A_706 : vector<16xf32>
        %add3A_708 = arith.constant 40 : i32
        %add3A_709 = arith.addi %add3A_708, %scan3A_692 : i32
        %swap3A = arith.index_cast %add3A_709 : i32 to index
        %swap3A_710 = arith.constant 0 : index
        %swap3A_711 = tpu.vector_load %arg15[%swap3A, %swap3A_710] {strides = array<i32>} : memref<160x128xf32, #tpu.memory_space<vmem>>, vector<1x16xf32>,
        %swap3A_712 = vector.shape_cast %swap3A_711 : vector<1x16xf32> to vector<16xf32>
        %swap3A_713 = vector.shape_cast %max3A_707 : vector<16xf32> to vector<1x16xf32>
        tpu.vector_store %arg15[%swap3A, %swap3A_710], %swap3A_713 {strides = array<i32>} : memref<160x128xf32, #tpu.memory_space<vmem>>, vector<1x16xf32>,
        %add3A_714 = arith.constant 40 : i32
        %add3A_715 = arith.addi %add3A_714, %scan3A_692 : i32
        %get3A_716 = arith.index_cast %add3A_715 : i32 to index
        %get3A_717 = arith.constant 16 : index
        %get3A_718 = tpu.vector_load %arg15[%get3A_716, %get3A_717] {strides = array<i32>} : memref<160x128xf32, #tpu.memory_space<vmem>>, vector<1x16xf32>,
        %get3A_719 = vector.shape_cast %get3A_718 : vector<1x16xf32> to vector<16xf32>
        %add3A_720 = arith.constant 40 : i32
        %add3A_721 = arith.addi %add3A_720, %scan3A_692 : i32
        %get3A_722 = arith.index_cast %add3A_721 : i32 to index
        %get3A_723 = arith.constant 16 : index
        %get3A_724 = tpu.vector_load %arg16[%get3A_722, %get3A_723] {strides = array<i32>} : memref<80x128xf32, #tpu.memory_space<vmem>>, vector<1x16xf32>,
        %get3A_725 = vector.shape_cast %get3A_724 : vector<1x16xf32> to vector<16xf32>
        %add3A_726 = arith.addf %get3A_719, %get3A_725 : vector<16xf32>
        %max3A_727 = arith.constant 0.000000e+00 : f32
        %max3A_728 = vector.broadcast %max3A_727 : f32 to vector<16xf32>
        %max3A_729 = arith.maximumf %add3A_726, %max3A_728 : vector<16xf32>
        %add3A_730 = arith.constant 40 : i32
        %add3A_731 = arith.addi %add3A_730, %scan3A_692 : i32
        %swap3A_732 = arith.index_cast %add3A_731 : i32 to index
        %swap3A_733 = arith.constant 16 : index
        %swap3A_734 = tpu.vector_load %arg15[%swap3A_732, %swap3A_733] {strides = array<i32>} : memref<160x128xf32, #tpu.memory_space<vmem>>, vector<1x16xf32>,
        %swap3A_735 = vector.shape_cast %swap3A_734 : vector<1x16xf32> to vector<16xf32>
        %swap3A_736 = vector.shape_cast %max3A_729 : vector<16xf32> to vector<1x16xf32>
        tpu.vector_store %arg15[%swap3A_732, %swap3A_733], %swap3A_736 {strides = array<i32>} : memref<160x128xf32, #tpu.memory_space<vmem>>, vector<1x16xf32>,
        %add3A_737 = arith.constant 40 : i32
        %add3A_738 = arith.addi %add3A_737, %scan3A_692 : i32
        %get3A_739 = arith.index_cast %add3A_738 : i32 to index
        %get3A_740 = arith.constant 32 : index
        %get3A_741 = tpu.vector_load %arg15[%get3A_739, %get3A_740] {strides = array<i32>} : memref<160x128xf32, #tpu.memory_space<vmem>>, vector<1x16xf32>,
        %get3A_742 = vector.shape_cast %get3A_741 : vector<1x16xf32> to vector<16xf32>
        %add3A_743 = arith.constant 40 : i32
        %add3A_744 = arith.addi %add3A_743, %scan3A_692 : i32
        %get3A_745 = arith.index_cast %add3A_744 : i32 to index
        %get3A_746 = arith.constant 32 : index
        %get3A_747 = tpu.vector_load %arg16[%get3A_745, %get3A_746] {strides = array<i32>} : memref<80x128xf32, #tpu.memory_space<vmem>>, vector<1x16xf32>,
        %get3A_748 = vector.shape_cast %get3A_747 : vector<1x16xf32> to vector<16xf32>
        %add3A_749 = arith.addf %get3A_742, %get3A_748 : vector<16xf32>
        %max3A_750 = arith.constant 0.000000e+00 : f32
        %max3A_751 = vector.broadcast %max3A_750 : f32 to vector<16xf32>
        %max3A_752 = arith.maximumf %add3A_749, %max3A_751 : vector<16xf32>
        %add3A_753 = arith.constant 40 : i32
        %add3A_754 = arith.addi %add3A_753, %scan3A_692 : i32
        %swap3A_755 = arith.index_cast %add3A_754 : i32 to index
        %swap3A_756 = arith.constant 32 : index
        %swap3A_757 = tpu.vector_load %arg15[%swap3A_755, %swap3A_756] {strides = array<i32>} : memref<160x128xf32, #tpu.memory_space<vmem>>, vector<1x16xf32>,
        %swap3A_758 = vector.shape_cast %swap3A_757 : vector<1x16xf32> to vector<16xf32>
        %swap3A_759 = vector.shape_cast %max3A_752 : vector<16xf32> to vector<1x16xf32>
        tpu.vector_store %arg15[%swap3A_755, %swap3A_756], %swap3A_759 {strides = array<i32>} : memref<160x128xf32, #tpu.memory_space<vmem>>, vector<1x16xf32>,
        %add3A_760 = arith.constant 40 : i32
        %add3A_761 = arith.addi %add3A_760, %scan3A_692 : i32
        %get3A_762 = arith.index_cast %add3A_761 : i32 to index
        %get3A_763 = arith.constant 48 : index
        %get3A_764 = tpu.vector_load %arg15[%get3A_762, %get3A_763] {strides = array<i32>} : memref<160x128xf32, #tpu.memory_space<vmem>>, vector<1x16xf32>,
        %get3A_765 = vector.shape_cast %get3A_764 : vector<1x16xf32> to vector<16xf32>
        %add3A_766 = arith.constant 40 : i32
        %add3A_767 = arith.addi %add3A_766, %scan3A_692 : i32
        %get3A_768 = arith.index_cast %add3A_767 : i32 to index
        %get3A_769 = arith.constant 48 : index
        %get3A_770 = tpu.vector_load %arg16[%get3A_768, %get3A_769] {strides = array<i32>} : memref<80x128xf32, #tpu.memory_space<vmem>>, vector<1x16xf32>,
        %get3A_771 = vector.shape_cast %get3A_770 : vector<1x16xf32> to vector<16xf32>
        %add3A_772 = arith.addf %get3A_765, %get3A_771 : vector<16xf32>
        %max3A_773 = arith.constant 0.000000e+00 : f32
        %max3A_774 = vector.broadcast %max3A_773 : f32 to vector<16xf32>
        %max3A_775 = arith.maximumf %add3A_772, %max3A_774 : vector<16xf32>
        %add3A_776 = arith.constant 40 : i32
        %add3A_777 = arith.addi %add3A_776, %scan3A_692 : i32
        %swap3A_778 = arith.index_cast %add3A_777 : i32 to index
        %swap3A_779 = arith.constant 48 : index
        %swap3A_780 = tpu.vector_load %arg15[%swap3A_778, %swap3A_779] {strides = array<i32>} : memref<160x128xf32, #tpu.memory_space<vmem>>, vector<1x16xf32>,
        %swap3A_781 = vector.shape_cast %swap3A_780 : vector<1x16xf32> to vector<16xf32>
        %swap3A_782 = vector.shape_cast %max3A_775 : vector<16xf32> to vector<1x16xf32>
        tpu.vector_store %arg15[%swap3A_778, %swap3A_779], %swap3A_782 {strides = array<i32>} : memref<160x128xf32, #tpu.memory_space<vmem>>, vector<1x16xf32>,
        %add3A_783 = arith.constant 40 : i32
        %add3A_784 = arith.addi %add3A_783, %scan3A_692 : i32
        %get3A_785 = arith.index_cast %add3A_784 : i32 to index
        %get3A_786 = arith.constant 64 : index
        %get3A_787 = tpu.vector_load %arg15[%get3A_785, %get3A_786] {strides = array<i32>} : memref<160x128xf32, #tpu.memory_space<vmem>>, vector<1x16xf32>,
        %get3A_788 = vector.shape_cast %get3A_787 : vector<1x16xf32> to vector<16xf32>
        %add3A_789 = arith.constant 40 : i32
        %add3A_790 = arith.addi %add3A_789, %scan3A_692 : i32
        %get3A_791 = arith.index_cast %add3A_790 : i32 to index
        %get3A_792 = arith.constant 64 : index
        %get3A_793 = tpu.vector_load %arg16[%get3A_791, %get3A_792] {strides = array<i32>} : memref<80x128xf32, #tpu.memory_space<vmem>>, vector<1x16xf32>,
        %get3A_794 = vector.shape_cast %get3A_793 : vector<1x16xf32> to vector<16xf32>
        %add3A_795 = arith.addf %get3A_788, %get3A_794 : vector<16xf32>
        %max3A_796 = arith.constant 0.000000e+00 : f32
        %max3A_797 = vector.broadcast %max3A_796 : f32 to vector<16xf32>
        %max3A_798 = arith.maximumf %add3A_795, %max3A_797 : vector<16xf32>
        %add3A_799 = arith.constant 40 : i32
        %add3A_800 = arith.addi %add3A_799, %scan3A_692 : i32
        %swap3A_801 = arith.index_cast %add3A_800 : i32 to index
        %swap3A_802 = arith.constant 64 : index
        %swap3A_803 = tpu.vector_load %arg15[%swap3A_801, %swap3A_802] {strides = array<i32>} : memref<160x128xf32, #tpu.memory_space<vmem>>, vector<1x16xf32>,
        %swap3A_804 = vector.shape_cast %swap3A_803 : vector<1x16xf32> to vector<16xf32>
        %swap3A_805 = vector.shape_cast %max3A_798 : vector<16xf32> to vector<1x16xf32>
        tpu.vector_store %arg15[%swap3A_801, %swap3A_802], %swap3A_805 {strides = array<i32>} : memref<160x128xf32, #tpu.memory_space<vmem>>, vector<1x16xf32>,
        %add3A_806 = arith.constant 40 : i32
        %add3A_807 = arith.addi %add3A_806, %scan3A_692 : i32
        %get3A_808 = arith.index_cast %add3A_807 : i32 to index
        %get3A_809 = arith.constant 80 : index
        %get3A_810 = tpu.vector_load %arg15[%get3A_808, %get3A_809] {strides = array<i32>} : memref<160x128xf32, #tpu.memory_space<vmem>>, vector<1x16xf32>,
        %get3A_811 = vector.shape_cast %get3A_810 : vector<1x16xf32> to vector<16xf32>
        %add3A_812 = arith.constant 40 : i32
        %add3A_813 = arith.addi %add3A_812, %scan3A_692 : i32
        %get3A_814 = arith.index_cast %add3A_813 : i32 to index
        %get3A_815 = arith.constant 80 : index
        %get3A_816 = tpu.vector_load %arg16[%get3A_814, %get3A_815] {strides = array<i32>} : memref<80x128xf32, #tpu.memory_space<vmem>>, vector<1x16xf32>,
        %get3A_817 = vector.shape_cast %get3A_816 : vector<1x16xf32> to vector<16xf32>
        %add3A_818 = arith.addf %get3A_811, %get3A_817 : vector<16xf32>
        %max3A_819 = arith.constant 0.000000e+00 : f32
        %max3A_820 = vector.broadcast %max3A_819 : f32 to vector<16xf32>
        %max3A_821 = arith.maximumf %add3A_818, %max3A_820 : vector<16xf32>
        %add3A_822 = arith.constant 40 : i32
        %add3A_823 = arith.addi %add3A_822, %scan3A_692 : i32
        %swap3A_824 = arith.index_cast %add3A_823 : i32 to index
        %swap3A_825 = arith.constant 80 : index
        %swap3A_826 = tpu.vector_load %arg15[%swap3A_824, %swap3A_825] {strides = array<i32>} : memref<160x128xf32, #tpu.memory_space<vmem>>, vector<1x16xf32>,
        %swap3A_827 = vector.shape_cast %swap3A_826 : vector<1x16xf32> to vector<16xf32>
        %swap3A_828 = vector.shape_cast %max3A_821 : vector<16xf32> to vector<1x16xf32>
        tpu.vector_store %arg15[%swap3A_824, %swap3A_825], %swap3A_828 {strides = array<i32>} : memref<160x128xf32, #tpu.memory_space<vmem>>, vector<1x16xf32>,
        %add3A_829 = arith.constant 40 : i32
        %add3A_830 = arith.addi %add3A_829, %scan3A_692 : i32
        %get3A_831 = arith.index_cast %add3A_830 : i32 to index
        %get3A_832 = arith.constant 96 : index
        %get3A_833 = tpu.vector_load %arg15[%get3A_831, %get3A_832] {strides = array<i32>} : memref<160x128xf32, #tpu.memory_space<vmem>>, vector<1x16xf32>,
        %get3A_834 = vector.shape_cast %get3A_833 : vector<1x16xf32> to vector<16xf32>
        %add3A_835 = arith.constant 40 : i32
        %add3A_836 = arith.addi %add3A_835, %scan3A_692 : i32
        %get3A_837 = arith.index_cast %add3A_836 : i32 to index
        %get3A_838 = arith.constant 96 : index
        %get3A_839 = tpu.vector_load %arg16[%get3A_837, %get3A_838] {strides = array<i32>} : memref<80x128xf32, #tpu.memory_space<vmem>>, vector<1x16xf32>,
        %get3A_840 = vector.shape_cast %get3A_839 : vector<1x16xf32> to vector<16xf32>
        %add3A_841 = arith.addf %get3A_834, %get3A_840 : vector<16xf32>
        %max3A_842 = arith.constant 0.000000e+00 : f32
        %max3A_843 = vector.broadcast %max3A_842 : f32 to vector<16xf32>
        %max3A_844 = arith.maximumf %add3A_841, %max3A_843 : vector<16xf32>
        %add3A_845 = arith.constant 40 : i32
        %add3A_846 = arith.addi %add3A_845, %scan3A_692 : i32
        %swap3A_847 = arith.index_cast %add3A_846 : i32 to index
        %swap3A_848 = arith.constant 96 : index
        %swap3A_849 = tpu.vector_load %arg15[%swap3A_847, %swap3A_848] {strides = array<i32>} : memref<160x128xf32, #tpu.memory_space<vmem>>, vector<1x16xf32>,
        %swap3A_850 = vector.shape_cast %swap3A_849 : vector<1x16xf32> to vector<16xf32>
        %swap3A_851 = vector.shape_cast %max3A_844 : vector<16xf32> to vector<1x16xf32>
        tpu.vector_store %arg15[%swap3A_847, %swap3A_848], %swap3A_851 {strides = array<i32>} : memref<160x128xf32, #tpu.memory_space<vmem>>, vector<1x16xf32>,
        %add3A_852 = arith.constant 40 : i32
        %add3A_853 = arith.addi %add3A_852, %scan3A_692 : i32
        %get3A_854 = arith.index_cast %add3A_853 : i32 to index
        %get3A_855 = arith.constant 112 : index
        %get3A_856 = tpu.vector_load %arg15[%get3A_854, %get3A_855] {strides = array<i32>} : memref<160x128xf32, #tpu.memory_space<vmem>>, vector<1x16xf32>,
        %get3A_857 = vector.shape_cast %get3A_856 : vector<1x16xf32> to vector<16xf32>
        %add3A_858 = arith.constant 40 : i32
        %add3A_859 = arith.addi %add3A_858, %scan3A_692 : i32
        %get3A_860 = arith.index_cast %add3A_859 : i32 to index
        %get3A_861 = arith.constant 112 : index
        %get3A_862 = tpu.vector_load %arg16[%get3A_860, %get3A_861] {strides = array<i32>} : memref<80x128xf32, #tpu.memory_space<vmem>>, vector<1x16xf32>,
        %get3A_863 = vector.shape_cast %get3A_862 : vector<1x16xf32> to vector<16xf32>
        %add3A_864 = arith.addf %get3A_857, %get3A_863 : vector<16xf32>
        %max3A_865 = arith.constant 0.000000e+00 : f32
        %max3A_866 = vector.broadcast %max3A_865 : f32 to vector<16xf32>
        %max3A_867 = arith.maximumf %add3A_864, %max3A_866 : vector<16xf32>
        %add3A_868 = arith.constant 40 : i32
        %add3A_869 = arith.addi %add3A_868, %scan3A_692 : i32
        %swap3A_870 = arith.index_cast %add3A_869 : i32 to index
        %swap3A_871 = arith.constant 112 : index
        %swap3A_872 = tpu.vector_load %arg15[%swap3A_870, %swap3A_871] {strides = array<i32>} : memref<160x128xf32, #tpu.memory_space<vmem>>, vector<1x16xf32>,
        %swap3A_873 = vector.shape_cast %swap3A_872 : vector<1x16xf32> to vector<16xf32>
        %swap3A_874 = vector.shape_cast %max3A_867 : vector<16xf32> to vector<1x16xf32>
        tpu.vector_store %arg15[%swap3A_870, %swap3A_871], %swap3A_874 {strides = array<i32>} : memref<160x128xf32, #tpu.memory_space<vmem>>, vector<1x16xf32>,
        %scan3A_875 = arith.constant 0 : i32
        scf.yield %scan3A_875 : i32
      }
      %scan3A_400 = arith.constant 40 : i32
      %mul3A_401 = arith.constant 40 : i32
      %mul3A_402 = arith.muli %add3A_371, %mul3A_401 : i32
      %add3A_403 = arith.addi %mul3A_2, %mul3A_402 : i32
      %dma_wait3A_404 = arith.constant 1 : i32
      %dma_wait3A_405 = tpu.memref_slice %arg5[%add3A_403] : memref<320000xi32, #tpu.memory_space<hbm>> -> memref<40xi32, #tpu.memory_space<hbm>>
      %dma_wait3A_406 = tpu.memref_slice %arg19[%dma_wait3A_404] : memref<4x!tpu.dma_semaphore, #tpu.memory_space<semaphore_mem>> -> memref<1x!tpu.dma_semaphore, #tpu.memory_space<semaphore_mem>>
      %dma_wait3A_407 = tpu.memref_squeeze %dma_wait3A_406 : memref<1x!tpu.dma_semaphore, #tpu.memory_space<semaphore_mem>> -> memref<!tpu.dma_semaphore, #tpu.memory_space<semaphore_mem>>
      %dma_wait3A_408 = tpu.memref_slice %arg5[%add3A_403] : memref<320000xi32, #tpu.memory_space<hbm>> -> memref<40xi32, #tpu.memory_space<hbm>>
      tpu.wait_dma2 semaphore(%dma_wait3A_407 : memref<!tpu.dma_semaphore, #tpu.memory_space<semaphore_mem>>) src(%dma_wait3A_408 : memref<40xi32, #tpu.memory_space<hbm>>) dst(%arg12 : memref<40xi32, #tpu.memory_space<vmem>>)
      %dma_start3A_409 = arith.constant 1 : i32
      %dma_start3A_410 = arith.constant 40 : i32
      %dma_start3A_411 = arith.constant 0 : i32
      %dma_start3A_412 = tpu.memref_slice %arg15[%dma_start3A_410, %dma_start3A_411] : memref<160x128xf32, #tpu.memory_space<vmem>> -> memref<40x128xf32, #tpu.memory_space<vmem>>
      %dma_start3A_413 = arith.constant 0 : i32
      %dma_start3A_414 = arith.constant 0 : i32
      %dma_start3A_415 = tpu.memref_slice %arg17[%dma_start3A_413, %dma_start3A_414] : memref<10240x128xf32, #tpu.memory_space<vmem_shared>> -> memref<10240x128xf32, #tpu.memory_space<vmem_shared>>
      %dma_start3A_416 = tpu.memref_slice %arg22[%dma_start3A_409] : memref<4x!tpu.dma_semaphore, #tpu.memory_space<semaphore_mem>> -> memref<1x!tpu.dma_semaphore, #tpu.memory_space<semaphore_mem>>
      %dma_start3A_417 = tpu.memref_squeeze %dma_start3A_416 : memref<1x!tpu.dma_semaphore, #tpu.memory_space<semaphore_mem>> -> memref<!tpu.dma_semaphore, #tpu.memory_space<semaphore_mem>>
      tpu.enqueue_indirect_dma source(%dma_start3A_412 : memref<40x128xf32, #tpu.memory_space<vmem>>) target(%dma_start3A_415 : memref<10240x128xf32, #tpu.memory_space<vmem_shared>>) offsets(%arg12 : memref<40xi32, #tpu.memory_space<vmem>>) semaphore(%dma_start3A_417 : memref<!tpu.dma_semaphore, #tpu.memory_space<semaphore_mem>>) {add = true}
      %add3A_418 = arith.constant 2 : i32
      %add3A_419 = arith.addi %add3A_371, %add3A_418 : i32
      %mul3A_420 = arith.constant 40 : i32
      %mul3A_421 = arith.muli %add3A_419, %mul3A_420 : i32
      %add3A_422 = arith.addi %mul3A_2, %mul3A_421 : i32
      %dma_start3A_423 = arith.constant 1 : i32
      %dma_start3A_424 = arith.constant 40 : i32
      %dma_start3A_425 = arith.constant 0 : i32
      %dma_start3A_426 = tpu.memref_slice %arg16[%dma_start3A_424, %dma_start3A_425] : memref<80x128xf32, #tpu.memory_space<vmem>> -> memref<40x128xf32, #tpu.memory_space<vmem>>
      %dma_start3A_427 = arith.constant 0 : i32
      %dma_start3A_428 = tpu.memref_slice %arg3[%add3A_422, %dma_start3A_427] : memref<320000x128xf32, #tpu.memory_space<hbm>> -> memref<40x128xf32, #tpu.memory_space<hbm>>
      %dma_start3A_429 = tpu.memref_slice %arg21[%dma_start3A_423] : memref<2x!tpu.dma_semaphore, #tpu.memory_space<semaphore_mem>> -> memref<1x!tpu.dma_semaphore, #tpu.memory_space<semaphore_mem>>
      %dma_start3A_430 = tpu.memref_squeeze %dma_start3A_429 : memref<1x!tpu.dma_semaphore, #tpu.memory_space<semaphore_mem>> -> memref<!tpu.dma_semaphore, #tpu.memory_space<semaphore_mem>>
      %dma_start3A_431 = arith.constant 40 : i32
      %dma_start3A_432 = arith.constant 0 : i32
      %dma_start3A_433 = tpu.memref_slice %arg16[%dma_start3A_431, %dma_start3A_432] : memref<80x128xf32, #tpu.memory_space<vmem>> -> memref<40x128xf32, #tpu.memory_space<vmem>>
      %dma_start3A_434 = arith.constant 0 : i32
      %dma_start3A_435 = tpu.memref_slice %arg3[%add3A_422, %dma_start3A_434] : memref<320000x128xf32, #tpu.memory_space<hbm>> -> memref<40x128xf32, #tpu.memory_space<hbm>>
      tpu.enqueue_dma source(%dma_start3A_435 : memref<40x128xf32, #tpu.memory_space<hbm>>) target(%dma_start3A_433 : memref<40x128xf32, #tpu.memory_space<vmem>>) target_semaphore(%dma_start3A_430 : memref<!tpu.dma_semaphore, #tpu.memory_space<semaphore_mem>>)
      %add3A_436 = arith.constant 4 : i32
      %add3A_437 = arith.addi %add3A_371, %add3A_436 : i32
      %lt3A_438 = arith.constant 250 : i32
      %lt3A_439 = arith.cmpi slt, %add3A_437, %lt3A_438 : i32
      %convert_element_type3A_440 = arith.extui %lt3A_439 : i1 to i32
      %cond3A_441 = arith.constant 0 : i32
      %cond3A_442 = arith.cmpi ne, %convert_element_type3A_440, %cond3A_441 : i32
      scf.if %cond3A_442 {
        %add3A_692 = arith.constant 4 : i32
        %add3A_693 = arith.addi %add3A_371, %add3A_692 : i32
        %mul3A_694 = arith.constant 40 : i32
        %mul3A_695 = arith.muli %add3A_693, %mul3A_694 : i32
        %add3A_696 = arith.addi %mul3A_2, %mul3A_695 : i32
        %dma_start3A_697 = arith.constant 1 : i32
        %dma_start3A_698 = tpu.memref_slice %arg4[%add3A_696] : memref<320000xi32, #tpu.memory_space<hbm>> -> memref<40xi32, #tpu.memory_space<hbm>>
        %dma_start3A_699 = tpu.memref_slice %arg18[%dma_start3A_697] : memref<4x!tpu.dma_semaphore, #tpu.memory_space<semaphore_mem>> -> memref<1x!tpu.dma_semaphore, #tpu.memory_space<semaphore_mem>>
        %dma_start3A_700 = tpu.memref_squeeze %dma_start3A_699 : memref<1x!tpu.dma_semaphore, #tpu.memory_space<semaphore_mem>> -> memref<!tpu.dma_semaphore, #tpu.memory_space<semaphore_mem>>
        %dma_start3A_701 = tpu.memref_slice %arg4[%add3A_696] : memref<320000xi32, #tpu.memory_space<hbm>> -> memref<40xi32, #tpu.memory_space<hbm>>
        tpu.enqueue_dma source(%dma_start3A_701 : memref<40xi32, #tpu.memory_space<hbm>>) target(%arg8 : memref<40xi32, #tpu.memory_space<vmem>>) target_semaphore(%dma_start3A_700 : memref<!tpu.dma_semaphore, #tpu.memory_space<semaphore_mem>>)
      } else {
      }
      %ge3A_443 = arith.constant 2 : i32
      %ge3A_444 = arith.cmpi sge, %add3A_371, %ge3A_443 : i32
      %convert_element_type3A_445 = arith.extui %ge3A_444 : i1 to i32
      %cond3A_446 = arith.constant 0 : i32
      %cond3A_447 = arith.cmpi ne, %convert_element_type3A_445, %cond3A_446 : i32
      scf.if %cond3A_447 {
        %dma_wait3A_692 = arith.constant 3 : i32
        %dma_wait3A_693 = arith.constant 120 : i32
        %dma_wait3A_694 = arith.constant 0 : i32
        %dma_wait3A_695 = tpu.memref_slice %arg15[%dma_wait3A_693, %dma_wait3A_694] : memref<160x128xf32, #tpu.memory_space<vmem>> -> memref<40x128xf32, #tpu.memory_space<vmem>>
        %dma_wait3A_696 = arith.constant 0 : i32
        %dma_wait3A_697 = arith.constant 0 : i32
        %dma_wait3A_698 = tpu.memref_slice %arg17[%dma_wait3A_696, %dma_wait3A_697] : memref<10240x128xf32, #tpu.memory_space<vmem_shared>> -> memref<10240x128xf32, #tpu.memory_space<vmem_shared>>
        %dma_wait3A_699 = tpu.memref_slice %arg22[%dma_wait3A_692] : memref<4x!tpu.dma_semaphore, #tpu.memory_space<semaphore_mem>> -> memref<1x!tpu.dma_semaphore, #tpu.memory_space<semaphore_mem>>
        %dma_wait3A_700 = tpu.memref_squeeze %dma_wait3A_699 : memref<1x!tpu.dma_semaphore, #tpu.memory_space<semaphore_mem>> -> memref<!tpu.dma_semaphore, #tpu.memory_space<semaphore_mem>>
        tpu.wait_indirect_dma semaphore(%dma_wait3A_700 : memref<!tpu.dma_semaphore, #tpu.memory_space<semaphore_mem>>) src(%dma_wait3A_695 : memref<40x128xf32, #tpu.memory_space<vmem>>) dst(%dma_wait3A_698 : memref<10240x128xf32, #tpu.memory_space<vmem_shared>>)
      } else {
      }
      %add3A_448 = arith.constant 2 : i32
      %add3A_449 = arith.addi %add3A_371, %add3A_448 : i32
      %mul3A_450 = arith.constant 40 : i32
      %mul3A_451 = arith.muli %add3A_449, %mul3A_450 : i32
      %add3A_452 = arith.addi %mul3A_2, %mul3A_451 : i32
      %dma_start3A_453 = arith.constant 3 : i32
      %dma_start3A_454 = tpu.memref_slice %arg5[%add3A_452] : memref<320000xi32, #tpu.memory_space<hbm>> -> memref<40xi32, #tpu.memory_space<hbm>>
      %dma_start3A_455 = tpu.memref_slice %arg19[%dma_start3A_453] : memref<4x!tpu.dma_semaphore, #tpu.memory_space<semaphore_mem>> -> memref<1x!tpu.dma_semaphore, #tpu.memory_space<semaphore_mem>>
      %dma_start3A_456 = tpu.memref_squeeze %dma_start3A_455 : memref<1x!tpu.dma_semaphore, #tpu.memory_space<semaphore_mem>> -> memref<!tpu.dma_semaphore, #tpu.memory_space<semaphore_mem>>
      %dma_start3A_457 = tpu.memref_slice %arg5[%add3A_452] : memref<320000xi32, #tpu.memory_space<hbm>> -> memref<40xi32, #tpu.memory_space<hbm>>
      tpu.enqueue_dma source(%dma_start3A_457 : memref<40xi32, #tpu.memory_space<hbm>>) target(%arg14 : memref<40xi32, #tpu.memory_space<vmem>>) target_semaphore(%dma_start3A_456 : memref<!tpu.dma_semaphore, #tpu.memory_space<semaphore_mem>>)
      %add3A_458 = arith.constant 2 : i32
      %add3A_459 = arith.addi %add3A_371, %add3A_458 : i32
      %mul3A_460 = arith.constant 40 : i32
      %mul3A_461 = arith.muli %add3A_459, %mul3A_460 : i32
      %add3A_462 = arith.addi %mul3A_2, %mul3A_461 : i32
      %dma_wait3A_463 = arith.constant 3 : i32
      %dma_wait3A_464 = tpu.memref_slice %arg4[%add3A_462] : memref<320000xi32, #tpu.memory_space<hbm>> -> memref<40xi32, #tpu.memory_space<hbm>>
      %dma_wait3A_465 = tpu.memref_slice %arg18[%dma_wait3A_463] : memref<4x!tpu.dma_semaphore, #tpu.memory_space<semaphore_mem>> -> memref<1x!tpu.dma_semaphore, #tpu.memory_space<semaphore_mem>>
      %dma_wait3A_466 = tpu.memref_squeeze %dma_wait3A_465 : memref<1x!tpu.dma_semaphore, #tpu.memory_space<semaphore_mem>> -> memref<!tpu.dma_semaphore, #tpu.memory_space<semaphore_mem>>
      %dma_wait3A_467 = tpu.memref_slice %arg4[%add3A_462] : memref<320000xi32, #tpu.memory_space<hbm>> -> memref<40xi32, #tpu.memory_space<hbm>>
      tpu.wait_dma2 semaphore(%dma_wait3A_466 : memref<!tpu.dma_semaphore, #tpu.memory_space<semaphore_mem>>) src(%dma_wait3A_467 : memref<40xi32, #tpu.memory_space<hbm>>) dst(%arg10 : memref<40xi32, #tpu.memory_space<vmem>>)
      %dma_start3A_468 = arith.constant 3 : i32
      %dma_start3A_469 = arith.constant 120 : i32
      %dma_start3A_470 = arith.constant 0 : i32
      %dma_start3A_471 = tpu.memref_slice %arg15[%dma_start3A_469, %dma_start3A_470] : memref<160x128xf32, #tpu.memory_space<vmem>> -> memref<40x128xf32, #tpu.memory_space<vmem>>
      %dma_start3A_472 = arith.constant 0 : i32
      %dma_start3A_473 = arith.constant 0 : i32
      %dma_start3A_474 = tpu.memref_slice %arg2[%dma_start3A_472, %dma_start3A_473] : memref<10000x128xf32, #tpu.memory_space<hbm>> -> memref<10000x128xf32, #tpu.memory_space<hbm>>
      %dma_start3A_475 = tpu.memref_slice %arg20[%dma_start3A_468] : memref<4x!tpu.dma_semaphore, #tpu.memory_space<semaphore_mem>> -> memref<1x!tpu.dma_semaphore, #tpu.memory_space<semaphore_mem>>
      %dma_start3A_476 = tpu.memref_squeeze %dma_start3A_475 : memref<1x!tpu.dma_semaphore, #tpu.memory_space<semaphore_mem>> -> memref<!tpu.dma_semaphore, #tpu.memory_space<semaphore_mem>>
      tpu.enqueue_indirect_dma source(%dma_start3A_474 : memref<10000x128xf32, #tpu.memory_space<hbm>>) target(%dma_start3A_471 : memref<40x128xf32, #tpu.memory_space<vmem>>) offsets(%arg10 : memref<40xi32, #tpu.memory_space<vmem>>) semaphore(%dma_start3A_476 : memref<!tpu.dma_semaphore, #tpu.memory_space<semaphore_mem>>)
      %add3A_477 = arith.constant 2 : i32
      %add3A_478 = arith.addi %mul3A_266, %add3A_477 : i32
      %dma_wait3A_479 = arith.constant 2 : i32
      %dma_wait3A_480 = arith.constant 80 : i32
      %dma_wait3A_481 = arith.constant 0 : i32
      %dma_wait3A_482 = tpu.memref_slice %arg15[%dma_wait3A_480, %dma_wait3A_481] : memref<160x128xf32, #tpu.memory_space<vmem>> -> memref<40x128xf32, #tpu.memory_space<vmem>>
      %dma_wait3A_483 = arith.constant 0 : i32
      %dma_wait3A_484 = arith.constant 0 : i32
      %dma_wait3A_485 = tpu.memref_slice %arg2[%dma_wait3A_483, %dma_wait3A_484] : memref<10000x128xf32, #tpu.memory_space<hbm>> -> memref<10000x128xf32, #tpu.memory_space<hbm>>
      %dma_wait3A_486 = tpu.memref_slice %arg20[%dma_wait3A_479] : memref<4x!tpu.dma_semaphore, #tpu.memory_space<semaphore_mem>> -> memref<1x!tpu.dma_semaphore, #tpu.memory_space<semaphore_mem>>
      %dma_wait3A_487 = tpu.memref_squeeze %dma_wait3A_486 : memref<1x!tpu.dma_semaphore, #tpu.memory_space<semaphore_mem>> -> memref<!tpu.dma_semaphore, #tpu.memory_space<semaphore_mem>>
      tpu.wait_indirect_dma semaphore(%dma_wait3A_487 : memref<!tpu.dma_semaphore, #tpu.memory_space<semaphore_mem>>) src(%dma_wait3A_485 : memref<10000x128xf32, #tpu.memory_space<hbm>>) dst(%dma_wait3A_482 : memref<40x128xf32, #tpu.memory_space<vmem>>)
      %dma_wait3A_488 = arith.constant 0 : i32
      %dma_wait3A_489 = arith.constant 0 : i32
      %dma_wait3A_490 = arith.constant 0 : i32
      %dma_wait3A_491 = tpu.memref_slice %arg16[%dma_wait3A_489, %dma_wait3A_490] : memref<80x128xf32, #tpu.memory_space<vmem>> -> memref<40x128xf32, #tpu.memory_space<vmem>>
      %dma_wait3A_492 = arith.constant 0 : i32
      %dma_wait3A_493 = tpu.memref_slice %arg3[%mul3A_2, %dma_wait3A_492] : memref<320000x128xf32, #tpu.memory_space<hbm>> -> memref<40x128xf32, #tpu.memory_space<hbm>>
      %dma_wait3A_494 = tpu.memref_slice %arg21[%dma_wait3A_488] : memref<2x!tpu.dma_semaphore, #tpu.memory_space<semaphore_mem>> -> memref<1x!tpu.dma_semaphore, #tpu.memory_space<semaphore_mem>>
      %dma_wait3A_495 = tpu.memref_squeeze %dma_wait3A_494 : memref<1x!tpu.dma_semaphore, #tpu.memory_space<semaphore_mem>> -> memref<!tpu.dma_semaphore, #tpu.memory_space<semaphore_mem>>
      %dma_wait3A_496 = arith.constant 0 : i32
      %dma_wait3A_497 = arith.constant 0 : i32
      %dma_wait3A_498 = tpu.memref_slice %arg16[%dma_wait3A_496, %dma_wait3A_497] : memref<80x128xf32, #tpu.memory_space<vmem>> -> memref<40x128xf32, #tpu.memory_space<vmem>>
      %dma_wait3A_499 = arith.constant 0 : i32
      %dma_wait3A_500 = tpu.memref_slice %arg3[%mul3A_2, %dma_wait3A_499] : memref<320000x128xf32, #tpu.memory_space<hbm>> -> memref<40x128xf32, #tpu.memory_space<hbm>>
      tpu.wait_dma2 semaphore(%dma_wait3A_495 : memref<!tpu.dma_semaphore, #tpu.memory_space<semaphore_mem>>) src(%dma_wait3A_500 : memref<40x128xf32, #tpu.memory_space<hbm>>) dst(%dma_wait3A_498 : memref<40x128xf32, #tpu.memory_space<vmem>>)
      %scan3A_501 = arith.constant 0 : i32
      %scan3A_502 = arith.constant 0 : i32
      %scan3A_503 = arith.constant 40 : i32
      %scan3A_504 = arith.addi %scan3A_502, %scan3A_503 : i32
      %scan3A_505 = arith.constant 1 : i32
      %scan3A_506 = scf.for %scan3A_692 = %scan3A_502 to %scan3A_504 step %scan3A_505 iter_args(%scan3A_693 = %scan3A_501) -> (i32)  : i32 {
        %add3A_694 = arith.constant 80 : i32
        %add3A_695 = arith.addi %add3A_694, %scan3A_692 : i32
        %get3A = arith.index_cast %add3A_695 : i32 to index
        %get3A_696 = arith.constant 0 : index
        %get3A_697 = tpu.vector_load %arg15[%get3A, %get3A_696] {strides = array<i32>} : memref<160x128xf32, #tpu.memory_space<vmem>>, vector<1x16xf32>,
        %get3A_698 = vector.shape_cast %get3A_697 : vector<1x16xf32> to vector<16xf32>
        %add3A_699 = arith.constant 0 : i32
        %add3A_700 = arith.addi %add3A_699, %scan3A_692 : i32
        %get3A_701 = arith.index_cast %add3A_700 : i32 to index
        %get3A_702 = arith.constant 0 : index
        %get3A_703 = tpu.vector_load %arg16[%get3A_701, %get3A_702] {strides = array<i32>} : memref<80x128xf32, #tpu.memory_space<vmem>>, vector<1x16xf32>,
        %get3A_704 = vector.shape_cast %get3A_703 : vector<1x16xf32> to vector<16xf32>
        %add3A_705 = arith.addf %get3A_698, %get3A_704 : vector<16xf32>
        %max3A = arith.constant 0.000000e+00 : f32
        %max3A_706 = vector.broadcast %max3A : f32 to vector<16xf32>
        %max3A_707 = arith.maximumf %add3A_705, %max3A_706 : vector<16xf32>
        %add3A_708 = arith.constant 80 : i32
        %add3A_709 = arith.addi %add3A_708, %scan3A_692 : i32
        %swap3A = arith.index_cast %add3A_709 : i32 to index
        %swap3A_710 = arith.constant 0 : index
        %swap3A_711 = tpu.vector_load %arg15[%swap3A, %swap3A_710] {strides = array<i32>} : memref<160x128xf32, #tpu.memory_space<vmem>>, vector<1x16xf32>,
        %swap3A_712 = vector.shape_cast %swap3A_711 : vector<1x16xf32> to vector<16xf32>
        %swap3A_713 = vector.shape_cast %max3A_707 : vector<16xf32> to vector<1x16xf32>
        tpu.vector_store %arg15[%swap3A, %swap3A_710], %swap3A_713 {strides = array<i32>} : memref<160x128xf32, #tpu.memory_space<vmem>>, vector<1x16xf32>,
        %add3A_714 = arith.constant 80 : i32
        %add3A_715 = arith.addi %add3A_714, %scan3A_692 : i32
        %get3A_716 = arith.index_cast %add3A_715 : i32 to index
        %get3A_717 = arith.constant 16 : index
        %get3A_718 = tpu.vector_load %arg15[%get3A_716, %get3A_717] {strides = array<i32>} : memref<160x128xf32, #tpu.memory_space<vmem>>, vector<1x16xf32>,
        %get3A_719 = vector.shape_cast %get3A_718 : vector<1x16xf32> to vector<16xf32>
        %add3A_720 = arith.constant 0 : i32
        %add3A_721 = arith.addi %add3A_720, %scan3A_692 : i32
        %get3A_722 = arith.index_cast %add3A_721 : i32 to index
        %get3A_723 = arith.constant 16 : index
        %get3A_724 = tpu.vector_load %arg16[%get3A_722, %get3A_723] {strides = array<i32>} : memref<80x128xf32, #tpu.memory_space<vmem>>, vector<1x16xf32>,
        %get3A_725 = vector.shape_cast %get3A_724 : vector<1x16xf32> to vector<16xf32>
        %add3A_726 = arith.addf %get3A_719, %get3A_725 : vector<16xf32>
        %max3A_727 = arith.constant 0.000000e+00 : f32
        %max3A_728 = vector.broadcast %max3A_727 : f32 to vector<16xf32>
        %max3A_729 = arith.maximumf %add3A_726, %max3A_728 : vector<16xf32>
        %add3A_730 = arith.constant 80 : i32
        %add3A_731 = arith.addi %add3A_730, %scan3A_692 : i32
        %swap3A_732 = arith.index_cast %add3A_731 : i32 to index
        %swap3A_733 = arith.constant 16 : index
        %swap3A_734 = tpu.vector_load %arg15[%swap3A_732, %swap3A_733] {strides = array<i32>} : memref<160x128xf32, #tpu.memory_space<vmem>>, vector<1x16xf32>,
        %swap3A_735 = vector.shape_cast %swap3A_734 : vector<1x16xf32> to vector<16xf32>
        %swap3A_736 = vector.shape_cast %max3A_729 : vector<16xf32> to vector<1x16xf32>
        tpu.vector_store %arg15[%swap3A_732, %swap3A_733], %swap3A_736 {strides = array<i32>} : memref<160x128xf32, #tpu.memory_space<vmem>>, vector<1x16xf32>,
        %add3A_737 = arith.constant 80 : i32
        %add3A_738 = arith.addi %add3A_737, %scan3A_692 : i32
        %get3A_739 = arith.index_cast %add3A_738 : i32 to index
        %get3A_740 = arith.constant 32 : index
        %get3A_741 = tpu.vector_load %arg15[%get3A_739, %get3A_740] {strides = array<i32>} : memref<160x128xf32, #tpu.memory_space<vmem>>, vector<1x16xf32>,
        %get3A_742 = vector.shape_cast %get3A_741 : vector<1x16xf32> to vector<16xf32>
        %add3A_743 = arith.constant 0 : i32
        %add3A_744 = arith.addi %add3A_743, %scan3A_692 : i32
        %get3A_745 = arith.index_cast %add3A_744 : i32 to index
        %get3A_746 = arith.constant 32 : index
        %get3A_747 = tpu.vector_load %arg16[%get3A_745, %get3A_746] {strides = array<i32>} : memref<80x128xf32, #tpu.memory_space<vmem>>, vector<1x16xf32>,
        %get3A_748 = vector.shape_cast %get3A_747 : vector<1x16xf32> to vector<16xf32>
        %add3A_749 = arith.addf %get3A_742, %get3A_748 : vector<16xf32>
        %max3A_750 = arith.constant 0.000000e+00 : f32
        %max3A_751 = vector.broadcast %max3A_750 : f32 to vector<16xf32>
        %max3A_752 = arith.maximumf %add3A_749, %max3A_751 : vector<16xf32>
        %add3A_753 = arith.constant 80 : i32
        %add3A_754 = arith.addi %add3A_753, %scan3A_692 : i32
        %swap3A_755 = arith.index_cast %add3A_754 : i32 to index
        %swap3A_756 = arith.constant 32 : index
        %swap3A_757 = tpu.vector_load %arg15[%swap3A_755, %swap3A_756] {strides = array<i32>} : memref<160x128xf32, #tpu.memory_space<vmem>>, vector<1x16xf32>,
        %swap3A_758 = vector.shape_cast %swap3A_757 : vector<1x16xf32> to vector<16xf32>
        %swap3A_759 = vector.shape_cast %max3A_752 : vector<16xf32> to vector<1x16xf32>
        tpu.vector_store %arg15[%swap3A_755, %swap3A_756], %swap3A_759 {strides = array<i32>} : memref<160x128xf32, #tpu.memory_space<vmem>>, vector<1x16xf32>,
        %add3A_760 = arith.constant 80 : i32
        %add3A_761 = arith.addi %add3A_760, %scan3A_692 : i32
        %get3A_762 = arith.index_cast %add3A_761 : i32 to index
        %get3A_763 = arith.constant 48 : index
        %get3A_764 = tpu.vector_load %arg15[%get3A_762, %get3A_763] {strides = array<i32>} : memref<160x128xf32, #tpu.memory_space<vmem>>, vector<1x16xf32>,
        %get3A_765 = vector.shape_cast %get3A_764 : vector<1x16xf32> to vector<16xf32>
        %add3A_766 = arith.constant 0 : i32
        %add3A_767 = arith.addi %add3A_766, %scan3A_692 : i32
        %get3A_768 = arith.index_cast %add3A_767 : i32 to index
        %get3A_769 = arith.constant 48 : index
        %get3A_770 = tpu.vector_load %arg16[%get3A_768, %get3A_769] {strides = array<i32>} : memref<80x128xf32, #tpu.memory_space<vmem>>, vector<1x16xf32>,
        %get3A_771 = vector.shape_cast %get3A_770 : vector<1x16xf32> to vector<16xf32>
        %add3A_772 = arith.addf %get3A_765, %get3A_771 : vector<16xf32>
        %max3A_773 = arith.constant 0.000000e+00 : f32
        %max3A_774 = vector.broadcast %max3A_773 : f32 to vector<16xf32>
        %max3A_775 = arith.maximumf %add3A_772, %max3A_774 : vector<16xf32>
        %add3A_776 = arith.constant 80 : i32
        %add3A_777 = arith.addi %add3A_776, %scan3A_692 : i32
        %swap3A_778 = arith.index_cast %add3A_777 : i32 to index
        %swap3A_779 = arith.constant 48 : index
        %swap3A_780 = tpu.vector_load %arg15[%swap3A_778, %swap3A_779] {strides = array<i32>} : memref<160x128xf32, #tpu.memory_space<vmem>>, vector<1x16xf32>,
        %swap3A_781 = vector.shape_cast %swap3A_780 : vector<1x16xf32> to vector<16xf32>
        %swap3A_782 = vector.shape_cast %max3A_775 : vector<16xf32> to vector<1x16xf32>
        tpu.vector_store %arg15[%swap3A_778, %swap3A_779], %swap3A_782 {strides = array<i32>} : memref<160x128xf32, #tpu.memory_space<vmem>>, vector<1x16xf32>,
        %add3A_783 = arith.constant 80 : i32
        %add3A_784 = arith.addi %add3A_783, %scan3A_692 : i32
        %get3A_785 = arith.index_cast %add3A_784 : i32 to index
        %get3A_786 = arith.constant 64 : index
        %get3A_787 = tpu.vector_load %arg15[%get3A_785, %get3A_786] {strides = array<i32>} : memref<160x128xf32, #tpu.memory_space<vmem>>, vector<1x16xf32>,
        %get3A_788 = vector.shape_cast %get3A_787 : vector<1x16xf32> to vector<16xf32>
        %add3A_789 = arith.constant 0 : i32
        %add3A_790 = arith.addi %add3A_789, %scan3A_692 : i32
        %get3A_791 = arith.index_cast %add3A_790 : i32 to index
        %get3A_792 = arith.constant 64 : index
        %get3A_793 = tpu.vector_load %arg16[%get3A_791, %get3A_792] {strides = array<i32>} : memref<80x128xf32, #tpu.memory_space<vmem>>, vector<1x16xf32>,
        %get3A_794 = vector.shape_cast %get3A_793 : vector<1x16xf32> to vector<16xf32>
        %add3A_795 = arith.addf %get3A_788, %get3A_794 : vector<16xf32>
        %max3A_796 = arith.constant 0.000000e+00 : f32
        %max3A_797 = vector.broadcast %max3A_796 : f32 to vector<16xf32>
        %max3A_798 = arith.maximumf %add3A_795, %max3A_797 : vector<16xf32>
        %add3A_799 = arith.constant 80 : i32
        %add3A_800 = arith.addi %add3A_799, %scan3A_692 : i32
        %swap3A_801 = arith.index_cast %add3A_800 : i32 to index
        %swap3A_802 = arith.constant 64 : index
        %swap3A_803 = tpu.vector_load %arg15[%swap3A_801, %swap3A_802] {strides = array<i32>} : memref<160x128xf32, #tpu.memory_space<vmem>>, vector<1x16xf32>,
        %swap3A_804 = vector.shape_cast %swap3A_803 : vector<1x16xf32> to vector<16xf32>
        %swap3A_805 = vector.shape_cast %max3A_798 : vector<16xf32> to vector<1x16xf32>
        tpu.vector_store %arg15[%swap3A_801, %swap3A_802], %swap3A_805 {strides = array<i32>} : memref<160x128xf32, #tpu.memory_space<vmem>>, vector<1x16xf32>,
        %add3A_806 = arith.constant 80 : i32
        %add3A_807 = arith.addi %add3A_806, %scan3A_692 : i32
        %get3A_808 = arith.index_cast %add3A_807 : i32 to index
        %get3A_809 = arith.constant 80 : index
        %get3A_810 = tpu.vector_load %arg15[%get3A_808, %get3A_809] {strides = array<i32>} : memref<160x128xf32, #tpu.memory_space<vmem>>, vector<1x16xf32>,
        %get3A_811 = vector.shape_cast %get3A_810 : vector<1x16xf32> to vector<16xf32>
        %add3A_812 = arith.constant 0 : i32
        %add3A_813 = arith.addi %add3A_812, %scan3A_692 : i32
        %get3A_814 = arith.index_cast %add3A_813 : i32 to index
        %get3A_815 = arith.constant 80 : index
        %get3A_816 = tpu.vector_load %arg16[%get3A_814, %get3A_815] {strides = array<i32>} : memref<80x128xf32, #tpu.memory_space<vmem>>, vector<1x16xf32>,
        %get3A_817 = vector.shape_cast %get3A_816 : vector<1x16xf32> to vector<16xf32>
        %add3A_818 = arith.addf %get3A_811, %get3A_817 : vector<16xf32>
        %max3A_819 = arith.constant 0.000000e+00 : f32
        %max3A_820 = vector.broadcast %max3A_819 : f32 to vector<16xf32>
        %max3A_821 = arith.maximumf %add3A_818, %max3A_820 : vector<16xf32>
        %add3A_822 = arith.constant 80 : i32
        %add3A_823 = arith.addi %add3A_822, %scan3A_692 : i32
        %swap3A_824 = arith.index_cast %add3A_823 : i32 to index
        %swap3A_825 = arith.constant 80 : index
        %swap3A_826 = tpu.vector_load %arg15[%swap3A_824, %swap3A_825] {strides = array<i32>} : memref<160x128xf32, #tpu.memory_space<vmem>>, vector<1x16xf32>,
        %swap3A_827 = vector.shape_cast %swap3A_826 : vector<1x16xf32> to vector<16xf32>
        %swap3A_828 = vector.shape_cast %max3A_821 : vector<16xf32> to vector<1x16xf32>
        tpu.vector_store %arg15[%swap3A_824, %swap3A_825], %swap3A_828 {strides = array<i32>} : memref<160x128xf32, #tpu.memory_space<vmem>>, vector<1x16xf32>,
        %add3A_829 = arith.constant 80 : i32
        %add3A_830 = arith.addi %add3A_829, %scan3A_692 : i32
        %get3A_831 = arith.index_cast %add3A_830 : i32 to index
        %get3A_832 = arith.constant 96 : index
        %get3A_833 = tpu.vector_load %arg15[%get3A_831, %get3A_832] {strides = array<i32>} : memref<160x128xf32, #tpu.memory_space<vmem>>, vector<1x16xf32>,
        %get3A_834 = vector.shape_cast %get3A_833 : vector<1x16xf32> to vector<16xf32>
        %add3A_835 = arith.constant 0 : i32
        %add3A_836 = arith.addi %add3A_835, %scan3A_692 : i32
        %get3A_837 = arith.index_cast %add3A_836 : i32 to index
        %get3A_838 = arith.constant 96 : index
        %get3A_839 = tpu.vector_load %arg16[%get3A_837, %get3A_838] {strides = array<i32>} : memref<80x128xf32, #tpu.memory_space<vmem>>, vector<1x16xf32>,
        %get3A_840 = vector.shape_cast %get3A_839 : vector<1x16xf32> to vector<16xf32>
        %add3A_841 = arith.addf %get3A_834, %get3A_840 : vector<16xf32>
        %max3A_842 = arith.constant 0.000000e+00 : f32
        %max3A_843 = vector.broadcast %max3A_842 : f32 to vector<16xf32>
        %max3A_844 = arith.maximumf %add3A_841, %max3A_843 : vector<16xf32>
        %add3A_845 = arith.constant 80 : i32
        %add3A_846 = arith.addi %add3A_845, %scan3A_692 : i32
        %swap3A_847 = arith.index_cast %add3A_846 : i32 to index
        %swap3A_848 = arith.constant 96 : index
        %swap3A_849 = tpu.vector_load %arg15[%swap3A_847, %swap3A_848] {strides = array<i32>} : memref<160x128xf32, #tpu.memory_space<vmem>>, vector<1x16xf32>,
        %swap3A_850 = vector.shape_cast %swap3A_849 : vector<1x16xf32> to vector<16xf32>
        %swap3A_851 = vector.shape_cast %max3A_844 : vector<16xf32> to vector<1x16xf32>
        tpu.vector_store %arg15[%swap3A_847, %swap3A_848], %swap3A_851 {strides = array<i32>} : memref<160x128xf32, #tpu.memory_space<vmem>>, vector<1x16xf32>,
        %add3A_852 = arith.constant 80 : i32
        %add3A_853 = arith.addi %add3A_852, %scan3A_692 : i32
        %get3A_854 = arith.index_cast %add3A_853 : i32 to index
        %get3A_855 = arith.constant 112 : index
        %get3A_856 = tpu.vector_load %arg15[%get3A_854, %get3A_855] {strides = array<i32>} : memref<160x128xf32, #tpu.memory_space<vmem>>, vector<1x16xf32>,
        %get3A_857 = vector.shape_cast %get3A_856 : vector<1x16xf32> to vector<16xf32>
        %add3A_858 = arith.constant 0 : i32
        %add3A_859 = arith.addi %add3A_858, %scan3A_692 : i32
        %get3A_860 = arith.index_cast %add3A_859 : i32 to index
        %get3A_861 = arith.constant 112 : index
        %get3A_862 = tpu.vector_load %arg16[%get3A_860, %get3A_861] {strides = array<i32>} : memref<80x128xf32, #tpu.memory_space<vmem>>, vector<1x16xf32>,
        %get3A_863 = vector.shape_cast %get3A_862 : vector<1x16xf32> to vector<16xf32>
        %add3A_864 = arith.addf %get3A_857, %get3A_863 : vector<16xf32>
        %max3A_865 = arith.constant 0.000000e+00 : f32
        %max3A_866 = vector.broadcast %max3A_865 : f32 to vector<16xf32>
        %max3A_867 = arith.maximumf %add3A_864, %max3A_866 : vector<16xf32>
        %add3A_868 = arith.constant 80 : i32
        %add3A_869 = arith.addi %add3A_868, %scan3A_692 : i32
        %swap3A_870 = arith.index_cast %add3A_869 : i32 to index
        %swap3A_871 = arith.constant 112 : index
        %swap3A_872 = tpu.vector_load %arg15[%swap3A_870, %swap3A_871] {strides = array<i32>} : memref<160x128xf32, #tpu.memory_space<vmem>>, vector<1x16xf32>,
        %swap3A_873 = vector.shape_cast %swap3A_872 : vector<1x16xf32> to vector<16xf32>
        %swap3A_874 = vector.shape_cast %max3A_867 : vector<16xf32> to vector<1x16xf32>
        tpu.vector_store %arg15[%swap3A_870, %swap3A_871], %swap3A_874 {strides = array<i32>} : memref<160x128xf32, #tpu.memory_space<vmem>>, vector<1x16xf32>,
        %scan3A_875 = arith.constant 0 : i32
        scf.yield %scan3A_875 : i32
      }
      %scan3A_507 = arith.constant 40 : i32
      %mul3A_508 = arith.constant 40 : i32
      %mul3A_509 = arith.muli %add3A_478, %mul3A_508 : i32
      %add3A_510 = arith.addi %mul3A_2, %mul3A_509 : i32
      %dma_wait3A_511 = arith.constant 2 : i32
      %dma_wait3A_512 = tpu.memref_slice %arg5[%add3A_510] : memref<320000xi32, #tpu.memory_space<hbm>> -> memref<40xi32, #tpu.memory_space<hbm>>
      %dma_wait3A_513 = tpu.memref_slice %arg19[%dma_wait3A_511] : memref<4x!tpu.dma_semaphore, #tpu.memory_space<semaphore_mem>> -> memref<1x!tpu.dma_semaphore, #tpu.memory_space<semaphore_mem>>
      %dma_wait3A_514 = tpu.memref_squeeze %dma_wait3A_513 : memref<1x!tpu.dma_semaphore, #tpu.memory_space<semaphore_mem>> -> memref<!tpu.dma_semaphore, #tpu.memory_space<semaphore_mem>>
      %dma_wait3A_515 = tpu.memref_slice %arg5[%add3A_510] : memref<320000xi32, #tpu.memory_space<hbm>> -> memref<40xi32, #tpu.memory_space<hbm>>
      tpu.wait_dma2 semaphore(%dma_wait3A_514 : memref<!tpu.dma_semaphore, #tpu.memory_space<semaphore_mem>>) src(%dma_wait3A_515 : memref<40xi32, #tpu.memory_space<hbm>>) dst(%arg13 : memref<40xi32, #tpu.memory_space<vmem>>)
      %dma_start3A_516 = arith.constant 2 : i32
      %dma_start3A_517 = arith.constant 80 : i32
      %dma_start3A_518 = arith.constant 0 : i32
      %dma_start3A_519 = tpu.memref_slice %arg15[%dma_start3A_517, %dma_start3A_518] : memref<160x128xf32, #tpu.memory_space<vmem>> -> memref<40x128xf32, #tpu.memory_space<vmem>>
      %dma_start3A_520 = arith.constant 0 : i32
      %dma_start3A_521 = arith.constant 0 : i32
      %dma_start3A_522 = tpu.memref_slice %arg17[%dma_start3A_520, %dma_start3A_521] : memref<10240x128xf32, #tpu.memory_space<vmem_shared>> -> memref<10240x128xf32, #tpu.memory_space<vmem_shared>>
      %dma_start3A_523 = tpu.memref_slice %arg22[%dma_start3A_516] : memref<4x!tpu.dma_semaphore, #tpu.memory_space<semaphore_mem>> -> memref<1x!tpu.dma_semaphore, #tpu.memory_space<semaphore_mem>>
      %dma_start3A_524 = tpu.memref_squeeze %dma_start3A_523 : memref<1x!tpu.dma_semaphore, #tpu.memory_space<semaphore_mem>> -> memref<!tpu.dma_semaphore, #tpu.memory_space<semaphore_mem>>
      tpu.enqueue_indirect_dma source(%dma_start3A_519 : memref<40x128xf32, #tpu.memory_space<vmem>>) target(%dma_start3A_522 : memref<10240x128xf32, #tpu.memory_space<vmem_shared>>) offsets(%arg13 : memref<40xi32, #tpu.memory_space<vmem>>) semaphore(%dma_start3A_524 : memref<!tpu.dma_semaphore, #tpu.memory_space<semaphore_mem>>) {add = true}
      %add3A_525 = arith.constant 2 : i32
      %add3A_526 = arith.addi %add3A_478, %add3A_525 : i32
      %mul3A_527 = arith.constant 40 : i32
      %mul3A_528 = arith.muli %add3A_526, %mul3A_527 : i32
      %add3A_529 = arith.addi %mul3A_2, %mul3A_528 : i32
      %dma_start3A_530 = arith.constant 0 : i32
      %dma_start3A_531 = arith.constant 0 : i32
      %dma_start3A_532 = arith.constant 0 : i32
      %dma_start3A_533 = tpu.memref_slice %arg16[%dma_start3A_531, %dma_start3A_532] : memref<80x128xf32, #tpu.memory_space<vmem>> -> memref<40x128xf32, #tpu.memory_space<vmem>>
      %dma_start3A_534 = arith.constant 0 : i32
      %dma_start3A_535 = tpu.memref_slice %arg3[%add3A_529, %dma_start3A_534] : memref<320000x128xf32, #tpu.memory_space<hbm>> -> memref<40x128xf32, #tpu.memory_space<hbm>>
      %dma_start3A_536 = tpu.memref_slice %arg21[%dma_start3A_530] : memref<2x!tpu.dma_semaphore, #tpu.memory_space<semaphore_mem>> -> memref<1x!tpu.dma_semaphore, #tpu.memory_space<semaphore_mem>>
      %dma_start3A_537 = tpu.memref_squeeze %dma_start3A_536 : memref<1x!tpu.dma_semaphore, #tpu.memory_space<semaphore_mem>> -> memref<!tpu.dma_semaphore, #tpu.memory_space<semaphore_mem>>
      %dma_start3A_538 = arith.constant 0 : i32
      %dma_start3A_539 = arith.constant 0 : i32
      %dma_start3A_540 = tpu.memref_slice %arg16[%dma_start3A_538, %dma_start3A_539] : memref<80x128xf32, #tpu.memory_space<vmem>> -> memref<40x128xf32, #tpu.memory_space<vmem>>
      %dma_start3A_541 = arith.constant 0 : i32
      %dma_start3A_542 = tpu.memref_slice %arg3[%add3A_529, %dma_start3A_541] : memref<320000x128xf32, #tpu.memory_space<hbm>> -> memref<40x128xf32, #tpu.memory_space<hbm>>
      tpu.enqueue_dma source(%dma_start3A_542 : memref<40x128xf32, #tpu.memory_space<hbm>>) target(%dma_start3A_540 : memref<40x128xf32, #tpu.memory_space<vmem>>) target_semaphore(%dma_start3A_537 : memref<!tpu.dma_semaphore, #tpu.memory_space<semaphore_mem>>)
      %add3A_543 = arith.constant 4 : i32
      %add3A_544 = arith.addi %add3A_478, %add3A_543 : i32
      %lt3A_545 = arith.constant 250 : i32
      %lt3A_546 = arith.cmpi slt, %add3A_544, %lt3A_545 : i32
      %convert_element_type3A_547 = arith.extui %lt3A_546 : i1 to i32
      %cond3A_548 = arith.constant 0 : i32
      %cond3A_549 = arith.cmpi ne, %convert_element_type3A_547, %cond3A_548 : i32
      scf.if %cond3A_549 {
        %add3A_692 = arith.constant 4 : i32
        %add3A_693 = arith.addi %add3A_478, %add3A_692 : i32
        %mul3A_694 = arith.constant 40 : i32
        %mul3A_695 = arith.muli %add3A_693, %mul3A_694 : i32
        %add3A_696 = arith.addi %mul3A_2, %mul3A_695 : i32
        %dma_start3A_697 = arith.constant 2 : i32
        %dma_start3A_698 = tpu.memref_slice %arg4[%add3A_696] : memref<320000xi32, #tpu.memory_space<hbm>> -> memref<40xi32, #tpu.memory_space<hbm>>
        %dma_start3A_699 = tpu.memref_slice %arg18[%dma_start3A_697] : memref<4x!tpu.dma_semaphore, #tpu.memory_space<semaphore_mem>> -> memref<1x!tpu.dma_semaphore, #tpu.memory_space<semaphore_mem>>
        %dma_start3A_700 = tpu.memref_squeeze %dma_start3A_699 : memref<1x!tpu.dma_semaphore, #tpu.memory_space<semaphore_mem>> -> memref<!tpu.dma_semaphore, #tpu.memory_space<semaphore_mem>>
        %dma_start3A_701 = tpu.memref_slice %arg4[%add3A_696] : memref<320000xi32, #tpu.memory_space<hbm>> -> memref<40xi32, #tpu.memory_space<hbm>>
        tpu.enqueue_dma source(%dma_start3A_701 : memref<40xi32, #tpu.memory_space<hbm>>) target(%arg9 : memref<40xi32, #tpu.memory_space<vmem>>) target_semaphore(%dma_start3A_700 : memref<!tpu.dma_semaphore, #tpu.memory_space<semaphore_mem>>)
      } else {
      }
      %ge3A_550 = arith.constant 2 : i32
      %ge3A_551 = arith.cmpi sge, %add3A_478, %ge3A_550 : i32
      %convert_element_type3A_552 = arith.extui %ge3A_551 : i1 to i32
      %cond3A_553 = arith.constant 0 : i32
      %cond3A_554 = arith.cmpi ne, %convert_element_type3A_552, %cond3A_553 : i32
      scf.if %cond3A_554 {
        %dma_wait3A_692 = arith.constant 0 : i32
        %dma_wait3A_693 = arith.constant 0 : i32
        %dma_wait3A_694 = arith.constant 0 : i32
        %dma_wait3A_695 = tpu.memref_slice %arg15[%dma_wait3A_693, %dma_wait3A_694] : memref<160x128xf32, #tpu.memory_space<vmem>> -> memref<40x128xf32, #tpu.memory_space<vmem>>
        %dma_wait3A_696 = arith.constant 0 : i32
        %dma_wait3A_697 = arith.constant 0 : i32
        %dma_wait3A_698 = tpu.memref_slice %arg17[%dma_wait3A_696, %dma_wait3A_697] : memref<10240x128xf32, #tpu.memory_space<vmem_shared>> -> memref<10240x128xf32, #tpu.memory_space<vmem_shared>>
        %dma_wait3A_699 = tpu.memref_slice %arg22[%dma_wait3A_692] : memref<4x!tpu.dma_semaphore, #tpu.memory_space<semaphore_mem>> -> memref<1x!tpu.dma_semaphore, #tpu.memory_space<semaphore_mem>>
        %dma_wait3A_700 = tpu.memref_squeeze %dma_wait3A_699 : memref<1x!tpu.dma_semaphore, #tpu.memory_space<semaphore_mem>> -> memref<!tpu.dma_semaphore, #tpu.memory_space<semaphore_mem>>
        tpu.wait_indirect_dma semaphore(%dma_wait3A_700 : memref<!tpu.dma_semaphore, #tpu.memory_space<semaphore_mem>>) src(%dma_wait3A_695 : memref<40x128xf32, #tpu.memory_space<vmem>>) dst(%dma_wait3A_698 : memref<10240x128xf32, #tpu.memory_space<vmem_shared>>)
      } else {
      }
      %add3A_555 = arith.constant 2 : i32
      %add3A_556 = arith.addi %add3A_478, %add3A_555 : i32
      %mul3A_557 = arith.constant 40 : i32
      %mul3A_558 = arith.muli %add3A_556, %mul3A_557 : i32
      %add3A_559 = arith.addi %mul3A_2, %mul3A_558 : i32
      %dma_start3A_560 = arith.constant 0 : i32
      %dma_start3A_561 = tpu.memref_slice %arg5[%add3A_559] : memref<320000xi32, #tpu.memory_space<hbm>> -> memref<40xi32, #tpu.memory_space<hbm>>
      %dma_start3A_562 = tpu.memref_slice %arg19[%dma_start3A_560] : memref<4x!tpu.dma_semaphore, #tpu.memory_space<semaphore_mem>> -> memref<1x!tpu.dma_semaphore, #tpu.memory_space<semaphore_mem>>
      %dma_start3A_563 = tpu.memref_squeeze %dma_start3A_562 : memref<1x!tpu.dma_semaphore, #tpu.memory_space<semaphore_mem>> -> memref<!tpu.dma_semaphore, #tpu.memory_space<semaphore_mem>>
      %dma_start3A_564 = tpu.memref_slice %arg5[%add3A_559] : memref<320000xi32, #tpu.memory_space<hbm>> -> memref<40xi32, #tpu.memory_space<hbm>>
      tpu.enqueue_dma source(%dma_start3A_564 : memref<40xi32, #tpu.memory_space<hbm>>) target(%arg11 : memref<40xi32, #tpu.memory_space<vmem>>) target_semaphore(%dma_start3A_563 : memref<!tpu.dma_semaphore, #tpu.memory_space<semaphore_mem>>)
      %add3A_565 = arith.constant 2 : i32
      %add3A_566 = arith.addi %add3A_478, %add3A_565 : i32
      %mul3A_567 = arith.constant 40 : i32
      %mul3A_568 = arith.muli %add3A_566, %mul3A_567 : i32
      %add3A_569 = arith.addi %mul3A_2, %mul3A_568 : i32
      %dma_wait3A_570 = arith.constant 0 : i32
      %dma_wait3A_571 = tpu.memref_slice %arg4[%add3A_569] : memref<320000xi32, #tpu.memory_space<hbm>> -> memref<40xi32, #tpu.memory_space<hbm>>
      %dma_wait3A_572 = tpu.memref_slice %arg18[%dma_wait3A_570] : memref<4x!tpu.dma_semaphore, #tpu.memory_space<semaphore_mem>> -> memref<1x!tpu.dma_semaphore, #tpu.memory_space<semaphore_mem>>
      %dma_wait3A_573 = tpu.memref_squeeze %dma_wait3A_572 : memref<1x!tpu.dma_semaphore, #tpu.memory_space<semaphore_mem>> -> memref<!tpu.dma_semaphore, #tpu.memory_space<semaphore_mem>>
      %dma_wait3A_574 = tpu.memref_slice %arg4[%add3A_569] : memref<320000xi32, #tpu.memory_space<hbm>> -> memref<40xi32, #tpu.memory_space<hbm>>
      tpu.wait_dma2 semaphore(%dma_wait3A_573 : memref<!tpu.dma_semaphore, #tpu.memory_space<semaphore_mem>>) src(%dma_wait3A_574 : memref<40xi32, #tpu.memory_space<hbm>>) dst(%arg7 : memref<40xi32, #tpu.memory_space<vmem>>)
      %dma_start3A_575 = arith.constant 0 : i32
      %dma_start3A_576 = arith.constant 0 : i32
      %dma_start3A_577 = arith.constant 0 : i32
      %dma_start3A_578 = tpu.memref_slice %arg15[%dma_start3A_576, %dma_start3A_577] : memref<160x128xf32, #tpu.memory_space<vmem>> -> memref<40x128xf32, #tpu.memory_space<vmem>>
      %dma_start3A_579 = arith.constant 0 : i32
      %dma_start3A_580 = arith.constant 0 : i32
      %dma_start3A_581 = tpu.memref_slice %arg2[%dma_start3A_579, %dma_start3A_580] : memref<10000x128xf32, #tpu.memory_space<hbm>> -> memref<10000x128xf32, #tpu.memory_space<hbm>>
      %dma_start3A_582 = tpu.memref_slice %arg20[%dma_start3A_575] : memref<4x!tpu.dma_semaphore, #tpu.memory_space<semaphore_mem>> -> memref<1x!tpu.dma_semaphore, #tpu.memory_space<semaphore_mem>>
      %dma_start3A_583 = tpu.memref_squeeze %dma_start3A_582 : memref<1x!tpu.dma_semaphore, #tpu.memory_space<semaphore_mem>> -> memref<!tpu.dma_semaphore, #tpu.memory_space<semaphore_mem>>
      tpu.enqueue_indirect_dma source(%dma_start3A_581 : memref<10000x128xf32, #tpu.memory_space<hbm>>) target(%dma_start3A_578 : memref<40x128xf32, #tpu.memory_space<vmem>>) offsets(%arg7 : memref<40xi32, #tpu.memory_space<vmem>>) semaphore(%dma_start3A_583 : memref<!tpu.dma_semaphore, #tpu.memory_space<semaphore_mem>>)
      %add3A_584 = arith.constant 3 : i32
      %add3A_585 = arith.addi %mul3A_266, %add3A_584 : i32
      %dma_wait3A_586 = arith.constant 3 : i32
      %dma_wait3A_587 = arith.constant 120 : i32
      %dma_wait3A_588 = arith.constant 0 : i32
      %dma_wait3A_589 = tpu.memref_slice %arg15[%dma_wait3A_587, %dma_wait3A_588] : memref<160x128xf32, #tpu.memory_space<vmem>> -> memref<40x128xf32, #tpu.memory_space<vmem>>
      %dma_wait3A_590 = arith.constant 0 : i32
      %dma_wait3A_591 = arith.constant 0 : i32
      %dma_wait3A_592 = tpu.memref_slice %arg2[%dma_wait3A_590, %dma_wait3A_591] : memref<10000x128xf32, #tpu.memory_space<hbm>> -> memref<10000x128xf32, #tpu.memory_space<hbm>>
      %dma_wait3A_593 = tpu.memref_slice %arg20[%dma_wait3A_586] : memref<4x!tpu.dma_semaphore, #tpu.memory_space<semaphore_mem>> -> memref<1x!tpu.dma_semaphore, #tpu.memory_space<semaphore_mem>>
      %dma_wait3A_594 = tpu.memref_squeeze %dma_wait3A_593 : memref<1x!tpu.dma_semaphore, #tpu.memory_space<semaphore_mem>> -> memref<!tpu.dma_semaphore, #tpu.memory_space<semaphore_mem>>
      tpu.wait_indirect_dma semaphore(%dma_wait3A_594 : memref<!tpu.dma_semaphore, #tpu.memory_space<semaphore_mem>>) src(%dma_wait3A_592 : memref<10000x128xf32, #tpu.memory_space<hbm>>) dst(%dma_wait3A_589 : memref<40x128xf32, #tpu.memory_space<vmem>>)
      %dma_wait3A_595 = arith.constant 1 : i32
      %dma_wait3A_596 = arith.constant 40 : i32
      %dma_wait3A_597 = arith.constant 0 : i32
      %dma_wait3A_598 = tpu.memref_slice %arg16[%dma_wait3A_596, %dma_wait3A_597] : memref<80x128xf32, #tpu.memory_space<vmem>> -> memref<40x128xf32, #tpu.memory_space<vmem>>
      %dma_wait3A_599 = arith.constant 0 : i32
      %dma_wait3A_600 = tpu.memref_slice %arg3[%mul3A_2, %dma_wait3A_599] : memref<320000x128xf32, #tpu.memory_space<hbm>> -> memref<40x128xf32, #tpu.memory_space<hbm>>
      %dma_wait3A_601 = tpu.memref_slice %arg21[%dma_wait3A_595] : memref<2x!tpu.dma_semaphore, #tpu.memory_space<semaphore_mem>> -> memref<1x!tpu.dma_semaphore, #tpu.memory_space<semaphore_mem>>
      %dma_wait3A_602 = tpu.memref_squeeze %dma_wait3A_601 : memref<1x!tpu.dma_semaphore, #tpu.memory_space<semaphore_mem>> -> memref<!tpu.dma_semaphore, #tpu.memory_space<semaphore_mem>>
      %dma_wait3A_603 = arith.constant 40 : i32
      %dma_wait3A_604 = arith.constant 0 : i32
      %dma_wait3A_605 = tpu.memref_slice %arg16[%dma_wait3A_603, %dma_wait3A_604] : memref<80x128xf32, #tpu.memory_space<vmem>> -> memref<40x128xf32, #tpu.memory_space<vmem>>
      %dma_wait3A_606 = arith.constant 0 : i32
      %dma_wait3A_607 = tpu.memref_slice %arg3[%mul3A_2, %dma_wait3A_606] : memref<320000x128xf32, #tpu.memory_space<hbm>> -> memref<40x128xf32, #tpu.memory_space<hbm>>
      tpu.wait_dma2 semaphore(%dma_wait3A_602 : memref<!tpu.dma_semaphore, #tpu.memory_space<semaphore_mem>>) src(%dma_wait3A_607 : memref<40x128xf32, #tpu.memory_space<hbm>>) dst(%dma_wait3A_605 : memref<40x128xf32, #tpu.memory_space<vmem>>)
      %scan3A_608 = arith.constant 0 : i32
      %scan3A_609 = arith.constant 0 : i32
      %scan3A_610 = arith.constant 40 : i32
      %scan3A_611 = arith.addi %scan3A_609, %scan3A_610 : i32
      %scan3A_612 = arith.constant 1 : i32
      %scan3A_613 = scf.for %scan3A_692 = %scan3A_609 to %scan3A_611 step %scan3A_612 iter_args(%scan3A_693 = %scan3A_608) -> (i32)  : i32 {
        %add3A_694 = arith.constant 120 : i32
        %add3A_695 = arith.addi %add3A_694, %scan3A_692 : i32
        %get3A = arith.index_cast %add3A_695 : i32 to index
        %get3A_696 = arith.constant 0 : index
        %get3A_697 = tpu.vector_load %arg15[%get3A, %get3A_696] {strides = array<i32>} : memref<160x128xf32, #tpu.memory_space<vmem>>, vector<1x16xf32>,
        %get3A_698 = vector.shape_cast %get3A_697 : vector<1x16xf32> to vector<16xf32>
        %add3A_699 = arith.constant 40 : i32
        %add3A_700 = arith.addi %add3A_699, %scan3A_692 : i32
        %get3A_701 = arith.index_cast %add3A_700 : i32 to index
        %get3A_702 = arith.constant 0 : index
        %get3A_703 = tpu.vector_load %arg16[%get3A_701, %get3A_702] {strides = array<i32>} : memref<80x128xf32, #tpu.memory_space<vmem>>, vector<1x16xf32>,
        %get3A_704 = vector.shape_cast %get3A_703 : vector<1x16xf32> to vector<16xf32>
        %add3A_705 = arith.addf %get3A_698, %get3A_704 : vector<16xf32>
        %max3A = arith.constant 0.000000e+00 : f32
        %max3A_706 = vector.broadcast %max3A : f32 to vector<16xf32>
        %max3A_707 = arith.maximumf %add3A_705, %max3A_706 : vector<16xf32>
        %add3A_708 = arith.constant 120 : i32
        %add3A_709 = arith.addi %add3A_708, %scan3A_692 : i32
        %swap3A = arith.index_cast %add3A_709 : i32 to index
        %swap3A_710 = arith.constant 0 : index
        %swap3A_711 = tpu.vector_load %arg15[%swap3A, %swap3A_710] {strides = array<i32>} : memref<160x128xf32, #tpu.memory_space<vmem>>, vector<1x16xf32>,
        %swap3A_712 = vector.shape_cast %swap3A_711 : vector<1x16xf32> to vector<16xf32>
        %swap3A_713 = vector.shape_cast %max3A_707 : vector<16xf32> to vector<1x16xf32>
        tpu.vector_store %arg15[%swap3A, %swap3A_710], %swap3A_713 {strides = array<i32>} : memref<160x128xf32, #tpu.memory_space<vmem>>, vector<1x16xf32>,
        %add3A_714 = arith.constant 120 : i32
        %add3A_715 = arith.addi %add3A_714, %scan3A_692 : i32
        %get3A_716 = arith.index_cast %add3A_715 : i32 to index
        %get3A_717 = arith.constant 16 : index
        %get3A_718 = tpu.vector_load %arg15[%get3A_716, %get3A_717] {strides = array<i32>} : memref<160x128xf32, #tpu.memory_space<vmem>>, vector<1x16xf32>,
        %get3A_719 = vector.shape_cast %get3A_718 : vector<1x16xf32> to vector<16xf32>
        %add3A_720 = arith.constant 40 : i32
        %add3A_721 = arith.addi %add3A_720, %scan3A_692 : i32
        %get3A_722 = arith.index_cast %add3A_721 : i32 to index
        %get3A_723 = arith.constant 16 : index
        %get3A_724 = tpu.vector_load %arg16[%get3A_722, %get3A_723] {strides = array<i32>} : memref<80x128xf32, #tpu.memory_space<vmem>>, vector<1x16xf32>,
        %get3A_725 = vector.shape_cast %get3A_724 : vector<1x16xf32> to vector<16xf32>
        %add3A_726 = arith.addf %get3A_719, %get3A_725 : vector<16xf32>
        %max3A_727 = arith.constant 0.000000e+00 : f32
        %max3A_728 = vector.broadcast %max3A_727 : f32 to vector<16xf32>
        %max3A_729 = arith.maximumf %add3A_726, %max3A_728 : vector<16xf32>
        %add3A_730 = arith.constant 120 : i32
        %add3A_731 = arith.addi %add3A_730, %scan3A_692 : i32
        %swap3A_732 = arith.index_cast %add3A_731 : i32 to index
        %swap3A_733 = arith.constant 16 : index
        %swap3A_734 = tpu.vector_load %arg15[%swap3A_732, %swap3A_733] {strides = array<i32>} : memref<160x128xf32, #tpu.memory_space<vmem>>, vector<1x16xf32>,
        %swap3A_735 = vector.shape_cast %swap3A_734 : vector<1x16xf32> to vector<16xf32>
        %swap3A_736 = vector.shape_cast %max3A_729 : vector<16xf32> to vector<1x16xf32>
        tpu.vector_store %arg15[%swap3A_732, %swap3A_733], %swap3A_736 {strides = array<i32>} : memref<160x128xf32, #tpu.memory_space<vmem>>, vector<1x16xf32>,
        %add3A_737 = arith.constant 120 : i32
        %add3A_738 = arith.addi %add3A_737, %scan3A_692 : i32
        %get3A_739 = arith.index_cast %add3A_738 : i32 to index
        %get3A_740 = arith.constant 32 : index
        %get3A_741 = tpu.vector_load %arg15[%get3A_739, %get3A_740] {strides = array<i32>} : memref<160x128xf32, #tpu.memory_space<vmem>>, vector<1x16xf32>,
        %get3A_742 = vector.shape_cast %get3A_741 : vector<1x16xf32> to vector<16xf32>
        %add3A_743 = arith.constant 40 : i32
        %add3A_744 = arith.addi %add3A_743, %scan3A_692 : i32
        %get3A_745 = arith.index_cast %add3A_744 : i32 to index
        %get3A_746 = arith.constant 32 : index
        %get3A_747 = tpu.vector_load %arg16[%get3A_745, %get3A_746] {strides = array<i32>} : memref<80x128xf32, #tpu.memory_space<vmem>>, vector<1x16xf32>,
        %get3A_748 = vector.shape_cast %get3A_747 : vector<1x16xf32> to vector<16xf32>
        %add3A_749 = arith.addf %get3A_742, %get3A_748 : vector<16xf32>
        %max3A_750 = arith.constant 0.000000e+00 : f32
        %max3A_751 = vector.broadcast %max3A_750 : f32 to vector<16xf32>
        %max3A_752 = arith.maximumf %add3A_749, %max3A_751 : vector<16xf32>
        %add3A_753 = arith.constant 120 : i32
        %add3A_754 = arith.addi %add3A_753, %scan3A_692 : i32
        %swap3A_755 = arith.index_cast %add3A_754 : i32 to index
        %swap3A_756 = arith.constant 32 : index
        %swap3A_757 = tpu.vector_load %arg15[%swap3A_755, %swap3A_756] {strides = array<i32>} : memref<160x128xf32, #tpu.memory_space<vmem>>, vector<1x16xf32>,
        %swap3A_758 = vector.shape_cast %swap3A_757 : vector<1x16xf32> to vector<16xf32>
        %swap3A_759 = vector.shape_cast %max3A_752 : vector<16xf32> to vector<1x16xf32>
        tpu.vector_store %arg15[%swap3A_755, %swap3A_756], %swap3A_759 {strides = array<i32>} : memref<160x128xf32, #tpu.memory_space<vmem>>, vector<1x16xf32>,
        %add3A_760 = arith.constant 120 : i32
        %add3A_761 = arith.addi %add3A_760, %scan3A_692 : i32
        %get3A_762 = arith.index_cast %add3A_761 : i32 to index
        %get3A_763 = arith.constant 48 : index
        %get3A_764 = tpu.vector_load %arg15[%get3A_762, %get3A_763] {strides = array<i32>} : memref<160x128xf32, #tpu.memory_space<vmem>>, vector<1x16xf32>,
        %get3A_765 = vector.shape_cast %get3A_764 : vector<1x16xf32> to vector<16xf32>
        %add3A_766 = arith.constant 40 : i32
        %add3A_767 = arith.addi %add3A_766, %scan3A_692 : i32
        %get3A_768 = arith.index_cast %add3A_767 : i32 to index
        %get3A_769 = arith.constant 48 : index
        %get3A_770 = tpu.vector_load %arg16[%get3A_768, %get3A_769] {strides = array<i32>} : memref<80x128xf32, #tpu.memory_space<vmem>>, vector<1x16xf32>,
        %get3A_771 = vector.shape_cast %get3A_770 : vector<1x16xf32> to vector<16xf32>
        %add3A_772 = arith.addf %get3A_765, %get3A_771 : vector<16xf32>
        %max3A_773 = arith.constant 0.000000e+00 : f32
        %max3A_774 = vector.broadcast %max3A_773 : f32 to vector<16xf32>
        %max3A_775 = arith.maximumf %add3A_772, %max3A_774 : vector<16xf32>
        %add3A_776 = arith.constant 120 : i32
        %add3A_777 = arith.addi %add3A_776, %scan3A_692 : i32
        %swap3A_778 = arith.index_cast %add3A_777 : i32 to index
        %swap3A_779 = arith.constant 48 : index
        %swap3A_780 = tpu.vector_load %arg15[%swap3A_778, %swap3A_779] {strides = array<i32>} : memref<160x128xf32, #tpu.memory_space<vmem>>, vector<1x16xf32>,
        %swap3A_781 = vector.shape_cast %swap3A_780 : vector<1x16xf32> to vector<16xf32>
        %swap3A_782 = vector.shape_cast %max3A_775 : vector<16xf32> to vector<1x16xf32>
        tpu.vector_store %arg15[%swap3A_778, %swap3A_779], %swap3A_782 {strides = array<i32>} : memref<160x128xf32, #tpu.memory_space<vmem>>, vector<1x16xf32>,
        %add3A_783 = arith.constant 120 : i32
        %add3A_784 = arith.addi %add3A_783, %scan3A_692 : i32
        %get3A_785 = arith.index_cast %add3A_784 : i32 to index
        %get3A_786 = arith.constant 64 : index
        %get3A_787 = tpu.vector_load %arg15[%get3A_785, %get3A_786] {strides = array<i32>} : memref<160x128xf32, #tpu.memory_space<vmem>>, vector<1x16xf32>,
        %get3A_788 = vector.shape_cast %get3A_787 : vector<1x16xf32> to vector<16xf32>
        %add3A_789 = arith.constant 40 : i32
        %add3A_790 = arith.addi %add3A_789, %scan3A_692 : i32
        %get3A_791 = arith.index_cast %add3A_790 : i32 to index
        %get3A_792 = arith.constant 64 : index
        %get3A_793 = tpu.vector_load %arg16[%get3A_791, %get3A_792] {strides = array<i32>} : memref<80x128xf32, #tpu.memory_space<vmem>>, vector<1x16xf32>,
        %get3A_794 = vector.shape_cast %get3A_793 : vector<1x16xf32> to vector<16xf32>
        %add3A_795 = arith.addf %get3A_788, %get3A_794 : vector<16xf32>
        %max3A_796 = arith.constant 0.000000e+00 : f32
        %max3A_797 = vector.broadcast %max3A_796 : f32 to vector<16xf32>
        %max3A_798 = arith.maximumf %add3A_795, %max3A_797 : vector<16xf32>
        %add3A_799 = arith.constant 120 : i32
        %add3A_800 = arith.addi %add3A_799, %scan3A_692 : i32
        %swap3A_801 = arith.index_cast %add3A_800 : i32 to index
        %swap3A_802 = arith.constant 64 : index
        %swap3A_803 = tpu.vector_load %arg15[%swap3A_801, %swap3A_802] {strides = array<i32>} : memref<160x128xf32, #tpu.memory_space<vmem>>, vector<1x16xf32>,
        %swap3A_804 = vector.shape_cast %swap3A_803 : vector<1x16xf32> to vector<16xf32>
        %swap3A_805 = vector.shape_cast %max3A_798 : vector<16xf32> to vector<1x16xf32>
        tpu.vector_store %arg15[%swap3A_801, %swap3A_802], %swap3A_805 {strides = array<i32>} : memref<160x128xf32, #tpu.memory_space<vmem>>, vector<1x16xf32>,
        %add3A_806 = arith.constant 120 : i32
        %add3A_807 = arith.addi %add3A_806, %scan3A_692 : i32
        %get3A_808 = arith.index_cast %add3A_807 : i32 to index
        %get3A_809 = arith.constant 80 : index
        %get3A_810 = tpu.vector_load %arg15[%get3A_808, %get3A_809] {strides = array<i32>} : memref<160x128xf32, #tpu.memory_space<vmem>>, vector<1x16xf32>,
        %get3A_811 = vector.shape_cast %get3A_810 : vector<1x16xf32> to vector<16xf32>
        %add3A_812 = arith.constant 40 : i32
        %add3A_813 = arith.addi %add3A_812, %scan3A_692 : i32
        %get3A_814 = arith.index_cast %add3A_813 : i32 to index
        %get3A_815 = arith.constant 80 : index
        %get3A_816 = tpu.vector_load %arg16[%get3A_814, %get3A_815] {strides = array<i32>} : memref<80x128xf32, #tpu.memory_space<vmem>>, vector<1x16xf32>,
        %get3A_817 = vector.shape_cast %get3A_816 : vector<1x16xf32> to vector<16xf32>
        %add3A_818 = arith.addf %get3A_811, %get3A_817 : vector<16xf32>
        %max3A_819 = arith.constant 0.000000e+00 : f32
        %max3A_820 = vector.broadcast %max3A_819 : f32 to vector<16xf32>
        %max3A_821 = arith.maximumf %add3A_818, %max3A_820 : vector<16xf32>
        %add3A_822 = arith.constant 120 : i32
        %add3A_823 = arith.addi %add3A_822, %scan3A_692 : i32
        %swap3A_824 = arith.index_cast %add3A_823 : i32 to index
        %swap3A_825 = arith.constant 80 : index
        %swap3A_826 = tpu.vector_load %arg15[%swap3A_824, %swap3A_825] {strides = array<i32>} : memref<160x128xf32, #tpu.memory_space<vmem>>, vector<1x16xf32>,
        %swap3A_827 = vector.shape_cast %swap3A_826 : vector<1x16xf32> to vector<16xf32>
        %swap3A_828 = vector.shape_cast %max3A_821 : vector<16xf32> to vector<1x16xf32>
        tpu.vector_store %arg15[%swap3A_824, %swap3A_825], %swap3A_828 {strides = array<i32>} : memref<160x128xf32, #tpu.memory_space<vmem>>, vector<1x16xf32>,
        %add3A_829 = arith.constant 120 : i32
        %add3A_830 = arith.addi %add3A_829, %scan3A_692 : i32
        %get3A_831 = arith.index_cast %add3A_830 : i32 to index
        %get3A_832 = arith.constant 96 : index
        %get3A_833 = tpu.vector_load %arg15[%get3A_831, %get3A_832] {strides = array<i32>} : memref<160x128xf32, #tpu.memory_space<vmem>>, vector<1x16xf32>,
        %get3A_834 = vector.shape_cast %get3A_833 : vector<1x16xf32> to vector<16xf32>
        %add3A_835 = arith.constant 40 : i32
        %add3A_836 = arith.addi %add3A_835, %scan3A_692 : i32
        %get3A_837 = arith.index_cast %add3A_836 : i32 to index
        %get3A_838 = arith.constant 96 : index
        %get3A_839 = tpu.vector_load %arg16[%get3A_837, %get3A_838] {strides = array<i32>} : memref<80x128xf32, #tpu.memory_space<vmem>>, vector<1x16xf32>,
        %get3A_840 = vector.shape_cast %get3A_839 : vector<1x16xf32> to vector<16xf32>
        %add3A_841 = arith.addf %get3A_834, %get3A_840 : vector<16xf32>
        %max3A_842 = arith.constant 0.000000e+00 : f32
        %max3A_843 = vector.broadcast %max3A_842 : f32 to vector<16xf32>
        %max3A_844 = arith.maximumf %add3A_841, %max3A_843 : vector<16xf32>
        %add3A_845 = arith.constant 120 : i32
        %add3A_846 = arith.addi %add3A_845, %scan3A_692 : i32
        %swap3A_847 = arith.index_cast %add3A_846 : i32 to index
        %swap3A_848 = arith.constant 96 : index
        %swap3A_849 = tpu.vector_load %arg15[%swap3A_847, %swap3A_848] {strides = array<i32>} : memref<160x128xf32, #tpu.memory_space<vmem>>, vector<1x16xf32>,
        %swap3A_850 = vector.shape_cast %swap3A_849 : vector<1x16xf32> to vector<16xf32>
        %swap3A_851 = vector.shape_cast %max3A_844 : vector<16xf32> to vector<1x16xf32>
        tpu.vector_store %arg15[%swap3A_847, %swap3A_848], %swap3A_851 {strides = array<i32>} : memref<160x128xf32, #tpu.memory_space<vmem>>, vector<1x16xf32>,
        %add3A_852 = arith.constant 120 : i32
        %add3A_853 = arith.addi %add3A_852, %scan3A_692 : i32
        %get3A_854 = arith.index_cast %add3A_853 : i32 to index
        %get3A_855 = arith.constant 112 : index
        %get3A_856 = tpu.vector_load %arg15[%get3A_854, %get3A_855] {strides = array<i32>} : memref<160x128xf32, #tpu.memory_space<vmem>>, vector<1x16xf32>,
        %get3A_857 = vector.shape_cast %get3A_856 : vector<1x16xf32> to vector<16xf32>
        %add3A_858 = arith.constant 40 : i32
        %add3A_859 = arith.addi %add3A_858, %scan3A_692 : i32
        %get3A_860 = arith.index_cast %add3A_859 : i32 to index
        %get3A_861 = arith.constant 112 : index
        %get3A_862 = tpu.vector_load %arg16[%get3A_860, %get3A_861] {strides = array<i32>} : memref<80x128xf32, #tpu.memory_space<vmem>>, vector<1x16xf32>,
        %get3A_863 = vector.shape_cast %get3A_862 : vector<1x16xf32> to vector<16xf32>
        %add3A_864 = arith.addf %get3A_857, %get3A_863 : vector<16xf32>
        %max3A_865 = arith.constant 0.000000e+00 : f32
        %max3A_866 = vector.broadcast %max3A_865 : f32 to vector<16xf32>
        %max3A_867 = arith.maximumf %add3A_864, %max3A_866 : vector<16xf32>
        %add3A_868 = arith.constant 120 : i32
        %add3A_869 = arith.addi %add3A_868, %scan3A_692 : i32
        %swap3A_870 = arith.index_cast %add3A_869 : i32 to index
        %swap3A_871 = arith.constant 112 : index
        %swap3A_872 = tpu.vector_load %arg15[%swap3A_870, %swap3A_871] {strides = array<i32>} : memref<160x128xf32, #tpu.memory_space<vmem>>, vector<1x16xf32>,
        %swap3A_873 = vector.shape_cast %swap3A_872 : vector<1x16xf32> to vector<16xf32>
        %swap3A_874 = vector.shape_cast %max3A_867 : vector<16xf32> to vector<1x16xf32>
        tpu.vector_store %arg15[%swap3A_870, %swap3A_871], %swap3A_874 {strides = array<i32>} : memref<160x128xf32, #tpu.memory_space<vmem>>, vector<1x16xf32>,
        %scan3A_875 = arith.constant 0 : i32
        scf.yield %scan3A_875 : i32
      }
      %scan3A_614 = arith.constant 40 : i32
      %mul3A_615 = arith.constant 40 : i32
      %mul3A_616 = arith.muli %add3A_585, %mul3A_615 : i32
      %add3A_617 = arith.addi %mul3A_2, %mul3A_616 : i32
      %dma_wait3A_618 = arith.constant 3 : i32
      %dma_wait3A_619 = tpu.memref_slice %arg5[%add3A_617] : memref<320000xi32, #tpu.memory_space<hbm>> -> memref<40xi32, #tpu.memory_space<hbm>>
      %dma_wait3A_620 = tpu.memref_slice %arg19[%dma_wait3A_618] : memref<4x!tpu.dma_semaphore, #tpu.memory_space<semaphore_mem>> -> memref<1x!tpu.dma_semaphore, #tpu.memory_space<semaphore_mem>>
      %dma_wait3A_621 = tpu.memref_squeeze %dma_wait3A_620 : memref<1x!tpu.dma_semaphore, #tpu.memory_space<semaphore_mem>> -> memref<!tpu.dma_semaphore, #tpu.memory_space<semaphore_mem>>
      %dma_wait3A_622 = tpu.memref_slice %arg5[%add3A_617] : memref<320000xi32, #tpu.memory_space<hbm>> -> memref<40xi32, #tpu.memory_space<hbm>>
      tpu.wait_dma2 semaphore(%dma_wait3A_621 : memref<!tpu.dma_semaphore, #tpu.memory_space<semaphore_mem>>) src(%dma_wait3A_622 : memref<40xi32, #tpu.memory_space<hbm>>) dst(%arg14 : memref<40xi32, #tpu.memory_space<vmem>>)
      %dma_start3A_623 = arith.constant 3 : i32
      %dma_start3A_624 = arith.constant 120 : i32
      %dma_start3A_625 = arith.constant 0 : i32
      %dma_start3A_626 = tpu.memref_slice %arg15[%dma_start3A_624, %dma_start3A_625] : memref<160x128xf32, #tpu.memory_space<vmem>> -> memref<40x128xf32, #tpu.memory_space<vmem>>
      %dma_start3A_627 = arith.constant 0 : i32
      %dma_start3A_628 = arith.constant 0 : i32
      %dma_start3A_629 = tpu.memref_slice %arg17[%dma_start3A_627, %dma_start3A_628] : memref<10240x128xf32, #tpu.memory_space<vmem_shared>> -> memref<10240x128xf32, #tpu.memory_space<vmem_shared>>
      %dma_start3A_630 = tpu.memref_slice %arg22[%dma_start3A_623] : memref<4x!tpu.dma_semaphore, #tpu.memory_space<semaphore_mem>> -> memref<1x!tpu.dma_semaphore, #tpu.memory_space<semaphore_mem>>
      %dma_start3A_631 = tpu.memref_squeeze %dma_start3A_630 : memref<1x!tpu.dma_semaphore, #tpu.memory_space<semaphore_mem>> -> memref<!tpu.dma_semaphore, #tpu.memory_space<semaphore_mem>>
      tpu.enqueue_indirect_dma source(%dma_start3A_626 : memref<40x128xf32, #tpu.memory_space<vmem>>) target(%dma_start3A_629 : memref<10240x128xf32, #tpu.memory_space<vmem_shared>>) offsets(%arg14 : memref<40xi32, #tpu.memory_space<vmem>>) semaphore(%dma_start3A_631 : memref<!tpu.dma_semaphore, #tpu.memory_space<semaphore_mem>>) {add = true}
      %add3A_632 = arith.constant 2 : i32
      %add3A_633 = arith.addi %add3A_585, %add3A_632 : i32
      %mul3A_634 = arith.constant 40 : i32
      %mul3A_635 = arith.muli %add3A_633, %mul3A_634 : i32
      %add3A_636 = arith.addi %mul3A_2, %mul3A_635 : i32
      %dma_start3A_637 = arith.constant 1 : i32
      %dma_start3A_638 = arith.constant 40 : i32
      %dma_start3A_639 = arith.constant 0 : i32
      %dma_start3A_640 = tpu.memref_slice %arg16[%dma_start3A_638, %dma_start3A_639] : memref<80x128xf32, #tpu.memory_space<vmem>> -> memref<40x128xf32, #tpu.memory_space<vmem>>
      %dma_start3A_641 = arith.constant 0 : i32
      %dma_start3A_642 = tpu.memref_slice %arg3[%add3A_636, %dma_start3A_641] : memref<320000x128xf32, #tpu.memory_space<hbm>> -> memref<40x128xf32, #tpu.memory_space<hbm>>
      %dma_start3A_643 = tpu.memref_slice %arg21[%dma_start3A_637] : memref<2x!tpu.dma_semaphore, #tpu.memory_space<semaphore_mem>> -> memref<1x!tpu.dma_semaphore, #tpu.memory_space<semaphore_mem>>
      %dma_start3A_644 = tpu.memref_squeeze %dma_start3A_643 : memref<1x!tpu.dma_semaphore, #tpu.memory_space<semaphore_mem>> -> memref<!tpu.dma_semaphore, #tpu.memory_space<semaphore_mem>>
      %dma_start3A_645 = arith.constant 40 : i32
      %dma_start3A_646 = arith.constant 0 : i32
      %dma_start3A_647 = tpu.memref_slice %arg16[%dma_start3A_645, %dma_start3A_646] : memref<80x128xf32, #tpu.memory_space<vmem>> -> memref<40x128xf32, #tpu.memory_space<vmem>>
      %dma_start3A_648 = arith.constant 0 : i32
      %dma_start3A_649 = tpu.memref_slice %arg3[%add3A_636, %dma_start3A_648] : memref<320000x128xf32, #tpu.memory_space<hbm>> -> memref<40x128xf32, #tpu.memory_space<hbm>>
      tpu.enqueue_dma source(%dma_start3A_649 : memref<40x128xf32, #tpu.memory_space<hbm>>) target(%dma_start3A_647 : memref<40x128xf32, #tpu.memory_space<vmem>>) target_semaphore(%dma_start3A_644 : memref<!tpu.dma_semaphore, #tpu.memory_space<semaphore_mem>>)
      %add3A_650 = arith.constant 4 : i32
      %add3A_651 = arith.addi %add3A_585, %add3A_650 : i32
      %lt3A_652 = arith.constant 250 : i32
      %lt3A_653 = arith.cmpi slt, %add3A_651, %lt3A_652 : i32
      %convert_element_type3A_654 = arith.extui %lt3A_653 : i1 to i32
      %cond3A_655 = arith.constant 0 : i32
      %cond3A_656 = arith.cmpi ne, %convert_element_type3A_654, %cond3A_655 : i32
      scf.if %cond3A_656 {
        %add3A_692 = arith.constant 4 : i32
        %add3A_693 = arith.addi %add3A_585, %add3A_692 : i32
        %mul3A_694 = arith.constant 40 : i32
        %mul3A_695 = arith.muli %add3A_693, %mul3A_694 : i32
        %add3A_696 = arith.addi %mul3A_2, %mul3A_695 : i32
        %dma_start3A_697 = arith.constant 3 : i32
        %dma_start3A_698 = tpu.memref_slice %arg4[%add3A_696] : memref<320000xi32, #tpu.memory_space<hbm>> -> memref<40xi32, #tpu.memory_space<hbm>>
        %dma_start3A_699 = tpu.memref_slice %arg18[%dma_start3A_697] : memref<4x!tpu.dma_semaphore, #tpu.memory_space<semaphore_mem>> -> memref<1x!tpu.dma_semaphore, #tpu.memory_space<semaphore_mem>>
        %dma_start3A_700 = tpu.memref_squeeze %dma_start3A_699 : memref<1x!tpu.dma_semaphore, #tpu.memory_space<semaphore_mem>> -> memref<!tpu.dma_semaphore, #tpu.memory_space<semaphore_mem>>
        %dma_start3A_701 = tpu.memref_slice %arg4[%add3A_696] : memref<320000xi32, #tpu.memory_space<hbm>> -> memref<40xi32, #tpu.memory_space<hbm>>
        tpu.enqueue_dma source(%dma_start3A_701 : memref<40xi32, #tpu.memory_space<hbm>>) target(%arg10 : memref<40xi32, #tpu.memory_space<vmem>>) target_semaphore(%dma_start3A_700 : memref<!tpu.dma_semaphore, #tpu.memory_space<semaphore_mem>>)
      } else {
      }
      %ge3A_657 = arith.constant 2 : i32
      %ge3A_658 = arith.cmpi sge, %add3A_585, %ge3A_657 : i32
      %convert_element_type3A_659 = arith.extui %ge3A_658 : i1 to i32
      %cond3A_660 = arith.constant 0 : i32
      %cond3A_661 = arith.cmpi ne, %convert_element_type3A_659, %cond3A_660 : i32
      scf.if %cond3A_661 {
        %dma_wait3A_692 = arith.constant 1 : i32
        %dma_wait3A_693 = arith.constant 40 : i32
        %dma_wait3A_694 = arith.constant 0 : i32
        %dma_wait3A_695 = tpu.memref_slice %arg15[%dma_wait3A_693, %dma_wait3A_694] : memref<160x128xf32, #tpu.memory_space<vmem>> -> memref<40x128xf32, #tpu.memory_space<vmem>>
        %dma_wait3A_696 = arith.constant 0 : i32
        %dma_wait3A_697 = arith.constant 0 : i32
        %dma_wait3A_698 = tpu.memref_slice %arg17[%dma_wait3A_696, %dma_wait3A_697] : memref<10240x128xf32, #tpu.memory_space<vmem_shared>> -> memref<10240x128xf32, #tpu.memory_space<vmem_shared>>
        %dma_wait3A_699 = tpu.memref_slice %arg22[%dma_wait3A_692] : memref<4x!tpu.dma_semaphore, #tpu.memory_space<semaphore_mem>> -> memref<1x!tpu.dma_semaphore, #tpu.memory_space<semaphore_mem>>
        %dma_wait3A_700 = tpu.memref_squeeze %dma_wait3A_699 : memref<1x!tpu.dma_semaphore, #tpu.memory_space<semaphore_mem>> -> memref<!tpu.dma_semaphore, #tpu.memory_space<semaphore_mem>>
        tpu.wait_indirect_dma semaphore(%dma_wait3A_700 : memref<!tpu.dma_semaphore, #tpu.memory_space<semaphore_mem>>) src(%dma_wait3A_695 : memref<40x128xf32, #tpu.memory_space<vmem>>) dst(%dma_wait3A_698 : memref<10240x128xf32, #tpu.memory_space<vmem_shared>>)
      } else {
      }
      %add3A_662 = arith.constant 2 : i32
      %add3A_663 = arith.addi %add3A_585, %add3A_662 : i32
      %mul3A_664 = arith.constant 40 : i32
      %mul3A_665 = arith.muli %add3A_663, %mul3A_664 : i32
      %add3A_666 = arith.addi %mul3A_2, %mul3A_665 : i32
      %dma_start3A_667 = arith.constant 1 : i32
      %dma_start3A_668 = tpu.memref_slice %arg5[%add3A_666] : memref<320000xi32, #tpu.memory_space<hbm>> -> memref<40xi32, #tpu.memory_space<hbm>>
      %dma_start3A_669 = tpu.memref_slice %arg19[%dma_start3A_667] : memref<4x!tpu.dma_semaphore, #tpu.memory_space<semaphore_mem>> -> memref<1x!tpu.dma_semaphore, #tpu.memory_space<semaphore_mem>>
      %dma_start3A_670 = tpu.memref_squeeze %dma_start3A_669 : memref<1x!tpu.dma_semaphore, #tpu.memory_space<semaphore_mem>> -> memref<!tpu.dma_semaphore, #tpu.memory_space<semaphore_mem>>
      %dma_start3A_671 = tpu.memref_slice %arg5[%add3A_666] : memref<320000xi32, #tpu.memory_space<hbm>> -> memref<40xi32, #tpu.memory_space<hbm>>
      tpu.enqueue_dma source(%dma_start3A_671 : memref<40xi32, #tpu.memory_space<hbm>>) target(%arg12 : memref<40xi32, #tpu.memory_space<vmem>>) target_semaphore(%dma_start3A_670 : memref<!tpu.dma_semaphore, #tpu.memory_space<semaphore_mem>>)
      %add3A_672 = arith.constant 2 : i32
      %add3A_673 = arith.addi %add3A_585, %add3A_672 : i32
      %mul3A_674 = arith.constant 40 : i32
      %mul3A_675 = arith.muli %add3A_673, %mul3A_674 : i32
      %add3A_676 = arith.addi %mul3A_2, %mul3A_675 : i32
      %dma_wait3A_677 = arith.constant 1 : i32
      %dma_wait3A_678 = tpu.memref_slice %arg4[%add3A_676] : memref<320000xi32, #tpu.memory_space<hbm>> -> memref<40xi32, #tpu.memory_space<hbm>>
      %dma_wait3A_679 = tpu.memref_slice %arg18[%dma_wait3A_677] : memref<4x!tpu.dma_semaphore, #tpu.memory_space<semaphore_mem>> -> memref<1x!tpu.dma_semaphore, #tpu.memory_space<semaphore_mem>>
      %dma_wait3A_680 = tpu.memref_squeeze %dma_wait3A_679 : memref<1x!tpu.dma_semaphore, #tpu.memory_space<semaphore_mem>> -> memref<!tpu.dma_semaphore, #tpu.memory_space<semaphore_mem>>
      %dma_wait3A_681 = tpu.memref_slice %arg4[%add3A_676] : memref<320000xi32, #tpu.memory_space<hbm>> -> memref<40xi32, #tpu.memory_space<hbm>>
      tpu.wait_dma2 semaphore(%dma_wait3A_680 : memref<!tpu.dma_semaphore, #tpu.memory_space<semaphore_mem>>) src(%dma_wait3A_681 : memref<40xi32, #tpu.memory_space<hbm>>) dst(%arg8 : memref<40xi32, #tpu.memory_space<vmem>>)
      %dma_start3A_682 = arith.constant 1 : i32
      %dma_start3A_683 = arith.constant 40 : i32
      %dma_start3A_684 = arith.constant 0 : i32
      %dma_start3A_685 = tpu.memref_slice %arg15[%dma_start3A_683, %dma_start3A_684] : memref<160x128xf32, #tpu.memory_space<vmem>> -> memref<40x128xf32, #tpu.memory_space<vmem>>
      %dma_start3A_686 = arith.constant 0 : i32
      %dma_start3A_687 = arith.constant 0 : i32
      %dma_start3A_688 = tpu.memref_slice %arg2[%dma_start3A_686, %dma_start3A_687] : memref<10000x128xf32, #tpu.memory_space<hbm>> -> memref<10000x128xf32, #tpu.memory_space<hbm>>
      %dma_start3A_689 = tpu.memref_slice %arg20[%dma_start3A_682] : memref<4x!tpu.dma_semaphore, #tpu.memory_space<semaphore_mem>> -> memref<1x!tpu.dma_semaphore, #tpu.memory_space<semaphore_mem>>
      %dma_start3A_690 = tpu.memref_squeeze %dma_start3A_689 : memref<1x!tpu.dma_semaphore, #tpu.memory_space<semaphore_mem>> -> memref<!tpu.dma_semaphore, #tpu.memory_space<semaphore_mem>>
      tpu.enqueue_indirect_dma source(%dma_start3A_688 : memref<10000x128xf32, #tpu.memory_space<hbm>>) target(%dma_start3A_685 : memref<40x128xf32, #tpu.memory_space<vmem>>) offsets(%arg8 : memref<40xi32, #tpu.memory_space<vmem>>) semaphore(%dma_start3A_690 : memref<!tpu.dma_semaphore, #tpu.memory_space<semaphore_mem>>)
      %scan3A_691 = arith.constant 0 : i32
      scf.yield %scan3A_691 : i32
    }
    %scan3A_133 = arith.constant 62 : i32
    %dma_wait3A_134 = arith.constant 0 : i32
    %dma_wait3A_135 = arith.constant 0 : i32
    %dma_wait3A_136 = arith.constant 0 : i32
    %dma_wait3A_137 = tpu.memref_slice %arg15[%dma_wait3A_135, %dma_wait3A_136] : memref<160x128xf32, #tpu.memory_space<vmem>> -> memref<40x128xf32, #tpu.memory_space<vmem>>
    %dma_wait3A_138 = arith.constant 0 : i32
    %dma_wait3A_139 = arith.constant 0 : i32
    %dma_wait3A_140 = tpu.memref_slice %arg2[%dma_wait3A_138, %dma_wait3A_139] : memref<10000x128xf32, #tpu.memory_space<hbm>> -> memref<10000x128xf32, #tpu.memory_space<hbm>>
    %dma_wait3A_141 = tpu.memref_slice %arg20[%dma_wait3A_134] : memref<4x!tpu.dma_semaphore, #tpu.memory_space<semaphore_mem>> -> memref<1x!tpu.dma_semaphore, #tpu.memory_space<semaphore_mem>>
    %dma_wait3A_142 = tpu.memref_squeeze %dma_wait3A_141 : memref<1x!tpu.dma_semaphore, #tpu.memory_space<semaphore_mem>> -> memref<!tpu.dma_semaphore, #tpu.memory_space<semaphore_mem>>
    tpu.wait_indirect_dma semaphore(%dma_wait3A_142 : memref<!tpu.dma_semaphore, #tpu.memory_space<semaphore_mem>>) src(%dma_wait3A_140 : memref<10000x128xf32, #tpu.memory_space<hbm>>) dst(%dma_wait3A_137 : memref<40x128xf32, #tpu.memory_space<vmem>>)
    %dma_wait3A_143 = arith.constant 0 : i32
    %dma_wait3A_144 = arith.constant 0 : i32
    %dma_wait3A_145 = arith.constant 0 : i32
    %dma_wait3A_146 = tpu.memref_slice %arg16[%dma_wait3A_144, %dma_wait3A_145] : memref<80x128xf32, #tpu.memory_space<vmem>> -> memref<40x128xf32, #tpu.memory_space<vmem>>
    %dma_wait3A_147 = arith.constant 0 : i32
    %dma_wait3A_148 = tpu.memref_slice %arg3[%mul3A_2, %dma_wait3A_147] : memref<320000x128xf32, #tpu.memory_space<hbm>> -> memref<40x128xf32, #tpu.memory_space<hbm>>
    %dma_wait3A_149 = tpu.memref_slice %arg21[%dma_wait3A_143] : memref<2x!tpu.dma_semaphore, #tpu.memory_space<semaphore_mem>> -> memref<1x!tpu.dma_semaphore, #tpu.memory_space<semaphore_mem>>
    %dma_wait3A_150 = tpu.memref_squeeze %dma_wait3A_149 : memref<1x!tpu.dma_semaphore, #tpu.memory_space<semaphore_mem>> -> memref<!tpu.dma_semaphore, #tpu.memory_space<semaphore_mem>>
    %dma_wait3A_151 = arith.constant 0 : i32
    %dma_wait3A_152 = arith.constant 0 : i32
    %dma_wait3A_153 = tpu.memref_slice %arg16[%dma_wait3A_151, %dma_wait3A_152] : memref<80x128xf32, #tpu.memory_space<vmem>> -> memref<40x128xf32, #tpu.memory_space<vmem>>
    %dma_wait3A_154 = arith.constant 0 : i32
    %dma_wait3A_155 = tpu.memref_slice %arg3[%mul3A_2, %dma_wait3A_154] : memref<320000x128xf32, #tpu.memory_space<hbm>> -> memref<40x128xf32, #tpu.memory_space<hbm>>
    tpu.wait_dma2 semaphore(%dma_wait3A_150 : memref<!tpu.dma_semaphore, #tpu.memory_space<semaphore_mem>>) src(%dma_wait3A_155 : memref<40x128xf32, #tpu.memory_space<hbm>>) dst(%dma_wait3A_153 : memref<40x128xf32, #tpu.memory_space<vmem>>)
    %scan3A_156 = arith.constant 0 : i32
    %scan3A_157 = arith.constant 0 : i32
    %scan3A_158 = arith.constant 40 : i32
    %scan3A_159 = arith.addi %scan3A_157, %scan3A_158 : i32
    %scan3A_160 = arith.constant 1 : i32
    %scan3A_161 = scf.for %scan3A_263 = %scan3A_157 to %scan3A_159 step %scan3A_160 iter_args(%scan3A_264 = %scan3A_156) -> (i32)  : i32 {
      %add3A_265 = arith.constant 0 : i32
      %add3A_266 = arith.addi %add3A_265, %scan3A_263 : i32
      %get3A = arith.index_cast %add3A_266 : i32 to index
      %get3A_267 = arith.constant 0 : index
      %get3A_268 = tpu.vector_load %arg15[%get3A, %get3A_267] {strides = array<i32>} : memref<160x128xf32, #tpu.memory_space<vmem>>, vector<1x16xf32>,
      %get3A_269 = vector.shape_cast %get3A_268 : vector<1x16xf32> to vector<16xf32>
      %add3A_270 = arith.constant 0 : i32
      %add3A_271 = arith.addi %add3A_270, %scan3A_263 : i32
      %get3A_272 = arith.index_cast %add3A_271 : i32 to index
      %get3A_273 = arith.constant 0 : index
      %get3A_274 = tpu.vector_load %arg16[%get3A_272, %get3A_273] {strides = array<i32>} : memref<80x128xf32, #tpu.memory_space<vmem>>, vector<1x16xf32>,
      %get3A_275 = vector.shape_cast %get3A_274 : vector<1x16xf32> to vector<16xf32>
      %add3A_276 = arith.addf %get3A_269, %get3A_275 : vector<16xf32>
      %max3A = arith.constant 0.000000e+00 : f32
      %max3A_277 = vector.broadcast %max3A : f32 to vector<16xf32>
      %max3A_278 = arith.maximumf %add3A_276, %max3A_277 : vector<16xf32>
      %add3A_279 = arith.constant 0 : i32
      %add3A_280 = arith.addi %add3A_279, %scan3A_263 : i32
      %swap3A = arith.index_cast %add3A_280 : i32 to index
      %swap3A_281 = arith.constant 0 : index
      %swap3A_282 = tpu.vector_load %arg15[%swap3A, %swap3A_281] {strides = array<i32>} : memref<160x128xf32, #tpu.memory_space<vmem>>, vector<1x16xf32>,
      %swap3A_283 = vector.shape_cast %swap3A_282 : vector<1x16xf32> to vector<16xf32>
      %swap3A_284 = vector.shape_cast %max3A_278 : vector<16xf32> to vector<1x16xf32>
      tpu.vector_store %arg15[%swap3A, %swap3A_281], %swap3A_284 {strides = array<i32>} : memref<160x128xf32, #tpu.memory_space<vmem>>, vector<1x16xf32>,
      %add3A_285 = arith.constant 0 : i32
      %add3A_286 = arith.addi %add3A_285, %scan3A_263 : i32
      %get3A_287 = arith.index_cast %add3A_286 : i32 to index
      %get3A_288 = arith.constant 16 : index
      %get3A_289 = tpu.vector_load %arg15[%get3A_287, %get3A_288] {strides = array<i32>} : memref<160x128xf32, #tpu.memory_space<vmem>>, vector<1x16xf32>,
      %get3A_290 = vector.shape_cast %get3A_289 : vector<1x16xf32> to vector<16xf32>
      %add3A_291 = arith.constant 0 : i32
      %add3A_292 = arith.addi %add3A_291, %scan3A_263 : i32
      %get3A_293 = arith.index_cast %add3A_292 : i32 to index
      %get3A_294 = arith.constant 16 : index
      %get3A_295 = tpu.vector_load %arg16[%get3A_293, %get3A_294] {strides = array<i32>} : memref<80x128xf32, #tpu.memory_space<vmem>>, vector<1x16xf32>,
      %get3A_296 = vector.shape_cast %get3A_295 : vector<1x16xf32> to vector<16xf32>
      %add3A_297 = arith.addf %get3A_290, %get3A_296 : vector<16xf32>
      %max3A_298 = arith.constant 0.000000e+00 : f32
      %max3A_299 = vector.broadcast %max3A_298 : f32 to vector<16xf32>
      %max3A_300 = arith.maximumf %add3A_297, %max3A_299 : vector<16xf32>
      %add3A_301 = arith.constant 0 : i32
      %add3A_302 = arith.addi %add3A_301, %scan3A_263 : i32
      %swap3A_303 = arith.index_cast %add3A_302 : i32 to index
      %swap3A_304 = arith.constant 16 : index
      %swap3A_305 = tpu.vector_load %arg15[%swap3A_303, %swap3A_304] {strides = array<i32>} : memref<160x128xf32, #tpu.memory_space<vmem>>, vector<1x16xf32>,
      %swap3A_306 = vector.shape_cast %swap3A_305 : vector<1x16xf32> to vector<16xf32>
      %swap3A_307 = vector.shape_cast %max3A_300 : vector<16xf32> to vector<1x16xf32>
      tpu.vector_store %arg15[%swap3A_303, %swap3A_304], %swap3A_307 {strides = array<i32>} : memref<160x128xf32, #tpu.memory_space<vmem>>, vector<1x16xf32>,
      %add3A_308 = arith.constant 0 : i32
      %add3A_309 = arith.addi %add3A_308, %scan3A_263 : i32
      %get3A_310 = arith.index_cast %add3A_309 : i32 to index
      %get3A_311 = arith.constant 32 : index
      %get3A_312 = tpu.vector_load %arg15[%get3A_310, %get3A_311] {strides = array<i32>} : memref<160x128xf32, #tpu.memory_space<vmem>>, vector<1x16xf32>,
      %get3A_313 = vector.shape_cast %get3A_312 : vector<1x16xf32> to vector<16xf32>
      %add3A_314 = arith.constant 0 : i32
      %add3A_315 = arith.addi %add3A_314, %scan3A_263 : i32
      %get3A_316 = arith.index_cast %add3A_315 : i32 to index
      %get3A_317 = arith.constant 32 : index
      %get3A_318 = tpu.vector_load %arg16[%get3A_316, %get3A_317] {strides = array<i32>} : memref<80x128xf32, #tpu.memory_space<vmem>>, vector<1x16xf32>,
      %get3A_319 = vector.shape_cast %get3A_318 : vector<1x16xf32> to vector<16xf32>
      %add3A_320 = arith.addf %get3A_313, %get3A_319 : vector<16xf32>
      %max3A_321 = arith.constant 0.000000e+00 : f32
      %max3A_322 = vector.broadcast %max3A_321 : f32 to vector<16xf32>
      %max3A_323 = arith.maximumf %add3A_320, %max3A_322 : vector<16xf32>
      %add3A_324 = arith.constant 0 : i32
      %add3A_325 = arith.addi %add3A_324, %scan3A_263 : i32
      %swap3A_326 = arith.index_cast %add3A_325 : i32 to index
      %swap3A_327 = arith.constant 32 : index
      %swap3A_328 = tpu.vector_load %arg15[%swap3A_326, %swap3A_327] {strides = array<i32>} : memref<160x128xf32, #tpu.memory_space<vmem>>, vector<1x16xf32>,
      %swap3A_329 = vector.shape_cast %swap3A_328 : vector<1x16xf32> to vector<16xf32>
      %swap3A_330 = vector.shape_cast %max3A_323 : vector<16xf32> to vector<1x16xf32>
      tpu.vector_store %arg15[%swap3A_326, %swap3A_327], %swap3A_330 {strides = array<i32>} : memref<160x128xf32, #tpu.memory_space<vmem>>, vector<1x16xf32>,
      %add3A_331 = arith.constant 0 : i32
      %add3A_332 = arith.addi %add3A_331, %scan3A_263 : i32
      %get3A_333 = arith.index_cast %add3A_332 : i32 to index
      %get3A_334 = arith.constant 48 : index
      %get3A_335 = tpu.vector_load %arg15[%get3A_333, %get3A_334] {strides = array<i32>} : memref<160x128xf32, #tpu.memory_space<vmem>>, vector<1x16xf32>,
      %get3A_336 = vector.shape_cast %get3A_335 : vector<1x16xf32> to vector<16xf32>
      %add3A_337 = arith.constant 0 : i32
      %add3A_338 = arith.addi %add3A_337, %scan3A_263 : i32
      %get3A_339 = arith.index_cast %add3A_338 : i32 to index
      %get3A_340 = arith.constant 48 : index
      %get3A_341 = tpu.vector_load %arg16[%get3A_339, %get3A_340] {strides = array<i32>} : memref<80x128xf32, #tpu.memory_space<vmem>>, vector<1x16xf32>,
      %get3A_342 = vector.shape_cast %get3A_341 : vector<1x16xf32> to vector<16xf32>
      %add3A_343 = arith.addf %get3A_336, %get3A_342 : vector<16xf32>
      %max3A_344 = arith.constant 0.000000e+00 : f32
      %max3A_345 = vector.broadcast %max3A_344 : f32 to vector<16xf32>
      %max3A_346 = arith.maximumf %add3A_343, %max3A_345 : vector<16xf32>
      %add3A_347 = arith.constant 0 : i32
      %add3A_348 = arith.addi %add3A_347, %scan3A_263 : i32
      %swap3A_349 = arith.index_cast %add3A_348 : i32 to index
      %swap3A_350 = arith.constant 48 : index
      %swap3A_351 = tpu.vector_load %arg15[%swap3A_349, %swap3A_350] {strides = array<i32>} : memref<160x128xf32, #tpu.memory_space<vmem>>, vector<1x16xf32>,
      %swap3A_352 = vector.shape_cast %swap3A_351 : vector<1x16xf32> to vector<16xf32>
      %swap3A_353 = vector.shape_cast %max3A_346 : vector<16xf32> to vector<1x16xf32>
      tpu.vector_store %arg15[%swap3A_349, %swap3A_350], %swap3A_353 {strides = array<i32>} : memref<160x128xf32, #tpu.memory_space<vmem>>, vector<1x16xf32>,
      %add3A_354 = arith.constant 0 : i32
      %add3A_355 = arith.addi %add3A_354, %scan3A_263 : i32
      %get3A_356 = arith.index_cast %add3A_355 : i32 to index
      %get3A_357 = arith.constant 64 : index
      %get3A_358 = tpu.vector_load %arg15[%get3A_356, %get3A_357] {strides = array<i32>} : memref<160x128xf32, #tpu.memory_space<vmem>>, vector<1x16xf32>,
      %get3A_359 = vector.shape_cast %get3A_358 : vector<1x16xf32> to vector<16xf32>
      %add3A_360 = arith.constant 0 : i32
      %add3A_361 = arith.addi %add3A_360, %scan3A_263 : i32
      %get3A_362 = arith.index_cast %add3A_361 : i32 to index
      %get3A_363 = arith.constant 64 : index
      %get3A_364 = tpu.vector_load %arg16[%get3A_362, %get3A_363] {strides = array<i32>} : memref<80x128xf32, #tpu.memory_space<vmem>>, vector<1x16xf32>,
      %get3A_365 = vector.shape_cast %get3A_364 : vector<1x16xf32> to vector<16xf32>
      %add3A_366 = arith.addf %get3A_359, %get3A_365 : vector<16xf32>
      %max3A_367 = arith.constant 0.000000e+00 : f32
      %max3A_368 = vector.broadcast %max3A_367 : f32 to vector<16xf32>
      %max3A_369 = arith.maximumf %add3A_366, %max3A_368 : vector<16xf32>
      %add3A_370 = arith.constant 0 : i32
      %add3A_371 = arith.addi %add3A_370, %scan3A_263 : i32
      %swap3A_372 = arith.index_cast %add3A_371 : i32 to index
      %swap3A_373 = arith.constant 64 : index
      %swap3A_374 = tpu.vector_load %arg15[%swap3A_372, %swap3A_373] {strides = array<i32>} : memref<160x128xf32, #tpu.memory_space<vmem>>, vector<1x16xf32>,
      %swap3A_375 = vector.shape_cast %swap3A_374 : vector<1x16xf32> to vector<16xf32>
      %swap3A_376 = vector.shape_cast %max3A_369 : vector<16xf32> to vector<1x16xf32>
      tpu.vector_store %arg15[%swap3A_372, %swap3A_373], %swap3A_376 {strides = array<i32>} : memref<160x128xf32, #tpu.memory_space<vmem>>, vector<1x16xf32>,
      %add3A_377 = arith.constant 0 : i32
      %add3A_378 = arith.addi %add3A_377, %scan3A_263 : i32
      %get3A_379 = arith.index_cast %add3A_378 : i32 to index
      %get3A_380 = arith.constant 80 : index
      %get3A_381 = tpu.vector_load %arg15[%get3A_379, %get3A_380] {strides = array<i32>} : memref<160x128xf32, #tpu.memory_space<vmem>>, vector<1x16xf32>,
      %get3A_382 = vector.shape_cast %get3A_381 : vector<1x16xf32> to vector<16xf32>
      %add3A_383 = arith.constant 0 : i32
      %add3A_384 = arith.addi %add3A_383, %scan3A_263 : i32
      %get3A_385 = arith.index_cast %add3A_384 : i32 to index
      %get3A_386 = arith.constant 80 : index
      %get3A_387 = tpu.vector_load %arg16[%get3A_385, %get3A_386] {strides = array<i32>} : memref<80x128xf32, #tpu.memory_space<vmem>>, vector<1x16xf32>,
      %get3A_388 = vector.shape_cast %get3A_387 : vector<1x16xf32> to vector<16xf32>
      %add3A_389 = arith.addf %get3A_382, %get3A_388 : vector<16xf32>
      %max3A_390 = arith.constant 0.000000e+00 : f32
      %max3A_391 = vector.broadcast %max3A_390 : f32 to vector<16xf32>
      %max3A_392 = arith.maximumf %add3A_389, %max3A_391 : vector<16xf32>
      %add3A_393 = arith.constant 0 : i32
      %add3A_394 = arith.addi %add3A_393, %scan3A_263 : i32
      %swap3A_395 = arith.index_cast %add3A_394 : i32 to index
      %swap3A_396 = arith.constant 80 : index
      %swap3A_397 = tpu.vector_load %arg15[%swap3A_395, %swap3A_396] {strides = array<i32>} : memref<160x128xf32, #tpu.memory_space<vmem>>, vector<1x16xf32>,
      %swap3A_398 = vector.shape_cast %swap3A_397 : vector<1x16xf32> to vector<16xf32>
      %swap3A_399 = vector.shape_cast %max3A_392 : vector<16xf32> to vector<1x16xf32>
      tpu.vector_store %arg15[%swap3A_395, %swap3A_396], %swap3A_399 {strides = array<i32>} : memref<160x128xf32, #tpu.memory_space<vmem>>, vector<1x16xf32>,
      %add3A_400 = arith.constant 0 : i32
      %add3A_401 = arith.addi %add3A_400, %scan3A_263 : i32
      %get3A_402 = arith.index_cast %add3A_401 : i32 to index
      %get3A_403 = arith.constant 96 : index
      %get3A_404 = tpu.vector_load %arg15[%get3A_402, %get3A_403] {strides = array<i32>} : memref<160x128xf32, #tpu.memory_space<vmem>>, vector<1x16xf32>,
      %get3A_405 = vector.shape_cast %get3A_404 : vector<1x16xf32> to vector<16xf32>
      %add3A_406 = arith.constant 0 : i32
      %add3A_407 = arith.addi %add3A_406, %scan3A_263 : i32
      %get3A_408 = arith.index_cast %add3A_407 : i32 to index
      %get3A_409 = arith.constant 96 : index
      %get3A_410 = tpu.vector_load %arg16[%get3A_408, %get3A_409] {strides = array<i32>} : memref<80x128xf32, #tpu.memory_space<vmem>>, vector<1x16xf32>,
      %get3A_411 = vector.shape_cast %get3A_410 : vector<1x16xf32> to vector<16xf32>
      %add3A_412 = arith.addf %get3A_405, %get3A_411 : vector<16xf32>
      %max3A_413 = arith.constant 0.000000e+00 : f32
      %max3A_414 = vector.broadcast %max3A_413 : f32 to vector<16xf32>
      %max3A_415 = arith.maximumf %add3A_412, %max3A_414 : vector<16xf32>
      %add3A_416 = arith.constant 0 : i32
      %add3A_417 = arith.addi %add3A_416, %scan3A_263 : i32
      %swap3A_418 = arith.index_cast %add3A_417 : i32 to index
      %swap3A_419 = arith.constant 96 : index
      %swap3A_420 = tpu.vector_load %arg15[%swap3A_418, %swap3A_419] {strides = array<i32>} : memref<160x128xf32, #tpu.memory_space<vmem>>, vector<1x16xf32>,
      %swap3A_421 = vector.shape_cast %swap3A_420 : vector<1x16xf32> to vector<16xf32>
      %swap3A_422 = vector.shape_cast %max3A_415 : vector<16xf32> to vector<1x16xf32>
      tpu.vector_store %arg15[%swap3A_418, %swap3A_419], %swap3A_422 {strides = array<i32>} : memref<160x128xf32, #tpu.memory_space<vmem>>, vector<1x16xf32>,
      %add3A_423 = arith.constant 0 : i32
      %add3A_424 = arith.addi %add3A_423, %scan3A_263 : i32
      %get3A_425 = arith.index_cast %add3A_424 : i32 to index
      %get3A_426 = arith.constant 112 : index
      %get3A_427 = tpu.vector_load %arg15[%get3A_425, %get3A_426] {strides = array<i32>} : memref<160x128xf32, #tpu.memory_space<vmem>>, vector<1x16xf32>,
      %get3A_428 = vector.shape_cast %get3A_427 : vector<1x16xf32> to vector<16xf32>
      %add3A_429 = arith.constant 0 : i32
      %add3A_430 = arith.addi %add3A_429, %scan3A_263 : i32
      %get3A_431 = arith.index_cast %add3A_430 : i32 to index
      %get3A_432 = arith.constant 112 : index
      %get3A_433 = tpu.vector_load %arg16[%get3A_431, %get3A_432] {strides = array<i32>} : memref<80x128xf32, #tpu.memory_space<vmem>>, vector<1x16xf32>,
      %get3A_434 = vector.shape_cast %get3A_433 : vector<1x16xf32> to vector<16xf32>
      %add3A_435 = arith.addf %get3A_428, %get3A_434 : vector<16xf32>
      %max3A_436 = arith.constant 0.000000e+00 : f32
      %max3A_437 = vector.broadcast %max3A_436 : f32 to vector<16xf32>
      %max3A_438 = arith.maximumf %add3A_435, %max3A_437 : vector<16xf32>
      %add3A_439 = arith.constant 0 : i32
      %add3A_440 = arith.addi %add3A_439, %scan3A_263 : i32
      %swap3A_441 = arith.index_cast %add3A_440 : i32 to index
      %swap3A_442 = arith.constant 112 : index
      %swap3A_443 = tpu.vector_load %arg15[%swap3A_441, %swap3A_442] {strides = array<i32>} : memref<160x128xf32, #tpu.memory_space<vmem>>, vector<1x16xf32>,
      %swap3A_444 = vector.shape_cast %swap3A_443 : vector<1x16xf32> to vector<16xf32>
      %swap3A_445 = vector.shape_cast %max3A_438 : vector<16xf32> to vector<1x16xf32>
      tpu.vector_store %arg15[%swap3A_441, %swap3A_442], %swap3A_445 {strides = array<i32>} : memref<160x128xf32, #tpu.memory_space<vmem>>, vector<1x16xf32>,
      %scan3A_446 = arith.constant 0 : i32
      scf.yield %scan3A_446 : i32
    }
    %scan3A_162 = arith.constant 40 : i32
    %add3A_163 = arith.constant 9920 : i32
    %add3A_164 = arith.addi %mul3A_2, %add3A_163 : i32
    %dma_wait3A_165 = arith.constant 0 : i32
    %dma_wait3A_166 = tpu.memref_slice %arg5[%add3A_164] : memref<320000xi32, #tpu.memory_space<hbm>> -> memref<40xi32, #tpu.memory_space<hbm>>
    %dma_wait3A_167 = tpu.memref_slice %arg19[%dma_wait3A_165] : memref<4x!tpu.dma_semaphore, #tpu.memory_space<semaphore_mem>> -> memref<1x!tpu.dma_semaphore, #tpu.memory_space<semaphore_mem>>
    %dma_wait3A_168 = tpu.memref_squeeze %dma_wait3A_167 : memref<1x!tpu.dma_semaphore, #tpu.memory_space<semaphore_mem>> -> memref<!tpu.dma_semaphore, #tpu.memory_space<semaphore_mem>>
    %dma_wait3A_169 = tpu.memref_slice %arg5[%add3A_164] : memref<320000xi32, #tpu.memory_space<hbm>> -> memref<40xi32, #tpu.memory_space<hbm>>
    tpu.wait_dma2 semaphore(%dma_wait3A_168 : memref<!tpu.dma_semaphore, #tpu.memory_space<semaphore_mem>>) src(%dma_wait3A_169 : memref<40xi32, #tpu.memory_space<hbm>>) dst(%arg11 : memref<40xi32, #tpu.memory_space<vmem>>)
    %dma_start3A_170 = arith.constant 0 : i32
    %dma_start3A_171 = arith.constant 0 : i32
    %dma_start3A_172 = arith.constant 0 : i32
    %dma_start3A_173 = tpu.memref_slice %arg15[%dma_start3A_171, %dma_start3A_172] : memref<160x128xf32, #tpu.memory_space<vmem>> -> memref<40x128xf32, #tpu.memory_space<vmem>>
    %dma_start3A_174 = arith.constant 0 : i32
    %dma_start3A_175 = arith.constant 0 : i32
    %dma_start3A_176 = tpu.memref_slice %arg17[%dma_start3A_174, %dma_start3A_175] : memref<10240x128xf32, #tpu.memory_space<vmem_shared>> -> memref<10240x128xf32, #tpu.memory_space<vmem_shared>>
    %dma_start3A_177 = tpu.memref_slice %arg22[%dma_start3A_170] : memref<4x!tpu.dma_semaphore, #tpu.memory_space<semaphore_mem>> -> memref<1x!tpu.dma_semaphore, #tpu.memory_space<semaphore_mem>>
    %dma_start3A_178 = tpu.memref_squeeze %dma_start3A_177 : memref<1x!tpu.dma_semaphore, #tpu.memory_space<semaphore_mem>> -> memref<!tpu.dma_semaphore, #tpu.memory_space<semaphore_mem>>
    tpu.enqueue_indirect_dma source(%dma_start3A_173 : memref<40x128xf32, #tpu.memory_space<vmem>>) target(%dma_start3A_176 : memref<10240x128xf32, #tpu.memory_space<vmem_shared>>) offsets(%arg11 : memref<40xi32, #tpu.memory_space<vmem>>) semaphore(%dma_start3A_178 : memref<!tpu.dma_semaphore, #tpu.memory_space<semaphore_mem>>) {add = true}
    %dma_wait3A_179 = arith.constant 1 : i32
    %dma_wait3A_180 = arith.constant 40 : i32
    %dma_wait3A_181 = arith.constant 0 : i32
    %dma_wait3A_182 = tpu.memref_slice %arg15[%dma_wait3A_180, %dma_wait3A_181] : memref<160x128xf32, #tpu.memory_space<vmem>> -> memref<40x128xf32, #tpu.memory_space<vmem>>
    %dma_wait3A_183 = arith.constant 0 : i32
    %dma_wait3A_184 = arith.constant 0 : i32
    %dma_wait3A_185 = tpu.memref_slice %arg2[%dma_wait3A_183, %dma_wait3A_184] : memref<10000x128xf32, #tpu.memory_space<hbm>> -> memref<10000x128xf32, #tpu.memory_space<hbm>>
    %dma_wait3A_186 = tpu.memref_slice %arg20[%dma_wait3A_179] : memref<4x!tpu.dma_semaphore, #tpu.memory_space<semaphore_mem>> -> memref<1x!tpu.dma_semaphore, #tpu.memory_space<semaphore_mem>>
    %dma_wait3A_187 = tpu.memref_squeeze %dma_wait3A_186 : memref<1x!tpu.dma_semaphore, #tpu.memory_space<semaphore_mem>> -> memref<!tpu.dma_semaphore, #tpu.memory_space<semaphore_mem>>
    tpu.wait_indirect_dma semaphore(%dma_wait3A_187 : memref<!tpu.dma_semaphore, #tpu.memory_space<semaphore_mem>>) src(%dma_wait3A_185 : memref<10000x128xf32, #tpu.memory_space<hbm>>) dst(%dma_wait3A_182 : memref<40x128xf32, #tpu.memory_space<vmem>>)
    %dma_wait3A_188 = arith.constant 1 : i32
    %dma_wait3A_189 = arith.constant 40 : i32
    %dma_wait3A_190 = arith.constant 0 : i32
    %dma_wait3A_191 = tpu.memref_slice %arg16[%dma_wait3A_189, %dma_wait3A_190] : memref<80x128xf32, #tpu.memory_space<vmem>> -> memref<40x128xf32, #tpu.memory_space<vmem>>
    %dma_wait3A_192 = arith.constant 0 : i32
    %dma_wait3A_193 = tpu.memref_slice %arg3[%mul3A_2, %dma_wait3A_192] : memref<320000x128xf32, #tpu.memory_space<hbm>> -> memref<40x128xf32, #tpu.memory_space<hbm>>
    %dma_wait3A_194 = tpu.memref_slice %arg21[%dma_wait3A_188] : memref<2x!tpu.dma_semaphore, #tpu.memory_space<semaphore_mem>> -> memref<1x!tpu.dma_semaphore, #tpu.memory_space<semaphore_mem>>
    %dma_wait3A_195 = tpu.memref_squeeze %dma_wait3A_194 : memref<1x!tpu.dma_semaphore, #tpu.memory_space<semaphore_mem>> -> memref<!tpu.dma_semaphore, #tpu.memory_space<semaphore_mem>>
    %dma_wait3A_196 = arith.constant 40 : i32
    %dma_wait3A_197 = arith.constant 0 : i32
    %dma_wait3A_198 = tpu.memref_slice %arg16[%dma_wait3A_196, %dma_wait3A_197] : memref<80x128xf32, #tpu.memory_space<vmem>> -> memref<40x128xf32, #tpu.memory_space<vmem>>
    %dma_wait3A_199 = arith.constant 0 : i32
    %dma_wait3A_200 = tpu.memref_slice %arg3[%mul3A_2, %dma_wait3A_199] : memref<320000x128xf32, #tpu.memory_space<hbm>> -> memref<40x128xf32, #tpu.memory_space<hbm>>
    tpu.wait_dma2 semaphore(%dma_wait3A_195 : memref<!tpu.dma_semaphore, #tpu.memory_space<semaphore_mem>>) src(%dma_wait3A_200 : memref<40x128xf32, #tpu.memory_space<hbm>>) dst(%dma_wait3A_198 : memref<40x128xf32, #tpu.memory_space<vmem>>)
    %scan3A_201 = arith.constant 0 : i32
    %scan3A_202 = arith.constant 0 : i32
    %scan3A_203 = arith.constant 40 : i32
    %scan3A_204 = arith.addi %scan3A_202, %scan3A_203 : i32
    %scan3A_205 = arith.constant 1 : i32
    %scan3A_206 = scf.for %scan3A_263 = %scan3A_202 to %scan3A_204 step %scan3A_205 iter_args(%scan3A_264 = %scan3A_201) -> (i32)  : i32 {
      %add3A_265 = arith.constant 40 : i32
      %add3A_266 = arith.addi %add3A_265, %scan3A_263 : i32
      %get3A = arith.index_cast %add3A_266 : i32 to index
      %get3A_267 = arith.constant 0 : index
      %get3A_268 = tpu.vector_load %arg15[%get3A, %get3A_267] {strides = array<i32>} : memref<160x128xf32, #tpu.memory_space<vmem>>, vector<1x16xf32>,
      %get3A_269 = vector.shape_cast %get3A_268 : vector<1x16xf32> to vector<16xf32>
      %add3A_270 = arith.constant 40 : i32
      %add3A_271 = arith.addi %add3A_270, %scan3A_263 : i32
      %get3A_272 = arith.index_cast %add3A_271 : i32 to index
      %get3A_273 = arith.constant 0 : index
      %get3A_274 = tpu.vector_load %arg16[%get3A_272, %get3A_273] {strides = array<i32>} : memref<80x128xf32, #tpu.memory_space<vmem>>, vector<1x16xf32>,
      %get3A_275 = vector.shape_cast %get3A_274 : vector<1x16xf32> to vector<16xf32>
      %add3A_276 = arith.addf %get3A_269, %get3A_275 : vector<16xf32>
      %max3A = arith.constant 0.000000e+00 : f32
      %max3A_277 = vector.broadcast %max3A : f32 to vector<16xf32>
      %max3A_278 = arith.maximumf %add3A_276, %max3A_277 : vector<16xf32>
      %add3A_279 = arith.constant 40 : i32
      %add3A_280 = arith.addi %add3A_279, %scan3A_263 : i32
      %swap3A = arith.index_cast %add3A_280 : i32 to index
      %swap3A_281 = arith.constant 0 : index
      %swap3A_282 = tpu.vector_load %arg15[%swap3A, %swap3A_281] {strides = array<i32>} : memref<160x128xf32, #tpu.memory_space<vmem>>, vector<1x16xf32>,
      %swap3A_283 = vector.shape_cast %swap3A_282 : vector<1x16xf32> to vector<16xf32>
      %swap3A_284 = vector.shape_cast %max3A_278 : vector<16xf32> to vector<1x16xf32>
      tpu.vector_store %arg15[%swap3A, %swap3A_281], %swap3A_284 {strides = array<i32>} : memref<160x128xf32, #tpu.memory_space<vmem>>, vector<1x16xf32>,
      %add3A_285 = arith.constant 40 : i32
      %add3A_286 = arith.addi %add3A_285, %scan3A_263 : i32
      %get3A_287 = arith.index_cast %add3A_286 : i32 to index
      %get3A_288 = arith.constant 16 : index
      %get3A_289 = tpu.vector_load %arg15[%get3A_287, %get3A_288] {strides = array<i32>} : memref<160x128xf32, #tpu.memory_space<vmem>>, vector<1x16xf32>,
      %get3A_290 = vector.shape_cast %get3A_289 : vector<1x16xf32> to vector<16xf32>
      %add3A_291 = arith.constant 40 : i32
      %add3A_292 = arith.addi %add3A_291, %scan3A_263 : i32
      %get3A_293 = arith.index_cast %add3A_292 : i32 to index
      %get3A_294 = arith.constant 16 : index
      %get3A_295 = tpu.vector_load %arg16[%get3A_293, %get3A_294] {strides = array<i32>} : memref<80x128xf32, #tpu.memory_space<vmem>>, vector<1x16xf32>,
      %get3A_296 = vector.shape_cast %get3A_295 : vector<1x16xf32> to vector<16xf32>
      %add3A_297 = arith.addf %get3A_290, %get3A_296 : vector<16xf32>
      %max3A_298 = arith.constant 0.000000e+00 : f32
      %max3A_299 = vector.broadcast %max3A_298 : f32 to vector<16xf32>
      %max3A_300 = arith.maximumf %add3A_297, %max3A_299 : vector<16xf32>
      %add3A_301 = arith.constant 40 : i32
      %add3A_302 = arith.addi %add3A_301, %scan3A_263 : i32
      %swap3A_303 = arith.index_cast %add3A_302 : i32 to index
      %swap3A_304 = arith.constant 16 : index
      %swap3A_305 = tpu.vector_load %arg15[%swap3A_303, %swap3A_304] {strides = array<i32>} : memref<160x128xf32, #tpu.memory_space<vmem>>, vector<1x16xf32>,
      %swap3A_306 = vector.shape_cast %swap3A_305 : vector<1x16xf32> to vector<16xf32>
      %swap3A_307 = vector.shape_cast %max3A_300 : vector<16xf32> to vector<1x16xf32>
      tpu.vector_store %arg15[%swap3A_303, %swap3A_304], %swap3A_307 {strides = array<i32>} : memref<160x128xf32, #tpu.memory_space<vmem>>, vector<1x16xf32>,
      %add3A_308 = arith.constant 40 : i32
      %add3A_309 = arith.addi %add3A_308, %scan3A_263 : i32
      %get3A_310 = arith.index_cast %add3A_309 : i32 to index
      %get3A_311 = arith.constant 32 : index
      %get3A_312 = tpu.vector_load %arg15[%get3A_310, %get3A_311] {strides = array<i32>} : memref<160x128xf32, #tpu.memory_space<vmem>>, vector<1x16xf32>,
      %get3A_313 = vector.shape_cast %get3A_312 : vector<1x16xf32> to vector<16xf32>
      %add3A_314 = arith.constant 40 : i32
      %add3A_315 = arith.addi %add3A_314, %scan3A_263 : i32
      %get3A_316 = arith.index_cast %add3A_315 : i32 to index
      %get3A_317 = arith.constant 32 : index
      %get3A_318 = tpu.vector_load %arg16[%get3A_316, %get3A_317] {strides = array<i32>} : memref<80x128xf32, #tpu.memory_space<vmem>>, vector<1x16xf32>,
      %get3A_319 = vector.shape_cast %get3A_318 : vector<1x16xf32> to vector<16xf32>
      %add3A_320 = arith.addf %get3A_313, %get3A_319 : vector<16xf32>
      %max3A_321 = arith.constant 0.000000e+00 : f32
      %max3A_322 = vector.broadcast %max3A_321 : f32 to vector<16xf32>
      %max3A_323 = arith.maximumf %add3A_320, %max3A_322 : vector<16xf32>
      %add3A_324 = arith.constant 40 : i32
      %add3A_325 = arith.addi %add3A_324, %scan3A_263 : i32
      %swap3A_326 = arith.index_cast %add3A_325 : i32 to index
      %swap3A_327 = arith.constant 32 : index
      %swap3A_328 = tpu.vector_load %arg15[%swap3A_326, %swap3A_327] {strides = array<i32>} : memref<160x128xf32, #tpu.memory_space<vmem>>, vector<1x16xf32>,
      %swap3A_329 = vector.shape_cast %swap3A_328 : vector<1x16xf32> to vector<16xf32>
      %swap3A_330 = vector.shape_cast %max3A_323 : vector<16xf32> to vector<1x16xf32>
      tpu.vector_store %arg15[%swap3A_326, %swap3A_327], %swap3A_330 {strides = array<i32>} : memref<160x128xf32, #tpu.memory_space<vmem>>, vector<1x16xf32>,
      %add3A_331 = arith.constant 40 : i32
      %add3A_332 = arith.addi %add3A_331, %scan3A_263 : i32
      %get3A_333 = arith.index_cast %add3A_332 : i32 to index
      %get3A_334 = arith.constant 48 : index
      %get3A_335 = tpu.vector_load %arg15[%get3A_333, %get3A_334] {strides = array<i32>} : memref<160x128xf32, #tpu.memory_space<vmem>>, vector<1x16xf32>,
      %get3A_336 = vector.shape_cast %get3A_335 : vector<1x16xf32> to vector<16xf32>
      %add3A_337 = arith.constant 40 : i32
      %add3A_338 = arith.addi %add3A_337, %scan3A_263 : i32
      %get3A_339 = arith.index_cast %add3A_338 : i32 to index
      %get3A_340 = arith.constant 48 : index
      %get3A_341 = tpu.vector_load %arg16[%get3A_339, %get3A_340] {strides = array<i32>} : memref<80x128xf32, #tpu.memory_space<vmem>>, vector<1x16xf32>,
      %get3A_342 = vector.shape_cast %get3A_341 : vector<1x16xf32> to vector<16xf32>
      %add3A_343 = arith.addf %get3A_336, %get3A_342 : vector<16xf32>
      %max3A_344 = arith.constant 0.000000e+00 : f32
      %max3A_345 = vector.broadcast %max3A_344 : f32 to vector<16xf32>
      %max3A_346 = arith.maximumf %add3A_343, %max3A_345 : vector<16xf32>
      %add3A_347 = arith.constant 40 : i32
      %add3A_348 = arith.addi %add3A_347, %scan3A_263 : i32
      %swap3A_349 = arith.index_cast %add3A_348 : i32 to index
      %swap3A_350 = arith.constant 48 : index
      %swap3A_351 = tpu.vector_load %arg15[%swap3A_349, %swap3A_350] {strides = array<i32>} : memref<160x128xf32, #tpu.memory_space<vmem>>, vector<1x16xf32>,
      %swap3A_352 = vector.shape_cast %swap3A_351 : vector<1x16xf32> to vector<16xf32>
      %swap3A_353 = vector.shape_cast %max3A_346 : vector<16xf32> to vector<1x16xf32>
      tpu.vector_store %arg15[%swap3A_349, %swap3A_350], %swap3A_353 {strides = array<i32>} : memref<160x128xf32, #tpu.memory_space<vmem>>, vector<1x16xf32>,
      %add3A_354 = arith.constant 40 : i32
      %add3A_355 = arith.addi %add3A_354, %scan3A_263 : i32
      %get3A_356 = arith.index_cast %add3A_355 : i32 to index
      %get3A_357 = arith.constant 64 : index
      %get3A_358 = tpu.vector_load %arg15[%get3A_356, %get3A_357] {strides = array<i32>} : memref<160x128xf32, #tpu.memory_space<vmem>>, vector<1x16xf32>,
      %get3A_359 = vector.shape_cast %get3A_358 : vector<1x16xf32> to vector<16xf32>
      %add3A_360 = arith.constant 40 : i32
      %add3A_361 = arith.addi %add3A_360, %scan3A_263 : i32
      %get3A_362 = arith.index_cast %add3A_361 : i32 to index
      %get3A_363 = arith.constant 64 : index
      %get3A_364 = tpu.vector_load %arg16[%get3A_362, %get3A_363] {strides = array<i32>} : memref<80x128xf32, #tpu.memory_space<vmem>>, vector<1x16xf32>,
      %get3A_365 = vector.shape_cast %get3A_364 : vector<1x16xf32> to vector<16xf32>
      %add3A_366 = arith.addf %get3A_359, %get3A_365 : vector<16xf32>
      %max3A_367 = arith.constant 0.000000e+00 : f32
      %max3A_368 = vector.broadcast %max3A_367 : f32 to vector<16xf32>
      %max3A_369 = arith.maximumf %add3A_366, %max3A_368 : vector<16xf32>
      %add3A_370 = arith.constant 40 : i32
      %add3A_371 = arith.addi %add3A_370, %scan3A_263 : i32
      %swap3A_372 = arith.index_cast %add3A_371 : i32 to index
      %swap3A_373 = arith.constant 64 : index
      %swap3A_374 = tpu.vector_load %arg15[%swap3A_372, %swap3A_373] {strides = array<i32>} : memref<160x128xf32, #tpu.memory_space<vmem>>, vector<1x16xf32>,
      %swap3A_375 = vector.shape_cast %swap3A_374 : vector<1x16xf32> to vector<16xf32>
      %swap3A_376 = vector.shape_cast %max3A_369 : vector<16xf32> to vector<1x16xf32>
      tpu.vector_store %arg15[%swap3A_372, %swap3A_373], %swap3A_376 {strides = array<i32>} : memref<160x128xf32, #tpu.memory_space<vmem>>, vector<1x16xf32>,
      %add3A_377 = arith.constant 40 : i32
      %add3A_378 = arith.addi %add3A_377, %scan3A_263 : i32
      %get3A_379 = arith.index_cast %add3A_378 : i32 to index
      %get3A_380 = arith.constant 80 : index
      %get3A_381 = tpu.vector_load %arg15[%get3A_379, %get3A_380] {strides = array<i32>} : memref<160x128xf32, #tpu.memory_space<vmem>>, vector<1x16xf32>,
      %get3A_382 = vector.shape_cast %get3A_381 : vector<1x16xf32> to vector<16xf32>
      %add3A_383 = arith.constant 40 : i32
      %add3A_384 = arith.addi %add3A_383, %scan3A_263 : i32
      %get3A_385 = arith.index_cast %add3A_384 : i32 to index
      %get3A_386 = arith.constant 80 : index
      %get3A_387 = tpu.vector_load %arg16[%get3A_385, %get3A_386] {strides = array<i32>} : memref<80x128xf32, #tpu.memory_space<vmem>>, vector<1x16xf32>,
      %get3A_388 = vector.shape_cast %get3A_387 : vector<1x16xf32> to vector<16xf32>
      %add3A_389 = arith.addf %get3A_382, %get3A_388 : vector<16xf32>
      %max3A_390 = arith.constant 0.000000e+00 : f32
      %max3A_391 = vector.broadcast %max3A_390 : f32 to vector<16xf32>
      %max3A_392 = arith.maximumf %add3A_389, %max3A_391 : vector<16xf32>
      %add3A_393 = arith.constant 40 : i32
      %add3A_394 = arith.addi %add3A_393, %scan3A_263 : i32
      %swap3A_395 = arith.index_cast %add3A_394 : i32 to index
      %swap3A_396 = arith.constant 80 : index
      %swap3A_397 = tpu.vector_load %arg15[%swap3A_395, %swap3A_396] {strides = array<i32>} : memref<160x128xf32, #tpu.memory_space<vmem>>, vector<1x16xf32>,
      %swap3A_398 = vector.shape_cast %swap3A_397 : vector<1x16xf32> to vector<16xf32>
      %swap3A_399 = vector.shape_cast %max3A_392 : vector<16xf32> to vector<1x16xf32>
      tpu.vector_store %arg15[%swap3A_395, %swap3A_396], %swap3A_399 {strides = array<i32>} : memref<160x128xf32, #tpu.memory_space<vmem>>, vector<1x16xf32>,
      %add3A_400 = arith.constant 40 : i32
      %add3A_401 = arith.addi %add3A_400, %scan3A_263 : i32
      %get3A_402 = arith.index_cast %add3A_401 : i32 to index
      %get3A_403 = arith.constant 96 : index
      %get3A_404 = tpu.vector_load %arg15[%get3A_402, %get3A_403] {strides = array<i32>} : memref<160x128xf32, #tpu.memory_space<vmem>>, vector<1x16xf32>,
      %get3A_405 = vector.shape_cast %get3A_404 : vector<1x16xf32> to vector<16xf32>
      %add3A_406 = arith.constant 40 : i32
      %add3A_407 = arith.addi %add3A_406, %scan3A_263 : i32
      %get3A_408 = arith.index_cast %add3A_407 : i32 to index
      %get3A_409 = arith.constant 96 : index
      %get3A_410 = tpu.vector_load %arg16[%get3A_408, %get3A_409] {strides = array<i32>} : memref<80x128xf32, #tpu.memory_space<vmem>>, vector<1x16xf32>,
      %get3A_411 = vector.shape_cast %get3A_410 : vector<1x16xf32> to vector<16xf32>
      %add3A_412 = arith.addf %get3A_405, %get3A_411 : vector<16xf32>
      %max3A_413 = arith.constant 0.000000e+00 : f32
      %max3A_414 = vector.broadcast %max3A_413 : f32 to vector<16xf32>
      %max3A_415 = arith.maximumf %add3A_412, %max3A_414 : vector<16xf32>
      %add3A_416 = arith.constant 40 : i32
      %add3A_417 = arith.addi %add3A_416, %scan3A_263 : i32
      %swap3A_418 = arith.index_cast %add3A_417 : i32 to index
      %swap3A_419 = arith.constant 96 : index
      %swap3A_420 = tpu.vector_load %arg15[%swap3A_418, %swap3A_419] {strides = array<i32>} : memref<160x128xf32, #tpu.memory_space<vmem>>, vector<1x16xf32>,
      %swap3A_421 = vector.shape_cast %swap3A_420 : vector<1x16xf32> to vector<16xf32>
      %swap3A_422 = vector.shape_cast %max3A_415 : vector<16xf32> to vector<1x16xf32>
      tpu.vector_store %arg15[%swap3A_418, %swap3A_419], %swap3A_422 {strides = array<i32>} : memref<160x128xf32, #tpu.memory_space<vmem>>, vector<1x16xf32>,
      %add3A_423 = arith.constant 40 : i32
      %add3A_424 = arith.addi %add3A_423, %scan3A_263 : i32
      %get3A_425 = arith.index_cast %add3A_424 : i32 to index
      %get3A_426 = arith.constant 112 : index
      %get3A_427 = tpu.vector_load %arg15[%get3A_425, %get3A_426] {strides = array<i32>} : memref<160x128xf32, #tpu.memory_space<vmem>>, vector<1x16xf32>,
      %get3A_428 = vector.shape_cast %get3A_427 : vector<1x16xf32> to vector<16xf32>
      %add3A_429 = arith.constant 40 : i32
      %add3A_430 = arith.addi %add3A_429, %scan3A_263 : i32
      %get3A_431 = arith.index_cast %add3A_430 : i32 to index
      %get3A_432 = arith.constant 112 : index
      %get3A_433 = tpu.vector_load %arg16[%get3A_431, %get3A_432] {strides = array<i32>} : memref<80x128xf32, #tpu.memory_space<vmem>>, vector<1x16xf32>,
      %get3A_434 = vector.shape_cast %get3A_433 : vector<1x16xf32> to vector<16xf32>
      %add3A_435 = arith.addf %get3A_428, %get3A_434 : vector<16xf32>
      %max3A_436 = arith.constant 0.000000e+00 : f32
      %max3A_437 = vector.broadcast %max3A_436 : f32 to vector<16xf32>
      %max3A_438 = arith.maximumf %add3A_435, %max3A_437 : vector<16xf32>
      %add3A_439 = arith.constant 40 : i32
      %add3A_440 = arith.addi %add3A_439, %scan3A_263 : i32
      %swap3A_441 = arith.index_cast %add3A_440 : i32 to index
      %swap3A_442 = arith.constant 112 : index
      %swap3A_443 = tpu.vector_load %arg15[%swap3A_441, %swap3A_442] {strides = array<i32>} : memref<160x128xf32, #tpu.memory_space<vmem>>, vector<1x16xf32>,
      %swap3A_444 = vector.shape_cast %swap3A_443 : vector<1x16xf32> to vector<16xf32>
      %swap3A_445 = vector.shape_cast %max3A_438 : vector<16xf32> to vector<1x16xf32>
      tpu.vector_store %arg15[%swap3A_441, %swap3A_442], %swap3A_445 {strides = array<i32>} : memref<160x128xf32, #tpu.memory_space<vmem>>, vector<1x16xf32>,
      %scan3A_446 = arith.constant 0 : i32
      scf.yield %scan3A_446 : i32
    }
    %scan3A_207 = arith.constant 40 : i32
    %add3A_208 = arith.constant 9960 : i32
    %add3A_209 = arith.addi %mul3A_2, %add3A_208 : i32
    %dma_wait3A_210 = arith.constant 1 : i32
    %dma_wait3A_211 = tpu.memref_slice %arg5[%add3A_209] : memref<320000xi32, #tpu.memory_space<hbm>> -> memref<40xi32, #tpu.memory_space<hbm>>
    %dma_wait3A_212 = tpu.memref_slice %arg19[%dma_wait3A_210] : memref<4x!tpu.dma_semaphore, #tpu.memory_space<semaphore_mem>> -> memref<1x!tpu.dma_semaphore, #tpu.memory_space<semaphore_mem>>
    %dma_wait3A_213 = tpu.memref_squeeze %dma_wait3A_212 : memref<1x!tpu.dma_semaphore, #tpu.memory_space<semaphore_mem>> -> memref<!tpu.dma_semaphore, #tpu.memory_space<semaphore_mem>>
    %dma_wait3A_214 = tpu.memref_slice %arg5[%add3A_209] : memref<320000xi32, #tpu.memory_space<hbm>> -> memref<40xi32, #tpu.memory_space<hbm>>
    tpu.wait_dma2 semaphore(%dma_wait3A_213 : memref<!tpu.dma_semaphore, #tpu.memory_space<semaphore_mem>>) src(%dma_wait3A_214 : memref<40xi32, #tpu.memory_space<hbm>>) dst(%arg12 : memref<40xi32, #tpu.memory_space<vmem>>)
    %dma_start3A_215 = arith.constant 1 : i32
    %dma_start3A_216 = arith.constant 40 : i32
    %dma_start3A_217 = arith.constant 0 : i32
    %dma_start3A_218 = tpu.memref_slice %arg15[%dma_start3A_216, %dma_start3A_217] : memref<160x128xf32, #tpu.memory_space<vmem>> -> memref<40x128xf32, #tpu.memory_space<vmem>>
    %dma_start3A_219 = arith.constant 0 : i32
    %dma_start3A_220 = arith.constant 0 : i32
    %dma_start3A_221 = tpu.memref_slice %arg17[%dma_start3A_219, %dma_start3A_220] : memref<10240x128xf32, #tpu.memory_space<vmem_shared>> -> memref<10240x128xf32, #tpu.memory_space<vmem_shared>>
    %dma_start3A_222 = tpu.memref_slice %arg22[%dma_start3A_215] : memref<4x!tpu.dma_semaphore, #tpu.memory_space<semaphore_mem>> -> memref<1x!tpu.dma_semaphore, #tpu.memory_space<semaphore_mem>>
    %dma_start3A_223 = tpu.memref_squeeze %dma_start3A_222 : memref<1x!tpu.dma_semaphore, #tpu.memory_space<semaphore_mem>> -> memref<!tpu.dma_semaphore, #tpu.memory_space<semaphore_mem>>
    tpu.enqueue_indirect_dma source(%dma_start3A_218 : memref<40x128xf32, #tpu.memory_space<vmem>>) target(%dma_start3A_221 : memref<10240x128xf32, #tpu.memory_space<vmem_shared>>) offsets(%arg12 : memref<40xi32, #tpu.memory_space<vmem>>) semaphore(%dma_start3A_223 : memref<!tpu.dma_semaphore, #tpu.memory_space<semaphore_mem>>) {add = true}
    %dma_wait3A_224 = arith.constant 2 : i32
    %dma_wait3A_225 = arith.constant 80 : i32
    %dma_wait3A_226 = arith.constant 0 : i32
    %dma_wait3A_227 = tpu.memref_slice %arg15[%dma_wait3A_225, %dma_wait3A_226] : memref<160x128xf32, #tpu.memory_space<vmem>> -> memref<40x128xf32, #tpu.memory_space<vmem>>
    %dma_wait3A_228 = arith.constant 0 : i32
    %dma_wait3A_229 = arith.constant 0 : i32
    %dma_wait3A_230 = tpu.memref_slice %arg17[%dma_wait3A_228, %dma_wait3A_229] : memref<10240x128xf32, #tpu.memory_space<vmem_shared>> -> memref<10240x128xf32, #tpu.memory_space<vmem_shared>>
    %dma_wait3A_231 = tpu.memref_slice %arg22[%dma_wait3A_224] : memref<4x!tpu.dma_semaphore, #tpu.memory_space<semaphore_mem>> -> memref<1x!tpu.dma_semaphore, #tpu.memory_space<semaphore_mem>>
    %dma_wait3A_232 = tpu.memref_squeeze %dma_wait3A_231 : memref<1x!tpu.dma_semaphore, #tpu.memory_space<semaphore_mem>> -> memref<!tpu.dma_semaphore, #tpu.memory_space<semaphore_mem>>
    tpu.wait_indirect_dma semaphore(%dma_wait3A_232 : memref<!tpu.dma_semaphore, #tpu.memory_space<semaphore_mem>>) src(%dma_wait3A_227 : memref<40x128xf32, #tpu.memory_space<vmem>>) dst(%dma_wait3A_230 : memref<10240x128xf32, #tpu.memory_space<vmem_shared>>)
    %dma_wait3A_233 = arith.constant 3 : i32
    %dma_wait3A_234 = arith.constant 120 : i32
    %dma_wait3A_235 = arith.constant 0 : i32
    %dma_wait3A_236 = tpu.memref_slice %arg15[%dma_wait3A_234, %dma_wait3A_235] : memref<160x128xf32, #tpu.memory_space<vmem>> -> memref<40x128xf32, #tpu.memory_space<vmem>>
    %dma_wait3A_237 = arith.constant 0 : i32
    %dma_wait3A_238 = arith.constant 0 : i32
    %dma_wait3A_239 = tpu.memref_slice %arg17[%dma_wait3A_237, %dma_wait3A_238] : memref<10240x128xf32, #tpu.memory_space<vmem_shared>> -> memref<10240x128xf32, #tpu.memory_space<vmem_shared>>
    %dma_wait3A_240 = tpu.memref_slice %arg22[%dma_wait3A_233] : memref<4x!tpu.dma_semaphore, #tpu.memory_space<semaphore_mem>> -> memref<1x!tpu.dma_semaphore, #tpu.memory_space<semaphore_mem>>
    %dma_wait3A_241 = tpu.memref_squeeze %dma_wait3A_240 : memref<1x!tpu.dma_semaphore, #tpu.memory_space<semaphore_mem>> -> memref<!tpu.dma_semaphore, #tpu.memory_space<semaphore_mem>>
    tpu.wait_indirect_dma semaphore(%dma_wait3A_241 : memref<!tpu.dma_semaphore, #tpu.memory_space<semaphore_mem>>) src(%dma_wait3A_236 : memref<40x128xf32, #tpu.memory_space<vmem>>) dst(%dma_wait3A_239 : memref<10240x128xf32, #tpu.memory_space<vmem_shared>>)
    %dma_wait3A_242 = arith.constant 0 : i32
    %dma_wait3A_243 = arith.constant 0 : i32
    %dma_wait3A_244 = arith.constant 0 : i32
    %dma_wait3A_245 = tpu.memref_slice %arg15[%dma_wait3A_243, %dma_wait3A_244] : memref<160x128xf32, #tpu.memory_space<vmem>> -> memref<40x128xf32, #tpu.memory_space<vmem>>
    %dma_wait3A_246 = arith.constant 0 : i32
    %dma_wait3A_247 = arith.constant 0 : i32
    %dma_wait3A_248 = tpu.memref_slice %arg17[%dma_wait3A_246, %dma_wait3A_247] : memref<10240x128xf32, #tpu.memory_space<vmem_shared>> -> memref<10240x128xf32, #tpu.memory_space<vmem_shared>>
    %dma_wait3A_249 = tpu.memref_slice %arg22[%dma_wait3A_242] : memref<4x!tpu.dma_semaphore, #tpu.memory_space<semaphore_mem>> -> memref<1x!tpu.dma_semaphore, #tpu.memory_space<semaphore_mem>>
    %dma_wait3A_250 = tpu.memref_squeeze %dma_wait3A_249 : memref<1x!tpu.dma_semaphore, #tpu.memory_space<semaphore_mem>> -> memref<!tpu.dma_semaphore, #tpu.memory_space<semaphore_mem>>
    tpu.wait_indirect_dma semaphore(%dma_wait3A_250 : memref<!tpu.dma_semaphore, #tpu.memory_space<semaphore_mem>>) src(%dma_wait3A_245 : memref<40x128xf32, #tpu.memory_space<vmem>>) dst(%dma_wait3A_248 : memref<10240x128xf32, #tpu.memory_space<vmem_shared>>)
    %dma_wait3A_251 = arith.constant 1 : i32
    %dma_wait3A_252 = arith.constant 40 : i32
    %dma_wait3A_253 = arith.constant 0 : i32
    %dma_wait3A_254 = tpu.memref_slice %arg15[%dma_wait3A_252, %dma_wait3A_253] : memref<160x128xf32, #tpu.memory_space<vmem>> -> memref<40x128xf32, #tpu.memory_space<vmem>>
    %dma_wait3A_255 = arith.constant 0 : i32
    %dma_wait3A_256 = arith.constant 0 : i32
    %dma_wait3A_257 = tpu.memref_slice %arg17[%dma_wait3A_255, %dma_wait3A_256] : memref<10240x128xf32, #tpu.memory_space<vmem_shared>> -> memref<10240x128xf32, #tpu.memory_space<vmem_shared>>
    %dma_wait3A_258 = tpu.memref_slice %arg22[%dma_wait3A_251] : memref<4x!tpu.dma_semaphore, #tpu.memory_space<semaphore_mem>> -> memref<1x!tpu.dma_semaphore, #tpu.memory_space<semaphore_mem>>
    %dma_wait3A_259 = tpu.memref_squeeze %dma_wait3A_258 : memref<1x!tpu.dma_semaphore, #tpu.memory_space<semaphore_mem>> -> memref<!tpu.dma_semaphore, #tpu.memory_space<semaphore_mem>>
    tpu.wait_indirect_dma semaphore(%dma_wait3A_259 : memref<!tpu.dma_semaphore, #tpu.memory_space<semaphore_mem>>) src(%dma_wait3A_254 : memref<40x128xf32, #tpu.memory_space<vmem>>) dst(%dma_wait3A_257 : memref<10240x128xf32, #tpu.memory_space<vmem_shared>>)
    %barrier3A_260 = arith.constant 0 : index
    tpu.barrier barrier_id(%barrier3A_260)
    %mul3A_261 = arith.constant 640 : i32
    %mul3A_262 = arith.muli %arg1, %mul3A_261 : i32
    "tpu.region"() ({
      %run_scoped3A = tpu.sem_alloc : memref<!tpu.dma_semaphore, #tpu.memory_space<semaphore_mem>>
      %dma_start3A_263 = arith.constant 0 : i32
      %dma_start3A_264 = arith.constant 0 : i32
      %dma_start3A_265 = tpu.memref_slice %arg6[%arg0, %dma_start3A_263, %dma_start3A_264] : memref<2x10240x128xf32, #tpu.memory_space<hbm>> -> memref<1x10240x128xf32, #tpu.memory_space<hbm>>
      %dma_start3A_266 = tpu.memref_squeeze %dma_start3A_265 : memref<1x10240x128xf32, #tpu.memory_space<hbm>> -> memref<10240x128xf32, #tpu.memory_space<hbm>>
      %dma_start3A_267 = arith.constant 0 : i32
      %dma_start3A_268 = tpu.memref_slice %dma_start3A_266[%mul3A_262, %dma_start3A_267] : memref<10240x128xf32, #tpu.memory_space<hbm>> -> memref<640x128xf32, #tpu.memory_space<hbm>>
      %dma_start3A_269 = arith.constant 0 : i32
      %dma_start3A_270 = tpu.memref_slice %arg17[%mul3A_262, %dma_start3A_269] : memref<10240x128xf32, #tpu.memory_space<vmem_shared>> -> memref<640x128xf32, #tpu.memory_space<vmem_shared>>
      tpu.enqueue_dma source(%dma_start3A_270 : memref<640x128xf32, #tpu.memory_space<vmem_shared>>) target(%dma_start3A_268 : memref<640x128xf32, #tpu.memory_space<hbm>>) target_semaphore(%run_scoped3A : memref<!tpu.dma_semaphore, #tpu.memory_space<semaphore_mem>>)
      %dma_wait3A_271 = arith.constant 0 : i32
      %dma_wait3A_272 = arith.constant 0 : i32
      %dma_wait3A_273 = tpu.memref_slice %arg6[%arg0, %dma_wait3A_271, %dma_wait3A_272] : memref<2x10240x128xf32, #tpu.memory_space<hbm>> -> memref<1x10240x128xf32, #tpu.memory_space<hbm>>
      %dma_wait3A_274 = tpu.memref_squeeze %dma_wait3A_273 : memref<1x10240x128xf32, #tpu.memory_space<hbm>> -> memref<10240x128xf32, #tpu.memory_space<hbm>>
      %dma_wait3A_275 = arith.constant 0 : i32
      %dma_wait3A_276 = tpu.memref_slice %dma_wait3A_274[%mul3A_262, %dma_wait3A_275] : memref<10240x128xf32, #tpu.memory_space<hbm>> -> memref<640x128xf32, #tpu.memory_space<hbm>>
      %dma_wait3A_277 = arith.constant 0 : i32
      %dma_wait3A_278 = tpu.memref_slice %arg17[%mul3A_262, %dma_wait3A_277] : memref<10240x128xf32, #tpu.memory_space<vmem_shared>> -> memref<640x128xf32, #tpu.memory_space<vmem_shared>>
      tpu.wait_dma2 semaphore(%run_scoped3A : memref<!tpu.dma_semaphore, #tpu.memory_space<semaphore_mem>>) src(%dma_wait3A_278 : memref<640x128xf32, #tpu.memory_space<vmem_shared>>) dst(%dma_wait3A_276 : memref<640x128xf32, #tpu.memory_space<hbm>>)
      tpu.yield
    }) : () -> ()
    return
  }
}

module attributes {stable_mosaic.version = 14 : i64} {
  func.func @_mlp_kernel(%arg0: i32, %arg1: memref<1000x128xf32, #tpu.memory_space<vmem>>, %arg2: memref<2x1000x128xf32, #tpu.memory_space<vmem>>, %arg3: memref<128x128xf32, #tpu.memory_space<vmem>>, %arg4: memref<1x128xf32, #tpu.memory_space<vmem>>, %arg5: memref<128x128xf32, #tpu.memory_space<vmem>>, %arg6: memref<1x128xf32, #tpu.memory_space<vmem>>, %arg7: memref<1x1xf32, #tpu.memory_space<smem>>, %arg8: memref<1000x128xf32, #tpu.memory_space<vmem>>) attributes {dimension_semantics = [#tpu.dimension_semantics<arbitrary>], iteration_bounds = array<i64: 10>, scalar_prefetch = 0 : i64, scratch_operands = 0 : i64, tpu.core_type = #tpu.core_type<tc>, window_params = [{transform_indices = @transform_0, window_bounds = array<i64: 1000, 128>}, {transform_indices = @transform_1, window_bounds = array<i64: 2, 1000, 128>}, {pipeline_mode = #tpu.pipeline_mode<synchronous>, transform_indices = @transform_2, window_bounds = array<i64: 128, 128>}, {pipeline_mode = #tpu.pipeline_mode<synchronous>, transform_indices = @transform_3, window_bounds = array<i64: 1, 128>}, {pipeline_mode = #tpu.pipeline_mode<synchronous>, transform_indices = @transform_4, window_bounds = array<i64: 128, 128>}, {pipeline_mode = #tpu.pipeline_mode<synchronous>, transform_indices = @transform_5, window_bounds = array<i64: 1, 128>}, {transform_indices = @transform_6, window_bounds = array<i64: 1, 1>}, {transform_indices = @transform_7, window_bounds = array<i64: 1000, 128>}]} {
    %get3A = arith.constant 0 : index
    %get3A_0 = arith.constant 0 : index
    %get3A_1 = memref.load %arg7[%get3A, %get3A_0] : memref<1x1xf32, #tpu.memory_space<smem>>
    %get3A_2 = arith.constant 0 : index
    %get3A_3 = arith.constant 0 : index
    %get3A_4 = vector.load %arg1[%get3A_2, %get3A_3] : memref<1000x128xf32, #tpu.memory_space<vmem>>, vector<1000x128xf32>
    %mul3A = vector.broadcast %get3A_1 : f32 to vector<1000x128xf32>
    %mul3A_5 = arith.mulf %mul3A, %get3A_4 : vector<1000x128xf32>
    %get3A_6 = arith.constant 0 : index
    %get3A_7 = arith.constant 0 : index
    %get3A_8 = arith.constant 0 : index
    %get3A_9 = vector.load %arg2[%get3A_6, %get3A_7, %get3A_8] : memref<2x1000x128xf32, #tpu.memory_space<vmem>>, vector<1x1000x128xf32>
    %get3A_10 = vector.shape_cast %get3A_9 : vector<1x1000x128xf32> to vector<1000x128xf32>
    %add3A = arith.addf %mul3A_5, %get3A_10 : vector<1000x128xf32>
    %get3A_11 = arith.constant 1 : index
    %get3A_12 = arith.constant 0 : index
    %get3A_13 = arith.constant 0 : index
    %get3A_14 = vector.load %arg2[%get3A_11, %get3A_12, %get3A_13] : memref<2x1000x128xf32, #tpu.memory_space<vmem>>, vector<1x1000x128xf32>
    %get3A_15 = vector.shape_cast %get3A_14 : vector<1x1000x128xf32> to vector<1000x128xf32>
    %add3A_16 = arith.addf %add3A, %get3A_15 : vector<1000x128xf32>
    %get3A_17 = arith.constant 0 : index
    %get3A_18 = arith.constant 0 : index
    %get3A_19 = vector.load %arg3[%get3A_17, %get3A_18] : memref<128x128xf32, #tpu.memory_space<vmem>>, vector<128x128xf32>
    %dot_general3A = arith.constant dense<0.000000e+00> : vector<1000x128xf32>
    %dot_general3A_20 = tpu.matmul %add3A_16, %get3A_19, %dot_general3A {dimension_numbers = #tpu.dot_dimension_numbers<[1], [0], [0], [1], [0, 0, 1, 1], [], []>, transpose_lhs_hint = false} : vector<1000x128xf32>, vector<128x128xf32>, vector<1000x128xf32> -> vector<1000x128xf32>
    %get3A_21 = arith.constant 0 : index
    %get3A_22 = arith.constant 0 : index
    %get3A_23 = vector.load %arg4[%get3A_21, %get3A_22] : memref<1x128xf32, #tpu.memory_space<vmem>>, vector<1x128xf32>
    %add3A_24 = vector.broadcast %get3A_23 : vector<1x128xf32> to vector<1000x128xf32>
    %add3A_25 = arith.addf %dot_general3A_20, %add3A_24 : vector<1000x128xf32>
    %max3A = arith.constant 0.000000e+00 : f32
    %max3A_26 = vector.broadcast %max3A : f32 to vector<1000x128xf32>
    %max3A_27 = arith.maximumf %add3A_25, %max3A_26 : vector<1000x128xf32>
    %get3A_28 = arith.constant 0 : index
    %get3A_29 = arith.constant 0 : index
    %get3A_30 = vector.load %arg5[%get3A_28, %get3A_29] : memref<128x128xf32, #tpu.memory_space<vmem>>, vector<128x128xf32>
    %dot_general3A_31 = arith.constant dense<0.000000e+00> : vector<1000x128xf32>
    %dot_general3A_32 = tpu.matmul %max3A_27, %get3A_30, %dot_general3A_31 {dimension_numbers = #tpu.dot_dimension_numbers<[1], [0], [0], [1], [0, 0, 1, 1], [], []>, transpose_lhs_hint = false} : vector<1000x128xf32>, vector<128x128xf32>, vector<1000x128xf32> -> vector<1000x128xf32>
    %get3A_33 = arith.constant 0 : index
    %get3A_34 = arith.constant 0 : index
    %get3A_35 = vector.load %arg6[%get3A_33, %get3A_34] : memref<1x128xf32, #tpu.memory_space<vmem>>, vector<1x128xf32>
    %add3A_36 = vector.broadcast %get3A_35 : vector<1x128xf32> to vector<1000x128xf32>
    %add3A_37 = arith.addf %dot_general3A_32, %add3A_36 : vector<1000x128xf32>
    %swap3A = arith.constant 0 : index
    %swap3A_38 = arith.constant 0 : index
    %swap3A_39 = vector.load %arg8[%swap3A, %swap3A_38] : memref<1000x128xf32, #tpu.memory_space<vmem>>, vector<1000x128xf32>
    tpu.vector_store %arg8[%swap3A, %swap3A_38], %add3A_37 {strides = array<i32>} : memref<1000x128xf32, #tpu.memory_space<vmem>>, vector<1000x128xf32>,
    return
  }
  func.func @transform_0(%arg0: i32) -> (i32, i32) {
    %c0_i32 = arith.constant 0 : i32
    %c0_i32_0 = arith.constant 0 : i32
    return %arg0, %c0_i32 : i32, i32
  }
  func.func @transform_1(%arg0: i32) -> (i32, i32, i32) {
    %c0_i32 = arith.constant 0 : i32
    %c0_i32_0 = arith.constant 0 : i32
    %c0_i32_1 = arith.constant 0 : i32
    return %c0_i32, %arg0, %c0_i32_0 : i32, i32, i32
  }
  func.func @transform_2(%arg0: i32) -> (i32, i32) {
    %c0_i32 = arith.constant 0 : i32
    %c0_i32_0 = arith.constant 0 : i32
    %c0_i32_1 = arith.constant 0 : i32
    return %c0_i32, %c0_i32_0 : i32, i32
  }
  func.func @transform_3(%arg0: i32) -> (i32, i32) {
    %c0_i32 = arith.constant 0 : i32
    %c0_i32_0 = arith.constant 0 : i32
    %c0_i32_1 = arith.constant 0 : i32
    return %c0_i32, %c0_i32_0 : i32, i32
  }
  func.func @transform_4(%arg0: i32) -> (i32, i32) {
    %c0_i32 = arith.constant 0 : i32
    %c0_i32_0 = arith.constant 0 : i32
    %c0_i32_1 = arith.constant 0 : i32
    return %c0_i32, %c0_i32_0 : i32, i32
  }
  func.func @transform_5(%arg0: i32) -> (i32, i32) {
    %c0_i32 = arith.constant 0 : i32
    %c0_i32_0 = arith.constant 0 : i32
    %c0_i32_1 = arith.constant 0 : i32
    return %c0_i32, %c0_i32_0 : i32, i32
  }
  func.func @transform_6(%arg0: i32) -> (i32, i32) {
    %c0_i32 = arith.constant 0 : i32
    %c0_i32_0 = arith.constant 0 : i32
    %c0_i32_1 = arith.constant 0 : i32
    return %c0_i32, %c0_i32_0 : i32, i32
  }
  func.func @transform_7(%arg0: i32) -> (i32, i32) {
    %c0_i32 = arith.constant 0 : i32
    %c0_i32_0 = arith.constant 0 : i32
    return %arg0, %c0_i32 : i32, i32
  }
}

module attributes {stable_mosaic.version = 14 : i64} {
  func.func @_edge_attr_proj_kernel(%arg0: i32, %arg1: memref<8000x16xf32, #tpu.memory_space<vmem>>, %arg2: memref<16x256xf32, #tpu.memory_space<vmem>>, %arg3: memref<1x256xf32, #tpu.memory_space<vmem>>, %arg4: memref<8000x128xf32, #tpu.memory_space<vmem>>, %arg5: memref<8000x128xf32, #tpu.memory_space<vmem>>) attributes {dimension_semantics = [#tpu.dimension_semantics<arbitrary>], iteration_bounds = array<i64: 40>, scalar_prefetch = 0 : i64, scratch_operands = 0 : i64, tpu.core_type = #tpu.core_type<tc>, window_params = [{transform_indices = @transform_0, window_bounds = array<i64: 8000, 16>}, {pipeline_mode = #tpu.pipeline_mode<synchronous>, transform_indices = @transform_1, window_bounds = array<i64: 16, 256>}, {pipeline_mode = #tpu.pipeline_mode<synchronous>, transform_indices = @transform_2, window_bounds = array<i64: 1, 256>}, {transform_indices = @transform_3, window_bounds = array<i64: 8000, 128>}, {transform_indices = @transform_4, window_bounds = array<i64: 8000, 128>}]} {
    %get3A = arith.constant 0 : index
    %get3A_0 = arith.constant 0 : index
    %get3A_1 = vector.load %arg1[%get3A, %get3A_0] : memref<8000x16xf32, #tpu.memory_space<vmem>>, vector<8000x16xf32>
    %get3A_2 = arith.constant 0 : index
    %get3A_3 = arith.constant 0 : index
    %get3A_4 = vector.load %arg2[%get3A_2, %get3A_3] : memref<16x256xf32, #tpu.memory_space<vmem>>, vector<16x256xf32>
    %dot_general3A = arith.constant dense<0.000000e+00> : vector<8000x256xf32>
    %dot_general3A_5 = tpu.matmul %get3A_1, %get3A_4, %dot_general3A {dimension_numbers = #tpu.dot_dimension_numbers<[1], [0], [0], [1], [0, 0, 1, 1], [], []>, transpose_lhs_hint = false} : vector<8000x16xf32>, vector<16x256xf32>, vector<8000x256xf32> -> vector<8000x256xf32>
    %get3A_6 = arith.constant 0 : index
    %get3A_7 = arith.constant 0 : index
    %get3A_8 = vector.load %arg3[%get3A_6, %get3A_7] : memref<1x256xf32, #tpu.memory_space<vmem>>, vector<1x256xf32>
    %add3A = vector.broadcast %get3A_8 : vector<1x256xf32> to vector<8000x256xf32>
    %add3A_9 = arith.addf %dot_general3A_5, %add3A : vector<8000x256xf32>
    %slice3A = vector.extract_strided_slice %add3A_9 {offsets = [0, 0], sizes = [8000, 128], strides = [1, 1]} : vector<8000x256xf32> to vector<8000x128xf32>
    %swap3A = arith.constant 0 : index
    %swap3A_10 = arith.constant 0 : index
    %swap3A_11 = vector.load %arg4[%swap3A, %swap3A_10] : memref<8000x128xf32, #tpu.memory_space<vmem>>, vector<8000x128xf32>
    tpu.vector_store %arg4[%swap3A, %swap3A_10], %slice3A {strides = array<i32>} : memref<8000x128xf32, #tpu.memory_space<vmem>>, vector<8000x128xf32>,
    %slice3A_12 = vector.extract_strided_slice %add3A_9 {offsets = [0, 128], sizes = [8000, 128], strides = [1, 1]} : vector<8000x256xf32> to vector<8000x128xf32>
    %swap3A_13 = arith.constant 0 : index
    %swap3A_14 = arith.constant 0 : index
    %swap3A_15 = vector.load %arg5[%swap3A_13, %swap3A_14] : memref<8000x128xf32, #tpu.memory_space<vmem>>, vector<8000x128xf32>
    tpu.vector_store %arg5[%swap3A_13, %swap3A_14], %slice3A_12 {strides = array<i32>} : memref<8000x128xf32, #tpu.memory_space<vmem>>, vector<8000x128xf32>,
    return
  }
  func.func @transform_0(%arg0: i32) -> (i32, i32) {
    %c0_i32 = arith.constant 0 : i32
    %c0_i32_0 = arith.constant 0 : i32
    return %arg0, %c0_i32 : i32, i32
  }
  func.func @transform_1(%arg0: i32) -> (i32, i32) {
    %c0_i32 = arith.constant 0 : i32
    %c0_i32_0 = arith.constant 0 : i32
    %c0_i32_1 = arith.constant 0 : i32
    return %c0_i32, %c0_i32_0 : i32, i32
  }
  func.func @transform_2(%arg0: i32) -> (i32, i32) {
    %c0_i32 = arith.constant 0 : i32
    %c0_i32_0 = arith.constant 0 : i32
    %c0_i32_1 = arith.constant 0 : i32
    return %c0_i32, %c0_i32_0 : i32, i32
  }
  func.func @transform_3(%arg0: i32) -> (i32, i32) {
    %c0_i32 = arith.constant 0 : i32
    %c0_i32_0 = arith.constant 0 : i32
    return %arg0, %c0_i32 : i32, i32
  }
  func.func @transform_4(%arg0: i32) -> (i32, i32) {
    %c0_i32 = arith.constant 0 : i32
    %c0_i32_0 = arith.constant 0 : i32
    return %arg0, %c0_i32 : i32, i32
  }
}

module attributes {stable_mosaic.version = 14 : i64} {
  func.func @_mlp_pool_kernel(%arg0: i32, %arg1: memref<1000x128xf32, #tpu.memory_space<vmem>>, %arg2: memref<2x1000x128xf32, #tpu.memory_space<vmem>>, %arg3: memref<128x128xf32, #tpu.memory_space<vmem>>, %arg4: memref<1x128xf32, #tpu.memory_space<vmem>>, %arg5: memref<128x128xf32, #tpu.memory_space<vmem>>, %arg6: memref<1x128xf32, #tpu.memory_space<vmem>>, %arg7: memref<1x1xf32, #tpu.memory_space<smem>>, %arg8: memref<1x1x1000xi32, #tpu.memory_space<vmem>>, %arg9: memref<64x128xf32, #tpu.memory_space<vmem>>, %arg10: memref<64x128xf32, #tpu.memory_space<vmem>>, %arg11: memref<64x1xf32, #tpu.memory_space<vmem>>) attributes {dimension_semantics = [#tpu.dimension_semantics<arbitrary>], iteration_bounds = array<i64: 10>, scalar_prefetch = 0 : i64, scratch_operands = 2 : i64, tpu.core_type = #tpu.core_type<tc>, window_params = [{transform_indices = @transform_0, window_bounds = array<i64: 1000, 128>}, {transform_indices = @transform_1, window_bounds = array<i64: 2, 1000, 128>}, {pipeline_mode = #tpu.pipeline_mode<synchronous>, transform_indices = @transform_2, window_bounds = array<i64: 128, 128>}, {pipeline_mode = #tpu.pipeline_mode<synchronous>, transform_indices = @transform_3, window_bounds = array<i64: 1, 128>}, {pipeline_mode = #tpu.pipeline_mode<synchronous>, transform_indices = @transform_4, window_bounds = array<i64: 128, 128>}, {pipeline_mode = #tpu.pipeline_mode<synchronous>, transform_indices = @transform_5, window_bounds = array<i64: 1, 128>}, {transform_indices = @transform_6, window_bounds = array<i64: 1, 1>}, {transform_indices = @transform_7, window_bounds = array<i64: 1, 1, 1000>}, {pipeline_mode = #tpu.pipeline_mode<synchronous>, transform_indices = @transform_8, window_bounds = array<i64: 64, 128>}]} {
    %eq3A = arith.constant 0 : i32
    %eq3A_0 = arith.cmpi eq, %arg0, %eq3A : i32
    %convert_element_type3A = arith.extui %eq3A_0 : i1 to i32
    %cond3A = arith.constant 0 : i32
    %cond3A_1 = arith.cmpi ne, %convert_element_type3A, %cond3A : i32
    scf.if %cond3A_1 {
      %broadcast_in_dim3A_74 = arith.constant 0.000000e+00 : f32
      %broadcast_in_dim3A_75 = vector.broadcast %broadcast_in_dim3A_74 : f32 to vector<64x128xf32>
      %swap3A_76 = arith.constant 0 : index
      %swap3A_77 = arith.constant 0 : index
      %swap3A_78 = vector.load %arg10[%swap3A_76, %swap3A_77] : memref<64x128xf32, #tpu.memory_space<vmem>>, vector<64x128xf32>
      tpu.vector_store %arg10[%swap3A_76, %swap3A_77], %broadcast_in_dim3A_75 {strides = array<i32>} : memref<64x128xf32, #tpu.memory_space<vmem>>, vector<64x128xf32>,
      %broadcast_in_dim3A_79 = arith.constant 0.000000e+00 : f32
      %broadcast_in_dim3A_80 = vector.broadcast %broadcast_in_dim3A_79 : f32 to vector<64x1xf32>
      %swap3A_81 = arith.constant 0 : index
      %swap3A_82 = arith.constant 0 : index
      %swap3A_83 = vector.load %arg11[%swap3A_81, %swap3A_82] : memref<64x1xf32, #tpu.memory_space<vmem>>, vector<64x1xf32>
      tpu.vector_store %arg11[%swap3A_81, %swap3A_82], %broadcast_in_dim3A_80 {strides = array<i32>} : memref<64x1xf32, #tpu.memory_space<vmem>>, vector<64x1xf32>,
    } else {
    }
    %get3A = arith.constant 0 : index
    %get3A_2 = arith.constant 0 : index
    %get3A_3 = memref.load %arg7[%get3A, %get3A_2] : memref<1x1xf32, #tpu.memory_space<smem>>
    %get3A_4 = arith.constant 0 : index
    %get3A_5 = arith.constant 0 : index
    %get3A_6 = vector.load %arg1[%get3A_4, %get3A_5] : memref<1000x128xf32, #tpu.memory_space<vmem>>, vector<1000x128xf32>
    %mul3A = vector.broadcast %get3A_3 : f32 to vector<1000x128xf32>
    %mul3A_7 = arith.mulf %mul3A, %get3A_6 : vector<1000x128xf32>
    %get3A_8 = arith.constant 0 : index
    %get3A_9 = arith.constant 0 : index
    %get3A_10 = arith.constant 0 : index
    %get3A_11 = vector.load %arg2[%get3A_8, %get3A_9, %get3A_10] : memref<2x1000x128xf32, #tpu.memory_space<vmem>>, vector<1x1000x128xf32>
    %get3A_12 = vector.shape_cast %get3A_11 : vector<1x1000x128xf32> to vector<1000x128xf32>
    %add3A = arith.addf %mul3A_7, %get3A_12 : vector<1000x128xf32>
    %get3A_13 = arith.constant 1 : index
    %get3A_14 = arith.constant 0 : index
    %get3A_15 = arith.constant 0 : index
    %get3A_16 = vector.load %arg2[%get3A_13, %get3A_14, %get3A_15] : memref<2x1000x128xf32, #tpu.memory_space<vmem>>, vector<1x1000x128xf32>
    %get3A_17 = vector.shape_cast %get3A_16 : vector<1x1000x128xf32> to vector<1000x128xf32>
    %add3A_18 = arith.addf %add3A, %get3A_17 : vector<1000x128xf32>
    %get3A_19 = arith.constant 0 : index
    %get3A_20 = arith.constant 0 : index
    %get3A_21 = vector.load %arg3[%get3A_19, %get3A_20] : memref<128x128xf32, #tpu.memory_space<vmem>>, vector<128x128xf32>
    %dot_general3A = arith.constant dense<0.000000e+00> : vector<1000x128xf32>
    %dot_general3A_22 = tpu.matmul %add3A_18, %get3A_21, %dot_general3A {dimension_numbers = #tpu.dot_dimension_numbers<[1], [0], [0], [1], [0, 0, 1, 1], [], []>, transpose_lhs_hint = false} : vector<1000x128xf32>, vector<128x128xf32>, vector<1000x128xf32> -> vector<1000x128xf32>
    %get3A_23 = arith.constant 0 : index
    %get3A_24 = arith.constant 0 : index
    %get3A_25 = vector.load %arg4[%get3A_23, %get3A_24] : memref<1x128xf32, #tpu.memory_space<vmem>>, vector<1x128xf32>
    %add3A_26 = vector.broadcast %get3A_25 : vector<1x128xf32> to vector<1000x128xf32>
    %add3A_27 = arith.addf %dot_general3A_22, %add3A_26 : vector<1000x128xf32>
    %max3A = arith.constant 0.000000e+00 : f32
    %max3A_28 = vector.broadcast %max3A : f32 to vector<1000x128xf32>
    %max3A_29 = arith.maximumf %add3A_27, %max3A_28 : vector<1000x128xf32>
    %get3A_30 = arith.constant 0 : index
    %get3A_31 = arith.constant 0 : index
    %get3A_32 = vector.load %arg1[%get3A_30, %get3A_31] : memref<1000x128xf32, #tpu.memory_space<vmem>>, vector<1000x128xf32>
    %get3A_33 = arith.constant 0 : index
    %get3A_34 = arith.constant 0 : index
    %get3A_35 = vector.load %arg5[%get3A_33, %get3A_34] : memref<128x128xf32, #tpu.memory_space<vmem>>, vector<128x128xf32>
    %dot_general3A_36 = arith.constant dense<0.000000e+00> : vector<1000x128xf32>
    %dot_general3A_37 = tpu.matmul %max3A_29, %get3A_35, %dot_general3A_36 {dimension_numbers = #tpu.dot_dimension_numbers<[1], [0], [0], [1], [0, 0, 1, 1], [], []>, transpose_lhs_hint = false} : vector<1000x128xf32>, vector<128x128xf32>, vector<1000x128xf32> -> vector<1000x128xf32>
    %add3A_38 = arith.addf %get3A_32, %dot_general3A_37 : vector<1000x128xf32>
    %get3A_39 = arith.constant 0 : index
    %get3A_40 = arith.constant 0 : index
    %get3A_41 = vector.load %arg6[%get3A_39, %get3A_40] : memref<1x128xf32, #tpu.memory_space<vmem>>, vector<1x128xf32>
    %add3A_42 = vector.broadcast %get3A_41 : vector<1x128xf32> to vector<1000x128xf32>
    %add3A_43 = arith.addf %add3A_38, %add3A_42 : vector<1000x128xf32>
    %iota3A = tpu.iota {dimensions = array<i32: 0>} : vector<64x1000xi32>
    %get3A_44 = arith.constant 0 : index
    %get3A_45 = arith.constant 0 : index
    %get3A_46 = arith.constant 0 : index
    %get3A_47 = vector.load %arg8[%get3A_44, %get3A_45, %get3A_46] : memref<1x1x1000xi32, #tpu.memory_space<vmem>>, vector<1x1x1000xi32>
    %get3A_48 = vector.shape_cast %get3A_47 : vector<1x1x1000xi32> to vector<1x1000xi32>
    %eq3A_49 = vector.broadcast %get3A_48 : vector<1x1000xi32> to vector<64x1000xi32>
    %eq3A_50 = arith.cmpi eq, %iota3A, %eq3A_49 : vector<64x1000xi32>
    %convert_element_type3A_51 = arith.extui %eq3A_50 : vector<64x1000xi1> to vector<64x1000xi32>
    %convert_element_type3A_52 = arith.sitofp %convert_element_type3A_51 : vector<64x1000xi32> to vector<64x1000xf32>
    %get3A_53 = arith.constant 0 : index
    %get3A_54 = arith.constant 0 : index
    %get3A_55 = vector.load %arg10[%get3A_53, %get3A_54] : memref<64x128xf32, #tpu.memory_space<vmem>>, vector<64x128xf32>
    %dot_general3A_56 = arith.constant dense<0.000000e+00> : vector<64x128xf32>
    %dot_general3A_57 = tpu.matmul %convert_element_type3A_52, %add3A_43, %dot_general3A_56 {dimension_numbers = #tpu.dot_dimension_numbers<[1], [0], [0], [1], [0, 0, 1, 1], [], []>, transpose_lhs_hint = false} : vector<64x1000xf32>, vector<1000x128xf32>, vector<64x128xf32> -> vector<64x128xf32>
    %add3A_58 = arith.addf %get3A_55, %dot_general3A_57 : vector<64x128xf32>
    %swap3A = arith.constant 0 : index
    %swap3A_59 = arith.constant 0 : index
    %swap3A_60 = vector.load %arg10[%swap3A, %swap3A_59] : memref<64x128xf32, #tpu.memory_space<vmem>>, vector<64x128xf32>
    tpu.vector_store %arg10[%swap3A, %swap3A_59], %add3A_58 {strides = array<i32>} : memref<64x128xf32, #tpu.memory_space<vmem>>, vector<64x128xf32>,
    %get3A_61 = arith.constant 0 : index
    %get3A_62 = arith.constant 0 : index
    %get3A_63 = vector.load %arg11[%get3A_61, %get3A_62] : memref<64x1xf32, #tpu.memory_space<vmem>>, vector<64x1xf32>
    %reduce_sum3A = arith.constant dense<0.000000e+00> : vector<64xf32>
    %reduce_sum3A_64 = vector.multi_reduction <add>, %convert_element_type3A_52, %reduce_sum3A [1] : vector<64x1000xf32> to vector<64xf32>
    %broadcast_in_dim3A = vector.shape_cast %reduce_sum3A_64 : vector<64xf32> to vector<64x1xf32>
    %add3A_65 = arith.addf %get3A_63, %broadcast_in_dim3A : vector<64x1xf32>
    %swap3A_66 = arith.constant 0 : index
    %swap3A_67 = arith.constant 0 : index
    %swap3A_68 = vector.load %arg11[%swap3A_66, %swap3A_67] : memref<64x1xf32, #tpu.memory_space<vmem>>, vector<64x1xf32>
    tpu.vector_store %arg11[%swap3A_66, %swap3A_67], %add3A_65 {strides = array<i32>} : memref<64x1xf32, #tpu.memory_space<vmem>>, vector<64x1xf32>,
    %eq3A_69 = arith.constant 9 : i32
    %eq3A_70 = arith.cmpi eq, %arg0, %eq3A_69 : i32
    %convert_element_type3A_71 = arith.extui %eq3A_70 : i1 to i32
    %cond3A_72 = arith.constant 0 : i32
    %cond3A_73 = arith.cmpi ne, %convert_element_type3A_71, %cond3A_72 : i32
    scf.if %cond3A_73 {
      %get3A_74 = arith.constant 0 : index
      %get3A_75 = arith.constant 0 : index
      %get3A_76 = vector.load %arg10[%get3A_74, %get3A_75] : memref<64x128xf32, #tpu.memory_space<vmem>>, vector<64x128xf32>
      %get3A_77 = arith.constant 0 : index
      %get3A_78 = arith.constant 0 : index
      %get3A_79 = vector.load %arg11[%get3A_77, %get3A_78] : memref<64x1xf32, #tpu.memory_space<vmem>>, vector<64x1xf32>
      %max3A_80 = arith.constant 1.000000e+00 : f32
      %max3A_81 = vector.broadcast %max3A_80 : f32 to vector<64x1xf32>
      %max3A_82 = arith.maximumf %get3A_79, %max3A_81 : vector<64x1xf32>
      %div3A = vector.broadcast %max3A_82 : vector<64x1xf32> to vector<64x128xf32>
      %div3A_83 = arith.divf %get3A_76, %div3A : vector<64x128xf32>
      %swap3A_84 = arith.constant 0 : index
      %swap3A_85 = arith.constant 0 : index
      %swap3A_86 = vector.load %arg9[%swap3A_84, %swap3A_85] : memref<64x128xf32, #tpu.memory_space<vmem>>, vector<64x128xf32>
      tpu.vector_store %arg9[%swap3A_84, %swap3A_85], %div3A_83 {strides = array<i32>} : memref<64x128xf32, #tpu.memory_space<vmem>>, vector<64x128xf32>,
    } else {
    }
    return
  }
  func.func @transform_0(%arg0: i32) -> (i32, i32) {
    %c0_i32 = arith.constant 0 : i32
    %c0_i32_0 = arith.constant 0 : i32
    return %arg0, %c0_i32 : i32, i32
  }
  func.func @transform_1(%arg0: i32) -> (i32, i32, i32) {
    %c0_i32 = arith.constant 0 : i32
    %c0_i32_0 = arith.constant 0 : i32
    %c0_i32_1 = arith.constant 0 : i32
    return %c0_i32, %arg0, %c0_i32_0 : i32, i32, i32
  }
  func.func @transform_2(%arg0: i32) -> (i32, i32) {
    %c0_i32 = arith.constant 0 : i32
    %c0_i32_0 = arith.constant 0 : i32
    %c0_i32_1 = arith.constant 0 : i32
    return %c0_i32, %c0_i32_0 : i32, i32
  }
  func.func @transform_3(%arg0: i32) -> (i32, i32) {
    %c0_i32 = arith.constant 0 : i32
    %c0_i32_0 = arith.constant 0 : i32
    %c0_i32_1 = arith.constant 0 : i32
    return %c0_i32, %c0_i32_0 : i32, i32
  }
  func.func @transform_4(%arg0: i32) -> (i32, i32) {
    %c0_i32 = arith.constant 0 : i32
    %c0_i32_0 = arith.constant 0 : i32
    %c0_i32_1 = arith.constant 0 : i32
    return %c0_i32, %c0_i32_0 : i32, i32
  }
  func.func @transform_5(%arg0: i32) -> (i32, i32) {
    %c0_i32 = arith.constant 0 : i32
    %c0_i32_0 = arith.constant 0 : i32
    %c0_i32_1 = arith.constant 0 : i32
    return %c0_i32, %c0_i32_0 : i32, i32
  }
  func.func @transform_6(%arg0: i32) -> (i32, i32) {
    %c0_i32 = arith.constant 0 : i32
    %c0_i32_0 = arith.constant 0 : i32
    %c0_i32_1 = arith.constant 0 : i32
    return %c0_i32, %c0_i32_0 : i32, i32
  }
  func.func @transform_7(%arg0: i32) -> (i32, i32, i32) {
    %c0_i32 = arith.constant 0 : i32
    %c0_i32_0 = arith.constant 0 : i32
    %c0_i32_1 = arith.constant 0 : i32
    return %arg0, %c0_i32, %c0_i32_0 : i32, i32, i32
  }
  func.func @transform_8(%arg0: i32) -> (i32, i32) {
    %c0_i32 = arith.constant 0 : i32
    %c0_i32_0 = arith.constant 0 : i32
    %c0_i32_1 = arith.constant 0 : i32
    return %c0_i32, %c0_i32_0 : i32, i32
  }
}

</mosaic_0001>

<sc_bundles>
// kernel: kernel.10.cloned.1.call-start
scs
__scs_entry_jumppad:
0x0: {  	(pc) =	sbr.rel $0x88, $3  }
0x1: {  	(tag) =	ssettag $0x0;
	lr =	simm.s32 $0x1  }
0x2: {  	[smem:$0x3F8F] =	sst lr;
	_ =	strace $0xD0000000  }
0x3: {  	_ = 	snop  }
0x4: {  	_ = 	snop  }
0x5: {  	_ = 	snop  }
0x6: {  	_ = 	snop  }
0x7: {  	_ = 	snop  }
__scs_overlays_trampoline_lowered:
0x8: {  	[smem:$0x3F9E] =	sst s0  }
0x9: {  	[smem:$0x3F9F] =	sst s1  }
0xa: {  	[smem:$0x3FA0] =	sst s2  }
0xb: {  	[smem:$0x3FA1] =	sst s3  }
0xc: {  	[smem:$0x3FA2] =	sst s4  }
0xd: {  	[smem:$0x3FA3] =	sst s5  }
0xe: {  	[smem:$0x3FA4] =	sst s6  }
0xf: {  	[smem:$0x3FA5] =	sst s7  }
0x10: {  	[smem:$0x3FA6] =	sst s8  }
0x11: {  	[smem:$0x3FA7] =	sst s9;
	s0 =	simm.s32 @!p0 $0x0  }
0x12: {  	s1 =	sld [smem:$0x3F8D];
	s0 =	simm.s32 @p0 $0x1  }
0x13: {  	[smem:$0x3FA8] =	sst s0;
	s0 =	simm.s32 @!p1 $0x0  }
0x14: {  	s2 =	sld [smem:$0x3F8C];
	s0 =	simm.s32 @p1 $0x1  }
0x15: {  	[smem:$0x3FA9] =	sst s0;
	s0 =	simm.s32 @!p2 $0x0  }
0x16: {  	s3 =	sld [smem:$0x3FDB];
	s0 =	simm.s32 @p2 $0x1  }
0x17: {  	s4 =	simm.s32 $0x1BF5;
	[smem:$0x3FAB] =	sst s0  }
0x18: {  	s0 =	sld [smem:$0x3F8E];
	_ =	swait.ge [sflag:s4], $0x0  }
0x19: {  	s7 =	sld [smem:$0x3F8F]  }
0x1a: {  	s8 =	sadd.s32 $0xFFFFE003, lr  }
0x1b: {  	s9 =	sadd.s32 $0xFFFFFEF7, lr;
	s5 =	simm.s32 $0xFFFFFFFF;
	p2 =	slt.u32 s8, $0xFFFFF086  }
0x1c: {  	p1 =	slt.u32 s9, $0xF7A;
	s5 =	simm.s32 @!p2 $0x0  }
0x1d: {  	s5 =	simm.s32 @p1 $0x1;
	p0 =	seq.s32 s7, s2  }
0x1e: {  	s7 =	smul.u32 @!p0 $0xF7A, s2;
	p2 =	seq.s32 @!p0 s5, $0x0  }
0x1f: {  	s9 =	smul.u32 $0xF7A, s1;
	s8 =	simm.s32 @!p0 $0x1BF5;
	p2 =	por !p2, p0  }
0x20: {  	[sflag:s8] =	ssyncset.s32 @!p0 $0xFFFFF086;
	s6 =	sadd.s32 @!p0 s3, s7;
	s7 =	simm.s32 @!p0 $0x108  }
0x21: {  	s3 =	sadd.s32 s3, s9;
	s6 =	sadd.s32 @!p0 $0x88, s6;
	s7 =	simm.s32 @p2 $0x1082  }
0x22: {  	[simem:s7], [sflag:s8] =	dma.local @!p0 [hbm:s6], $0xF7A  }
0x23: {  	s9 =	sor.u32 $0xD0000000, s2;
	s6 =	simm.s32 $0x108;
	_ =	swait.ge @!p0 [sflag:s8], $0x0  }
0x24: {  	s3 =	sadd.s32 $0x88, s3;
	s6 =	simm.s32 @!p1 $0x1082;
	[sflag:s4] =	ssyncset.s32 $0xFFFFF086  }
0x25: {  	[simem:s6], [sflag:s4] =	dma.local [hbm:s3], $0xF7A  }
0x26: {  	[smem:$0x3F8F] =	sst s1;
	(tag) =	ssettag s2;
	_ =	strace s9  }
0x27: {  	s1 =	sld [smem:$0x3F9F]  }
0x28: {  	s2 =	sld [smem:$0x3FA0]  }
0x29: {  	s4 =	sld [smem:$0x3FA2]  }
0x2a: {  	p0 =	seq.s32 s5, $0x0;
	s5 =	sld [smem:$0x3FA3]  }
0x2b: {  	s6 =	sld [smem:$0x3FA4]  }
0x2c: {  	s7 =	sld [smem:$0x3FA5]  }
0x2d: {  	s3 =	simm.s32 $0x108;
	s8 =	sld [smem:$0x3FA6]  }
0x2e: {  	s3 =	simm.s32 @!p0 $0x1082;
	s9 =	sld [smem:$0x3FA7]  }
0x2f: {  	lr =	sadd.s32 s0, s3;
	s0 =	sld [smem:$0x3F9E]  }
0x30: {  	s3 =	sld [smem:$0x3FA1]  }
0x31: {  	[smem:$0x3FAA] =	sst s10  }
0x32: {  	s10 =	sld [smem:$0x3FA8];
	_ =	sdelay $0x3  }
0x33: {  	p0 =	seq.s32 s10, $0x1;
	s10 =	sld [smem:$0x3FAA];
	_ =	sdelay $0x3  }
0x34: {  	[smem:$0x3FAA] =	sst s10  }
0x35: {  	s10 =	sld [smem:$0x3FA9];
	_ =	sdelay $0x3  }
0x36: {  	p1 =	seq.s32 s10, $0x1;
	s10 =	sld [smem:$0x3FAA];
	_ =	sdelay $0x3  }
0x37: {  	[smem:$0x3FAA] =	sst s10  }
0x38: {  	s10 =	sld [smem:$0x3FAB]  }
0x39: {  	_ = 	snop;
	(pc) =	sbr.ind lr, $3  }
0x3a: {  	_ = 	snop  }
0x3b: {  	_ = 	snop  }
0x3c: {  	p2 =	seq.s32 s10, $0x1;
	s10 =	sld [smem:$0x3FAA]  }
0x3d: {  	_ =	shalt  }
0x3e: {  	_ =	shalt  }
0x3f: {  	_ =	shalt  }
0x40: {  	_ =	shalt  }
0x41: {  	_ =	shalt  }
0x42: {  	_ =	shalt  }
0x43: {  	_ =	shalt  }
0x44: {  	_ =	shalt  }
0x45: {  	_ =	shalt  }
0x46: {  	_ =	shalt  }
0x47: {  	_ =	shalt  }
0x48: {  	_ =	shalt  }
0x49: {  	_ =	shalt  }
0x4a: {  	_ =	shalt  }
0x4b: {  	_ =	shalt  }
0x4c: {  	_ =	shalt  }
0x4d: {  	_ =	shalt  }
0x4e: {  	_ =	shalt  }
0x4f: {  	_ =	shalt  }
0x50: {  	_ =	shalt  }
0x51: {  	_ =	shalt  }
0x52: {  	_ =	shalt  }
0x53: {  	_ =	shalt  }
0x54: {  	_ =	shalt  }
0x55: {  	_ =	shalt  }
0x56: {  	_ =	shalt  }
0x57: {  	_ =	shalt  }
0x58: {  	_ =	shalt  }
0x59: {  	_ =	shalt  }
0x5a: {  	_ =	shalt  }
0x5b: {  	_ =	shalt  }
0x5c: {  	_ =	shalt  }
0x5d: {  	_ =	shalt  }
0x5e: {  	_ =	shalt  }
0x5f: {  	_ =	shalt  }
0x60: {  	_ =	shalt  }
0x61: {  	_ =	shalt  }
0x62: {  	_ =	shalt  }
0x63: {  	_ =	shalt  }
0x64: {  	_ =	shalt  }
0x65: {  	_ =	shalt  }
0x66: {  	_ =	shalt  }
0x67: {  	_ =	shalt  }
0x68: {  	_ =	shalt  }
0x69: {  	_ =	shalt  }
0x6a: {  	_ =	shalt  }
0x6b: {  	_ =	shalt  }
0x6c: {  	_ =	shalt  }
0x6d: {  	_ =	shalt  }
0x6e: {  	_ =	shalt  }
0x6f: {  	_ =	shalt  }
0x70: {  	_ =	shalt  }
0x71: {  	_ =	shalt  }
0x72: {  	_ =	shalt  }
0x73: {  	_ =	shalt  }
0x74: {  	_ =	shalt  }
0x75: {  	_ =	shalt  }
0x76: {  	_ =	shalt  }
0x77: {  	_ =	shalt  }
0x78: {  	_ =	shalt  }
0x79: {  	_ =	shalt  }
0x7a: {  	_ =	shalt  }
0x7b: {  	_ =	shalt  }
0x7c: {  	_ =	shalt  }
0x7d: {  	_ =	shalt  }
0x7e: {  	_ =	shalt  }
0x7f: {  	_ =	shalt  }
0x80: {  	_ =	shalt  }
0x81: {  	_ =	shalt  }
0x82: {  	_ =	shalt  }
0x83: {  	_ =	shalt  }
0x84: {  	_ =	shalt  }
0x85: {  	_ =	shalt  }
0x86: {  	_ =	shalt  }
0x87: {  	_ =	shalt  }
.Lfunc_end0:
.L_simem_size_0:
called_computation.1_lowered:
.L_overlay_start_0:
0x88: {  	s2 =	sld [smem:$0x3FD9]  }
0x89: {  	s3 =	sld [smem:$0x3FFE];
	_ =	sdelay $0x1  }
0x8a: {  	s1 =	srdreg.scid  }
0x8b: {  	s0 =	sand.u32 $0x1, s1  }
0x8c: {  	s16 =	sshll.u32 s0, $0xA;
	s2 =	sadd.s32 s3, s2  }
0x8d: {  	s2 =	sadd.s32 s2, s16  }
0x8e: {  	[smem:$0x3FB6] =	sst s2  }
0x8f: {  	_ = 	snop  }
0x90: {  	(tm) =	ssettm $0x1  }
0x91: {  	s17 =	sld [smem:$0x3FFB];
	_ =	sdelay $0x3  }
0x92: {  	_ =	strace s17  }
0x93: {  	s2 =	sld [smem:$0x3FFC];
	_ =	sdelay $0x3  }
0x94: {  	_ =	strace s2  }
0x95: {  	s2 =	sld [smem:$0x3FFD];
	_ =	sdelay $0x3  }
0x96: {  	_ =	strace s2  }
0x97: {  	_ =	strace $0x8FFFFFFF  }
0x98: {  	s18 =	sld [smem:$0x3FDB];
	_ =	sdelay $0x1  }
0x99: {  	s19 =	simm.s32 $_scs_section_size  }
0x9a: {  	s4 =	simm.s32 $_size__tile_overlayer_lowered;
	s5 =	simm.s32 $_tile_overlayer_lowered  }
0x9b: {  	s22 =	simm.s32 $0x1BFF;
	s21 =	sshll.u32 s5, $0x1;
	s2 =	sadd.s32 s19, s18  }
0x9c: {  	s6 =	simm.s32 $0x0;
	s20 =	sshll.u32 s4, $0x1;
	s4 =	sadd.s32 s21, s2  }
0x9d: {  	[timem:s6], [sflag:s22] =	dma.local [hbm:s4], s20  }
0x9e: {  	_ =	swait.ge [sflag:s22], s20  }
0x9f: {  	s3 =	ssub.s32 $0x0, s20;
	[sflag:s22] =	ssyncset.done $0x0  }
0xa0: {  	[sflag:s22] =	ssyncadd.s32 s3;
	_ =	sdelay $0x1  }
0xa1: {  	s23 =	simm.s32 $0x1B8B  }
0xa2: {  	_ =	swait.ge [sflag:s23], $0x1  }
0xa3: {  	[sflag:s23] =	ssyncset.done $0x0  }
0xa4: {  	s25 =	simm.s32 $0x1B8E;
	s24 =	sld [smem:$0x3FFE];
	[sflag:s23] =	ssyncadd.s32 $0xFFFFFFFF  }
0xa5: {  	s26 =	simm.s32 $execute0_lowered;
	[smem:$0x3FD2] =	sst s25  }
0xa6: {  	s4 =	sshll.u32 s26, $0x1;
	_ =	strace $0x80000049;
	[dreg:$0x1] =	wrdreg $0xFFFFFFFF  }
0xa7: {  	s28 =	simm.s32 $_size_execute0_lowered;
	s2 =	sadd.s32 s2, s4;
	[dreg:$0x0] =	wrdreg $0x0  }
0xa8: {  	s4 =	sshll.u32 s28, $0x1;
	[dreg:$0x2] =	wrdreg s2  }
0xa9: {  	[dreg:$0x3] =	wrdreg s4  }
0xaa: {  	[dreg:$0x4] =	wrdreg $0xC0  }
0xab: {  	_ =	task [dreg:s6], $0x5FFFF  }
0xac: {  	[dreg:$0x1] =	wrdreg $0xFFFFFFFF  }
0xad: {  	[dreg:$0x0] =	wrdreg $0x60  }
0xae: {  	[dreg:$0x2] =	wrdreg s24  }
0xaf: {  	[dreg:$0x3] =	wrdreg $0x7C000  }
0xb0: {  	[dreg:$0x4] =	wrdreg $0x9  }
0xb1: {  	_ =	task.clear_ibuf [dreg:s6], $0x5FFFF;
	_ =	strace $0x90000049  }
0xb2: {  	s29 =	simm.s32 $0x9;
	_ =	strace $0x8000004B  }
0xb3: {  	_ =	swait.ge [sflag:s29], $0x1  }
0xb4: {  	[sflag:s29] =	ssyncadd.s32 $0xFFFFFFFF  }
0xb5: {  	_ =	strace $0x9000004B  }
0xb6: {  	_ =	sfence  }
0xb7: {  	s30 =	sld [smem:$0x0];
	_ =	sdelay $0x2  }
0xb8: {  	s31 =	sshll.u32 s1, $0xD;
	s1 =	sshrl.u32 s1, $0x2  }
0xb9: {  	s3 =	sand.u32 $0x4000, s31;
	s1 =	sadd.s32 s1, s30  }
0xba: {  	s0 =	sor.u32 s3, s0;
	s1 =	sshll.u32 s1, $0x11  }
0xbb: {  	s0 =	sor.u32 s1, s0  }
0xbc: {  	s0 =	sadd.s32 $0x8F2B, s0  }
0xbd: {  	[sflag:s0] =	ssyncadd.remote.s32 $0x1  }
0xbe: {  	_ =	sfence.sel $0xFFFF  }
0xbf: {  	[dreg:$0x0] =	wrdreg $0xFFFFFFFF;
	(pc) =	sbr.abs _section_cstart, $3  }
0xc0: {  	[dreg:$0x1] =	wrdreg $0xFFFFFFFF  }
0xc1: {  	_ =	task.clear_ibuf [dreg:s6], $0x2FFFF;
	_ =	strace $0x9FFFFFFF  }
0xc2: {  	(tm) =	ssettm $0x7FFFFFFF  }
0xc3: {  	_ =	shalt  }
tec
execute0_lowered:
.L_overlay_start_1:
0x0: {  	(tag) =	ssettag $0x1  }
0x1: {  	s0 =	rddreg [dreg:$0x0]  }
0x2: {  	s1 =	rddreg [dreg:$0x1];
	s2 =	simm.s32 $0x0;
	s3 =	srdreg.scid  }
0x3: {  	s15 =	stileid.u32;
	s28 =	simm.s32 $0x400;
	s29 =	simm.s32 $0x200  }
0x4: {  	s31 =	simm.s32 $0x280;
	s30 =	simm.s32 $0xA;
	[smem:$0x7FF] =	sst s2  }
0x5: {  	s4 =	sadd.s32 $0x2800, s0;
	s5 =	sadd.s32 $0x9DA400, s0;
	s3 =	sand.u32 $0x1, s3  }
0x6: {  	s6 =	sadd.s32 $0x4EE600, s0;
	s7 =	sshll.u32 s15, $0x1;
	s10 =	smul.u32 $0x50000, s15  }
0x7: {  	s18 =	smul.u32 $0x2800, s15;
	s15 =	simm.s32 $0x13;
	_ =	strace $0x8000004A  }
0x8: {  	s8 =	smul.u32 $0x28000, s3;
	s9 =	ssub.s32 $0x2, s3;
	s3 =	sor.u32 s3, s7  }
0x9: {  	s7 =	sadd.s32 $0x4E4800, s0;
	s12 =	smul.u32 $0x2710, s3;
	s20 =	sshrl.u32 s10, $0x2  }
0xa: {  	s11 =	sshrl.u32 s9, $0x1;
	s3 =	smul.u32 $0x27100, s3;
	s17 =	sadd.s32 s20, s1  }
0xb: {  	s10 =	simm.s32 $0x1;
	s23 =	sadd.s32 $0x5000, s17;
	[dreg:$0x3] =	wrdreg s17  }
0xc: {  	s0 =	sadd.s32 s8, s0;
	s26 =	sadd.s32 $0x50, s12;
	[dreg:$0x4] =	wrdreg s23  }
0xd: {  	s8 =	ssub.s32 s9, s11;
	s14 =	sadd.s32 $0x78, s12;
	[dreg:$0x7] =	wrdreg s26  }
0xe: {  	s11 =	simm.s32 $0x28;
	s3 =	sadd.s32 s5, s3;
	[dreg:$0x8] =	wrdreg s14  }
0xf: {  	s21 =	sshrl.u32 s12, $0x3;
	s20 =	sadd.s32 $0xA0, s12;
	[dreg:$0xc] =	wrdreg s3  }
0x10: {  	s22 =	sadd.s32 $0x28, s12;
	s24 =	sadd.s32 s6, s21;
	[dreg:$0xf] =	wrdreg s20  }
0x11: {  	s0 =	sadd.s32 $0x29A00, s0;
	s9 =	sadd.s32 s7, s21;
	[dreg:$0x5] =	wrdreg s24  }
0x12: {  	s25 =	sshrl.u32 s22, $0x3;
	s21 =	sadd.s32 $0xC8, s12;
	[dreg:$0xb] =	wrdreg s9  }
0x13: {  	s14 =	sshrl.u32 s14, $0x3;
	s0 =	sadd.s32 s18, s0;
	[dreg:$0x10] =	wrdreg s21  }
0x14: {  	s16 =	sshll.u32 s22, $0x4;
	s22 =	sadd.s32 $0xF0, s12;
	[dreg:$0x11] =	wrdreg s0  }
0x15: {  	s23 =	sadd.s32 $0x118, s12;
	s12 =	simm.s32 $0x10;
	[dreg:$0x12] =	wrdreg s22  }
0x16: {  	s13 =	sadd.s32 s6, s25;
	s14 =	sadd.s32 s6, s14;
	[dreg:$0x13] =	wrdreg s23  }
0x17: {  	s19 =	sadd.s32 s7, s25;
	s3 =	sadd.s32 s5, s16;
	[dreg:$0x6] =	wrdreg s13  }
0x18: {  	s24 =	smax.u32 s8, $0x1;
	s25 =	sadd.s32 $0xA000, s17;
	[dreg:$0xa] =	wrdreg s14  }
0x19: {  	s16 =	simm.s32 $0x2;
	s22 =	simm.s32 $0xD;
	[dreg:$0xd] =	wrdreg s19  }
0x1a: {  	s0 =	simm.s32 $0xE;
	s21 =	simm.s32 $0xB;
	[dreg:$0xe] =	wrdreg s3  }
0x1b: {  	s23 =	simm.s32 $0x7;
	s8 =	simm.s32 $0x8;
	[dreg:$0x14] =	wrdreg s24  }
0x1c: {  	s13 =	sshrl.u32 s26, $0x3;
	[dreg:$0x15] =	wrdreg s25;
	s26 =	sadd.s32 $0xF000, s17  }
0x1d: {  	s19 =	simm.s32 $0x9;
	s25 =	simm.s32 $0x5;
	s3 =	simm.s32 $0x6  }
0x1e: {  	s24 =	simm.s32 $0xF;
	s13 =	sadd.s32 s6, s13;
	[dreg:$0x16] =	wrdreg s26  }
0x1f: {  	v0 =	vimm.f32 $0.0e+00;
	s26 =	simm.s32 $0xC;
	[dreg:$0x9] =	wrdreg s13;
	s13 =	simm.s32 $0x0  }
.LBB2_1:
0x20: {  	[dreg:$0x17] =	wrdreg s13;
	s9 =	simm.s32 $0x0;
	s14 =	simm.s32 $0x200  }
.LBB2_2:
0x21: {  	p0 =	sne.s32 s14, $0x13E00;
	[tilespmem:s9+$0x470] =	vst v0  }
0x22: {  	[tilespmem:s9+$0x400] =	vst v0  }
0x23: {  	[tilespmem:s9+$0x410] =	vst v0  }
.Ltmp0:
0x24: {  	[tilespmem:s9+$0x420] =	vst v0;
	(pc) =	sbr.rel @p0 .LBB2_2-.Ltmp0, $4  }
0x25: {  	[tilespmem:s9+$0x430] =	vst v0  }
0x26: {  	[tilespmem:s9+$0x440] =	vst v0  }
0x27: {  	[tilespmem:s9+$0x450] =	vst v0  }
0x28: {  	[tilespmem:s9+$0x460] =	vst v0;
	s9 =	sshra.s32 s14, $0x2;
	s14 =	sadd.s32 $0x200, s14  }
0x29: {  	[tilespmem:s9+$0x470] =	vst v0  }
0x2a: {  	[tilespmem:s9+$0x400] =	vst v0  }
0x2b: {  	[tilespmem:s9+$0x410] =	vst v0  }
0x2c: {  	[tilespmem:s9+$0x420] =	vst v0  }
0x2d: {  	[tilespmem:s9+$0x430] =	vst v0  }
0x2e: {  	[tilespmem:s9+$0x440] =	vst v0  }
0x2f: {  	[tilespmem:s9+$0x450] =	vst v0  }
0x30: {  	[tilespmem:s9+$0x460] =	vst v0  }
0x31: {  	[spmem:s17] =	stream.linear.scatter [tilespmem:s28], [sflag:$0x13], $0x5000, $0x38;
	[tilespmem:$0x1BC00] =	vst v63  }
0x32: {  	_ =	swait.ge [sflag:s15], $0x5000  }
0x33: {  	[sflag:s15] =	ssyncset.done $0x0  }
0x34: {  	s14 =	rddreg [dreg:$0x4];
	[sflag:s15] =	ssyncadd.s32 $0xFFFFB000  }
0x35: {  	[spmem:s14] =	stream.linear.scatter [tilespmem:s28], [sflag:$0x13], $0x5000, $0x38;
	[tilespmem:$0x1BC00] =	vst v63  }
0x36: {  	_ =	swait.ge [sflag:s15], $0x5000  }
0x37: {  	[sflag:s15] =	ssyncset.done $0x0  }
0x38: {  	s17 =	rddreg [dreg:$0x15];
	[sflag:s15] =	ssyncadd.s32 $0xFFFFB000  }
0x39: {  	[spmem:s17] =	stream.linear.scatter [tilespmem:s28], [sflag:$0x13], $0x5000, $0x38;
	[tilespmem:$0x1BC00] =	vst v63  }
0x3a: {  	_ =	swait.ge [sflag:s15], $0x5000  }
0x3b: {  	[sflag:s15] =	ssyncset.done $0x0  }
0x3c: {  	s18 =	rddreg [dreg:$0x16];
	[sflag:s15] =	ssyncadd.s32 $0xFFFFB000  }
0x3d: {  	[spmem:s18] =	stream.linear.scatter [tilespmem:s28], [sflag:$0x13], $0x5000, $0x38;
	[tilespmem:$0x1BC00] =	vst v63  }
0x3e: {  	_ =	swait.ge [sflag:s15], $0x5000  }
0x3f: {  	[sflag:s15] =	ssyncset.done $0x0  }
0x40: {  	[sflag:s15] =	ssyncadd.s32 $0xFFFFB000  }
0x41: {  	[bflag:$0x0] =	sbarrier.arrive $0xFFFF  }
0x42: {  	s14 =	simm.s32 $0x0;
	s20 =	rddreg [dreg:$0x5]  }
0x43: {  	[tilespmem:s14], [sflag:$0x1] =	stream.linear.gather [hbm4b:s20+s14], $0x28, $0x38;
	[tilespmem:$0x1BC00] =	vst v63  }
0x44: {  	s15 =	simm.s32 $0x80;
	s13 =	rddreg [dreg:$0x6]  }
0x45: {  	[tilespmem:s15], [sflag:$0x2] =	stream.linear.gather [hbm4b:s13+s14], $0x28, $0x38;
	[tilespmem:$0x1BC00] =	vst v63  }
0x46: {  	s17 =	rddreg [dreg:$0x9];
	s13 =	simm.s32 $0x100  }
0x47: {  	[tilespmem:s13], [sflag:$0x3] =	stream.linear.gather [hbm4b:s17+s14], $0x28, $0x38;
	[tilespmem:$0x1BC00] =	vst v63  }
0x48: {  	s18 =	rddreg [dreg:$0xa];
	s20 =	simm.s32 $0x180  }
0x49: {  	[tilespmem:s20], [sflag:$0x4] =	stream.linear.gather [hbm4b:s18+s14], $0x28, $0x38;
	[tilespmem:$0x1BC00] =	vst v63  }
0x4a: {  	s17 =	rddreg [dreg:$0xb]  }
0x4b: {  	[tilespmem:s29], [sflag:$0x5] =	stream.linear.gather [hbm4b:s17+s14], $0x28, $0x38;
	[tilespmem:$0x1BC00] =	vst v63  }
0x4c: {  	_ =	swait.ge [sflag:s10], $0x28  }
0x4d: {  	[sflag:s10] =	ssyncset.done $0x0  }
0x4e: {  	[sflag:s10] =	ssyncadd.s32 $0xFFFFFFD8  }
0x4f: {  	[tilespmem:s28], [sflag:$0x9] =	stream.indirect.gather [hbm4b:s4+s11], $0x80, s14, s11, $0xb8;
	[tilespmem:$0x1BC00] =	vst v63  }
0x50: {  	s20 =	simm.s32 $0x5400;
	s18 =	rddreg [dreg:$0xc]  }
0x51: {  	[tilespmem:s20], [sflag:$0xD] =	stream.linear.gather [hbm4b:s18+s14], $0x1400, $0x38;
	[tilespmem:$0x1BC00] =	vst v63  }
0x52: {  	s13 =	rddreg [dreg:$0xd]  }
0x53: {  	[tilespmem:s31], [sflag:$0x6] =	stream.linear.gather [hbm4b:s13+s14], $0x28, $0x38;
	[tilespmem:$0x1BC00] =	vst v63  }
0x54: {  	_ =	swait.ge [sflag:s16], $0x28  }
0x55: {  	[sflag:s16] =	ssyncset.done $0x0  }
0x56: {  	s17 =	simm.s32 $0x1800;
	[sflag:s16] =	ssyncadd.s32 $0xFFFFFFD8  }
0x57: {  	[tilespmem:s17], [sflag:$0xA] =	stream.indirect.gather [hbm4b:s4+s11], $0x80, s15, s11, $0xb8;
	[tilespmem:$0x1BC00] =	vst v63  }
0x58: {  	s20 =	simm.s32 $0x6800;
	s13 =	simm.s32 $0x80;
	s18 =	rddreg [dreg:$0xe]  }
0x59: {  	[tilespmem:s20], [sflag:$0xE] =	stream.linear.gather [hbm4b:s18+s14], $0x1400, $0x38;
	[tilespmem:$0x1BC00] =	vst v63  }
.LBB2_4:
0x5a: {  	_ =	swait.ge [sflag:s19], $0x1400  }
0x5b: {  	[sflag:s19] =	ssyncset.done $0x0  }
0x5c: {  	[sflag:s19] =	ssyncadd.s32 $0xFFFFEC00  }
0x5d: {  	_ =	swait.ge [sflag:s22], $0x1400  }
0x5e: {  	[sflag:s22] =	ssyncset.done $0x0  }
0x5f: {  	s9 =	simm.s32 $0x0;
	[sflag:s22] =	ssyncadd.s32 $0xFFFFEC00  }
0x60: {  	v7 =	vld [tilespmem:s9+$0x5400]  }
0x61: {  	v12 =	vld [tilespmem:s9+$0x5410]  }
0x62: {  	v6 =	vld [tilespmem:s9+$0x5420]  }
0x63: {  	v5 =	vld [tilespmem:s9+$0x5430]  }
0x64: {  	v4 =	vld [tilespmem:s9+$0x5440]  }
0x65: {  	v3 =	vld [tilespmem:s9+$0x5450]  }
0x66: {  	v2 =	vld [tilespmem:s9+$0x5460]  }
0x67: {  	v1 =	vld [tilespmem:s9+$0x5470]  }
0x68: {  	v13 =	vld [tilespmem:s9+$0x400]  }
0x69: {  	v14 =	vld [tilespmem:s9+$0x410]  }
0x6a: {  	v11 =	vld [tilespmem:s9+$0x420]  }
0x6b: {  	v10 =	vld [tilespmem:s9+$0x430]  }
0x6c: {  	v9 =	vld [tilespmem:s9+$0x440]  }
0x6d: {  	v8 =	vld [tilespmem:s9+$0x450];
	v13 =	vadd.f32 v7, v13  }
0x6e: {  	s15 =	simm.s32 $0x200;
	v12 =	vadd.f32 v12, v14;
	v7 =	vld [tilespmem:s9+$0x460]  }
.LBB2_5:
0x6f: {  	s17 =	sshra.s32 s15, $0x2;
	p0 =	sne.s32 s15, $0x4E00;
	v13 =	vmax.f32 v13, $0.0e+00;
	v6 =	vadd.f32 v6, v11;
	v11 =	vld [tilespmem:s9+$0x470]  }
0x70: {  	v14 =	vld [tilespmem:s17+$0x5400];
	[tilespmem:s9+$0x400] =	vst v13;
	v12 =	vmax.f32 v12, $0.0e+00;
	v5 =	vadd.f32 v5, v10  }
0x71: {  	v15 =	vld [tilespmem:s17+$0x5410];
	[tilespmem:s9+$0x410] =	vst v12;
	v10 =	vmax.f32 v6, $0.0e+00;
	v4 =	vadd.f32 v4, v9  }
0x72: {  	v6 =	vld [tilespmem:s17+$0x5420];
	[tilespmem:s9+$0x420] =	vst v10;
	v9 =	vmax.f32 v5, $0.0e+00;
	v3 =	vadd.f32 v3, v8  }
0x73: {  	v5 =	vld [tilespmem:s17+$0x5430];
	[tilespmem:s9+$0x430] =	vst v9;
	v8 =	vmax.f32 v4, $0.0e+00;
	v2 =	vadd.f32 v2, v7  }
0x74: {  	v4 =	vld [tilespmem:s17+$0x5440];
	[tilespmem:s9+$0x440] =	vst v8;
	v7 =	vmax.f32 v3, $0.0e+00;
	v1 =	vadd.f32 v1, v11  }
0x75: {  	v3 =	vld [tilespmem:s17+$0x5450];
	[tilespmem:s9+$0x450] =	vst v7;
	v7 =	vmax.f32 v2, $0.0e+00  }
0x76: {  	v2 =	vld [tilespmem:s17+$0x5460];
	[tilespmem:s9+$0x460] =	vst v7;
	v7 =	vmax.f32 v1, $0.0e+00  }
0x77: {  	v1 =	vld [tilespmem:s17+$0x5470];
	[tilespmem:s9+$0x470] =	vst v7;
	s9 =	smov.u32 s17  }
0x78: {  	v7 =	vld [tilespmem:s9+$0x400]  }
0x79: {  	v12 =	vld [tilespmem:s9+$0x410]  }
.Ltmp1:
0x7a: {  	v11 =	vld [tilespmem:s9+$0x420];
	(pc) =	sbr.rel @p0 .LBB2_5-.Ltmp1, $4  }
0x7b: {  	v10 =	vld [tilespmem:s9+$0x430]  }
0x7c: {  	v9 =	vld [tilespmem:s9+$0x440]  }
0x7d: {  	v13 =	vadd.f32 v14, v7;
	v8 =	vld [tilespmem:s9+$0x450]  }
0x7e: {  	s15 =	sadd.s32 $0x200, s15;
	v12 =	vadd.f32 v15, v12;
	v7 =	vld [tilespmem:s9+$0x460]  }
0x7f: {  	v13 =	vmax.f32 v13, $0.0e+00;
	v6 =	vadd.f32 v6, v11;
	v11 =	vld [tilespmem:s9+$0x470]  }
0x80: {  	[tilespmem:s9+$0x400] =	vst v13;
	v12 =	vmax.f32 v12, $0.0e+00;
	v5 =	vadd.f32 v5, v10  }
0x81: {  	[tilespmem:s9+$0x410] =	vst v12;
	v6 =	vmax.f32 v6, $0.0e+00;
	v4 =	vadd.f32 v4, v9  }
0x82: {  	[tilespmem:s9+$0x420] =	vst v6;
	v5 =	vmax.f32 v5, $0.0e+00;
	v3 =	vadd.f32 v3, v8  }
0x83: {  	[tilespmem:s9+$0x430] =	vst v5;
	v4 =	vmax.f32 v4, $0.0e+00;
	v2 =	vadd.f32 v2, v7  }
0x84: {  	[tilespmem:s9+$0x440] =	vst v4;
	v3 =	vmax.f32 v3, $0.0e+00;
	v1 =	vadd.f32 v1, v11  }
0x85: {  	[tilespmem:s9+$0x450] =	vst v3;
	v2 =	vmax.f32 v2, $0.0e+00  }
0x86: {  	[tilespmem:s9+$0x460] =	vst v2;
	v1 =	vmax.f32 v1, $0.0e+00  }
0x87: {  	[tilespmem:s9+$0x470] =	vst v1  }
0x88: {  	s20 =	smul.u32 $0xA0, s14;
	_ =	swait.ge [sflag:s25], $0x28  }
0x89: {  	[sflag:s25] =	ssyncset.done $0x0;
	s17 =	rddreg [dreg:$0x7]  }
0x8a: {  	[sflag:s25] =	ssyncadd.s32 $0xFFFFFFD8;
	s15 =	sadd.s32 s20, s17  }
0x8b: {  	[spmem:s1] =	stream.indirect.scatter.add.f32 [tilespmem:s28], [sflag:$0xF], $0x80, s29, s11, $0xb8;
	[tilespmem:$0x1BC00] =	vst v63  }
0x8c: {  	s9 =	sshll.u32 s15, $0x4  }
0x8d: {  	s18 =	rddreg [dreg:$0xf];
	s17 =	simm.s32 $0x5400;
	s9 =	sadd.s32 s5, s9  }
0x8e: {  	[tilespmem:s17], [sflag:$0xD] =	stream.linear.gather [hbm4b:s9+s2], $0x1400, $0x38;
	[tilespmem:$0x1BC00] =	vst v63  }
0x8f: {  	s9 =	sadd.s32 s20, s18  }
0x90: {  	p0 =	seq.s32 s14, $0x0;
	s18 =	sshrl.u32 s9, $0x3  }
0x91: {  	s17 =	simm.s32 @!p0 $0x11;
	s28 =	sadd.s32 s6, s18  }
0x92: {  	[tilespmem:s2], [sflag:$0x1] =	stream.linear.gather [hbm4b:s28+s2], $0x28, $0x38;
	[tilespmem:$0x1BC00] =	vst v63  }
0x93: {  	_ =	swait.ge @!p0 [sflag:s17], $0x1400  }
0x94: {  	s15 =	sshrl.u32 s15, $0x3;
	s29 =	simm.s32 $0x300;
	[sflag:s17] =	ssyncset.done @!p0 $0x0  }
0x95: {  	s15 =	sadd.s32 s7, s15;
	[sflag:s17] =	ssyncadd.s32 @!p0 $0xFFFFEC00;
	s17 =	simm.s32 $0x0  }
0x96: {  	[tilespmem:s29], [sflag:$0x7] =	stream.linear.gather [hbm4b:s15+s17], $0x28, $0x38;
	[tilespmem:$0x1BC00] =	vst v63  }
0x97: {  	s17 =	simm.s32 $0x3  }
0x98: {  	_ =	swait.ge [sflag:s17], $0x28  }
0x99: {  	[sflag:s17] =	ssyncset.done $0x0  }
0x9a: {  	s28 =	simm.s32 $0x100;
	s29 =	simm.s32 $0x2C00;
	[sflag:s17] =	ssyncadd.s32 $0xFFFFFFD8  }
0x9b: {  	[tilespmem:s29], [sflag:$0xB] =	stream.indirect.gather [hbm4b:s4+s11], $0x80, s28, s11, $0xb8;
	[tilespmem:$0x1BC00] =	vst v63  }
0x9c: {  	_ =	swait.ge [sflag:s30], $0x1400  }
0x9d: {  	[sflag:s30] =	ssyncset.done $0x0  }
0x9e: {  	[sflag:s30] =	ssyncadd.s32 $0xFFFFEC00  }
0x9f: {  	_ =	swait.ge [sflag:s0], $0x1400  }
0xa0: {  	[sflag:s0] =	ssyncset.done $0x0  }
0xa1: {  	s15 =	simm.s32 $0x0;
	[sflag:s0] =	ssyncadd.s32 $0xFFFFEC00  }
0xa2: {  	v7 =	vld [tilespmem:s15+$0x6800]  }
0xa3: {  	v12 =	vld [tilespmem:s15+$0x6810]  }
0xa4: {  	v6 =	vld [tilespmem:s15+$0x6820]  }
0xa5: {  	v5 =	vld [tilespmem:s15+$0x6830]  }
0xa6: {  	v4 =	vld [tilespmem:s15+$0x6840]  }
0xa7: {  	v3 =	vld [tilespmem:s15+$0x6850]  }
0xa8: {  	v2 =	vld [tilespmem:s15+$0x6860]  }
0xa9: {  	v1 =	vld [tilespmem:s15+$0x6870]  }
0xaa: {  	v13 =	vld [tilespmem:s15+$0x1800]  }
0xab: {  	v14 =	vld [tilespmem:s15+$0x1810]  }
0xac: {  	v11 =	vld [tilespmem:s15+$0x1820]  }
0xad: {  	v10 =	vld [tilespmem:s15+$0x1830]  }
0xae: {  	v9 =	vld [tilespmem:s15+$0x1840]  }
0xaf: {  	v8 =	vld [tilespmem:s15+$0x1850];
	v13 =	vadd.f32 v7, v13  }
0xb0: {  	s17 =	simm.s32 $0x200;
	v12 =	vadd.f32 v12, v14;
	v7 =	vld [tilespmem:s15+$0x1860]  }
.LBB2_7:
0xb1: {  	s29 =	sshra.s32 s17, $0x2;
	p1 =	sne.s32 s17, $0x4E00;
	v13 =	vmax.f32 v13, $0.0e+00;
	v6 =	vadd.f32 v6, v11;
	v11 =	vld [tilespmem:s15+$0x1870]  }
0xb2: {  	v14 =	vld [tilespmem:s29+$0x6800];
	[tilespmem:s15+$0x1800] =	vst v13;
	v12 =	vmax.f32 v12, $0.0e+00;
	v5 =	vadd.f32 v5, v10  }
0xb3: {  	v15 =	vld [tilespmem:s29+$0x6810];
	[tilespmem:s15+$0x1810] =	vst v12;
	v10 =	vmax.f32 v6, $0.0e+00;
	v4 =	vadd.f32 v4, v9  }
0xb4: {  	v6 =	vld [tilespmem:s29+$0x6820];
	[tilespmem:s15+$0x1820] =	vst v10;
	v9 =	vmax.f32 v5, $0.0e+00;
	v3 =	vadd.f32 v3, v8  }
0xb5: {  	v5 =	vld [tilespmem:s29+$0x6830];
	[tilespmem:s15+$0x1830] =	vst v9;
	v8 =	vmax.f32 v4, $0.0e+00;
	v2 =	vadd.f32 v2, v7  }
0xb6: {  	v4 =	vld [tilespmem:s29+$0x6840];
	[tilespmem:s15+$0x1840] =	vst v8;
	v7 =	vmax.f32 v3, $0.0e+00;
	v1 =	vadd.f32 v1, v11  }
0xb7: {  	v3 =	vld [tilespmem:s29+$0x6850];
	[tilespmem:s15+$0x1850] =	vst v7;
	v7 =	vmax.f32 v2, $0.0e+00  }
0xb8: {  	v2 =	vld [tilespmem:s29+$0x6860];
	[tilespmem:s15+$0x1860] =	vst v7;
	v7 =	vmax.f32 v1, $0.0e+00  }
0xb9: {  	v1 =	vld [tilespmem:s29+$0x6870];
	[tilespmem:s15+$0x1870] =	vst v7;
	s15 =	smov.u32 s29  }
0xba: {  	v7 =	vld [tilespmem:s15+$0x1800]  }
0xbb: {  	v12 =	vld [tilespmem:s15+$0x1810]  }
.Ltmp2:
0xbc: {  	v11 =	vld [tilespmem:s15+$0x1820];
	(pc) =	sbr.rel @p1 .LBB2_7-.Ltmp2, $4  }
0xbd: {  	v10 =	vld [tilespmem:s15+$0x1830]  }
0xbe: {  	v9 =	vld [tilespmem:s15+$0x1840]  }
0xbf: {  	v13 =	vadd.f32 v14, v7;
	v8 =	vld [tilespmem:s15+$0x1850]  }
0xc0: {  	s17 =	sadd.s32 $0x200, s17;
	v12 =	vadd.f32 v15, v12;
	v7 =	vld [tilespmem:s15+$0x1860]  }
0xc1: {  	v13 =	vmax.f32 v13, $0.0e+00;
	v6 =	vadd.f32 v6, v11;
	v11 =	vld [tilespmem:s15+$0x1870]  }
0xc2: {  	[tilespmem:s15+$0x1800] =	vst v13;
	v12 =	vmax.f32 v12, $0.0e+00;
	v5 =	vadd.f32 v5, v10  }
0xc3: {  	[tilespmem:s15+$0x1810] =	vst v12;
	v6 =	vmax.f32 v6, $0.0e+00;
	v4 =	vadd.f32 v4, v9  }
0xc4: {  	[tilespmem:s15+$0x1820] =	vst v6;
	v5 =	vmax.f32 v5, $0.0e+00;
	v3 =	vadd.f32 v3, v8  }
0xc5: {  	[tilespmem:s15+$0x1830] =	vst v5;
	v4 =	vmax.f32 v4, $0.0e+00;
	v2 =	vadd.f32 v2, v7  }
0xc6: {  	[tilespmem:s15+$0x1840] =	vst v4;
	v3 =	vmax.f32 v3, $0.0e+00;
	v1 =	vadd.f32 v1, v11  }
0xc7: {  	[tilespmem:s15+$0x1850] =	vst v3;
	v2 =	vmax.f32 v2, $0.0e+00  }
0xc8: {  	[tilespmem:s15+$0x1860] =	vst v2;
	v1 =	vmax.f32 v1, $0.0e+00  }
0xc9: {  	[tilespmem:s15+$0x1870] =	vst v1  }
0xca: {  	_ =	swait.ge [sflag:s3], $0x28  }
0xcb: {  	[sflag:s3] =	ssyncset.done $0x0;
	s17 =	rddreg [dreg:$0x8]  }
0xcc: {  	s28 =	simm.s32 $0x1800;
	[sflag:s3] =	ssyncadd.s32 $0xFFFFFFD8;
	s17 =	sadd.s32 s20, s17  }
0xcd: {  	[spmem:s1] =	stream.indirect.scatter.add.f32 [tilespmem:s28], [sflag:$0x10], $0x80, s31, s11, $0xb8;
	[tilespmem:$0x1BC00] =	vst v63  }
0xce: {  	s15 =	sshll.u32 s17, $0x4  }
0xcf: {  	s28 =	simm.s32 $0x6800;
	s15 =	sadd.s32 s5, s15  }
0xd0: {  	[tilespmem:s28], [sflag:$0xE] =	stream.linear.gather [hbm4b:s15+s2], $0x1400, $0x38;
	[tilespmem:$0x1BC00] =	vst v63  }
0xd1: {  	s28 =	rddreg [dreg:$0x10]  }
0xd2: {  	s15 =	sadd.s32 s20, s28  }
0xd3: {  	s31 =	sshrl.u32 s15, $0x3  }
0xd4: {  	s29 =	sadd.s32 s6, s31  }
0xd5: {  	[tilespmem:s13], [sflag:$0x2] =	stream.linear.gather [hbm4b:s29+s2], $0x28, $0x38;
	[tilespmem:$0x1BC00] =	vst v63  }
0xd6: {  	s29 =	simm.s32 @!p0 $0x12  }
0xd7: {  	s17 =	sshrl.u32 s17, $0x3;
	_ =	swait.ge @!p0 [sflag:s29], $0x1400  }
0xd8: {  	s17 =	sadd.s32 s7, s17;
	[sflag:s29] =	ssyncset.done @!p0 $0x0  }
0xd9: {  	s28 =	simm.s32 $0x380;
	[sflag:s29] =	ssyncadd.s32 @!p0 $0xFFFFEC00;
	s29 =	simm.s32 $0x0  }
0xda: {  	[tilespmem:s28], [sflag:$0x8] =	stream.linear.gather [hbm4b:s17+s29], $0x28, $0x38;
	[tilespmem:$0x1BC00] =	vst v63  }
0xdb: {  	s28 =	simm.s32 $0x4  }
0xdc: {  	_ =	swait.ge [sflag:s28], $0x28  }
0xdd: {  	[sflag:s28] =	ssyncset.done $0x0  }
0xde: {  	s17 =	simm.s32 $0x180;
	[sflag:s28] =	ssyncadd.s32 $0xFFFFFFD8;
	s28 =	simm.s32 $0x4000  }
0xdf: {  	[tilespmem:s28], [sflag:$0xC] =	stream.indirect.gather [hbm4b:s4+s11], $0x80, s17, s11, $0xb8;
	[tilespmem:$0x1BC00] =	vst v63  }
0xe0: {  	_ =	swait.ge [sflag:s21], $0x1400  }
0xe1: {  	[sflag:s21] =	ssyncset.done $0x0  }
0xe2: {  	[sflag:s21] =	ssyncadd.s32 $0xFFFFEC00  }
0xe3: {  	_ =	swait.ge [sflag:s22], $0x1400  }
0xe4: {  	[sflag:s22] =	ssyncset.done $0x0  }
0xe5: {  	s17 =	simm.s32 $0x0;
	[sflag:s22] =	ssyncadd.s32 $0xFFFFEC00  }
0xe6: {  	v7 =	vld [tilespmem:s17+$0x5400]  }
0xe7: {  	v12 =	vld [tilespmem:s17+$0x5410]  }
0xe8: {  	v6 =	vld [tilespmem:s17+$0x5420]  }
0xe9: {  	v5 =	vld [tilespmem:s17+$0x5430]  }
0xea: {  	v4 =	vld [tilespmem:s17+$0x5440]  }
0xeb: {  	v3 =	vld [tilespmem:s17+$0x5450]  }
0xec: {  	v2 =	vld [tilespmem:s17+$0x5460]  }
0xed: {  	v1 =	vld [tilespmem:s17+$0x5470]  }
0xee: {  	v13 =	vld [tilespmem:s17+$0x2C00]  }
0xef: {  	v14 =	vld [tilespmem:s17+$0x2C10]  }
0xf0: {  	v11 =	vld [tilespmem:s17+$0x2C20]  }
0xf1: {  	v10 =	vld [tilespmem:s17+$0x2C30]  }
0xf2: {  	v9 =	vld [tilespmem:s17+$0x2C40]  }
0xf3: {  	v8 =	vld [tilespmem:s17+$0x2C50];
	v13 =	vadd.f32 v7, v13  }
0xf4: {  	s29 =	simm.s32 $0x200;
	v12 =	vadd.f32 v12, v14;
	v7 =	vld [tilespmem:s17+$0x2C60]  }
.LBB2_9:
0xf5: {  	s28 =	sshra.s32 s29, $0x2;
	p0 =	sne.s32 s29, $0x4E00;
	v13 =	vmax.f32 v13, $0.0e+00;
	v6 =	vadd.f32 v6, v11;
	v11 =	vld [tilespmem:s17+$0x2C70]  }
0xf6: {  	v14 =	vld [tilespmem:s28+$0x5400];
	[tilespmem:s17+$0x2C00] =	vst v13;
	v12 =	vmax.f32 v12, $0.0e+00;
	v5 =	vadd.f32 v5, v10  }
0xf7: {  	v15 =	vld [tilespmem:s28+$0x5410];
	[tilespmem:s17+$0x2C10] =	vst v12;
	v10 =	vmax.f32 v6, $0.0e+00;
	v4 =	vadd.f32 v4, v9  }
0xf8: {  	v6 =	vld [tilespmem:s28+$0x5420];
	[tilespmem:s17+$0x2C20] =	vst v10;
	v9 =	vmax.f32 v5, $0.0e+00;
	v3 =	vadd.f32 v3, v8  }
0xf9: {  	v5 =	vld [tilespmem:s28+$0x5430];
	[tilespmem:s17+$0x2C30] =	vst v9;
	v8 =	vmax.f32 v4, $0.0e+00;
	v2 =	vadd.f32 v2, v7  }
0xfa: {  	v4 =	vld [tilespmem:s28+$0x5440];
	[tilespmem:s17+$0x2C40] =	vst v8;
	v7 =	vmax.f32 v3, $0.0e+00;
	v1 =	vadd.f32 v1, v11  }
0xfb: {  	v3 =	vld [tilespmem:s28+$0x5450];
	[tilespmem:s17+$0x2C50] =	vst v7;
	v7 =	vmax.f32 v2, $0.0e+00  }
0xfc: {  	v2 =	vld [tilespmem:s28+$0x5460];
	[tilespmem:s17+$0x2C60] =	vst v7;
	v7 =	vmax.f32 v1, $0.0e+00  }
0xfd: {  	v1 =	vld [tilespmem:s28+$0x5470];
	[tilespmem:s17+$0x2C70] =	vst v7;
	s17 =	smov.u32 s28  }
0xfe: {  	v7 =	vld [tilespmem:s17+$0x2C00]  }
0xff: {  	v12 =	vld [tilespmem:s17+$0x2C10]  }
.Ltmp3:
0x100: {  	v11 =	vld [tilespmem:s17+$0x2C20];
	(pc) =	sbr.rel @p0 .LBB2_9-.Ltmp3, $4  }
0x101: {  	v10 =	vld [tilespmem:s17+$0x2C30]  }
0x102: {  	v9 =	vld [tilespmem:s17+$0x2C40]  }
0x103: {  	v13 =	vadd.f32 v14, v7;
	v8 =	vld [tilespmem:s17+$0x2C50]  }
0x104: {  	s29 =	sadd.s32 $0x200, s29;
	v12 =	vadd.f32 v15, v12;
	v7 =	vld [tilespmem:s17+$0x2C60]  }
0x105: {  	v13 =	vmax.f32 v13, $0.0e+00;
	v6 =	vadd.f32 v6, v11;
	v11 =	vld [tilespmem:s17+$0x2C70]  }
0x106: {  	[tilespmem:s17+$0x2C00] =	vst v13;
	v12 =	vmax.f32 v12, $0.0e+00;
	v5 =	vadd.f32 v5, v10  }
0x107: {  	[tilespmem:s17+$0x2C10] =	vst v12;
	v6 =	vmax.f32 v6, $0.0e+00;
	v4 =	vadd.f32 v4, v9  }
0x108: {  	[tilespmem:s17+$0x2C20] =	vst v6;
	v5 =	vmax.f32 v5, $0.0e+00;
	v3 =	vadd.f32 v3, v8  }
0x109: {  	[tilespmem:s17+$0x2C30] =	vst v5;
	v4 =	vmax.f32 v4, $0.0e+00;
	v2 =	vadd.f32 v2, v7  }
0x10a: {  	[tilespmem:s17+$0x2C40] =	vst v4;
	v3 =	vmax.f32 v3, $0.0e+00;
	v1 =	vadd.f32 v1, v11  }
0x10b: {  	[tilespmem:s17+$0x2C50] =	vst v3;
	v2 =	vmax.f32 v2, $0.0e+00  }
0x10c: {  	[tilespmem:s17+$0x2C60] =	vst v2;
	v1 =	vmax.f32 v1, $0.0e+00  }
0x10d: {  	[tilespmem:s17+$0x2C70] =	vst v1  }
0x10e: {  	_ =	swait.ge [sflag:s23], $0x28  }
0x10f: {  	s28 =	simm.s32 $0x2C00;
	[sflag:s23] =	ssyncset.done $0x0  }
0x110: {  	s9 =	sshll.u32 s9, $0x4;
	s17 =	simm.s32 $0x300;
	[sflag:s23] =	ssyncadd.s32 $0xFFFFFFD8  }
0x111: {  	[spmem:s1] =	stream.indirect.scatter.add.f32 [tilespmem:s28], [sflag:$0x11], $0x80, s17, s11, $0xb8;
	[tilespmem:$0x1BC00] =	vst v63  }
0x112: {  	s9 =	sadd.s32 s5, s9;
	s17 =	simm.s32 $0x5400  }
0x113: {  	[tilespmem:s17], [sflag:$0xD] =	stream.linear.gather [hbm4b:s9+s2], $0x1400, $0x38;
	[tilespmem:$0x1BC00] =	vst v63  }
0x114: {  	p0 =	seq.s32 s14, $0x3D;
	s9 =	rddreg [dreg:$0x12]  }
0x115: {  	s9 =	sadd.s32 @!p0 s20, s9  }
0x116: {  	s9 =	sshrl.u32 @!p0 s9, $0x3  }
0x117: {  	s28 =	simm.s32 @!p0 $0x100;
	s17 =	simm.s32 @!p0 $0x0;
	s9 =	sadd.s32 @!p0 s6, s9  }
0x118: {  	[tilespmem:s28], [sflag:$0x3] =	stream.linear.gather @!p0 [hbm4b:s9+s17], $0x28, $0x38;
	[tilespmem:$0x1BC00] =	vst v63  }
0x119: {  	_ =	swait.ge [sflag:s24], $0x1400  }
0x11a: {  	s29 =	simm.s32 $0x200;
	[sflag:s24] =	ssyncset.done $0x0  }
0x11b: {  	s17 =	sadd.s32 s7, s18;
	s18 =	simm.s32 $0x0;
	[sflag:s24] =	ssyncadd.s32 $0xFFFFEC00  }
0x11c: {  	[tilespmem:s29], [sflag:$0x5] =	stream.linear.gather [hbm4b:s17+s18], $0x28, $0x38;
	[tilespmem:$0x1BC00] =	vst v63  }
0x11d: {  	_ =	swait.ge [sflag:s10], $0x28  }
0x11e: {  	[sflag:s10] =	ssyncset.done $0x0  }
0x11f: {  	s28 =	simm.s32 $0x400;
	[sflag:s10] =	ssyncadd.s32 $0xFFFFFFD8  }
0x120: {  	[tilespmem:s28], [sflag:$0x9] =	stream.indirect.gather [hbm4b:s4+s11], $0x80, s18, s11, $0xb8;
	[tilespmem:$0x1BC00] =	vst v63  }
0x121: {  	_ =	swait.ge [sflag:s26], $0x1400  }
0x122: {  	[sflag:s26] =	ssyncset.done $0x0  }
0x123: {  	[sflag:s26] =	ssyncadd.s32 $0xFFFFEC00  }
0x124: {  	_ =	swait.ge [sflag:s0], $0x1400  }
0x125: {  	[sflag:s0] =	ssyncset.done $0x0  }
0x126: {  	s9 =	simm.s32 $0x0;
	[sflag:s0] =	ssyncadd.s32 $0xFFFFEC00  }
0x127: {  	v7 =	vld [tilespmem:s9+$0x6800]  }
0x128: {  	v12 =	vld [tilespmem:s9+$0x6810]  }
0x129: {  	v6 =	vld [tilespmem:s9+$0x6820]  }
0x12a: {  	v5 =	vld [tilespmem:s9+$0x6830]  }
0x12b: {  	v4 =	vld [tilespmem:s9+$0x6840]  }
0x12c: {  	v3 =	vld [tilespmem:s9+$0x6850]  }
0x12d: {  	v2 =	vld [tilespmem:s9+$0x6860]  }
0x12e: {  	v1 =	vld [tilespmem:s9+$0x6870]  }
0x12f: {  	v13 =	vld [tilespmem:s9+$0x4000]  }
0x130: {  	v14 =	vld [tilespmem:s9+$0x4010]  }
0x131: {  	v11 =	vld [tilespmem:s9+$0x4020]  }
0x132: {  	v10 =	vld [tilespmem:s9+$0x4030]  }
0x133: {  	v9 =	vld [tilespmem:s9+$0x4040]  }
0x134: {  	v8 =	vld [tilespmem:s9+$0x4050];
	v13 =	vadd.f32 v7, v13  }
0x135: {  	s17 =	simm.s32 $0x200;
	v12 =	vadd.f32 v12, v14;
	v7 =	vld [tilespmem:s9+$0x4060]  }
.LBB2_11:
0x136: {  	s18 =	sshra.s32 s17, $0x2;
	p1 =	sne.s32 s17, $0x4E00;
	v13 =	vmax.f32 v13, $0.0e+00;
	v6 =	vadd.f32 v6, v11;
	v11 =	vld [tilespmem:s9+$0x4070]  }
0x137: {  	v14 =	vld [tilespmem:s18+$0x6800];
	[tilespmem:s9+$0x4000] =	vst v13;
	v12 =	vmax.f32 v12, $0.0e+00;
	v5 =	vadd.f32 v5, v10  }
0x138: {  	v15 =	vld [tilespmem:s18+$0x6810];
	[tilespmem:s9+$0x4010] =	vst v12;
	v10 =	vmax.f32 v6, $0.0e+00;
	v4 =	vadd.f32 v4, v9  }
0x139: {  	v6 =	vld [tilespmem:s18+$0x6820];
	[tilespmem:s9+$0x4020] =	vst v10;
	v9 =	vmax.f32 v5, $0.0e+00;
	v3 =	vadd.f32 v3, v8  }
0x13a: {  	v5 =	vld [tilespmem:s18+$0x6830];
	[tilespmem:s9+$0x4030] =	vst v9;
	v8 =	vmax.f32 v4, $0.0e+00;
	v2 =	vadd.f32 v2, v7  }
0x13b: {  	v4 =	vld [tilespmem:s18+$0x6840];
	[tilespmem:s9+$0x4040] =	vst v8;
	v7 =	vmax.f32 v3, $0.0e+00;
	v1 =	vadd.f32 v1, v11  }
0x13c: {  	v3 =	vld [tilespmem:s18+$0x6850];
	[tilespmem:s9+$0x4050] =	vst v7;
	v7 =	vmax.f32 v2, $0.0e+00  }
0x13d: {  	v2 =	vld [tilespmem:s18+$0x6860];
	[tilespmem:s9+$0x4060] =	vst v7;
	v7 =	vmax.f32 v1, $0.0e+00  }
0x13e: {  	v1 =	vld [tilespmem:s18+$0x6870];
	[tilespmem:s9+$0x4070] =	vst v7;
	s9 =	smov.u32 s18  }
0x13f: {  	v7 =	vld [tilespmem:s9+$0x4000]  }
0x140: {  	v12 =	vld [tilespmem:s9+$0x4010]  }
.Ltmp4:
0x141: {  	v11 =	vld [tilespmem:s9+$0x4020];
	(pc) =	sbr.rel @p1 .LBB2_11-.Ltmp4, $4  }
0x142: {  	v10 =	vld [tilespmem:s9+$0x4030]  }
0x143: {  	v9 =	vld [tilespmem:s9+$0x4040]  }
0x144: {  	v13 =	vadd.f32 v14, v7;
	v8 =	vld [tilespmem:s9+$0x4050]  }
0x145: {  	s17 =	sadd.s32 $0x200, s17;
	v12 =	vadd.f32 v15, v12;
	v7 =	vld [tilespmem:s9+$0x4060]  }
0x146: {  	v13 =	vmax.f32 v13, $0.0e+00;
	v6 =	vadd.f32 v6, v11;
	v63 =	vld [tilespmem:s9+$0x4070]  }
0x147: {  	[tilespmem:s9+$0x4000] =	vst v13;
	v12 =	vmax.f32 v12, $0.0e+00;
	v5 =	vadd.f32 v5, v10  }
0x148: {  	[tilespmem:s9+$0x4010] =	vst v12;
	v6 =	vmax.f32 v6, $0.0e+00;
	v4 =	vadd.f32 v4, v9  }
0x149: {  	[tilespmem:s9+$0x4020] =	vst v6;
	v5 =	vmax.f32 v5, $0.0e+00;
	v3 =	vadd.f32 v3, v8  }
0x14a: {  	[tilespmem:s9+$0x4030] =	vst v5;
	v4 =	vmax.f32 v4, $0.0e+00;
	v2 =	vadd.f32 v2, v7  }
0x14b: {  	[tilespmem:s9+$0x4040] =	vst v4;
	v3 =	vmax.f32 v3, $0.0e+00;
	v1 =	vadd.f32 v1, v63  }
0x14c: {  	[tilespmem:s9+$0x4050] =	vst v3;
	v2 =	vmax.f32 v2, $0.0e+00  }
0x14d: {  	[tilespmem:s9+$0x4060] =	vst v2;
	v1 =	vmax.f32 v1, $0.0e+00  }
0x14e: {  	[tilespmem:s9+$0x4070] =	vst v1  }
0x14f: {  	_ =	swait.ge [sflag:s8], $0x28  }
0x150: {  	s18 =	simm.s32 $0x380;
	[sflag:s8] =	ssyncset.done $0x0  }
0x151: {  	s17 =	simm.s32 $0x4000;
	s15 =	sshll.u32 s15, $0x4;
	[sflag:s8] =	ssyncadd.s32 $0xFFFFFFD8  }
0x152: {  	[spmem:s1] =	stream.indirect.scatter.add.f32 [tilespmem:s17], [sflag:$0x12], $0x80, s18, s11, $0xb8;
	[tilespmem:$0x1BC00] =	vst v63  }
0x153: {  	s9 =	sadd.s32 s5, s15;
	s17 =	simm.s32 $0x6800  }
0x154: {  	[tilespmem:s17], [sflag:$0xE] =	stream.linear.gather [hbm4b:s9+s2], $0x1400, $0x38;
	[tilespmem:$0x1BC00] =	vst v63  }
0x155: {  	s9 =	rddreg [dreg:$0x13]  }
0x156: {  	s9 =	sadd.s32 @!p0 s20, s9  }
0x157: {  	s9 =	sshrl.u32 @!p0 s9, $0x3  }
0x158: {  	s15 =	simm.s32 @!p0 $0x0;
	s17 =	simm.s32 @!p0 $0x180;
	s9 =	sadd.s32 @!p0 s6, s9  }
0x159: {  	[tilespmem:s17], [sflag:$0x4] =	stream.linear.gather @!p0 [hbm4b:s9+s15], $0x28, $0x38;
	[tilespmem:$0x1BC00] =	vst v63  }
0x15a: {  	_ =	swait.ge [sflag:s12], $0x1400  }
0x15b: {  	s14 =	sadd.s32 $0x1, s14;
	s18 =	sadd.s32 s7, s31;
	[sflag:s12] =	ssyncset.done $0x0  }
0x15c: {  	s31 =	simm.s32 $0x280;
	p0 =	sne.s32 s14, $0x3E;
	[sflag:s12] =	ssyncadd.s32 $0xFFFFEC00  }
0x15d: {  	[tilespmem:s31], [sflag:$0x6] =	stream.linear.gather [hbm4b:s18+s2], $0x28, $0x38;
	[tilespmem:$0x1BC00] =	vst v63  }
.Ltmp5:
0x15e: {  	_ = 	snop;
	(pc) =	sbr.rel @p0 .LBB2_4-.Ltmp5, $4  }
0x15f: {  	_ =	swait.ge [sflag:s16], $0x28  }
0x160: {  	[sflag:s16] =	ssyncset.done $0x0  }
0x161: {  	s20 =	simm.s32 $0x1800;
	[sflag:s16] =	ssyncadd.s32 $0xFFFFFFD8  }
0x162: {  	[tilespmem:s20], [sflag:$0xA] =	stream.indirect.gather [hbm4b:s4+s11], $0x80, s13, s11, $0xb8;
	[tilespmem:$0x1BC00] =	vst v63  }
0x163: {  	_ =	swait.ge [sflag:s19], $0x1400  }
0x164: {  	[sflag:s19] =	ssyncset.done $0x0  }
0x165: {  	[sflag:s19] =	ssyncadd.s32 $0xFFFFEC00  }
0x166: {  	_ =	swait.ge [sflag:s22], $0x1400  }
0x167: {  	[sflag:s22] =	ssyncset.done $0x0  }
0x168: {  	s9 =	simm.s32 $0x0;
	[sflag:s22] =	ssyncadd.s32 $0xFFFFEC00  }
0x169: {  	v7 =	vld [tilespmem:s9+$0x5400]  }
0x16a: {  	v12 =	vld [tilespmem:s9+$0x5410]  }
0x16b: {  	v6 =	vld [tilespmem:s9+$0x5420]  }
0x16c: {  	v5 =	vld [tilespmem:s9+$0x5430]  }
0x16d: {  	v4 =	vld [tilespmem:s9+$0x5440]  }
0x16e: {  	v3 =	vld [tilespmem:s9+$0x5450]  }
0x16f: {  	v2 =	vld [tilespmem:s9+$0x5460]  }
0x170: {  	v1 =	vld [tilespmem:s9+$0x5470]  }
0x171: {  	v13 =	vld [tilespmem:s9+$0x400]  }
0x172: {  	v14 =	vld [tilespmem:s9+$0x410]  }
0x173: {  	v11 =	vld [tilespmem:s9+$0x420]  }
0x174: {  	v10 =	vld [tilespmem:s9+$0x430]  }
0x175: {  	v9 =	vld [tilespmem:s9+$0x440]  }
0x176: {  	v8 =	vld [tilespmem:s9+$0x450];
	v13 =	vadd.f32 v7, v13  }
0x177: {  	s14 =	simm.s32 $0x200;
	s13 =	rddreg [dreg:$0x17];
	v12 =	vadd.f32 v12, v14;
	v7 =	vld [tilespmem:s9+$0x460]  }
.LBB2_14:
0x178: {  	s15 =	sshra.s32 s14, $0x2;
	p0 =	sne.s32 s14, $0x4E00;
	v13 =	vmax.f32 v13, $0.0e+00;
	v6 =	vadd.f32 v6, v11;
	v11 =	vld [tilespmem:s9+$0x470]  }
0x179: {  	v14 =	vld [tilespmem:s15+$0x5400];
	[tilespmem:s9+$0x400] =	vst v13;
	v12 =	vmax.f32 v12, $0.0e+00;
	v5 =	vadd.f32 v5, v10  }
0x17a: {  	v15 =	vld [tilespmem:s15+$0x5410];
	[tilespmem:s9+$0x410] =	vst v12;
	v10 =	vmax.f32 v6, $0.0e+00;
	v4 =	vadd.f32 v4, v9  }
0x17b: {  	v6 =	vld [tilespmem:s15+$0x5420];
	[tilespmem:s9+$0x420] =	vst v10;
	v9 =	vmax.f32 v5, $0.0e+00;
	v3 =	vadd.f32 v3, v8  }
0x17c: {  	v5 =	vld [tilespmem:s15+$0x5430];
	[tilespmem:s9+$0x430] =	vst v9;
	v8 =	vmax.f32 v4, $0.0e+00;
	v2 =	vadd.f32 v2, v7  }
0x17d: {  	v4 =	vld [tilespmem:s15+$0x5440];
	[tilespmem:s9+$0x440] =	vst v8;
	v7 =	vmax.f32 v3, $0.0e+00;
	v1 =	vadd.f32 v1, v11  }
0x17e: {  	v3 =	vld [tilespmem:s15+$0x5450];
	[tilespmem:s9+$0x450] =	vst v7;
	v7 =	vmax.f32 v2, $0.0e+00  }
0x17f: {  	v2 =	vld [tilespmem:s15+$0x5460];
	[tilespmem:s9+$0x460] =	vst v7;
	v7 =	vmax.f32 v1, $0.0e+00  }
0x180: {  	v1 =	vld [tilespmem:s15+$0x5470];
	[tilespmem:s9+$0x470] =	vst v7;
	s9 =	smov.u32 s15  }
0x181: {  	v7 =	vld [tilespmem:s9+$0x400]  }
0x182: {  	v12 =	vld [tilespmem:s9+$0x410]  }
.Ltmp6:
0x183: {  	v11 =	vld [tilespmem:s9+$0x420];
	(pc) =	sbr.rel @p0 .LBB2_14-.Ltmp6, $4  }
0x184: {  	v10 =	vld [tilespmem:s9+$0x430]  }
0x185: {  	v9 =	vld [tilespmem:s9+$0x440]  }
0x186: {  	v13 =	vadd.f32 v14, v7;
	v8 =	vld [tilespmem:s9+$0x450]  }
0x187: {  	s14 =	sadd.s32 $0x200, s14;
	v12 =	vadd.f32 v15, v12;
	v7 =	vld [tilespmem:s9+$0x460]  }
0x188: {  	v13 =	vmax.f32 v13, $0.0e+00;
	v6 =	vadd.f32 v6, v11;
	v11 =	vld [tilespmem:s9+$0x470]  }
0x189: {  	[tilespmem:s9+$0x400] =	vst v13;
	v12 =	vmax.f32 v12, $0.0e+00;
	v5 =	vadd.f32 v5, v10  }
0x18a: {  	[tilespmem:s9+$0x410] =	vst v12;
	v6 =	vmax.f32 v6, $0.0e+00;
	v4 =	vadd.f32 v4, v9  }
0x18b: {  	[tilespmem:s9+$0x420] =	vst v6;
	v5 =	vmax.f32 v5, $0.0e+00;
	v3 =	vadd.f32 v3, v8  }
0x18c: {  	[tilespmem:s9+$0x430] =	vst v5;
	v4 =	vmax.f32 v4, $0.0e+00;
	v2 =	vadd.f32 v2, v7  }
0x18d: {  	[tilespmem:s9+$0x440] =	vst v4;
	v3 =	vmax.f32 v3, $0.0e+00;
	v1 =	vadd.f32 v1, v11  }
0x18e: {  	[tilespmem:s9+$0x450] =	vst v3;
	v2 =	vmax.f32 v2, $0.0e+00  }
0x18f: {  	[tilespmem:s9+$0x460] =	vst v2;
	v1 =	vmax.f32 v1, $0.0e+00  }
0x190: {  	[tilespmem:s9+$0x470] =	vst v1  }
0x191: {  	_ =	swait.ge [sflag:s25], $0x28  }
0x192: {  	[sflag:s25] =	ssyncset.done $0x0  }
0x193: {  	[sflag:s25] =	ssyncadd.s32 $0xFFFFFFD8  }
0x194: {  	[spmem:s1] =	stream.indirect.scatter.add.f32 [tilespmem:s28], [sflag:$0xF], $0x80, s29, s11, $0xb8;
	[tilespmem:$0x1BC00] =	vst v63  }
0x195: {  	_ =	swait.ge [sflag:s30], $0x1400  }
0x196: {  	[sflag:s30] =	ssyncset.done $0x0  }
0x197: {  	[sflag:s30] =	ssyncadd.s32 $0xFFFFEC00  }
0x198: {  	_ =	swait.ge [sflag:s0], $0x1400  }
0x199: {  	[sflag:s0] =	ssyncset.done $0x0  }
0x19a: {  	s9 =	simm.s32 $0x0;
	[sflag:s0] =	ssyncadd.s32 $0xFFFFEC00  }
0x19b: {  	v7 =	vld [tilespmem:s9+$0x6800]  }
0x19c: {  	v12 =	vld [tilespmem:s9+$0x6810]  }
0x19d: {  	v6 =	vld [tilespmem:s9+$0x6820]  }
0x19e: {  	v5 =	vld [tilespmem:s9+$0x6830]  }
0x19f: {  	v4 =	vld [tilespmem:s9+$0x6840]  }
0x1a0: {  	v3 =	vld [tilespmem:s9+$0x6850]  }
0x1a1: {  	v2 =	vld [tilespmem:s9+$0x6860]  }
0x1a2: {  	v1 =	vld [tilespmem:s9+$0x6870]  }
0x1a3: {  	v13 =	vld [tilespmem:s9+$0x1800]  }
0x1a4: {  	v14 =	vld [tilespmem:s9+$0x1810]  }
0x1a5: {  	v11 =	vld [tilespmem:s9+$0x1820]  }
0x1a6: {  	v10 =	vld [tilespmem:s9+$0x1830]  }
0x1a7: {  	v9 =	vld [tilespmem:s9+$0x1840]  }
0x1a8: {  	v8 =	vld [tilespmem:s9+$0x1850];
	v13 =	vadd.f32 v7, v13  }
0x1a9: {  	s14 =	simm.s32 $0x200;
	s17 =	rddreg [dreg:$0x3];
	v12 =	vadd.f32 v12, v14;
	v7 =	vld [tilespmem:s9+$0x1860]  }
.LBB2_16:
0x1aa: {  	s15 =	sshra.s32 s14, $0x2;
	p0 =	sne.s32 s14, $0x4E00;
	v13 =	vmax.f32 v13, $0.0e+00;
	v6 =	vadd.f32 v6, v11;
	v11 =	vld [tilespmem:s9+$0x1870]  }
0x1ab: {  	v14 =	vld [tilespmem:s15+$0x6800];
	[tilespmem:s9+$0x1800] =	vst v13;
	v12 =	vmax.f32 v12, $0.0e+00;
	v5 =	vadd.f32 v5, v10  }
0x1ac: {  	v15 =	vld [tilespmem:s15+$0x6810];
	[tilespmem:s9+$0x1810] =	vst v12;
	v10 =	vmax.f32 v6, $0.0e+00;
	v4 =	vadd.f32 v4, v9  }
0x1ad: {  	v6 =	vld [tilespmem:s15+$0x6820];
	[tilespmem:s9+$0x1820] =	vst v10;
	v9 =	vmax.f32 v5, $0.0e+00;
	v3 =	vadd.f32 v3, v8  }
0x1ae: {  	v5 =	vld [tilespmem:s15+$0x6830];
	[tilespmem:s9+$0x1830] =	vst v9;
	v8 =	vmax.f32 v4, $0.0e+00;
	v2 =	vadd.f32 v2, v7  }
0x1af: {  	v4 =	vld [tilespmem:s15+$0x6840];
	[tilespmem:s9+$0x1840] =	vst v8;
	v7 =	vmax.f32 v3, $0.0e+00;
	v1 =	vadd.f32 v1, v11  }
0x1b0: {  	v3 =	vld [tilespmem:s15+$0x6850];
	[tilespmem:s9+$0x1850] =	vst v7;
	v7 =	vmax.f32 v2, $0.0e+00  }
0x1b1: {  	v2 =	vld [tilespmem:s15+$0x6860];
	[tilespmem:s9+$0x1860] =	vst v7;
	v7 =	vmax.f32 v1, $0.0e+00  }
0x1b2: {  	v1 =	vld [tilespmem:s15+$0x6870];
	[tilespmem:s9+$0x1870] =	vst v7;
	s9 =	smov.u32 s15  }
0x1b3: {  	v7 =	vld [tilespmem:s9+$0x1800]  }
0x1b4: {  	v12 =	vld [tilespmem:s9+$0x1810]  }
.Ltmp7:
0x1b5: {  	v11 =	vld [tilespmem:s9+$0x1820];
	(pc) =	sbr.rel @p0 .LBB2_16-.Ltmp7, $4  }
0x1b6: {  	v10 =	vld [tilespmem:s9+$0x1830]  }
0x1b7: {  	v9 =	vld [tilespmem:s9+$0x1840]  }
0x1b8: {  	v13 =	vadd.f32 v14, v7;
	v8 =	vld [tilespmem:s9+$0x1850]  }
0x1b9: {  	s14 =	sadd.s32 $0x200, s14;
	v12 =	vadd.f32 v15, v12;
	v7 =	vld [tilespmem:s9+$0x1860]  }
0x1ba: {  	v13 =	vmax.f32 v13, $0.0e+00;
	v6 =	vadd.f32 v6, v11;
	v63 =	vld [tilespmem:s9+$0x1870]  }
0x1bb: {  	[tilespmem:s9+$0x1800] =	vst v13;
	v12 =	vmax.f32 v12, $0.0e+00;
	v5 =	vadd.f32 v5, v10  }
0x1bc: {  	[tilespmem:s9+$0x1810] =	vst v12;
	v6 =	vmax.f32 v6, $0.0e+00;
	v4 =	vadd.f32 v4, v9  }
0x1bd: {  	[tilespmem:s9+$0x1820] =	vst v6;
	v5 =	vmax.f32 v5, $0.0e+00;
	v3 =	vadd.f32 v3, v8  }
0x1be: {  	[tilespmem:s9+$0x1830] =	vst v5;
	v4 =	vmax.f32 v4, $0.0e+00;
	v2 =	vadd.f32 v2, v7  }
0x1bf: {  	[tilespmem:s9+$0x1840] =	vst v4;
	v3 =	vmax.f32 v3, $0.0e+00;
	v1 =	vadd.f32 v1, v63  }
0x1c0: {  	[tilespmem:s9+$0x1850] =	vst v3;
	v2 =	vmax.f32 v2, $0.0e+00  }
0x1c1: {  	[tilespmem:s9+$0x1860] =	vst v2;
	v1 =	vmax.f32 v1, $0.0e+00  }
0x1c2: {  	[tilespmem:s9+$0x1870] =	vst v1  }
0x1c3: {  	_ =	swait.ge [sflag:s3], $0x28  }
0x1c4: {  	[sflag:s3] =	ssyncset.done $0x0  }
0x1c5: {  	s20 =	simm.s32 $0x1800;
	s14 =	simm.s32 $0x11;
	[sflag:s3] =	ssyncadd.s32 $0xFFFFFFD8  }
0x1c6: {  	[spmem:s1] =	stream.indirect.scatter.add.f32 [tilespmem:s20], [sflag:$0x10], $0x80, s31, s11, $0xb8;
	[tilespmem:$0x1BC00] =	vst v63  }
0x1c7: {  	_ =	swait.ge [sflag:s14], $0x1400  }
0x1c8: {  	[sflag:s14] =	ssyncset.done $0x0  }
0x1c9: {  	s15 =	simm.s32 $0x12;
	[sflag:s14] =	ssyncadd.s32 $0xFFFFEC00  }
0x1ca: {  	_ =	swait.ge [sflag:s15], $0x1400  }
0x1cb: {  	[sflag:s15] =	ssyncset.done $0x0  }
0x1cc: {  	[sflag:s15] =	ssyncadd.s32 $0xFFFFEC00  }
0x1cd: {  	_ =	swait.ge [sflag:s24], $0x1400  }
0x1ce: {  	[sflag:s24] =	ssyncset.done $0x0  }
0x1cf: {  	[sflag:s24] =	ssyncadd.s32 $0xFFFFEC00  }
0x1d0: {  	_ =	swait.ge [sflag:s12], $0x1400  }
0x1d1: {  	[sflag:s12] =	ssyncset.done $0x0  }
0x1d2: {  	s18 =	stileid.u32;
	[sflag:s12] =	ssyncadd.s32 $0xFFFFEC00  }
0x1d3: {  	s9 =	sshll.u32 s18, $0x6;
	[bflag:$0x0] =	sbarrier.arrive $0xFFFF  }
0x1d4: {  	s9 =	sor.u32 $0x1C13, s9;
	s14 =	sshrl.u32 s17, $0x3;
	s15 =	rddreg [dreg:$0x11]  }
0x1d5: {  	[hbm:s15], [sflag:s9] =	dma.local [spmem:s14], $0x2800  }
0x1d6: {  	s15 =	simm.s32 $0x13  }
0x1d7: {  	_ =	swait.ge [sflag:s15], $0x2800  }
0x1d8: {  	s13 =	sadd.s32 $0x1, s13;
	s20 =	rddreg [dreg:$0x14]  }
0x1d9: {  	p0 =	sne.s32 s13, s20  }
.Ltmp8:
0x1da: {  	_ = 	snop;
	(pc) =	sbr.rel @p0 .LBB2_1-.Ltmp8, $3  }
0x1db: {  	_ =	sdelay $0x1  }
0x1dc: {  	[sflag:s15] =	ssyncset.done $0x0  }
0x1dd: {  	[sflag:s15] =	ssyncadd.s32 $0xFFFFD800  }
0x1de: {  	_ =	sfence.sel $0x180000  }
0x1df: {  	[bflag:$0x0] =	sbarrier.arrive $0xFFFF  }
0x1e0: {  	_ =	strace $0x9000004A  }
0x1e1: {  	s0 =	stileid.u32;
	[bflag:$0x2] =	sbarrier.arrive $0xFFFF  }
0x1e2: {  	p0 =	sne.s32 s0, $0x0;
	s0 =	rddreg [dreg:$0x2]  }
0x1e3: {  	s0 =	sadd.s32 @!p0 $0x100000, s0  }
0x1e4: {  	[sflag:s0] =	ssyncadd.tile.s32 @!p0 $0x1;
	_ =	shalt  }
.Lfunc_end2:
_tile_overlayer_lowered:
.L_overlay_start_2:
0x1e5: {  	(tag) =	ssettag $0x2  }
0x1e6: {  	s0 =	rddreg [dreg:$0x0];
	s2 =	stileid.u32  }
0x1e7: {  	s1 =	rddreg [dreg:$0x1];
	p0 =	sne.s32 s2, $0x0  }
0x1e8: {  	s3 =	rddreg [dreg:$0x2];
	[bflag:$0x3] =	sbarrier.arrive $0xFFFF;
	s2 =	simm.s32 @!p0 $0x1C13  }
0x1e9: {  	[timem:s3], [sflag:s2] =	dma.local @!p0 [hbm:s0], s1  }
0x1ea: {  	s0 =	simm.s32 @!p0 $0x13  }
0x1eb: {  	_ =	swait.ge @!p0 [sflag:s0], s1  }
0x1ec: {  	s1 =	ssub.s32 @!p0 $0x0, s1;
	[sflag:s0] =	ssyncset.done @!p0 $0x0  }
0x1ed: {  	[sflag:s0] =	ssyncadd.s32 @!p0 s1  }
0x1ee: {  	[bflag:$0x3] =	sbarrier.arrive $0xFFFF  }
0x1ef: {  	_ =	shalt  }

// kernel: kernel.7.cloned.1.call-start
scs
__scs_entry_jumppad:
0x0: {  	(pc) =	sbr.rel $0x88, $3  }
0x1: {  	(tag) =	ssettag $0x0;
	lr =	simm.s32 $0x1  }
0x2: {  	[smem:$0x3F8F] =	sst lr;
	_ =	strace $0xD0000000  }
0x3: {  	_ = 	snop  }
0x4: {  	_ = 	snop  }
0x5: {  	_ = 	snop  }
0x6: {  	_ = 	snop  }
0x7: {  	_ = 	snop  }
__scs_overlays_trampoline_lowered:
0x8: {  	[smem:$0x3F9E] =	sst s0  }
0x9: {  	[smem:$0x3F9F] =	sst s1  }
0xa: {  	[smem:$0x3FA0] =	sst s2  }
0xb: {  	[smem:$0x3FA1] =	sst s3  }
0xc: {  	[smem:$0x3FA2] =	sst s4  }
0xd: {  	[smem:$0x3FA3] =	sst s5  }
0xe: {  	[smem:$0x3FA4] =	sst s6  }
0xf: {  	[smem:$0x3FA5] =	sst s7  }
0x10: {  	[smem:$0x3FA6] =	sst s8  }
0x11: {  	[smem:$0x3FA7] =	sst s9;
	s0 =	simm.s32 @!p0 $0x0  }
0x12: {  	s1 =	sld [smem:$0x3F8D];
	s0 =	simm.s32 @p0 $0x1  }
0x13: {  	[smem:$0x3FA8] =	sst s0;
	s0 =	simm.s32 @!p1 $0x0  }
0x14: {  	s2 =	sld [smem:$0x3F8C];
	s0 =	simm.s32 @p1 $0x1  }
0x15: {  	[smem:$0x3FA9] =	sst s0;
	s0 =	simm.s32 @!p2 $0x0  }
0x16: {  	s3 =	sld [smem:$0x3FDB];
	s0 =	simm.s32 @p2 $0x1  }
0x17: {  	s4 =	simm.s32 $0x1BF5;
	[smem:$0x3FAB] =	sst s0  }
0x18: {  	s0 =	sld [smem:$0x3F8E];
	_ =	swait.ge [sflag:s4], $0x0  }
0x19: {  	s7 =	sld [smem:$0x3F8F]  }
0x1a: {  	s8 =	sadd.s32 $0xFFFFE003, lr  }
0x1b: {  	s9 =	sadd.s32 $0xFFFFFEF7, lr;
	s5 =	simm.s32 $0xFFFFFFFF;
	p2 =	slt.u32 s8, $0xFFFFF086  }
0x1c: {  	p1 =	slt.u32 s9, $0xF7A;
	s5 =	simm.s32 @!p2 $0x0  }
0x1d: {  	s5 =	simm.s32 @p1 $0x1;
	p0 =	seq.s32 s7, s2  }
0x1e: {  	s7 =	smul.u32 @!p0 $0xF7A, s2;
	p2 =	seq.s32 @!p0 s5, $0x0  }
0x1f: {  	s9 =	smul.u32 $0xF7A, s1;
	s8 =	simm.s32 @!p0 $0x1BF5;
	p2 =	por !p2, p0  }
0x20: {  	[sflag:s8] =	ssyncset.s32 @!p0 $0xFFFFF086;
	s6 =	sadd.s32 @!p0 s3, s7;
	s7 =	simm.s32 @!p0 $0x108  }
0x21: {  	s3 =	sadd.s32 s3, s9;
	s6 =	sadd.s32 @!p0 $0x88, s6;
	s7 =	simm.s32 @p2 $0x1082  }
0x22: {  	[simem:s7], [sflag:s8] =	dma.local @!p0 [hbm:s6], $0xF7A  }
0x23: {  	s9 =	sor.u32 $0xD0000000, s2;
	s6 =	simm.s32 $0x108;
	_ =	swait.ge @!p0 [sflag:s8], $0x0  }
0x24: {  	s3 =	sadd.s32 $0x88, s3;
	s6 =	simm.s32 @!p1 $0x1082;
	[sflag:s4] =	ssyncset.s32 $0xFFFFF086  }
0x25: {  	[simem:s6], [sflag:s4] =	dma.local [hbm:s3], $0xF7A  }
0x26: {  	[smem:$0x3F8F] =	sst s1;
	(tag) =	ssettag s2;
	_ =	strace s9  }
0x27: {  	s1 =	sld [smem:$0x3F9F]  }
0x28: {  	s2 =	sld [smem:$0x3FA0]  }
0x29: {  	s4 =	sld [smem:$0x3FA2]  }
0x2a: {  	p0 =	seq.s32 s5, $0x0;
	s5 =	sld [smem:$0x3FA3]  }
0x2b: {  	s6 =	sld [smem:$0x3FA4]  }
0x2c: {  	s7 =	sld [smem:$0x3FA5]  }
0x2d: {  	s3 =	simm.s32 $0x108;
	s8 =	sld [smem:$0x3FA6]  }
0x2e: {  	s3 =	simm.s32 @!p0 $0x1082;
	s9 =	sld [smem:$0x3FA7]  }
0x2f: {  	lr =	sadd.s32 s0, s3;
	s0 =	sld [smem:$0x3F9E]  }
0x30: {  	s3 =	sld [smem:$0x3FA1]  }
0x31: {  	[smem:$0x3FAA] =	sst s10  }
0x32: {  	s10 =	sld [smem:$0x3FA8];
	_ =	sdelay $0x3  }
0x33: {  	p0 =	seq.s32 s10, $0x1;
	s10 =	sld [smem:$0x3FAA];
	_ =	sdelay $0x3  }
0x34: {  	[smem:$0x3FAA] =	sst s10  }
0x35: {  	s10 =	sld [smem:$0x3FA9];
	_ =	sdelay $0x3  }
0x36: {  	p1 =	seq.s32 s10, $0x1;
	s10 =	sld [smem:$0x3FAA];
	_ =	sdelay $0x3  }
0x37: {  	[smem:$0x3FAA] =	sst s10  }
0x38: {  	s10 =	sld [smem:$0x3FAB]  }
0x39: {  	_ = 	snop;
	(pc) =	sbr.ind lr, $3  }
0x3a: {  	_ = 	snop  }
0x3b: {  	_ = 	snop  }
0x3c: {  	p2 =	seq.s32 s10, $0x1;
	s10 =	sld [smem:$0x3FAA]  }
0x3d: {  	_ =	shalt  }
0x3e: {  	_ =	shalt  }
0x3f: {  	_ =	shalt  }
0x40: {  	_ =	shalt  }
0x41: {  	_ =	shalt  }
0x42: {  	_ =	shalt  }
0x43: {  	_ =	shalt  }
0x44: {  	_ =	shalt  }
0x45: {  	_ =	shalt  }
0x46: {  	_ =	shalt  }
0x47: {  	_ =	shalt  }
0x48: {  	_ =	shalt  }
0x49: {  	_ =	shalt  }
0x4a: {  	_ =	shalt  }
0x4b: {  	_ =	shalt  }
0x4c: {  	_ =	shalt  }
0x4d: {  	_ =	shalt  }
0x4e: {  	_ =	shalt  }
0x4f: {  	_ =	shalt  }
0x50: {  	_ =	shalt  }
0x51: {  	_ =	shalt  }
0x52: {  	_ =	shalt  }
0x53: {  	_ =	shalt  }
0x54: {  	_ =	shalt  }
0x55: {  	_ =	shalt  }
0x56: {  	_ =	shalt  }
0x57: {  	_ =	shalt  }
0x58: {  	_ =	shalt  }
0x59: {  	_ =	shalt  }
0x5a: {  	_ =	shalt  }
0x5b: {  	_ =	shalt  }
0x5c: {  	_ =	shalt  }
0x5d: {  	_ =	shalt  }
0x5e: {  	_ =	shalt  }
0x5f: {  	_ =	shalt  }
0x60: {  	_ =	shalt  }
0x61: {  	_ =	shalt  }
0x62: {  	_ =	shalt  }
0x63: {  	_ =	shalt  }
0x64: {  	_ =	shalt  }
0x65: {  	_ =	shalt  }
0x66: {  	_ =	shalt  }
0x67: {  	_ =	shalt  }
0x68: {  	_ =	shalt  }
0x69: {  	_ =	shalt  }
0x6a: {  	_ =	shalt  }
0x6b: {  	_ =	shalt  }
0x6c: {  	_ =	shalt  }
0x6d: {  	_ =	shalt  }
0x6e: {  	_ =	shalt  }
0x6f: {  	_ =	shalt  }
0x70: {  	_ =	shalt  }
0x71: {  	_ =	shalt  }
0x72: {  	_ =	shalt  }
0x73: {  	_ =	shalt  }
0x74: {  	_ =	shalt  }
0x75: {  	_ =	shalt  }
0x76: {  	_ =	shalt  }
0x77: {  	_ =	shalt  }
0x78: {  	_ =	shalt  }
0x79: {  	_ =	shalt  }
0x7a: {  	_ =	shalt  }
0x7b: {  	_ =	shalt  }
0x7c: {  	_ =	shalt  }
0x7d: {  	_ =	shalt  }
0x7e: {  	_ =	shalt  }
0x7f: {  	_ =	shalt  }
0x80: {  	_ =	shalt  }
0x81: {  	_ =	shalt  }
0x82: {  	_ =	shalt  }
0x83: {  	_ =	shalt  }
0x84: {  	_ =	shalt  }
0x85: {  	_ =	shalt  }
0x86: {  	_ =	shalt  }
0x87: {  	_ =	shalt  }
.Lfunc_end0:
.L_simem_size_0:
called_computation_lowered:
.L_overlay_start_0:
0x88: {  	s2 =	sld [smem:$0x3FD9]  }
0x89: {  	s3 =	sld [smem:$0x3FFE];
	_ =	sdelay $0x1  }
0x8a: {  	s1 =	srdreg.scid  }
0x8b: {  	s0 =	sand.u32 $0x1, s1  }
0x8c: {  	s17 =	sshll.u32 s0, $0xA;
	s2 =	sadd.s32 s3, s2  }
0x8d: {  	s2 =	sadd.s32 s2, s17  }
0x8e: {  	[smem:$0x3FB6] =	sst s2  }
0x8f: {  	_ = 	snop  }
0x90: {  	s2 =	sld [smem:$0x3FC9];
	(tm) =	ssettm $0x1  }
0x91: {  	s18 =	sld [smem:$0x3FFB];
	_ =	sdelay $0x3  }
0x92: {  	_ =	strace s18  }
0x93: {  	s3 =	sld [smem:$0x3FFC];
	_ =	sdelay $0x3  }
0x94: {  	_ =	strace s3  }
0x95: {  	s3 =	sld [smem:$0x3FFD];
	_ =	sdelay $0x3  }
0x96: {  	_ =	strace s3  }
0x97: {  	_ =	strace $0x8FFFFFFF  }
0x98: {  	s19 =	sld [smem:$0x3FDB];
	_ =	sdelay $0x1  }
0x99: {  	s4 =	simm.s32 $_scs_section_size  }
0x9a: {  	s5 =	simm.s32 $_size__tile_overlayer_lowered;
	s6 =	simm.s32 $_tile_overlayer_lowered  }
0x9b: {  	s22 =	simm.s32 $0x1BFF;
	s21 =	sshll.u32 s6, $0x1;
	s3 =	sadd.s32 s4, s19  }
0x9c: {  	s7 =	simm.s32 $0x0;
	s20 =	sshll.u32 s5, $0x1;
	s5 =	sadd.s32 s21, s3  }
0x9d: {  	[timem:s7], [sflag:s22] =	dma.local [hbm:s5], s20  }
0x9e: {  	_ =	swait.ge [sflag:s22], s20  }
0x9f: {  	s4 =	ssub.s32 $0x0, s20;
	[sflag:s22] =	ssyncset.done $0x0  }
0xa0: {  	[sflag:s22] =	ssyncadd.s32 s4;
	_ =	sdelay $0x1  }
0xa1: {  	s23 =	simm.s32 $0x1B8B  }
0xa2: {  	_ =	swait.ge [sflag:s23], $0x1  }
0xa3: {  	[sflag:s23] =	ssyncset.done $0x0  }
0xa4: {  	s25 =	simm.s32 $0x1B8E;
	s24 =	sld [smem:$0x3FFE];
	[sflag:s23] =	ssyncadd.s32 $0xFFFFFFFF  }
0xa5: {  	s26 =	simm.s32 $execute0_lowered;
	[smem:$0x3FD2] =	sst s25  }
0xa6: {  	s5 =	sshll.u32 s26, $0x1;
	_ =	strace $0x80000046;
	[dreg:$0x1] =	wrdreg $0xFFFFFFFF  }
0xa7: {  	s28 =	simm.s32 $_size_execute0_lowered;
	s3 =	sadd.s32 s3, s5;
	[dreg:$0x0] =	wrdreg $0x0  }
0xa8: {  	s5 =	sshll.u32 s28, $0x1;
	[dreg:$0x2] =	wrdreg s3  }
0xa9: {  	[dreg:$0x3] =	wrdreg s5  }
0xaa: {  	[dreg:$0x4] =	wrdreg $0xC0  }
0xab: {  	_ =	task [dreg:s7], $0x5FFFF  }
0xac: {  	[dreg:$0x1] =	wrdreg $0xFFFFFFFF  }
0xad: {  	[dreg:$0x0] =	wrdreg $0x60  }
0xae: {  	[dreg:$0x2] =	wrdreg s2  }
0xaf: {  	[dreg:$0x3] =	wrdreg s24  }
0xb0: {  	[dreg:$0x4] =	wrdreg $0x7C000  }
0xb1: {  	[dreg:$0x5] =	wrdreg $0x9  }
0xb2: {  	_ =	task.clear_ibuf [dreg:s7], $0x6FFFF;
	_ =	strace $0x90000046  }
0xb3: {  	s29 =	simm.s32 $0x9;
	_ =	strace $0x80000048  }
0xb4: {  	_ =	swait.ge [sflag:s29], $0x1  }
0xb5: {  	[sflag:s29] =	ssyncadd.s32 $0xFFFFFFFF  }
0xb6: {  	_ =	strace $0x90000048  }
0xb7: {  	_ =	sfence  }
0xb8: {  	s30 =	sld [smem:$0x0];
	_ =	sdelay $0x2  }
0xb9: {  	s31 =	sshll.u32 s1, $0xD;
	s1 =	sshrl.u32 s1, $0x2  }
0xba: {  	s3 =	sand.u32 $0x4000, s31;
	s1 =	sadd.s32 s1, s30  }
0xbb: {  	s0 =	sor.u32 s3, s0;
	s1 =	sshll.u32 s1, $0x11  }
0xbc: {  	s0 =	sor.u32 s1, s0  }
0xbd: {  	s0 =	sadd.s32 $0x8F2B, s0  }
0xbe: {  	[sflag:s0] =	ssyncadd.remote.s32 $0x1  }
0xbf: {  	_ =	sfence.sel $0xFFFF  }
0xc0: {  	[dreg:$0x0] =	wrdreg $0xFFFFFFFF;
	(pc) =	sbr.abs _section_cstart, $3  }
0xc1: {  	[dreg:$0x1] =	wrdreg $0xFFFFFFFF  }
0xc2: {  	_ =	task.clear_ibuf [dreg:s7], $0x2FFFF;
	_ =	strace $0x9FFFFFFF  }
0xc3: {  	(tm) =	ssettm $0x7FFFFFFF  }
tec
execute0_lowered:
.L_overlay_start_1:
0x0: {  	(tag) =	ssettag $0x1  }
0x1: {  	s1 =	rddreg [dreg:$0x0]  }
0x2: {  	s0 =	rddreg [dreg:$0x1]  }
0x3: {  	s2 =	rddreg [dreg:$0x2];
	s3 =	simm.s32 $0x0  }
0x4: {  	s4 =	srdreg.scid;
	s15 =	stileid.u32;
	s28 =	simm.s32 $0x400  }
0x5: {  	s29 =	simm.s32 $0x200;
	s31 =	simm.s32 $0x280;
	s30 =	simm.s32 $0xA  }
0x6: {  	[smem:$0x7FF] =	sst s3;
	s5 =	sadd.s32 $0x4F8400, s0;
	s4 =	sand.u32 $0x1, s4  }
0x7: {  	s6 =	sadd.s32 $0x4EE600, s0;
	s7 =	sshll.u32 s15, $0x1;
	s10 =	smul.u32 $0x50000, s15  }
0x8: {  	s18 =	smul.u32 $0x2800, s15;
	s15 =	simm.s32 $0x13;
	_ =	strace $0x80000047  }
0x9: {  	s8 =	smul.u32 $0x28000, s4;
	s9 =	ssub.s32 $0x2, s4;
	s4 =	sor.u32 s4, s7  }
0xa: {  	s7 =	sadd.s32 $0x4E4800, s0;
	s12 =	smul.u32 $0x2710, s4;
	s20 =	sshrl.u32 s10, $0x2  }
0xb: {  	s11 =	sshrl.u32 s9, $0x1;
	s4 =	smul.u32 $0x27100, s4;
	s17 =	sadd.s32 s20, s2  }
0xc: {  	s10 =	simm.s32 $0x1;
	s23 =	sadd.s32 $0x5000, s17;
	[dreg:$0x4] =	wrdreg s17  }
0xd: {  	s0 =	sadd.s32 s8, s0;
	s26 =	sadd.s32 $0x50, s12;
	[dreg:$0x5] =	wrdreg s23  }
0xe: {  	s8 =	ssub.s32 s9, s11;
	s14 =	sadd.s32 $0x78, s12;
	[dreg:$0x8] =	wrdreg s26  }
0xf: {  	s11 =	simm.s32 $0x28;
	s4 =	sadd.s32 s5, s4;
	[dreg:$0x9] =	wrdreg s14  }
0x10: {  	s21 =	sshrl.u32 s12, $0x3;
	s20 =	sadd.s32 $0xA0, s12;
	[dreg:$0xd] =	wrdreg s4  }
0x11: {  	s22 =	sadd.s32 $0x28, s12;
	s24 =	sadd.s32 s6, s21;
	[dreg:$0x10] =	wrdreg s20  }
0x12: {  	s0 =	sadd.s32 $0x2800, s0;
	s9 =	sadd.s32 s7, s21;
	[dreg:$0x6] =	wrdreg s24  }
0x13: {  	s25 =	sshrl.u32 s22, $0x3;
	s21 =	sadd.s32 $0xC8, s12;
	[dreg:$0xc] =	wrdreg s9  }
0x14: {  	s14 =	sshrl.u32 s14, $0x3;
	s0 =	sadd.s32 s18, s0;
	[dreg:$0x11] =	wrdreg s21  }
0x15: {  	s16 =	sshll.u32 s22, $0x4;
	s22 =	sadd.s32 $0xF0, s12;
	[dreg:$0x12] =	wrdreg s0  }
0x16: {  	s23 =	sadd.s32 $0x118, s12;
	s12 =	simm.s32 $0x10;
	[dreg:$0x13] =	wrdreg s22  }
0x17: {  	s13 =	sadd.s32 s6, s25;
	s14 =	sadd.s32 s6, s14;
	[dreg:$0x14] =	wrdreg s23  }
0x18: {  	s19 =	sadd.s32 s7, s25;
	s4 =	sadd.s32 s5, s16;
	[dreg:$0x7] =	wrdreg s13  }
0x19: {  	s24 =	smax.u32 s8, $0x1;
	s25 =	sadd.s32 $0xA000, s17;
	[dreg:$0xb] =	wrdreg s14  }
0x1a: {  	s16 =	simm.s32 $0x2;
	s22 =	simm.s32 $0xD;
	[dreg:$0xe] =	wrdreg s19  }
0x1b: {  	s0 =	simm.s32 $0xE;
	s21 =	simm.s32 $0xB;
	[dreg:$0xf] =	wrdreg s4  }
0x1c: {  	s23 =	simm.s32 $0x7;
	s8 =	simm.s32 $0x8;
	[dreg:$0x15] =	wrdreg s24  }
0x1d: {  	s13 =	sshrl.u32 s26, $0x3;
	[dreg:$0x16] =	wrdreg s25;
	s26 =	sadd.s32 $0xF000, s17  }
0x1e: {  	s19 =	simm.s32 $0x9;
	s25 =	simm.s32 $0x5;
	s4 =	simm.s32 $0x6  }
0x1f: {  	s24 =	simm.s32 $0xF;
	s13 =	sadd.s32 s6, s13;
	[dreg:$0x17] =	wrdreg s26  }
0x20: {  	v0 =	vimm.f32 $0.0e+00;
	s26 =	simm.s32 $0xC;
	[dreg:$0xa] =	wrdreg s13;
	s13 =	simm.s32 $0x0  }
.LBB2_1:
0x21: {  	[dreg:$0x18] =	wrdreg s13;
	s9 =	simm.s32 $0x0;
	s14 =	simm.s32 $0x200  }
.LBB2_2:
0x22: {  	p0 =	sne.s32 s14, $0x13E00;
	[tilespmem:s9+$0x470] =	vst v0  }
0x23: {  	[tilespmem:s9+$0x400] =	vst v0  }
0x24: {  	[tilespmem:s9+$0x410] =	vst v0  }
.Ltmp0:
0x25: {  	[tilespmem:s9+$0x420] =	vst v0;
	(pc) =	sbr.rel @p0 .LBB2_2-.Ltmp0, $4  }
0x26: {  	[tilespmem:s9+$0x430] =	vst v0  }
0x27: {  	[tilespmem:s9+$0x440] =	vst v0  }
0x28: {  	[tilespmem:s9+$0x450] =	vst v0  }
0x29: {  	[tilespmem:s9+$0x460] =	vst v0;
	s9 =	sshra.s32 s14, $0x2;
	s14 =	sadd.s32 $0x200, s14  }
0x2a: {  	[tilespmem:s9+$0x470] =	vst v0  }
0x2b: {  	[tilespmem:s9+$0x400] =	vst v0  }
0x2c: {  	[tilespmem:s9+$0x410] =	vst v0  }
0x2d: {  	[tilespmem:s9+$0x420] =	vst v0  }
0x2e: {  	[tilespmem:s9+$0x430] =	vst v0  }
0x2f: {  	[tilespmem:s9+$0x440] =	vst v0  }
0x30: {  	[tilespmem:s9+$0x450] =	vst v0  }
0x31: {  	[tilespmem:s9+$0x460] =	vst v0  }
0x32: {  	[spmem:s17] =	stream.linear.scatter [tilespmem:s28], [sflag:$0x13], $0x5000, $0x38;
	[tilespmem:$0x1BC00] =	vst v63  }
0x33: {  	_ =	swait.ge [sflag:s15], $0x5000  }
0x34: {  	[sflag:s15] =	ssyncset.done $0x0  }
0x35: {  	s14 =	rddreg [dreg:$0x5];
	[sflag:s15] =	ssyncadd.s32 $0xFFFFB000  }
0x36: {  	[spmem:s14] =	stream.linear.scatter [tilespmem:s28], [sflag:$0x13], $0x5000, $0x38;
	[tilespmem:$0x1BC00] =	vst v63  }
0x37: {  	_ =	swait.ge [sflag:s15], $0x5000  }
0x38: {  	[sflag:s15] =	ssyncset.done $0x0  }
0x39: {  	s17 =	rddreg [dreg:$0x16];
	[sflag:s15] =	ssyncadd.s32 $0xFFFFB000  }
0x3a: {  	[spmem:s17] =	stream.linear.scatter [tilespmem:s28], [sflag:$0x13], $0x5000, $0x38;
	[tilespmem:$0x1BC00] =	vst v63  }
0x3b: {  	_ =	swait.ge [sflag:s15], $0x5000  }
0x3c: {  	[sflag:s15] =	ssyncset.done $0x0  }
0x3d: {  	s18 =	rddreg [dreg:$0x17];
	[sflag:s15] =	ssyncadd.s32 $0xFFFFB000  }
0x3e: {  	[spmem:s18] =	stream.linear.scatter [tilespmem:s28], [sflag:$0x13], $0x5000, $0x38;
	[tilespmem:$0x1BC00] =	vst v63  }
0x3f: {  	_ =	swait.ge [sflag:s15], $0x5000  }
0x40: {  	[sflag:s15] =	ssyncset.done $0x0  }
0x41: {  	[sflag:s15] =	ssyncadd.s32 $0xFFFFB000  }
0x42: {  	[bflag:$0x0] =	sbarrier.arrive $0xFFFF  }
0x43: {  	s14 =	simm.s32 $0x0;
	s20 =	rddreg [dreg:$0x6]  }
0x44: {  	[tilespmem:s14], [sflag:$0x1] =	stream.linear.gather [hbm4b:s20+s14], $0x28, $0x38;
	[tilespmem:$0x1BC00] =	vst v63  }
0x45: {  	s15 =	simm.s32 $0x80;
	s13 =	rddreg [dreg:$0x7]  }
0x46: {  	[tilespmem:s15], [sflag:$0x2] =	stream.linear.gather [hbm4b:s13+s14], $0x28, $0x38;
	[tilespmem:$0x1BC00] =	vst v63  }
0x47: {  	s17 =	rddreg [dreg:$0xa];
	s13 =	simm.s32 $0x100  }
0x48: {  	[tilespmem:s13], [sflag:$0x3] =	stream.linear.gather [hbm4b:s17+s14], $0x28, $0x38;
	[tilespmem:$0x1BC00] =	vst v63  }
0x49: {  	s18 =	rddreg [dreg:$0xb];
	s20 =	simm.s32 $0x180  }
0x4a: {  	[tilespmem:s20], [sflag:$0x4] =	stream.linear.gather [hbm4b:s18+s14], $0x28, $0x38;
	[tilespmem:$0x1BC00] =	vst v63  }
0x4b: {  	s17 =	rddreg [dreg:$0xc]  }
0x4c: {  	[tilespmem:s29], [sflag:$0x5] =	stream.linear.gather [hbm4b:s17+s14], $0x28, $0x38;
	[tilespmem:$0x1BC00] =	vst v63  }
0x4d: {  	_ =	swait.ge [sflag:s10], $0x28  }
0x4e: {  	[sflag:s10] =	ssyncset.done $0x0  }
0x4f: {  	[sflag:s10] =	ssyncadd.s32 $0xFFFFFFD8  }
0x50: {  	[tilespmem:s28], [sflag:$0x9] =	stream.indirect.gather [hbm4b:s1+s11], $0x80, s14, s11, $0xb8;
	[tilespmem:$0x1BC00] =	vst v63  }
0x51: {  	s20 =	simm.s32 $0x5400;
	s18 =	rddreg [dreg:$0xd]  }
0x52: {  	[tilespmem:s20], [sflag:$0xD] =	stream.linear.gather [hbm4b:s18+s14], $0x1400, $0x38;
	[tilespmem:$0x1BC00] =	vst v63  }
0x53: {  	s13 =	rddreg [dreg:$0xe]  }
0x54: {  	[tilespmem:s31], [sflag:$0x6] =	stream.linear.gather [hbm4b:s13+s14], $0x28, $0x38;
	[tilespmem:$0x1BC00] =	vst v63  }
0x55: {  	_ =	swait.ge [sflag:s16], $0x28  }
0x56: {  	[sflag:s16] =	ssyncset.done $0x0  }
0x57: {  	s17 =	simm.s32 $0x1800;
	[sflag:s16] =	ssyncadd.s32 $0xFFFFFFD8  }
0x58: {  	[tilespmem:s17], [sflag:$0xA] =	stream.indirect.gather [hbm4b:s1+s11], $0x80, s15, s11, $0xb8;
	[tilespmem:$0x1BC00] =	vst v63  }
0x59: {  	s20 =	simm.s32 $0x6800;
	s13 =	simm.s32 $0x80;
	s18 =	rddreg [dreg:$0xf]  }
0x5a: {  	[tilespmem:s20], [sflag:$0xE] =	stream.linear.gather [hbm4b:s18+s14], $0x1400, $0x38;
	[tilespmem:$0x1BC00] =	vst v63  }
.LBB2_4:
0x5b: {  	_ =	swait.ge [sflag:s19], $0x1400  }
0x5c: {  	[sflag:s19] =	ssyncset.done $0x0  }
0x5d: {  	[sflag:s19] =	ssyncadd.s32 $0xFFFFEC00  }
0x5e: {  	_ =	swait.ge [sflag:s22], $0x1400  }
0x5f: {  	[sflag:s22] =	ssyncset.done $0x0  }
0x60: {  	s9 =	simm.s32 $0x0;
	[sflag:s22] =	ssyncadd.s32 $0xFFFFEC00  }
0x61: {  	v7 =	vld [tilespmem:s9+$0x5400]  }
0x62: {  	v12 =	vld [tilespmem:s9+$0x5410]  }
0x63: {  	v6 =	vld [tilespmem:s9+$0x5420]  }
0x64: {  	v5 =	vld [tilespmem:s9+$0x5430]  }
0x65: {  	v4 =	vld [tilespmem:s9+$0x5440]  }
0x66: {  	v3 =	vld [tilespmem:s9+$0x5450]  }
0x67: {  	v2 =	vld [tilespmem:s9+$0x5460]  }
0x68: {  	v1 =	vld [tilespmem:s9+$0x5470]  }
0x69: {  	v13 =	vld [tilespmem:s9+$0x400]  }
0x6a: {  	v14 =	vld [tilespmem:s9+$0x410]  }
0x6b: {  	v11 =	vld [tilespmem:s9+$0x420]  }
0x6c: {  	v10 =	vld [tilespmem:s9+$0x430]  }
0x6d: {  	v9 =	vld [tilespmem:s9+$0x440]  }
0x6e: {  	v8 =	vld [tilespmem:s9+$0x450];
	v13 =	vadd.f32 v7, v13  }
0x6f: {  	s15 =	simm.s32 $0x200;
	v12 =	vadd.f32 v12, v14;
	v7 =	vld [tilespmem:s9+$0x460]  }
.LBB2_5:
0x70: {  	s17 =	sshra.s32 s15, $0x2;
	p0 =	sne.s32 s15, $0x4E00;
	v13 =	vmax.f32 v13, $0.0e+00;
	v6 =	vadd.f32 v6, v11;
	v11 =	vld [tilespmem:s9+$0x470]  }
0x71: {  	v14 =	vld [tilespmem:s17+$0x5400];
	[tilespmem:s9+$0x400] =	vst v13;
	v12 =	vmax.f32 v12, $0.0e+00;
	v5 =	vadd.f32 v5, v10  }
0x72: {  	v15 =	vld [tilespmem:s17+$0x5410];
	[tilespmem:s9+$0x410] =	vst v12;
	v10 =	vmax.f32 v6, $0.0e+00;
	v4 =	vadd.f32 v4, v9  }
0x73: {  	v6 =	vld [tilespmem:s17+$0x5420];
	[tilespmem:s9+$0x420] =	vst v10;
	v9 =	vmax.f32 v5, $0.0e+00;
	v3 =	vadd.f32 v3, v8  }
0x74: {  	v5 =	vld [tilespmem:s17+$0x5430];
	[tilespmem:s9+$0x430] =	vst v9;
	v8 =	vmax.f32 v4, $0.0e+00;
	v2 =	vadd.f32 v2, v7  }
0x75: {  	v4 =	vld [tilespmem:s17+$0x5440];
	[tilespmem:s9+$0x440] =	vst v8;
	v7 =	vmax.f32 v3, $0.0e+00;
	v1 =	vadd.f32 v1, v11  }
0x76: {  	v3 =	vld [tilespmem:s17+$0x5450];
	[tilespmem:s9+$0x450] =	vst v7;
	v7 =	vmax.f32 v2, $0.0e+00  }
0x77: {  	v2 =	vld [tilespmem:s17+$0x5460];
	[tilespmem:s9+$0x460] =	vst v7;
	v7 =	vmax.f32 v1, $0.0e+00  }
0x78: {  	v1 =	vld [tilespmem:s17+$0x5470];
	[tilespmem:s9+$0x470] =	vst v7;
	s9 =	smov.u32 s17  }
0x79: {  	v7 =	vld [tilespmem:s9+$0x400]  }
0x7a: {  	v12 =	vld [tilespmem:s9+$0x410]  }
.Ltmp1:
0x7b: {  	v11 =	vld [tilespmem:s9+$0x420];
	(pc) =	sbr.rel @p0 .LBB2_5-.Ltmp1, $4  }
0x7c: {  	v10 =	vld [tilespmem:s9+$0x430]  }
0x7d: {  	v9 =	vld [tilespmem:s9+$0x440]  }
0x7e: {  	v13 =	vadd.f32 v14, v7;
	v8 =	vld [tilespmem:s9+$0x450]  }
0x7f: {  	s15 =	sadd.s32 $0x200, s15;
	v12 =	vadd.f32 v15, v12;
	v7 =	vld [tilespmem:s9+$0x460]  }
0x80: {  	v13 =	vmax.f32 v13, $0.0e+00;
	v6 =	vadd.f32 v6, v11;
	v11 =	vld [tilespmem:s9+$0x470]  }
0x81: {  	[tilespmem:s9+$0x400] =	vst v13;
	v12 =	vmax.f32 v12, $0.0e+00;
	v5 =	vadd.f32 v5, v10  }
0x82: {  	[tilespmem:s9+$0x410] =	vst v12;
	v6 =	vmax.f32 v6, $0.0e+00;
	v4 =	vadd.f32 v4, v9  }
0x83: {  	[tilespmem:s9+$0x420] =	vst v6;
	v5 =	vmax.f32 v5, $0.0e+00;
	v3 =	vadd.f32 v3, v8  }
0x84: {  	[tilespmem:s9+$0x430] =	vst v5;
	v4 =	vmax.f32 v4, $0.0e+00;
	v2 =	vadd.f32 v2, v7  }
0x85: {  	[tilespmem:s9+$0x440] =	vst v4;
	v3 =	vmax.f32 v3, $0.0e+00;
	v1 =	vadd.f32 v1, v11  }
0x86: {  	[tilespmem:s9+$0x450] =	vst v3;
	v2 =	vmax.f32 v2, $0.0e+00  }
0x87: {  	[tilespmem:s9+$0x460] =	vst v2;
	v1 =	vmax.f32 v1, $0.0e+00  }
0x88: {  	[tilespmem:s9+$0x470] =	vst v1  }
0x89: {  	s20 =	smul.u32 $0xA0, s14;
	_ =	swait.ge [sflag:s25], $0x28  }
0x8a: {  	[sflag:s25] =	ssyncset.done $0x0;
	s17 =	rddreg [dreg:$0x8]  }
0x8b: {  	[sflag:s25] =	ssyncadd.s32 $0xFFFFFFD8;
	s15 =	sadd.s32 s20, s17  }
0x8c: {  	[spmem:s2] =	stream.indirect.scatter.add.f32 [tilespmem:s28], [sflag:$0xF], $0x80, s29, s11, $0xb8;
	[tilespmem:$0x1BC00] =	vst v63  }
0x8d: {  	s9 =	sshll.u32 s15, $0x4  }
0x8e: {  	s18 =	rddreg [dreg:$0x10];
	s17 =	simm.s32 $0x5400;
	s9 =	sadd.s32 s5, s9  }
0x8f: {  	[tilespmem:s17], [sflag:$0xD] =	stream.linear.gather [hbm4b:s9+s3], $0x1400, $0x38;
	[tilespmem:$0x1BC00] =	vst v63  }
0x90: {  	s9 =	sadd.s32 s20, s18  }
0x91: {  	p0 =	seq.s32 s14, $0x0;
	s18 =	sshrl.u32 s9, $0x3  }
0x92: {  	s17 =	simm.s32 @!p0 $0x11;
	s28 =	sadd.s32 s6, s18  }
0x93: {  	[tilespmem:s3], [sflag:$0x1] =	stream.linear.gather [hbm4b:s28+s3], $0x28, $0x38;
	[tilespmem:$0x1BC00] =	vst v63  }
0x94: {  	_ =	swait.ge @!p0 [sflag:s17], $0x1400  }
0x95: {  	s15 =	sshrl.u32 s15, $0x3;
	s29 =	simm.s32 $0x300;
	[sflag:s17] =	ssyncset.done @!p0 $0x0  }
0x96: {  	s15 =	sadd.s32 s7, s15;
	[sflag:s17] =	ssyncadd.s32 @!p0 $0xFFFFEC00;
	s17 =	simm.s32 $0x0  }
0x97: {  	[tilespmem:s29], [sflag:$0x7] =	stream.linear.gather [hbm4b:s15+s17], $0x28, $0x38;
	[tilespmem:$0x1BC00] =	vst v63  }
0x98: {  	s17 =	simm.s32 $0x3  }
0x99: {  	_ =	swait.ge [sflag:s17], $0x28  }
0x9a: {  	[sflag:s17] =	ssyncset.done $0x0  }
0x9b: {  	s28 =	simm.s32 $0x100;
	s29 =	simm.s32 $0x2C00;
	[sflag:s17] =	ssyncadd.s32 $0xFFFFFFD8  }
0x9c: {  	[tilespmem:s29], [sflag:$0xB] =	stream.indirect.gather [hbm4b:s1+s11], $0x80, s28, s11, $0xb8;
	[tilespmem:$0x1BC00] =	vst v63  }
0x9d: {  	_ =	swait.ge [sflag:s30], $0x1400  }
0x9e: {  	[sflag:s30] =	ssyncset.done $0x0  }
0x9f: {  	[sflag:s30] =	ssyncadd.s32 $0xFFFFEC00  }
0xa0: {  	_ =	swait.ge [sflag:s0], $0x1400  }
0xa1: {  	[sflag:s0] =	ssyncset.done $0x0  }
0xa2: {  	s15 =	simm.s32 $0x0;
	[sflag:s0] =	ssyncadd.s32 $0xFFFFEC00  }
0xa3: {  	v7 =	vld [tilespmem:s15+$0x6800]  }
0xa4: {  	v12 =	vld [tilespmem:s15+$0x6810]  }
0xa5: {  	v6 =	vld [tilespmem:s15+$0x6820]  }
0xa6: {  	v5 =	vld [tilespmem:s15+$0x6830]  }
0xa7: {  	v4 =	vld [tilespmem:s15+$0x6840]  }
0xa8: {  	v3 =	vld [tilespmem:s15+$0x6850]  }
0xa9: {  	v2 =	vld [tilespmem:s15+$0x6860]  }
0xaa: {  	v1 =	vld [tilespmem:s15+$0x6870]  }
0xab: {  	v13 =	vld [tilespmem:s15+$0x1800]  }
0xac: {  	v14 =	vld [tilespmem:s15+$0x1810]  }
0xad: {  	v11 =	vld [tilespmem:s15+$0x1820]  }
0xae: {  	v10 =	vld [tilespmem:s15+$0x1830]  }
0xaf: {  	v9 =	vld [tilespmem:s15+$0x1840]  }
0xb0: {  	v8 =	vld [tilespmem:s15+$0x1850];
	v13 =	vadd.f32 v7, v13  }
0xb1: {  	s17 =	simm.s32 $0x200;
	v12 =	vadd.f32 v12, v14;
	v7 =	vld [tilespmem:s15+$0x1860]  }
.LBB2_7:
0xb2: {  	s29 =	sshra.s32 s17, $0x2;
	p1 =	sne.s32 s17, $0x4E00;
	v13 =	vmax.f32 v13, $0.0e+00;
	v6 =	vadd.f32 v6, v11;
	v11 =	vld [tilespmem:s15+$0x1870]  }
0xb3: {  	v14 =	vld [tilespmem:s29+$0x6800];
	[tilespmem:s15+$0x1800] =	vst v13;
	v12 =	vmax.f32 v12, $0.0e+00;
	v5 =	vadd.f32 v5, v10  }
0xb4: {  	v15 =	vld [tilespmem:s29+$0x6810];
	[tilespmem:s15+$0x1810] =	vst v12;
	v10 =	vmax.f32 v6, $0.0e+00;
	v4 =	vadd.f32 v4, v9  }
0xb5: {  	v6 =	vld [tilespmem:s29+$0x6820];
	[tilespmem:s15+$0x1820] =	vst v10;
	v9 =	vmax.f32 v5, $0.0e+00;
	v3 =	vadd.f32 v3, v8  }
0xb6: {  	v5 =	vld [tilespmem:s29+$0x6830];
	[tilespmem:s15+$0x1830] =	vst v9;
	v8 =	vmax.f32 v4, $0.0e+00;
	v2 =	vadd.f32 v2, v7  }
0xb7: {  	v4 =	vld [tilespmem:s29+$0x6840];
	[tilespmem:s15+$0x1840] =	vst v8;
	v7 =	vmax.f32 v3, $0.0e+00;
	v1 =	vadd.f32 v1, v11  }
0xb8: {  	v3 =	vld [tilespmem:s29+$0x6850];
	[tilespmem:s15+$0x1850] =	vst v7;
	v7 =	vmax.f32 v2, $0.0e+00  }
0xb9: {  	v2 =	vld [tilespmem:s29+$0x6860];
	[tilespmem:s15+$0x1860] =	vst v7;
	v7 =	vmax.f32 v1, $0.0e+00  }
0xba: {  	v1 =	vld [tilespmem:s29+$0x6870];
	[tilespmem:s15+$0x1870] =	vst v7;
	s15 =	smov.u32 s29  }
0xbb: {  	v7 =	vld [tilespmem:s15+$0x1800]  }
0xbc: {  	v12 =	vld [tilespmem:s15+$0x1810]  }
.Ltmp2:
0xbd: {  	v11 =	vld [tilespmem:s15+$0x1820];
	(pc) =	sbr.rel @p1 .LBB2_7-.Ltmp2, $4  }
0xbe: {  	v10 =	vld [tilespmem:s15+$0x1830]  }
0xbf: {  	v9 =	vld [tilespmem:s15+$0x1840]  }
0xc0: {  	v13 =	vadd.f32 v14, v7;
	v8 =	vld [tilespmem:s15+$0x1850]  }
0xc1: {  	s17 =	sadd.s32 $0x200, s17;
	v12 =	vadd.f32 v15, v12;
	v7 =	vld [tilespmem:s15+$0x1860]  }
0xc2: {  	v13 =	vmax.f32 v13, $0.0e+00;
	v6 =	vadd.f32 v6, v11;
	v11 =	vld [tilespmem:s15+$0x1870]  }
0xc3: {  	[tilespmem:s15+$0x1800] =	vst v13;
	v12 =	vmax.f32 v12, $0.0e+00;
	v5 =	vadd.f32 v5, v10  }
0xc4: {  	[tilespmem:s15+$0x1810] =	vst v12;
	v6 =	vmax.f32 v6, $0.0e+00;
	v4 =	vadd.f32 v4, v9  }
0xc5: {  	[tilespmem:s15+$0x1820] =	vst v6;
	v5 =	vmax.f32 v5, $0.0e+00;
	v3 =	vadd.f32 v3, v8  }
0xc6: {  	[tilespmem:s15+$0x1830] =	vst v5;
	v4 =	vmax.f32 v4, $0.0e+00;
	v2 =	vadd.f32 v2, v7  }
0xc7: {  	[tilespmem:s15+$0x1840] =	vst v4;
	v3 =	vmax.f32 v3, $0.0e+00;
	v1 =	vadd.f32 v1, v11  }
0xc8: {  	[tilespmem:s15+$0x1850] =	vst v3;
	v2 =	vmax.f32 v2, $0.0e+00  }
0xc9: {  	[tilespmem:s15+$0x1860] =	vst v2;
	v1 =	vmax.f32 v1, $0.0e+00  }
0xca: {  	[tilespmem:s15+$0x1870] =	vst v1  }
0xcb: {  	_ =	swait.ge [sflag:s4], $0x28  }
0xcc: {  	[sflag:s4] =	ssyncset.done $0x0;
	s17 =	rddreg [dreg:$0x9]  }
0xcd: {  	s28 =	simm.s32 $0x1800;
	[sflag:s4] =	ssyncadd.s32 $0xFFFFFFD8;
	s17 =	sadd.s32 s20, s17  }
0xce: {  	[spmem:s2] =	stream.indirect.scatter.add.f32 [tilespmem:s28], [sflag:$0x10], $0x80, s31, s11, $0xb8;
	[tilespmem:$0x1BC00] =	vst v63  }
0xcf: {  	s15 =	sshll.u32 s17, $0x4  }
0xd0: {  	s28 =	simm.s32 $0x6800;
	s15 =	sadd.s32 s5, s15  }
0xd1: {  	[tilespmem:s28], [sflag:$0xE] =	stream.linear.gather [hbm4b:s15+s3], $0x1400, $0x38;
	[tilespmem:$0x1BC00] =	vst v63  }
0xd2: {  	s28 =	rddreg [dreg:$0x11]  }
0xd3: {  	s15 =	sadd.s32 s20, s28  }
0xd4: {  	s31 =	sshrl.u32 s15, $0x3  }
0xd5: {  	s29 =	sadd.s32 s6, s31  }
0xd6: {  	[tilespmem:s13], [sflag:$0x2] =	stream.linear.gather [hbm4b:s29+s3], $0x28, $0x38;
	[tilespmem:$0x1BC00] =	vst v63  }
0xd7: {  	s29 =	simm.s32 @!p0 $0x12  }
0xd8: {  	s17 =	sshrl.u32 s17, $0x3;
	_ =	swait.ge @!p0 [sflag:s29], $0x1400  }
0xd9: {  	s17 =	sadd.s32 s7, s17;
	[sflag:s29] =	ssyncset.done @!p0 $0x0  }
0xda: {  	s28 =	simm.s32 $0x380;
	[sflag:s29] =	ssyncadd.s32 @!p0 $0xFFFFEC00;
	s29 =	simm.s32 $0x0  }
0xdb: {  	[tilespmem:s28], [sflag:$0x8] =	stream.linear.gather [hbm4b:s17+s29], $0x28, $0x38;
	[tilespmem:$0x1BC00] =	vst v63  }
0xdc: {  	s28 =	simm.s32 $0x4  }
0xdd: {  	_ =	swait.ge [sflag:s28], $0x28  }
0xde: {  	[sflag:s28] =	ssyncset.done $0x0  }
0xdf: {  	s17 =	simm.s32 $0x180;
	[sflag:s28] =	ssyncadd.s32 $0xFFFFFFD8;
	s28 =	simm.s32 $0x4000  }
0xe0: {  	[tilespmem:s28], [sflag:$0xC] =	stream.indirect.gather [hbm4b:s1+s11], $0x80, s17, s11, $0xb8;
	[tilespmem:$0x1BC00] =	vst v63  }
0xe1: {  	_ =	swait.ge [sflag:s21], $0x1400  }
0xe2: {  	[sflag:s21] =	ssyncset.done $0x0  }
0xe3: {  	[sflag:s21] =	ssyncadd.s32 $0xFFFFEC00  }
0xe4: {  	_ =	swait.ge [sflag:s22], $0x1400  }
0xe5: {  	[sflag:s22] =	ssyncset.done $0x0  }
0xe6: {  	s17 =	simm.s32 $0x0;
	[sflag:s22] =	ssyncadd.s32 $0xFFFFEC00  }
0xe7: {  	v7 =	vld [tilespmem:s17+$0x5400]  }
0xe8: {  	v12 =	vld [tilespmem:s17+$0x5410]  }
0xe9: {  	v6 =	vld [tilespmem:s17+$0x5420]  }
0xea: {  	v5 =	vld [tilespmem:s17+$0x5430]  }
0xeb: {  	v4 =	vld [tilespmem:s17+$0x5440]  }
0xec: {  	v3 =	vld [tilespmem:s17+$0x5450]  }
0xed: {  	v2 =	vld [tilespmem:s17+$0x5460]  }
0xee: {  	v1 =	vld [tilespmem:s17+$0x5470]  }
0xef: {  	v13 =	vld [tilespmem:s17+$0x2C00]  }
0xf0: {  	v14 =	vld [tilespmem:s17+$0x2C10]  }
0xf1: {  	v11 =	vld [tilespmem:s17+$0x2C20]  }
0xf2: {  	v10 =	vld [tilespmem:s17+$0x2C30]  }
0xf3: {  	v9 =	vld [tilespmem:s17+$0x2C40]  }
0xf4: {  	v8 =	vld [tilespmem:s17+$0x2C50];
	v13 =	vadd.f32 v7, v13  }
0xf5: {  	s29 =	simm.s32 $0x200;
	v12 =	vadd.f32 v12, v14;
	v7 =	vld [tilespmem:s17+$0x2C60]  }
.LBB2_9:
0xf6: {  	s28 =	sshra.s32 s29, $0x2;
	p0 =	sne.s32 s29, $0x4E00;
	v13 =	vmax.f32 v13, $0.0e+00;
	v6 =	vadd.f32 v6, v11;
	v11 =	vld [tilespmem:s17+$0x2C70]  }
0xf7: {  	v14 =	vld [tilespmem:s28+$0x5400];
	[tilespmem:s17+$0x2C00] =	vst v13;
	v12 =	vmax.f32 v12, $0.0e+00;
	v5 =	vadd.f32 v5, v10  }
0xf8: {  	v15 =	vld [tilespmem:s28+$0x5410];
	[tilespmem:s17+$0x2C10] =	vst v12;
	v10 =	vmax.f32 v6, $0.0e+00;
	v4 =	vadd.f32 v4, v9  }
0xf9: {  	v6 =	vld [tilespmem:s28+$0x5420];
	[tilespmem:s17+$0x2C20] =	vst v10;
	v9 =	vmax.f32 v5, $0.0e+00;
	v3 =	vadd.f32 v3, v8  }
0xfa: {  	v5 =	vld [tilespmem:s28+$0x5430];
	[tilespmem:s17+$0x2C30] =	vst v9;
	v8 =	vmax.f32 v4, $0.0e+00;
	v2 =	vadd.f32 v2, v7  }
0xfb: {  	v4 =	vld [tilespmem:s28+$0x5440];
	[tilespmem:s17+$0x2C40] =	vst v8;
	v7 =	vmax.f32 v3, $0.0e+00;
	v1 =	vadd.f32 v1, v11  }
0xfc: {  	v3 =	vld [tilespmem:s28+$0x5450];
	[tilespmem:s17+$0x2C50] =	vst v7;
	v7 =	vmax.f32 v2, $0.0e+00  }
0xfd: {  	v2 =	vld [tilespmem:s28+$0x5460];
	[tilespmem:s17+$0x2C60] =	vst v7;
	v7 =	vmax.f32 v1, $0.0e+00  }
0xfe: {  	v1 =	vld [tilespmem:s28+$0x5470];
	[tilespmem:s17+$0x2C70] =	vst v7;
	s17 =	smov.u32 s28  }
0xff: {  	v7 =	vld [tilespmem:s17+$0x2C00]  }
0x100: {  	v12 =	vld [tilespmem:s17+$0x2C10]  }
.Ltmp3:
0x101: {  	v11 =	vld [tilespmem:s17+$0x2C20];
	(pc) =	sbr.rel @p0 .LBB2_9-.Ltmp3, $4  }
0x102: {  	v10 =	vld [tilespmem:s17+$0x2C30]  }
0x103: {  	v9 =	vld [tilespmem:s17+$0x2C40]  }
0x104: {  	v13 =	vadd.f32 v14, v7;
	v8 =	vld [tilespmem:s17+$0x2C50]  }
0x105: {  	s29 =	sadd.s32 $0x200, s29;
	v12 =	vadd.f32 v15, v12;
	v7 =	vld [tilespmem:s17+$0x2C60]  }
0x106: {  	v13 =	vmax.f32 v13, $0.0e+00;
	v6 =	vadd.f32 v6, v11;
	v11 =	vld [tilespmem:s17+$0x2C70]  }
0x107: {  	[tilespmem:s17+$0x2C00] =	vst v13;
	v12 =	vmax.f32 v12, $0.0e+00;
	v5 =	vadd.f32 v5, v10  }
0x108: {  	[tilespmem:s17+$0x2C10] =	vst v12;
	v6 =	vmax.f32 v6, $0.0e+00;
	v4 =	vadd.f32 v4, v9  }
0x109: {  	[tilespmem:s17+$0x2C20] =	vst v6;
	v5 =	vmax.f32 v5, $0.0e+00;
	v3 =	vadd.f32 v3, v8  }
0x10a: {  	[tilespmem:s17+$0x2C30] =	vst v5;
	v4 =	vmax.f32 v4, $0.0e+00;
	v2 =	vadd.f32 v2, v7  }
0x10b: {  	[tilespmem:s17+$0x2C40] =	vst v4;
	v3 =	vmax.f32 v3, $0.0e+00;
	v1 =	vadd.f32 v1, v11  }
0x10c: {  	[tilespmem:s17+$0x2C50] =	vst v3;
	v2 =	vmax.f32 v2, $0.0e+00  }
0x10d: {  	[tilespmem:s17+$0x2C60] =	vst v2;
	v1 =	vmax.f32 v1, $0.0e+00  }
0x10e: {  	[tilespmem:s17+$0x2C70] =	vst v1  }
0x10f: {  	_ =	swait.ge [sflag:s23], $0x28  }
0x110: {  	s28 =	simm.s32 $0x2C00;
	[sflag:s23] =	ssyncset.done $0x0  }
0x111: {  	s9 =	sshll.u32 s9, $0x4;
	s17 =	simm.s32 $0x300;
	[sflag:s23] =	ssyncadd.s32 $0xFFFFFFD8  }
0x112: {  	[spmem:s2] =	stream.indirect.scatter.add.f32 [tilespmem:s28], [sflag:$0x11], $0x80, s17, s11, $0xb8;
	[tilespmem:$0x1BC00] =	vst v63  }
0x113: {  	s9 =	sadd.s32 s5, s9;
	s17 =	simm.s32 $0x5400  }
0x114: {  	[tilespmem:s17], [sflag:$0xD] =	stream.linear.gather [hbm4b:s9+s3], $0x1400, $0x38;
	[tilespmem:$0x1BC00] =	vst v63  }
0x115: {  	p0 =	seq.s32 s14, $0x3D;
	s9 =	rddreg [dreg:$0x13]  }
0x116: {  	s9 =	sadd.s32 @!p0 s20, s9  }
0x117: {  	s9 =	sshrl.u32 @!p0 s9, $0x3  }
0x118: {  	s28 =	simm.s32 @!p0 $0x100;
	s17 =	simm.s32 @!p0 $0x0;
	s9 =	sadd.s32 @!p0 s6, s9  }
0x119: {  	[tilespmem:s28], [sflag:$0x3] =	stream.linear.gather @!p0 [hbm4b:s9+s17], $0x28, $0x38;
	[tilespmem:$0x1BC00] =	vst v63  }
0x11a: {  	_ =	swait.ge [sflag:s24], $0x1400  }
0x11b: {  	s29 =	simm.s32 $0x200;
	[sflag:s24] =	ssyncset.done $0x0  }
0x11c: {  	s17 =	sadd.s32 s7, s18;
	s18 =	simm.s32 $0x0;
	[sflag:s24] =	ssyncadd.s32 $0xFFFFEC00  }
0x11d: {  	[tilespmem:s29], [sflag:$0x5] =	stream.linear.gather [hbm4b:s17+s18], $0x28, $0x38;
	[tilespmem:$0x1BC00] =	vst v63  }
0x11e: {  	_ =	swait.ge [sflag:s10], $0x28  }
0x11f: {  	[sflag:s10] =	ssyncset.done $0x0  }
0x120: {  	s28 =	simm.s32 $0x400;
	[sflag:s10] =	ssyncadd.s32 $0xFFFFFFD8  }
0x121: {  	[tilespmem:s28], [sflag:$0x9] =	stream.indirect.gather [hbm4b:s1+s11], $0x80, s18, s11, $0xb8;
	[tilespmem:$0x1BC00] =	vst v63  }
0x122: {  	_ =	swait.ge [sflag:s26], $0x1400  }
0x123: {  	[sflag:s26] =	ssyncset.done $0x0  }
0x124: {  	[sflag:s26] =	ssyncadd.s32 $0xFFFFEC00  }
0x125: {  	_ =	swait.ge [sflag:s0], $0x1400  }
0x126: {  	[sflag:s0] =	ssyncset.done $0x0  }
0x127: {  	s9 =	simm.s32 $0x0;
	[sflag:s0] =	ssyncadd.s32 $0xFFFFEC00  }
0x128: {  	v7 =	vld [tilespmem:s9+$0x6800]  }
0x129: {  	v12 =	vld [tilespmem:s9+$0x6810]  }
0x12a: {  	v6 =	vld [tilespmem:s9+$0x6820]  }
0x12b: {  	v5 =	vld [tilespmem:s9+$0x6830]  }
0x12c: {  	v4 =	vld [tilespmem:s9+$0x6840]  }
0x12d: {  	v3 =	vld [tilespmem:s9+$0x6850]  }
0x12e: {  	v2 =	vld [tilespmem:s9+$0x6860]  }
0x12f: {  	v1 =	vld [tilespmem:s9+$0x6870]  }
0x130: {  	v13 =	vld [tilespmem:s9+$0x4000]  }
0x131: {  	v14 =	vld [tilespmem:s9+$0x4010]  }
0x132: {  	v11 =	vld [tilespmem:s9+$0x4020]  }
0x133: {  	v10 =	vld [tilespmem:s9+$0x4030]  }
0x134: {  	v9 =	vld [tilespmem:s9+$0x4040]  }
0x135: {  	v8 =	vld [tilespmem:s9+$0x4050];
	v13 =	vadd.f32 v7, v13  }
0x136: {  	s17 =	simm.s32 $0x200;
	v12 =	vadd.f32 v12, v14;
	v7 =	vld [tilespmem:s9+$0x4060]  }
.LBB2_11:
0x137: {  	s18 =	sshra.s32 s17, $0x2;
	p1 =	sne.s32 s17, $0x4E00;
	v13 =	vmax.f32 v13, $0.0e+00;
	v6 =	vadd.f32 v6, v11;
	v11 =	vld [tilespmem:s9+$0x4070]  }
0x138: {  	v14 =	vld [tilespmem:s18+$0x6800];
	[tilespmem:s9+$0x4000] =	vst v13;
	v12 =	vmax.f32 v12, $0.0e+00;
	v5 =	vadd.f32 v5, v10  }
0x139: {  	v15 =	vld [tilespmem:s18+$0x6810];
	[tilespmem:s9+$0x4010] =	vst v12;
	v10 =	vmax.f32 v6, $0.0e+00;
	v4 =	vadd.f32 v4, v9  }
0x13a: {  	v6 =	vld [tilespmem:s18+$0x6820];
	[tilespmem:s9+$0x4020] =	vst v10;
	v9 =	vmax.f32 v5, $0.0e+00;
	v3 =	vadd.f32 v3, v8  }
0x13b: {  	v5 =	vld [tilespmem:s18+$0x6830];
	[tilespmem:s9+$0x4030] =	vst v9;
	v8 =	vmax.f32 v4, $0.0e+00;
	v2 =	vadd.f32 v2, v7  }
0x13c: {  	v4 =	vld [tilespmem:s18+$0x6840];
	[tilespmem:s9+$0x4040] =	vst v8;
	v7 =	vmax.f32 v3, $0.0e+00;
	v1 =	vadd.f32 v1, v11  }
0x13d: {  	v3 =	vld [tilespmem:s18+$0x6850];
	[tilespmem:s9+$0x4050] =	vst v7;
	v7 =	vmax.f32 v2, $0.0e+00  }
0x13e: {  	v2 =	vld [tilespmem:s18+$0x6860];
	[tilespmem:s9+$0x4060] =	vst v7;
	v7 =	vmax.f32 v1, $0.0e+00  }
0x13f: {  	v1 =	vld [tilespmem:s18+$0x6870];
	[tilespmem:s9+$0x4070] =	vst v7;
	s9 =	smov.u32 s18  }
0x140: {  	v7 =	vld [tilespmem:s9+$0x4000]  }
0x141: {  	v12 =	vld [tilespmem:s9+$0x4010]  }
.Ltmp4:
0x142: {  	v11 =	vld [tilespmem:s9+$0x4020];
	(pc) =	sbr.rel @p1 .LBB2_11-.Ltmp4, $4  }
0x143: {  	v10 =	vld [tilespmem:s9+$0x4030]  }
0x144: {  	v9 =	vld [tilespmem:s9+$0x4040]  }
0x145: {  	v13 =	vadd.f32 v14, v7;
	v8 =	vld [tilespmem:s9+$0x4050]  }
0x146: {  	s17 =	sadd.s32 $0x200, s17;
	v12 =	vadd.f32 v15, v12;
	v7 =	vld [tilespmem:s9+$0x4060]  }
0x147: {  	v13 =	vmax.f32 v13, $0.0e+00;
	v6 =	vadd.f32 v6, v11;
	v63 =	vld [tilespmem:s9+$0x4070]  }
0x148: {  	[tilespmem:s9+$0x4000] =	vst v13;
	v12 =	vmax.f32 v12, $0.0e+00;
	v5 =	vadd.f32 v5, v10  }
0x149: {  	[tilespmem:s9+$0x4010] =	vst v12;
	v6 =	vmax.f32 v6, $0.0e+00;
	v4 =	vadd.f32 v4, v9  }
0x14a: {  	[tilespmem:s9+$0x4020] =	vst v6;
	v5 =	vmax.f32 v5, $0.0e+00;
	v3 =	vadd.f32 v3, v8  }
0x14b: {  	[tilespmem:s9+$0x4030] =	vst v5;
	v4 =	vmax.f32 v4, $0.0e+00;
	v2 =	vadd.f32 v2, v7  }
0x14c: {  	[tilespmem:s9+$0x4040] =	vst v4;
	v3 =	vmax.f32 v3, $0.0e+00;
	v1 =	vadd.f32 v1, v63  }
0x14d: {  	[tilespmem:s9+$0x4050] =	vst v3;
	v2 =	vmax.f32 v2, $0.0e+00  }
0x14e: {  	[tilespmem:s9+$0x4060] =	vst v2;
	v1 =	vmax.f32 v1, $0.0e+00  }
0x14f: {  	[tilespmem:s9+$0x4070] =	vst v1  }
0x150: {  	_ =	swait.ge [sflag:s8], $0x28  }
0x151: {  	s18 =	simm.s32 $0x380;
	[sflag:s8] =	ssyncset.done $0x0  }
0x152: {  	s17 =	simm.s32 $0x4000;
	s15 =	sshll.u32 s15, $0x4;
	[sflag:s8] =	ssyncadd.s32 $0xFFFFFFD8  }
0x153: {  	[spmem:s2] =	stream.indirect.scatter.add.f32 [tilespmem:s17], [sflag:$0x12], $0x80, s18, s11, $0xb8;
	[tilespmem:$0x1BC00] =	vst v63  }
0x154: {  	s9 =	sadd.s32 s5, s15;
	s17 =	simm.s32 $0x6800  }
0x155: {  	[tilespmem:s17], [sflag:$0xE] =	stream.linear.gather [hbm4b:s9+s3], $0x1400, $0x38;
	[tilespmem:$0x1BC00] =	vst v63  }
0x156: {  	s9 =	rddreg [dreg:$0x14]  }
0x157: {  	s9 =	sadd.s32 @!p0 s20, s9  }
0x158: {  	s9 =	sshrl.u32 @!p0 s9, $0x3  }
0x159: {  	s15 =	simm.s32 @!p0 $0x0;
	s17 =	simm.s32 @!p0 $0x180;
	s9 =	sadd.s32 @!p0 s6, s9  }
0x15a: {  	[tilespmem:s17], [sflag:$0x4] =	stream.linear.gather @!p0 [hbm4b:s9+s15], $0x28, $0x38;
	[tilespmem:$0x1BC00] =	vst v63  }
0x15b: {  	_ =	swait.ge [sflag:s12], $0x1400  }
0x15c: {  	s14 =	sadd.s32 $0x1, s14;
	s18 =	sadd.s32 s7, s31;
	[sflag:s12] =	ssyncset.done $0x0  }
0x15d: {  	s31 =	simm.s32 $0x280;
	p0 =	sne.s32 s14, $0x3E;
	[sflag:s12] =	ssyncadd.s32 $0xFFFFEC00  }
0x15e: {  	[tilespmem:s31], [sflag:$0x6] =	stream.linear.gather [hbm4b:s18+s3], $0x28, $0x38;
	[tilespmem:$0x1BC00] =	vst v63  }
.Ltmp5:
0x15f: {  	_ = 	snop;
	(pc) =	sbr.rel @p0 .LBB2_4-.Ltmp5, $4  }
0x160: {  	_ =	swait.ge [sflag:s16], $0x28  }
0x161: {  	[sflag:s16] =	ssyncset.done $0x0  }
0x162: {  	s20 =	simm.s32 $0x1800;
	[sflag:s16] =	ssyncadd.s32 $0xFFFFFFD8  }
0x163: {  	[tilespmem:s20], [sflag:$0xA] =	stream.indirect.gather [hbm4b:s1+s11], $0x80, s13, s11, $0xb8;
	[tilespmem:$0x1BC00] =	vst v63  }
0x164: {  	_ =	swait.ge [sflag:s19], $0x1400  }
0x165: {  	[sflag:s19] =	ssyncset.done $0x0  }
0x166: {  	[sflag:s19] =	ssyncadd.s32 $0xFFFFEC00  }
0x167: {  	_ =	swait.ge [sflag:s22], $0x1400  }
0x168: {  	[sflag:s22] =	ssyncset.done $0x0  }
0x169: {  	s9 =	simm.s32 $0x0;
	[sflag:s22] =	ssyncadd.s32 $0xFFFFEC00  }
0x16a: {  	v7 =	vld [tilespmem:s9+$0x5400]  }
0x16b: {  	v12 =	vld [tilespmem:s9+$0x5410]  }
0x16c: {  	v6 =	vld [tilespmem:s9+$0x5420]  }
0x16d: {  	v5 =	vld [tilespmem:s9+$0x5430]  }
0x16e: {  	v4 =	vld [tilespmem:s9+$0x5440]  }
0x16f: {  	v3 =	vld [tilespmem:s9+$0x5450]  }
0x170: {  	v2 =	vld [tilespmem:s9+$0x5460]  }
0x171: {  	v1 =	vld [tilespmem:s9+$0x5470]  }
0x172: {  	v13 =	vld [tilespmem:s9+$0x400]  }
0x173: {  	v14 =	vld [tilespmem:s9+$0x410]  }
0x174: {  	v11 =	vld [tilespmem:s9+$0x420]  }
0x175: {  	v10 =	vld [tilespmem:s9+$0x430]  }
0x176: {  	v9 =	vld [tilespmem:s9+$0x440]  }
0x177: {  	v8 =	vld [tilespmem:s9+$0x450];
	v13 =	vadd.f32 v7, v13  }
0x178: {  	s14 =	simm.s32 $0x200;
	s13 =	rddreg [dreg:$0x18];
	v12 =	vadd.f32 v12, v14;
	v7 =	vld [tilespmem:s9+$0x460]  }
.LBB2_14:
0x179: {  	s15 =	sshra.s32 s14, $0x2;
	p0 =	sne.s32 s14, $0x4E00;
	v13 =	vmax.f32 v13, $0.0e+00;
	v6 =	vadd.f32 v6, v11;
	v11 =	vld [tilespmem:s9+$0x470]  }
0x17a: {  	v14 =	vld [tilespmem:s15+$0x5400];
	[tilespmem:s9+$0x400] =	vst v13;
	v12 =	vmax.f32 v12, $0.0e+00;
	v5 =	vadd.f32 v5, v10  }
0x17b: {  	v15 =	vld [tilespmem:s15+$0x5410];
	[tilespmem:s9+$0x410] =	vst v12;
	v10 =	vmax.f32 v6, $0.0e+00;
	v4 =	vadd.f32 v4, v9  }
0x17c: {  	v6 =	vld [tilespmem:s15+$0x5420];
	[tilespmem:s9+$0x420] =	vst v10;
	v9 =	vmax.f32 v5, $0.0e+00;
	v3 =	vadd.f32 v3, v8  }
0x17d: {  	v5 =	vld [tilespmem:s15+$0x5430];
	[tilespmem:s9+$0x430] =	vst v9;
	v8 =	vmax.f32 v4, $0.0e+00;
	v2 =	vadd.f32 v2, v7  }
0x17e: {  	v4 =	vld [tilespmem:s15+$0x5440];
	[tilespmem:s9+$0x440] =	vst v8;
	v7 =	vmax.f32 v3, $0.0e+00;
	v1 =	vadd.f32 v1, v11  }
0x17f: {  	v3 =	vld [tilespmem:s15+$0x5450];
	[tilespmem:s9+$0x450] =	vst v7;
	v7 =	vmax.f32 v2, $0.0e+00  }
0x180: {  	v2 =	vld [tilespmem:s15+$0x5460];
	[tilespmem:s9+$0x460] =	vst v7;
	v7 =	vmax.f32 v1, $0.0e+00  }
0x181: {  	v1 =	vld [tilespmem:s15+$0x5470];
	[tilespmem:s9+$0x470] =	vst v7;
	s9 =	smov.u32 s15  }
0x182: {  	v7 =	vld [tilespmem:s9+$0x400]  }
0x183: {  	v12 =	vld [tilespmem:s9+$0x410]  }
.Ltmp6:
0x184: {  	v11 =	vld [tilespmem:s9+$0x420];
	(pc) =	sbr.rel @p0 .LBB2_14-.Ltmp6, $4  }
0x185: {  	v10 =	vld [tilespmem:s9+$0x430]  }
0x186: {  	v9 =	vld [tilespmem:s9+$0x440]  }
0x187: {  	v13 =	vadd.f32 v14, v7;
	v8 =	vld [tilespmem:s9+$0x450]  }
0x188: {  	s14 =	sadd.s32 $0x200, s14;
	v12 =	vadd.f32 v15, v12;
	v7 =	vld [tilespmem:s9+$0x460]  }
0x189: {  	v13 =	vmax.f32 v13, $0.0e+00;
	v6 =	vadd.f32 v6, v11;
	v11 =	vld [tilespmem:s9+$0x470]  }
0x18a: {  	[tilespmem:s9+$0x400] =	vst v13;
	v12 =	vmax.f32 v12, $0.0e+00;
	v5 =	vadd.f32 v5, v10  }
0x18b: {  	[tilespmem:s9+$0x410] =	vst v12;
	v6 =	vmax.f32 v6, $0.0e+00;
	v4 =	vadd.f32 v4, v9  }
0x18c: {  	[tilespmem:s9+$0x420] =	vst v6;
	v5 =	vmax.f32 v5, $0.0e+00;
	v3 =	vadd.f32 v3, v8  }
0x18d: {  	[tilespmem:s9+$0x430] =	vst v5;
	v4 =	vmax.f32 v4, $0.0e+00;
	v2 =	vadd.f32 v2, v7  }
0x18e: {  	[tilespmem:s9+$0x440] =	vst v4;
	v3 =	vmax.f32 v3, $0.0e+00;
	v1 =	vadd.f32 v1, v11  }
0x18f: {  	[tilespmem:s9+$0x450] =	vst v3;
	v2 =	vmax.f32 v2, $0.0e+00  }
0x190: {  	[tilespmem:s9+$0x460] =	vst v2;
	v1 =	vmax.f32 v1, $0.0e+00  }
0x191: {  	[tilespmem:s9+$0x470] =	vst v1  }
0x192: {  	_ =	swait.ge [sflag:s25], $0x28  }
0x193: {  	[sflag:s25] =	ssyncset.done $0x0  }
0x194: {  	[sflag:s25] =	ssyncadd.s32 $0xFFFFFFD8  }
0x195: {  	[spmem:s2] =	stream.indirect.scatter.add.f32 [tilespmem:s28], [sflag:$0xF], $0x80, s29, s11, $0xb8;
	[tilespmem:$0x1BC00] =	vst v63  }
0x196: {  	_ =	swait.ge [sflag:s30], $0x1400  }
0x197: {  	[sflag:s30] =	ssyncset.done $0x0  }
0x198: {  	[sflag:s30] =	ssyncadd.s32 $0xFFFFEC00  }
0x199: {  	_ =	swait.ge [sflag:s0], $0x1400  }
0x19a: {  	[sflag:s0] =	ssyncset.done $0x0  }
0x19b: {  	s9 =	simm.s32 $0x0;
	[sflag:s0] =	ssyncadd.s32 $0xFFFFEC00  }
0x19c: {  	v7 =	vld [tilespmem:s9+$0x6800]  }
0x19d: {  	v12 =	vld [tilespmem:s9+$0x6810]  }
0x19e: {  	v6 =	vld [tilespmem:s9+$0x6820]  }
0x19f: {  	v5 =	vld [tilespmem:s9+$0x6830]  }
0x1a0: {  	v4 =	vld [tilespmem:s9+$0x6840]  }
0x1a1: {  	v3 =	vld [tilespmem:s9+$0x6850]  }
0x1a2: {  	v2 =	vld [tilespmem:s9+$0x6860]  }
0x1a3: {  	v1 =	vld [tilespmem:s9+$0x6870]  }
0x1a4: {  	v13 =	vld [tilespmem:s9+$0x1800]  }
0x1a5: {  	v14 =	vld [tilespmem:s9+$0x1810]  }
0x1a6: {  	v11 =	vld [tilespmem:s9+$0x1820]  }
0x1a7: {  	v10 =	vld [tilespmem:s9+$0x1830]  }
0x1a8: {  	v9 =	vld [tilespmem:s9+$0x1840]  }
0x1a9: {  	v8 =	vld [tilespmem:s9+$0x1850];
	v13 =	vadd.f32 v7, v13  }
0x1aa: {  	s14 =	simm.s32 $0x200;
	s17 =	rddreg [dreg:$0x4];
	v12 =	vadd.f32 v12, v14;
	v7 =	vld [tilespmem:s9+$0x1860]  }
.LBB2_16:
0x1ab: {  	s15 =	sshra.s32 s14, $0x2;
	p0 =	sne.s32 s14, $0x4E00;
	v13 =	vmax.f32 v13, $0.0e+00;
	v6 =	vadd.f32 v6, v11;
	v11 =	vld [tilespmem:s9+$0x1870]  }
0x1ac: {  	v14 =	vld [tilespmem:s15+$0x6800];
	[tilespmem:s9+$0x1800] =	vst v13;
	v12 =	vmax.f32 v12, $0.0e+00;
	v5 =	vadd.f32 v5, v10  }
0x1ad: {  	v15 =	vld [tilespmem:s15+$0x6810];
	[tilespmem:s9+$0x1810] =	vst v12;
	v10 =	vmax.f32 v6, $0.0e+00;
	v4 =	vadd.f32 v4, v9  }
0x1ae: {  	v6 =	vld [tilespmem:s15+$0x6820];
	[tilespmem:s9+$0x1820] =	vst v10;
	v9 =	vmax.f32 v5, $0.0e+00;
	v3 =	vadd.f32 v3, v8  }
0x1af: {  	v5 =	vld [tilespmem:s15+$0x6830];
	[tilespmem:s9+$0x1830] =	vst v9;
	v8 =	vmax.f32 v4, $0.0e+00;
	v2 =	vadd.f32 v2, v7  }
0x1b0: {  	v4 =	vld [tilespmem:s15+$0x6840];
	[tilespmem:s9+$0x1840] =	vst v8;
	v7 =	vmax.f32 v3, $0.0e+00;
	v1 =	vadd.f32 v1, v11  }
0x1b1: {  	v3 =	vld [tilespmem:s15+$0x6850];
	[tilespmem:s9+$0x1850] =	vst v7;
	v7 =	vmax.f32 v2, $0.0e+00  }
0x1b2: {  	v2 =	vld [tilespmem:s15+$0x6860];
	[tilespmem:s9+$0x1860] =	vst v7;
	v7 =	vmax.f32 v1, $0.0e+00  }
0x1b3: {  	v1 =	vld [tilespmem:s15+$0x6870];
	[tilespmem:s9+$0x1870] =	vst v7;
	s9 =	smov.u32 s15  }
0x1b4: {  	v7 =	vld [tilespmem:s9+$0x1800]  }
0x1b5: {  	v12 =	vld [tilespmem:s9+$0x1810]  }
.Ltmp7:
0x1b6: {  	v11 =	vld [tilespmem:s9+$0x1820];
	(pc) =	sbr.rel @p0 .LBB2_16-.Ltmp7, $4  }
0x1b7: {  	v10 =	vld [tilespmem:s9+$0x1830]  }
0x1b8: {  	v9 =	vld [tilespmem:s9+$0x1840]  }
0x1b9: {  	v13 =	vadd.f32 v14, v7;
	v8 =	vld [tilespmem:s9+$0x1850]  }
0x1ba: {  	s14 =	sadd.s32 $0x200, s14;
	v12 =	vadd.f32 v15, v12;
	v7 =	vld [tilespmem:s9+$0x1860]  }
0x1bb: {  	v13 =	vmax.f32 v13, $0.0e+00;
	v6 =	vadd.f32 v6, v11;
	v63 =	vld [tilespmem:s9+$0x1870]  }
0x1bc: {  	[tilespmem:s9+$0x1800] =	vst v13;
	v12 =	vmax.f32 v12, $0.0e+00;
	v5 =	vadd.f32 v5, v10  }
0x1bd: {  	[tilespmem:s9+$0x1810] =	vst v12;
	v6 =	vmax.f32 v6, $0.0e+00;
	v4 =	vadd.f32 v4, v9  }
0x1be: {  	[tilespmem:s9+$0x1820] =	vst v6;
	v5 =	vmax.f32 v5, $0.0e+00;
	v3 =	vadd.f32 v3, v8  }
0x1bf: {  	[tilespmem:s9+$0x1830] =	vst v5;
	v4 =	vmax.f32 v4, $0.0e+00;
	v2 =	vadd.f32 v2, v7  }
0x1c0: {  	[tilespmem:s9+$0x1840] =	vst v4;
	v3 =	vmax.f32 v3, $0.0e+00;
	v1 =	vadd.f32 v1, v63  }
0x1c1: {  	[tilespmem:s9+$0x1850] =	vst v3;
	v2 =	vmax.f32 v2, $0.0e+00  }
0x1c2: {  	[tilespmem:s9+$0x1860] =	vst v2;
	v1 =	vmax.f32 v1, $0.0e+00  }
0x1c3: {  	[tilespmem:s9+$0x1870] =	vst v1  }
0x1c4: {  	_ =	swait.ge [sflag:s4], $0x28  }
0x1c5: {  	[sflag:s4] =	ssyncset.done $0x0  }
0x1c6: {  	s20 =	simm.s32 $0x1800;
	s14 =	simm.s32 $0x11;
	[sflag:s4] =	ssyncadd.s32 $0xFFFFFFD8  }
0x1c7: {  	[spmem:s2] =	stream.indirect.scatter.add.f32 [tilespmem:s20], [sflag:$0x10], $0x80, s31, s11, $0xb8;
	[tilespmem:$0x1BC00] =	vst v63  }
0x1c8: {  	_ =	swait.ge [sflag:s14], $0x1400  }
0x1c9: {  	[sflag:s14] =	ssyncset.done $0x0  }
0x1ca: {  	s15 =	simm.s32 $0x12;
	[sflag:s14] =	ssyncadd.s32 $0xFFFFEC00  }
0x1cb: {  	_ =	swait.ge [sflag:s15], $0x1400  }
0x1cc: {  	[sflag:s15] =	ssyncset.done $0x0  }
0x1cd: {  	[sflag:s15] =	ssyncadd.s32 $0xFFFFEC00  }
0x1ce: {  	_ =	swait.ge [sflag:s24], $0x1400  }
0x1cf: {  	[sflag:s24] =	ssyncset.done $0x0  }
0x1d0: {  	[sflag:s24] =	ssyncadd.s32 $0xFFFFEC00  }
0x1d1: {  	_ =	swait.ge [sflag:s12], $0x1400  }
0x1d2: {  	[sflag:s12] =	ssyncset.done $0x0  }
0x1d3: {  	s18 =	stileid.u32;
	[sflag:s12] =	ssyncadd.s32 $0xFFFFEC00  }
0x1d4: {  	s9 =	sshll.u32 s18, $0x6;
	[bflag:$0x0] =	sbarrier.arrive $0xFFFF  }
0x1d5: {  	s9 =	sor.u32 $0x1C13, s9;
	s14 =	sshrl.u32 s17, $0x3;
	s15 =	rddreg [dreg:$0x12]  }
0x1d6: {  	[hbm:s15], [sflag:s9] =	dma.local [spmem:s14], $0x2800  }
0x1d7: {  	s15 =	simm.s32 $0x13  }
0x1d8: {  	_ =	swait.ge [sflag:s15], $0x2800  }
0x1d9: {  	s13 =	sadd.s32 $0x1, s13;
	s20 =	rddreg [dreg:$0x15]  }
0x1da: {  	p0 =	sne.s32 s13, s20  }
.Ltmp8:
0x1db: {  	_ = 	snop;
	(pc) =	sbr.rel @p0 .LBB2_1-.Ltmp8, $3  }
0x1dc: {  	_ =	sdelay $0x1  }
0x1dd: {  	[sflag:s15] =	ssyncset.done $0x0  }
0x1de: {  	[sflag:s15] =	ssyncadd.s32 $0xFFFFD800  }
0x1df: {  	_ =	sfence.sel $0x180000  }
0x1e0: {  	[bflag:$0x0] =	sbarrier.arrive $0xFFFF  }
0x1e1: {  	_ =	strace $0x90000047  }
0x1e2: {  	s0 =	stileid.u32;
	[bflag:$0x2] =	sbarrier.arrive $0xFFFF  }
0x1e3: {  	p0 =	sne.s32 s0, $0x0;
	s0 =	rddreg [dreg:$0x3]  }
0x1e4: {  	s0 =	sadd.s32 @!p0 $0x100000, s0  }
0x1e5: {  	[sflag:s0] =	ssyncadd.tile.s32 @!p0 $0x1;
	_ =	shalt  }
.Lfunc_end2:
_tile_overlayer_lowered:
.L_overlay_start_2:
0x1e6: {  	(tag) =	ssettag $0x2  }
0x1e7: {  	s0 =	rddreg [dreg:$0x0];
	s2 =	stileid.u32  }
0x1e8: {  	s1 =	rddreg [dreg:$0x1];
	p0 =	sne.s32 s2, $0x0  }
0x1e9: {  	s3 =	rddreg [dreg:$0x2];
	[bflag:$0x3] =	sbarrier.arrive $0xFFFF;
	s2 =	simm.s32 @!p0 $0x1C13  }
0x1ea: {  	[timem:s3], [sflag:s2] =	dma.local @!p0 [hbm:s0], s1  }
0x1eb: {  	s0 =	simm.s32 @!p0 $0x13  }
0x1ec: {  	_ =	swait.ge @!p0 [sflag:s0], s1  }
0x1ed: {  	s1 =	ssub.s32 @!p0 $0x0, s1;
	[sflag:s0] =	ssyncset.done @!p0 $0x0  }
0x1ee: {  	[sflag:s0] =	ssyncadd.s32 @!p0 s1  }
0x1ef: {  	[bflag:$0x3] =	sbarrier.arrive $0xFFFF  }
0x1f0: {  	_ =	shalt  }

</sc_bundles>
